<compile_context>
chip_gen: v7x
topology: tpu7x:2x2x1
jax: 0.10.2.dev20260603
libtpu: 0.0.44.dev20260713+nightly
codegen_flags: <defaults>
</compile_context>

<pallas_src>
import functools

import jax
import jax.numpy as jnp
from jax import lax
from jax.experimental import pallas as pl
from jax.experimental.pallas import tpu as pltpu
from jax.experimental.pallas import tpu_sc as plsc

N_ATOMS = 320000
N_GRAPHS = 10000
FEAT = 128
HIDDEN = 100

_NC = 2
_NS = 16
_NW = _NC * _NS
_B = 32
_NB = N_ATOMS // _B
_SPLIT_BLK = 10000
_NRING = 12
_NTRI = (_SPLIT_BLK // _NW + _NRING) // _NRING
_RPT = 624
_WCH = (32,) * 19 + (16,)

_W = 256
_NWIN = (N_GRAPHS + _W - 1) // _W
_CHK = 512
_NCHK = N_ATOMS // _CHK
_SPLIT_CHUNK = _SPLIT_BLK * _B // _CHK


def _make_segsum():
    mesh = plsc.VectorSubcoreMesh(core_axis_name="c", subcore_axis_name="s")

    @functools.partial(
        pl.kernel,
        mesh=mesh,
        out_type=jax.ShapeDtypeStruct((_NC * N_GRAPHS, FEAT), jnp.float32),
        scratch_types=[
            pltpu.VMEM((_NRING, _B, FEAT), jnp.float32),
            pltpu.VMEM((_NRING, 1, _B), jnp.int32),
            pltpu.SemaphoreType.DMA,
            pltpu.SemaphoreType.DMA,
            pltpu.SemaphoreType.DMA,
            pltpu.SemaphoreType.DMA,
            pltpu.SemaphoreType.DMA,
            pltpu.SemaphoreType.DMA,
            pltpu.SemaphoreType.DMA,
            pltpu.SemaphoreType.DMA,
            pltpu.SemaphoreType.DMA,
            pltpu.SemaphoreType.DMA,
            pltpu.SemaphoreType.DMA,
            pltpu.SemaphoreType.DMA,

            pltpu.VMEM_SHARED((N_GRAPHS, FEAT), jnp.float32),
        ],
    )
    def segsum(af_hbm, mem_hbm, out_hbm, rows_v, idx_v, sem0, sem1, sem2,
               sem3, sem4, sem5, sem6, sem7, sem8, sem9, sem10, sem11,
               acc_sh):
        c = lax.axis_index("c")
        s = lax.axis_index("s")
        wid = c * _NS + s
        sems = (sem0, sem1, sem2, sem3, sem4, sem5, sem6,
                sem7, sem8, sem9, sem10, sem11)
        r0 = s * _RPT
        ob = c * N_GRAPHS + r0
        last = s == _NS - 1

        def rslice(b, n, m=_B):
            return rows_v.at[b] if n == m else rows_v.at[b, pl.ds(0, n)]

        def issue(k, b):
            g = wid + k * _NW

            @pl.when(g < _SPLIT_BLK)
            def _():
                pltpu.async_copy(af_hbm.at[pl.ds(g * _B, _B)],
                                 rows_v.at[b], sems[b])
                pltpu.async_copy(mem_hbm.at[g], idx_v.at[b], sems[b])

        def consume(k, b):
            g = wid + k * _NW

            @pl.when(g < _SPLIT_BLK)
            def _():
                pltpu.make_async_copy(af_hbm.at[pl.ds(g * _B, _B)],
                                      rows_v.at[b], sems[b]).wait()
                pltpu.make_async_copy(mem_hbm.at[g], idx_v.at[b],
                                      sems[b]).wait()
                pltpu.sync_copy(rows_v.at[b], acc_sh.at[idx_v.at[b, 0]],
                                add=True)

            issue(k + _NRING, b)

        for _b in range(_NRING - 1):
            issue(_b, _b)

        zero16 = jnp.zeros((16,), jnp.float32)

        def zbody(i, carry):
            for j in range(FEAT // 16):
                rows_v[_NRING - 1, i, pl.ds(j * 16, 16)] = zero16
            return carry

        lax.fori_loop(0, _B, zbody, 0)

        zb = _NRING - 1
        off = 0
        for n in _WCH:
            pltpu.async_copy(rslice(zb, n), acc_sh.at[pl.ds(r0 + off, n)],
                             sems[zb])
            off += n

        @pl.when(last)
        def _():
            pltpu.async_copy(rslice(zb, 16), acc_sh.at[pl.ds(r0 + 624, 16)],
                             sems[zb])

        off = 0
        for n in _WCH:
            pltpu.make_async_copy(rslice(zb, n),
                                  acc_sh.at[pl.ds(r0 + off, n)],
                                  sems[zb]).wait()
            off += n

        @pl.when(last)
        def _():
            pltpu.make_async_copy(rslice(zb, 16),
                                  acc_sh.at[pl.ds(r0 + 624, 16)],
                                  sems[zb]).wait()

        issue(zb, zb)
        plsc.subcore_barrier()

        def tri(kk, carry):
            k = kk * _NRING
            for _b in range(_NRING):
                consume(k + _b, _b)
            return carry

        lax.fori_loop(0, _NTRI, tri, 0)
        plsc.subcore_barrier()

        def st_dsc(z, n):
            b = z % 2
            return (rslice(b, n),
                    out_hbm.at[pl.ds(ob + z * _B, n)], sems[b])

        for z, n in enumerate(_WCH):
            if z >= 2:
                src, dst, sem = st_dsc(z - 2, _WCH[z - 2])
                pltpu.make_async_copy(src, dst, sem).wait()
            src, dst, sem = st_dsc(z, n)
            pltpu.sync_copy(acc_sh.at[pl.ds(r0 + z * _B, n)], rslice(z % 2, n))
            pltpu.async_copy(src, dst, sem)
        for z in (len(_WCH) - 2, len(_WCH) - 1):
            src, dst, sem = st_dsc(z, _WCH[z])
            pltpu.make_async_copy(src, dst, sem).wait()

        @pl.when(last)
        def _():
            pltpu.sync_copy(acc_sh.at[pl.ds(r0 + 624, 16)], rslice(0, 16))
            pltpu.sync_copy(rslice(0, 16), out_hbm.at[pl.ds(ob + 624, 16)])

    return segsum


_segsum = _make_segsum()


def _tc_body(lo_ref, hi_ref, af_ref, mem_ref, out_ref, rows_s, mem_s,
             sem0, sem1):
    w = pl.program_id(0)
    lo = lo_ref[w]
    hi = hi_ref[w]
    n = hi - lo
    out_ref[...] = jnp.zeros((_W, FEAT), jnp.float32)
    iot = lax.broadcasted_iota(jnp.int32, (_W, _CHK), 0) + w * _W
    sems = (sem0, sem1)

    def dscs(j, b):
        c = lo + j
        return (pltpu.make_async_copy(af_ref.at[pl.ds(c * _CHK, _CHK)],
                                      rows_s.at[b], sems[b]),
                pltpu.make_async_copy(mem_ref.at[c], mem_s.at[b], sems[b]))

    def issue(j, b, guard):
        @pl.when(guard)
        def _():
            cp_r, cp_m = dscs(j, b)
            cp_r.start()
            cp_m.start()

    def step(j, b, guard):
        @pl.when(guard)
        def _():
            cp_r, cp_m = dscs(j, b)
            cp_r.wait()
            cp_m.wait()
            oh = (iot == mem_s[b]).astype(jnp.bfloat16)
            rows = rows_s[b]
            r_hi = rows.astype(jnp.bfloat16)
            r_lo = (rows - r_hi.astype(jnp.float32)).astype(jnp.bfloat16)
            dn = (((1,), (0,)), ((), ()))
            out_ref[...] += (
                lax.dot_general(oh, r_hi, dn,
                                preferred_element_type=jnp.float32)
                + lax.dot_general(oh, r_lo, dn,
                                  preferred_element_type=jnp.float32))

    issue(0, 0, n > 0)

    def pair(kk, carry):
        k = kk * 2
        issue(k + 1, 1, k + 1 < n)
        step(k, 0, k < n)
        issue(k + 2, 0, k + 2 < n)
        step(k + 1, 1, k + 1 < n)
        return carry

    lax.fori_loop(0, (n + 1) // 2, pair, 0)


def _tc_segsum(atom_features, mem3, lo_c, hi_c):
    grid_spec = pltpu.PrefetchScalarGridSpec(
        num_scalar_prefetch=2,
        grid=(_NWIN,),
        in_specs=[
            pl.BlockSpec(memory_space=pl.ANY),
            pl.BlockSpec(memory_space=pl.ANY),
        ],
        out_specs=pl.BlockSpec((_W, FEAT), lambda i, lo, hi: (i, 0)),
        scratch_shapes=[
            pltpu.VMEM((2, _CHK, FEAT), jnp.float32),
            pltpu.VMEM((2, 1, _CHK), jnp.int32),
            pltpu.SemaphoreType.DMA,
            pltpu.SemaphoreType.DMA,
        ],
    )
    return pl.pallas_call(
        _tc_body,
        grid_spec=grid_spec,
        out_shape=jax.ShapeDtypeStruct((_NWIN * _W, FEAT), jnp.float32),
    )(lo_c, hi_c, atom_features, mem3)


_MLP_BLK = 1000
_MLP_GRID = N_GRAPHS // _MLP_BLK


def _mlp_body(*refs):
    if len(refs) == 8:
        p0_ref, p1_ref, p2_ref, w1_ref, b1_ref, w2_ref, b2_ref, o_ref = refs
        g = p0_ref[...] + p1_ref[...] + p2_ref[...]
    else:
        p0_ref, p1_ref, w1_ref, b1_ref, w2_ref, b2_ref, o_ref = refs
        g = p0_ref[...] + p1_ref[...]
    h = jnp.dot(g, w1_ref[...], preferred_element_type=jnp.float32)
    h = jnp.maximum(h + b1_ref[...], 0.0)
    o = jnp.dot(h, w2_ref[...], preferred_element_type=jnp.float32)
    o_ref[...] = jnp.maximum(o + b2_ref[...], 0.0)


def _mlp(partials, p_tc, W1, b1, W2, b2):
    in_specs = [
        pl.BlockSpec((_MLP_BLK, FEAT), lambda i: (i, 0)),
        pl.BlockSpec((_MLP_BLK, FEAT), lambda i: (i + _MLP_GRID, 0)),
    ]
    args = [partials, partials]
    if p_tc is not None:
        in_specs.append(pl.BlockSpec((_MLP_BLK, FEAT), lambda i: (i, 0)))
        args.append(p_tc)
    in_specs += [
        pl.BlockSpec((FEAT, HIDDEN), lambda i: (0, 0)),
        pl.BlockSpec((1, HIDDEN), lambda i: (0, 0)),
        pl.BlockSpec((HIDDEN, FEAT), lambda i: (0, 0)),
        pl.BlockSpec((1, FEAT), lambda i: (0, 0)),
    ]
    args += [W1, b1.reshape(1, HIDDEN), W2, b2.reshape(1, FEAT)]
    return pl.pallas_call(
        _mlp_body,
        grid=(_MLP_GRID,),
        in_specs=in_specs,
        out_specs=pl.BlockSpec((_MLP_BLK, FEAT), lambda i: (i, 0)),
        out_shape=jax.ShapeDtypeStruct((N_GRAPHS, FEAT), jnp.float32),
    )(*args)


def kernel(atom_features, membership, W1, b1, W2, b2):
    mem_i32 = membership.astype(jnp.int32)
    mem_sc = mem_i32.reshape(_NB, 1, _B)

    if _SPLIT_BLK < _NB:
        mem_tc = mem_i32.reshape(_NCHK, 1, _CHK)
        seg_bounds = jnp.arange(_NWIN + 1, dtype=jnp.int32) * _W
        pos = jnp.searchsorted(mem_i32, seg_bounds,
                               side="left").astype(jnp.int32)
        lo_c = jnp.maximum(pos[:-1] // _CHK, _SPLIT_CHUNK)
        hi_c = jnp.minimum((pos[1:] + _CHK - 1) // _CHK, _NCHK)
        hi_c = jnp.maximum(hi_c, lo_c)
        partials = _segsum(atom_features, mem_sc)
        p_tc = _tc_segsum(atom_features, mem_tc, lo_c, hi_c)
    else:
        partials = _segsum(atom_features, mem_sc)
        p_tc = None

    return _mlp(partials, p_tc, W1, b1, W2, b2)

# --- scband reference (transcript-rebuilt; emitter-appended) ---
"""Pipeline reference for scband-daggather-76063870812671 (READ-ONLY COPY).

The authoritative reference and input builder live on the scoring server;
editing this copy changes nothing except your own understanding.
"""

import jax, jax.numpy as jnp
import numpy as np

N_ATOMS = 320000
N_GRAPHS = 10000
N_GRAPH_FEAT = 128
N_OUTPUTS = 128
HIDDEN = 100


def _glorot(key, shape):
    fan_in, fan_out = shape[0], shape[1]
    limit = np.sqrt(6.0 / (fan_in + fan_out))
    return jax.random.uniform(key, shape, dtype=jnp.float32, minval=-limit, maxval=limit)


def setup_inputs(seed: int = 0) -> dict:
    key = jax.random.key(seed)
    k1, k2, k3, k4 = jax.random.split(key, 4)
    atom_features = jax.random.normal(k1, (N_ATOMS, N_GRAPH_FEAT), dtype=jnp.float32)
    membership = jnp.sort(jax.random.randint(k2, (N_ATOMS,), 0, N_GRAPHS, dtype=jnp.int64))
    W1 = _glorot(k3, (N_GRAPH_FEAT, HIDDEN))
    b1 = jnp.zeros((HIDDEN,), dtype=jnp.float32)
    W2 = _glorot(k4, (HIDDEN, N_OUTPUTS))
    b2 = jnp.zeros((N_OUTPUTS,), dtype=jnp.float32)
    return {"atom_features": atom_features, "membership": membership,
            "W1": W1, "b1": b1, "W2": W2, "b2": b2}


def reference(atom_features, membership, W1, b1, W2, b2):
    # graph_features = tf.segment_sum(atom_features, membership)
    graph_features = jax.ops.segment_sum(atom_features, membership, num_segments=N_GRAPHS)
    # DAGgraph_step: xw_plus_b + activation per layer
    out = jax.nn.relu(graph_features @ W1 + b1)
    out = jax.nn.relu(out @ W2 + b2)
    return out

if __name__ == "__main__":
    import jax
    _d = setup_inputs()
    print(jax.jit(kernel)(*tuple(_d.values())))

</pallas_src>

<mosaic_0001>
#map = affine_map<(d0, d1) -> (0, 0)>
#map1 = affine_map<(d0, d1) -> (0, 0, 0)>
module attributes {stable_mosaic.version = 14 : i64} {
  func.func @segsum(%arg0: i32, %arg1: i32, %arg2: memref<320000x128xf32, #tpu.memory_space<hbm>>, %arg3: memref<10000x1x32xi32, #tpu.memory_space<hbm>>, %arg4: memref<20000x128xf32, #tpu.memory_space<hbm>>, %arg5: memref<12x32x128xf32, #tpu.memory_space<vmem>>, %arg6: memref<12x1x32xi32, #tpu.memory_space<vmem>>, %arg7: memref<!tpu.dma_semaphore, #tpu.memory_space<semaphore_mem>>, %arg8: memref<!tpu.dma_semaphore, #tpu.memory_space<semaphore_mem>>, %arg9: memref<!tpu.dma_semaphore, #tpu.memory_space<semaphore_mem>>, %arg10: memref<!tpu.dma_semaphore, #tpu.memory_space<semaphore_mem>>, %arg11: memref<!tpu.dma_semaphore, #tpu.memory_space<semaphore_mem>>, %arg12: memref<!tpu.dma_semaphore, #tpu.memory_space<semaphore_mem>>, %arg13: memref<!tpu.dma_semaphore, #tpu.memory_space<semaphore_mem>>, %arg14: memref<!tpu.dma_semaphore, #tpu.memory_space<semaphore_mem>>, %arg15: memref<!tpu.dma_semaphore, #tpu.memory_space<semaphore_mem>>, %arg16: memref<!tpu.dma_semaphore, #tpu.memory_space<semaphore_mem>>, %arg17: memref<!tpu.dma_semaphore, #tpu.memory_space<semaphore_mem>>, %arg18: memref<!tpu.dma_semaphore, #tpu.memory_space<semaphore_mem>>, %arg19: memref<10000x128xf32, #tpu.memory_space<vmem_shared>>) attributes {dimension_semantics = [#tpu.dimension_semantics<core_parallel>, #tpu.dimension_semantics<subcore_parallel>], iteration_bounds = array<i64: 2, 16>, scalar_prefetch = 0 : i64, scratch_operands = 15 : i64, tpu.core_type = #tpu.core_type<sc_vector_subcore>, window_params = [{transform_indices = #map}, {transform_indices = #map1}, {transform_indices = #map}]} {
    %mul3A = arith.constant 16 : i32
    %mul3A_0 = arith.muli %arg0, %mul3A : i32
    %add3A = arith.addi %mul3A_0, %arg1 : i32
    %mul3A_1 = arith.constant 624 : i32
    %mul3A_2 = arith.muli %arg1, %mul3A_1 : i32
    %mul3A_3 = arith.constant 10000 : i32
    %mul3A_4 = arith.muli %arg0, %mul3A_3 : i32
    %add3A_5 = arith.addi %mul3A_4, %mul3A_2 : i32
    %eq3A = arith.constant 15 : i32
    %eq3A_6 = arith.cmpi eq, %arg1, %eq3A : i32
    %add3A_7 = arith.constant 0 : i32
    %add3A_8 = arith.addi %add3A, %add3A_7 : i32
    %lt3A = arith.constant 10000 : i32
    %lt3A_9 = arith.cmpi slt, %add3A_8, %lt3A : i32
    %convert_element_type3A = arith.extui %lt3A_9 : i1 to i32
    %cond3A = arith.constant 0 : i32
    %cond3A_10 = arith.cmpi ne, %convert_element_type3A, %cond3A : i32
    scf.if %cond3A_10 {
      %mul3A_1367 = arith.constant 32 : i32
      %mul3A_1368 = arith.muli %add3A_8, %mul3A_1367 : i32
      %dma_start3A_1369 = arith.constant 0 : i32
      %dma_start3A_1370 = arith.constant 0 : i32
      %dma_start3A_1371 = arith.constant 0 : i32
      %dma_start3A_1372 = tpu.memref_slice %arg5[%dma_start3A_1369, %dma_start3A_1370, %dma_start3A_1371] : memref<12x32x128xf32, #tpu.memory_space<vmem>> -> memref<1x32x128xf32, #tpu.memory_space<vmem>>
      %dma_start3A_1373 = tpu.memref_squeeze %dma_start3A_1372 : memref<1x32x128xf32, #tpu.memory_space<vmem>> -> memref<32x128xf32, #tpu.memory_space<vmem>>
      %dma_start3A_1374 = arith.constant 0 : i32
      %dma_start3A_1375 = tpu.memref_slice %arg2[%mul3A_1368, %dma_start3A_1374] : memref<320000x128xf32, #tpu.memory_space<hbm>> -> memref<32x128xf32, #tpu.memory_space<hbm>>
      %dma_start3A_1376 = arith.constant 0 : i32
      %dma_start3A_1377 = arith.constant 0 : i32
      %dma_start3A_1378 = tpu.memref_slice %arg5[%dma_start3A_1369, %dma_start3A_1376, %dma_start3A_1377] : memref<12x32x128xf32, #tpu.memory_space<vmem>> -> memref<1x32x128xf32, #tpu.memory_space<vmem>>
      %dma_start3A_1379 = tpu.memref_squeeze %dma_start3A_1378 : memref<1x32x128xf32, #tpu.memory_space<vmem>> -> memref<32x128xf32, #tpu.memory_space<vmem>>
      %dma_start3A_1380 = arith.constant 0 : i32
      %dma_start3A_1381 = tpu.memref_slice %arg2[%mul3A_1368, %dma_start3A_1380] : memref<320000x128xf32, #tpu.memory_space<hbm>> -> memref<32x128xf32, #tpu.memory_space<hbm>>
      tpu.enqueue_dma source(%dma_start3A_1381 : memref<32x128xf32, #tpu.memory_space<hbm>>) target(%dma_start3A_1379 : memref<32x128xf32, #tpu.memory_space<vmem>>) target_semaphore(%arg7 : memref<!tpu.dma_semaphore, #tpu.memory_space<semaphore_mem>>)
      %dma_start3A_1382 = arith.constant 0 : i32
      %dma_start3A_1383 = arith.constant 0 : i32
      %dma_start3A_1384 = arith.constant 0 : i32
      %dma_start3A_1385 = tpu.memref_slice %arg6[%dma_start3A_1382, %dma_start3A_1383, %dma_start3A_1384] : memref<12x1x32xi32, #tpu.memory_space<vmem>> -> memref<1x1x32xi32, #tpu.memory_space<vmem>>
      %dma_start3A_1386 = tpu.memref_squeeze %dma_start3A_1385 : memref<1x1x32xi32, #tpu.memory_space<vmem>> -> memref<1x32xi32, #tpu.memory_space<vmem>>
      %dma_start3A_1387 = arith.constant 0 : i32
      %dma_start3A_1388 = arith.constant 0 : i32
      %dma_start3A_1389 = tpu.memref_slice %arg3[%add3A_8, %dma_start3A_1387, %dma_start3A_1388] : memref<10000x1x32xi32, #tpu.memory_space<hbm>> -> memref<1x1x32xi32, #tpu.memory_space<hbm>>
      %dma_start3A_1390 = tpu.memref_squeeze %dma_start3A_1389 : memref<1x1x32xi32, #tpu.memory_space<hbm>> -> memref<1x32xi32, #tpu.memory_space<hbm>>
      %dma_start3A_1391 = arith.constant 0 : i32
      %dma_start3A_1392 = arith.constant 0 : i32
      %dma_start3A_1393 = tpu.memref_slice %arg6[%dma_start3A_1382, %dma_start3A_1391, %dma_start3A_1392] : memref<12x1x32xi32, #tpu.memory_space<vmem>> -> memref<1x1x32xi32, #tpu.memory_space<vmem>>
      %dma_start3A_1394 = tpu.memref_squeeze %dma_start3A_1393 : memref<1x1x32xi32, #tpu.memory_space<vmem>> -> memref<1x32xi32, #tpu.memory_space<vmem>>
      %dma_start3A_1395 = arith.constant 0 : i32
      %dma_start3A_1396 = arith.constant 0 : i32
      %dma_start3A_1397 = tpu.memref_slice %arg3[%add3A_8, %dma_start3A_1395, %dma_start3A_1396] : memref<10000x1x32xi32, #tpu.memory_space<hbm>> -> memref<1x1x32xi32, #tpu.memory_space<hbm>>
      %dma_start3A_1398 = tpu.memref_squeeze %dma_start3A_1397 : memref<1x1x32xi32, #tpu.memory_space<hbm>> -> memref<1x32xi32, #tpu.memory_space<hbm>>
      tpu.enqueue_dma source(%dma_start3A_1398 : memref<1x32xi32, #tpu.memory_space<hbm>>) target(%dma_start3A_1394 : memref<1x32xi32, #tpu.memory_space<vmem>>) target_semaphore(%arg7 : memref<!tpu.dma_semaphore, #tpu.memory_space<semaphore_mem>>)
    } else {
    }
    %add3A_11 = arith.constant 32 : i32
    %add3A_12 = arith.addi %add3A, %add3A_11 : i32
    %lt3A_13 = arith.constant 10000 : i32
    %lt3A_14 = arith.cmpi slt, %add3A_12, %lt3A_13 : i32
    %convert_element_type3A_15 = arith.extui %lt3A_14 : i1 to i32
    %cond3A_16 = arith.constant 0 : i32
    %cond3A_17 = arith.cmpi ne, %convert_element_type3A_15, %cond3A_16 : i32
    scf.if %cond3A_17 {
      %mul3A_1367 = arith.constant 32 : i32
      %mul3A_1368 = arith.muli %add3A_12, %mul3A_1367 : i32
      %dma_start3A_1369 = arith.constant 1 : i32
      %dma_start3A_1370 = arith.constant 0 : i32
      %dma_start3A_1371 = arith.constant 0 : i32
      %dma_start3A_1372 = tpu.memref_slice %arg5[%dma_start3A_1369, %dma_start3A_1370, %dma_start3A_1371] : memref<12x32x128xf32, #tpu.memory_space<vmem>> -> memref<1x32x128xf32, #tpu.memory_space<vmem>>
      %dma_start3A_1373 = tpu.memref_squeeze %dma_start3A_1372 : memref<1x32x128xf32, #tpu.memory_space<vmem>> -> memref<32x128xf32, #tpu.memory_space<vmem>>
      %dma_start3A_1374 = arith.constant 0 : i32
      %dma_start3A_1375 = tpu.memref_slice %arg2[%mul3A_1368, %dma_start3A_1374] : memref<320000x128xf32, #tpu.memory_space<hbm>> -> memref<32x128xf32, #tpu.memory_space<hbm>>
      %dma_start3A_1376 = arith.constant 0 : i32
      %dma_start3A_1377 = arith.constant 0 : i32
      %dma_start3A_1378 = tpu.memref_slice %arg5[%dma_start3A_1369, %dma_start3A_1376, %dma_start3A_1377] : memref<12x32x128xf32, #tpu.memory_space<vmem>> -> memref<1x32x128xf32, #tpu.memory_space<vmem>>
      %dma_start3A_1379 = tpu.memref_squeeze %dma_start3A_1378 : memref<1x32x128xf32, #tpu.memory_space<vmem>> -> memref<32x128xf32, #tpu.memory_space<vmem>>
      %dma_start3A_1380 = arith.constant 0 : i32
      %dma_start3A_1381 = tpu.memref_slice %arg2[%mul3A_1368, %dma_start3A_1380] : memref<320000x128xf32, #tpu.memory_space<hbm>> -> memref<32x128xf32, #tpu.memory_space<hbm>>
      tpu.enqueue_dma source(%dma_start3A_1381 : memref<32x128xf32, #tpu.memory_space<hbm>>) target(%dma_start3A_1379 : memref<32x128xf32, #tpu.memory_space<vmem>>) target_semaphore(%arg8 : memref<!tpu.dma_semaphore, #tpu.memory_space<semaphore_mem>>)
      %dma_start3A_1382 = arith.constant 1 : i32
      %dma_start3A_1383 = arith.constant 0 : i32
      %dma_start3A_1384 = arith.constant 0 : i32
      %dma_start3A_1385 = tpu.memref_slice %arg6[%dma_start3A_1382, %dma_start3A_1383, %dma_start3A_1384] : memref<12x1x32xi32, #tpu.memory_space<vmem>> -> memref<1x1x32xi32, #tpu.memory_space<vmem>>
      %dma_start3A_1386 = tpu.memref_squeeze %dma_start3A_1385 : memref<1x1x32xi32, #tpu.memory_space<vmem>> -> memref<1x32xi32, #tpu.memory_space<vmem>>
      %dma_start3A_1387 = arith.constant 0 : i32
      %dma_start3A_1388 = arith.constant 0 : i32
      %dma_start3A_1389 = tpu.memref_slice %arg3[%add3A_12, %dma_start3A_1387, %dma_start3A_1388] : memref<10000x1x32xi32, #tpu.memory_space<hbm>> -> memref<1x1x32xi32, #tpu.memory_space<hbm>>
      %dma_start3A_1390 = tpu.memref_squeeze %dma_start3A_1389 : memref<1x1x32xi32, #tpu.memory_space<hbm>> -> memref<1x32xi32, #tpu.memory_space<hbm>>
      %dma_start3A_1391 = arith.constant 0 : i32
      %dma_start3A_1392 = arith.constant 0 : i32
      %dma_start3A_1393 = tpu.memref_slice %arg6[%dma_start3A_1382, %dma_start3A_1391, %dma_start3A_1392] : memref<12x1x32xi32, #tpu.memory_space<vmem>> -> memref<1x1x32xi32, #tpu.memory_space<vmem>>
      %dma_start3A_1394 = tpu.memref_squeeze %dma_start3A_1393 : memref<1x1x32xi32, #tpu.memory_space<vmem>> -> memref<1x32xi32, #tpu.memory_space<vmem>>
      %dma_start3A_1395 = arith.constant 0 : i32
      %dma_start3A_1396 = arith.constant 0 : i32
      %dma_start3A_1397 = tpu.memref_slice %arg3[%add3A_12, %dma_start3A_1395, %dma_start3A_1396] : memref<10000x1x32xi32, #tpu.memory_space<hbm>> -> memref<1x1x32xi32, #tpu.memory_space<hbm>>
      %dma_start3A_1398 = tpu.memref_squeeze %dma_start3A_1397 : memref<1x1x32xi32, #tpu.memory_space<hbm>> -> memref<1x32xi32, #tpu.memory_space<hbm>>
      tpu.enqueue_dma source(%dma_start3A_1398 : memref<1x32xi32, #tpu.memory_space<hbm>>) target(%dma_start3A_1394 : memref<1x32xi32, #tpu.memory_space<vmem>>) target_semaphore(%arg8 : memref<!tpu.dma_semaphore, #tpu.memory_space<semaphore_mem>>)
    } else {
    }
    %add3A_18 = arith.constant 64 : i32
    %add3A_19 = arith.addi %add3A, %add3A_18 : i32
    %lt3A_20 = arith.constant 10000 : i32
    %lt3A_21 = arith.cmpi slt, %add3A_19, %lt3A_20 : i32
    %convert_element_type3A_22 = arith.extui %lt3A_21 : i1 to i32
    %cond3A_23 = arith.constant 0 : i32
    %cond3A_24 = arith.cmpi ne, %convert_element_type3A_22, %cond3A_23 : i32
    scf.if %cond3A_24 {
      %mul3A_1367 = arith.constant 32 : i32
      %mul3A_1368 = arith.muli %add3A_19, %mul3A_1367 : i32
      %dma_start3A_1369 = arith.constant 2 : i32
      %dma_start3A_1370 = arith.constant 0 : i32
      %dma_start3A_1371 = arith.constant 0 : i32
      %dma_start3A_1372 = tpu.memref_slice %arg5[%dma_start3A_1369, %dma_start3A_1370, %dma_start3A_1371] : memref<12x32x128xf32, #tpu.memory_space<vmem>> -> memref<1x32x128xf32, #tpu.memory_space<vmem>>
      %dma_start3A_1373 = tpu.memref_squeeze %dma_start3A_1372 : memref<1x32x128xf32, #tpu.memory_space<vmem>> -> memref<32x128xf32, #tpu.memory_space<vmem>>
      %dma_start3A_1374 = arith.constant 0 : i32
      %dma_start3A_1375 = tpu.memref_slice %arg2[%mul3A_1368, %dma_start3A_1374] : memref<320000x128xf32, #tpu.memory_space<hbm>> -> memref<32x128xf32, #tpu.memory_space<hbm>>
      %dma_start3A_1376 = arith.constant 0 : i32
      %dma_start3A_1377 = arith.constant 0 : i32
      %dma_start3A_1378 = tpu.memref_slice %arg5[%dma_start3A_1369, %dma_start3A_1376, %dma_start3A_1377] : memref<12x32x128xf32, #tpu.memory_space<vmem>> -> memref<1x32x128xf32, #tpu.memory_space<vmem>>
      %dma_start3A_1379 = tpu.memref_squeeze %dma_start3A_1378 : memref<1x32x128xf32, #tpu.memory_space<vmem>> -> memref<32x128xf32, #tpu.memory_space<vmem>>
      %dma_start3A_1380 = arith.constant 0 : i32
      %dma_start3A_1381 = tpu.memref_slice %arg2[%mul3A_1368, %dma_start3A_1380] : memref<320000x128xf32, #tpu.memory_space<hbm>> -> memref<32x128xf32, #tpu.memory_space<hbm>>
      tpu.enqueue_dma source(%dma_start3A_1381 : memref<32x128xf32, #tpu.memory_space<hbm>>) target(%dma_start3A_1379 : memref<32x128xf32, #tpu.memory_space<vmem>>) target_semaphore(%arg9 : memref<!tpu.dma_semaphore, #tpu.memory_space<semaphore_mem>>)
      %dma_start3A_1382 = arith.constant 2 : i32
      %dma_start3A_1383 = arith.constant 0 : i32
      %dma_start3A_1384 = arith.constant 0 : i32
      %dma_start3A_1385 = tpu.memref_slice %arg6[%dma_start3A_1382, %dma_start3A_1383, %dma_start3A_1384] : memref<12x1x32xi32, #tpu.memory_space<vmem>> -> memref<1x1x32xi32, #tpu.memory_space<vmem>>
      %dma_start3A_1386 = tpu.memref_squeeze %dma_start3A_1385 : memref<1x1x32xi32, #tpu.memory_space<vmem>> -> memref<1x32xi32, #tpu.memory_space<vmem>>
      %dma_start3A_1387 = arith.constant 0 : i32
      %dma_start3A_1388 = arith.constant 0 : i32
      %dma_start3A_1389 = tpu.memref_slice %arg3[%add3A_19, %dma_start3A_1387, %dma_start3A_1388] : memref<10000x1x32xi32, #tpu.memory_space<hbm>> -> memref<1x1x32xi32, #tpu.memory_space<hbm>>
      %dma_start3A_1390 = tpu.memref_squeeze %dma_start3A_1389 : memref<1x1x32xi32, #tpu.memory_space<hbm>> -> memref<1x32xi32, #tpu.memory_space<hbm>>
      %dma_start3A_1391 = arith.constant 0 : i32
      %dma_start3A_1392 = arith.constant 0 : i32
      %dma_start3A_1393 = tpu.memref_slice %arg6[%dma_start3A_1382, %dma_start3A_1391, %dma_start3A_1392] : memref<12x1x32xi32, #tpu.memory_space<vmem>> -> memref<1x1x32xi32, #tpu.memory_space<vmem>>
      %dma_start3A_1394 = tpu.memref_squeeze %dma_start3A_1393 : memref<1x1x32xi32, #tpu.memory_space<vmem>> -> memref<1x32xi32, #tpu.memory_space<vmem>>
      %dma_start3A_1395 = arith.constant 0 : i32
      %dma_start3A_1396 = arith.constant 0 : i32
      %dma_start3A_1397 = tpu.memref_slice %arg3[%add3A_19, %dma_start3A_1395, %dma_start3A_1396] : memref<10000x1x32xi32, #tpu.memory_space<hbm>> -> memref<1x1x32xi32, #tpu.memory_space<hbm>>
      %dma_start3A_1398 = tpu.memref_squeeze %dma_start3A_1397 : memref<1x1x32xi32, #tpu.memory_space<hbm>> -> memref<1x32xi32, #tpu.memory_space<hbm>>
      tpu.enqueue_dma source(%dma_start3A_1398 : memref<1x32xi32, #tpu.memory_space<hbm>>) target(%dma_start3A_1394 : memref<1x32xi32, #tpu.memory_space<vmem>>) target_semaphore(%arg9 : memref<!tpu.dma_semaphore, #tpu.memory_space<semaphore_mem>>)
    } else {
    }
    %add3A_25 = arith.constant 96 : i32
    %add3A_26 = arith.addi %add3A, %add3A_25 : i32
    %lt3A_27 = arith.constant 10000 : i32
    %lt3A_28 = arith.cmpi slt, %add3A_26, %lt3A_27 : i32
    %convert_element_type3A_29 = arith.extui %lt3A_28 : i1 to i32
    %cond3A_30 = arith.constant 0 : i32
    %cond3A_31 = arith.cmpi ne, %convert_element_type3A_29, %cond3A_30 : i32
    scf.if %cond3A_31 {
      %mul3A_1367 = arith.constant 32 : i32
      %mul3A_1368 = arith.muli %add3A_26, %mul3A_1367 : i32
      %dma_start3A_1369 = arith.constant 3 : i32
      %dma_start3A_1370 = arith.constant 0 : i32
      %dma_start3A_1371 = arith.constant 0 : i32
      %dma_start3A_1372 = tpu.memref_slice %arg5[%dma_start3A_1369, %dma_start3A_1370, %dma_start3A_1371] : memref<12x32x128xf32, #tpu.memory_space<vmem>> -> memref<1x32x128xf32, #tpu.memory_space<vmem>>
      %dma_start3A_1373 = tpu.memref_squeeze %dma_start3A_1372 : memref<1x32x128xf32, #tpu.memory_space<vmem>> -> memref<32x128xf32, #tpu.memory_space<vmem>>
      %dma_start3A_1374 = arith.constant 0 : i32
      %dma_start3A_1375 = tpu.memref_slice %arg2[%mul3A_1368, %dma_start3A_1374] : memref<320000x128xf32, #tpu.memory_space<hbm>> -> memref<32x128xf32, #tpu.memory_space<hbm>>
      %dma_start3A_1376 = arith.constant 0 : i32
      %dma_start3A_1377 = arith.constant 0 : i32
      %dma_start3A_1378 = tpu.memref_slice %arg5[%dma_start3A_1369, %dma_start3A_1376, %dma_start3A_1377] : memref<12x32x128xf32, #tpu.memory_space<vmem>> -> memref<1x32x128xf32, #tpu.memory_space<vmem>>
      %dma_start3A_1379 = tpu.memref_squeeze %dma_start3A_1378 : memref<1x32x128xf32, #tpu.memory_space<vmem>> -> memref<32x128xf32, #tpu.memory_space<vmem>>
      %dma_start3A_1380 = arith.constant 0 : i32
      %dma_start3A_1381 = tpu.memref_slice %arg2[%mul3A_1368, %dma_start3A_1380] : memref<320000x128xf32, #tpu.memory_space<hbm>> -> memref<32x128xf32, #tpu.memory_space<hbm>>
      tpu.enqueue_dma source(%dma_start3A_1381 : memref<32x128xf32, #tpu.memory_space<hbm>>) target(%dma_start3A_1379 : memref<32x128xf32, #tpu.memory_space<vmem>>) target_semaphore(%arg10 : memref<!tpu.dma_semaphore, #tpu.memory_space<semaphore_mem>>)
      %dma_start3A_1382 = arith.constant 3 : i32
      %dma_start3A_1383 = arith.constant 0 : i32
      %dma_start3A_1384 = arith.constant 0 : i32
      %dma_start3A_1385 = tpu.memref_slice %arg6[%dma_start3A_1382, %dma_start3A_1383, %dma_start3A_1384] : memref<12x1x32xi32, #tpu.memory_space<vmem>> -> memref<1x1x32xi32, #tpu.memory_space<vmem>>
      %dma_start3A_1386 = tpu.memref_squeeze %dma_start3A_1385 : memref<1x1x32xi32, #tpu.memory_space<vmem>> -> memref<1x32xi32, #tpu.memory_space<vmem>>
      %dma_start3A_1387 = arith.constant 0 : i32
      %dma_start3A_1388 = arith.constant 0 : i32
      %dma_start3A_1389 = tpu.memref_slice %arg3[%add3A_26, %dma_start3A_1387, %dma_start3A_1388] : memref<10000x1x32xi32, #tpu.memory_space<hbm>> -> memref<1x1x32xi32, #tpu.memory_space<hbm>>
      %dma_start3A_1390 = tpu.memref_squeeze %dma_start3A_1389 : memref<1x1x32xi32, #tpu.memory_space<hbm>> -> memref<1x32xi32, #tpu.memory_space<hbm>>
      %dma_start3A_1391 = arith.constant 0 : i32
      %dma_start3A_1392 = arith.constant 0 : i32
      %dma_start3A_1393 = tpu.memref_slice %arg6[%dma_start3A_1382, %dma_start3A_1391, %dma_start3A_1392] : memref<12x1x32xi32, #tpu.memory_space<vmem>> -> memref<1x1x32xi32, #tpu.memory_space<vmem>>
      %dma_start3A_1394 = tpu.memref_squeeze %dma_start3A_1393 : memref<1x1x32xi32, #tpu.memory_space<vmem>> -> memref<1x32xi32, #tpu.memory_space<vmem>>
      %dma_start3A_1395 = arith.constant 0 : i32
      %dma_start3A_1396 = arith.constant 0 : i32
      %dma_start3A_1397 = tpu.memref_slice %arg3[%add3A_26, %dma_start3A_1395, %dma_start3A_1396] : memref<10000x1x32xi32, #tpu.memory_space<hbm>> -> memref<1x1x32xi32, #tpu.memory_space<hbm>>
      %dma_start3A_1398 = tpu.memref_squeeze %dma_start3A_1397 : memref<1x1x32xi32, #tpu.memory_space<hbm>> -> memref<1x32xi32, #tpu.memory_space<hbm>>
      tpu.enqueue_dma source(%dma_start3A_1398 : memref<1x32xi32, #tpu.memory_space<hbm>>) target(%dma_start3A_1394 : memref<1x32xi32, #tpu.memory_space<vmem>>) target_semaphore(%arg10 : memref<!tpu.dma_semaphore, #tpu.memory_space<semaphore_mem>>)
    } else {
    }
    %add3A_32 = arith.constant 128 : i32
    %add3A_33 = arith.addi %add3A, %add3A_32 : i32
    %lt3A_34 = arith.constant 10000 : i32
    %lt3A_35 = arith.cmpi slt, %add3A_33, %lt3A_34 : i32
    %convert_element_type3A_36 = arith.extui %lt3A_35 : i1 to i32
    %cond3A_37 = arith.constant 0 : i32
    %cond3A_38 = arith.cmpi ne, %convert_element_type3A_36, %cond3A_37 : i32
    scf.if %cond3A_38 {
      %mul3A_1367 = arith.constant 32 : i32
      %mul3A_1368 = arith.muli %add3A_33, %mul3A_1367 : i32
      %dma_start3A_1369 = arith.constant 4 : i32
      %dma_start3A_1370 = arith.constant 0 : i32
      %dma_start3A_1371 = arith.constant 0 : i32
      %dma_start3A_1372 = tpu.memref_slice %arg5[%dma_start3A_1369, %dma_start3A_1370, %dma_start3A_1371] : memref<12x32x128xf32, #tpu.memory_space<vmem>> -> memref<1x32x128xf32, #tpu.memory_space<vmem>>
      %dma_start3A_1373 = tpu.memref_squeeze %dma_start3A_1372 : memref<1x32x128xf32, #tpu.memory_space<vmem>> -> memref<32x128xf32, #tpu.memory_space<vmem>>
      %dma_start3A_1374 = arith.constant 0 : i32
      %dma_start3A_1375 = tpu.memref_slice %arg2[%mul3A_1368, %dma_start3A_1374] : memref<320000x128xf32, #tpu.memory_space<hbm>> -> memref<32x128xf32, #tpu.memory_space<hbm>>
      %dma_start3A_1376 = arith.constant 0 : i32
      %dma_start3A_1377 = arith.constant 0 : i32
      %dma_start3A_1378 = tpu.memref_slice %arg5[%dma_start3A_1369, %dma_start3A_1376, %dma_start3A_1377] : memref<12x32x128xf32, #tpu.memory_space<vmem>> -> memref<1x32x128xf32, #tpu.memory_space<vmem>>
      %dma_start3A_1379 = tpu.memref_squeeze %dma_start3A_1378 : memref<1x32x128xf32, #tpu.memory_space<vmem>> -> memref<32x128xf32, #tpu.memory_space<vmem>>
      %dma_start3A_1380 = arith.constant 0 : i32
      %dma_start3A_1381 = tpu.memref_slice %arg2[%mul3A_1368, %dma_start3A_1380] : memref<320000x128xf32, #tpu.memory_space<hbm>> -> memref<32x128xf32, #tpu.memory_space<hbm>>
      tpu.enqueue_dma source(%dma_start3A_1381 : memref<32x128xf32, #tpu.memory_space<hbm>>) target(%dma_start3A_1379 : memref<32x128xf32, #tpu.memory_space<vmem>>) target_semaphore(%arg11 : memref<!tpu.dma_semaphore, #tpu.memory_space<semaphore_mem>>)
      %dma_start3A_1382 = arith.constant 4 : i32
      %dma_start3A_1383 = arith.constant 0 : i32
      %dma_start3A_1384 = arith.constant 0 : i32
      %dma_start3A_1385 = tpu.memref_slice %arg6[%dma_start3A_1382, %dma_start3A_1383, %dma_start3A_1384] : memref<12x1x32xi32, #tpu.memory_space<vmem>> -> memref<1x1x32xi32, #tpu.memory_space<vmem>>
      %dma_start3A_1386 = tpu.memref_squeeze %dma_start3A_1385 : memref<1x1x32xi32, #tpu.memory_space<vmem>> -> memref<1x32xi32, #tpu.memory_space<vmem>>
      %dma_start3A_1387 = arith.constant 0 : i32
      %dma_start3A_1388 = arith.constant 0 : i32
      %dma_start3A_1389 = tpu.memref_slice %arg3[%add3A_33, %dma_start3A_1387, %dma_start3A_1388] : memref<10000x1x32xi32, #tpu.memory_space<hbm>> -> memref<1x1x32xi32, #tpu.memory_space<hbm>>
      %dma_start3A_1390 = tpu.memref_squeeze %dma_start3A_1389 : memref<1x1x32xi32, #tpu.memory_space<hbm>> -> memref<1x32xi32, #tpu.memory_space<hbm>>
      %dma_start3A_1391 = arith.constant 0 : i32
      %dma_start3A_1392 = arith.constant 0 : i32
      %dma_start3A_1393 = tpu.memref_slice %arg6[%dma_start3A_1382, %dma_start3A_1391, %dma_start3A_1392] : memref<12x1x32xi32, #tpu.memory_space<vmem>> -> memref<1x1x32xi32, #tpu.memory_space<vmem>>
      %dma_start3A_1394 = tpu.memref_squeeze %dma_start3A_1393 : memref<1x1x32xi32, #tpu.memory_space<vmem>> -> memref<1x32xi32, #tpu.memory_space<vmem>>
      %dma_start3A_1395 = arith.constant 0 : i32
      %dma_start3A_1396 = arith.constant 0 : i32
      %dma_start3A_1397 = tpu.memref_slice %arg3[%add3A_33, %dma_start3A_1395, %dma_start3A_1396] : memref<10000x1x32xi32, #tpu.memory_space<hbm>> -> memref<1x1x32xi32, #tpu.memory_space<hbm>>
      %dma_start3A_1398 = tpu.memref_squeeze %dma_start3A_1397 : memref<1x1x32xi32, #tpu.memory_space<hbm>> -> memref<1x32xi32, #tpu.memory_space<hbm>>
      tpu.enqueue_dma source(%dma_start3A_1398 : memref<1x32xi32, #tpu.memory_space<hbm>>) target(%dma_start3A_1394 : memref<1x32xi32, #tpu.memory_space<vmem>>) target_semaphore(%arg11 : memref<!tpu.dma_semaphore, #tpu.memory_space<semaphore_mem>>)
    } else {
    }
    %add3A_39 = arith.constant 160 : i32
    %add3A_40 = arith.addi %add3A, %add3A_39 : i32
    %lt3A_41 = arith.constant 10000 : i32
    %lt3A_42 = arith.cmpi slt, %add3A_40, %lt3A_41 : i32
    %convert_element_type3A_43 = arith.extui %lt3A_42 : i1 to i32
    %cond3A_44 = arith.constant 0 : i32
    %cond3A_45 = arith.cmpi ne, %convert_element_type3A_43, %cond3A_44 : i32
    scf.if %cond3A_45 {
      %mul3A_1367 = arith.constant 32 : i32
      %mul3A_1368 = arith.muli %add3A_40, %mul3A_1367 : i32
      %dma_start3A_1369 = arith.constant 5 : i32
      %dma_start3A_1370 = arith.constant 0 : i32
      %dma_start3A_1371 = arith.constant 0 : i32
      %dma_start3A_1372 = tpu.memref_slice %arg5[%dma_start3A_1369, %dma_start3A_1370, %dma_start3A_1371] : memref<12x32x128xf32, #tpu.memory_space<vmem>> -> memref<1x32x128xf32, #tpu.memory_space<vmem>>
      %dma_start3A_1373 = tpu.memref_squeeze %dma_start3A_1372 : memref<1x32x128xf32, #tpu.memory_space<vmem>> -> memref<32x128xf32, #tpu.memory_space<vmem>>
      %dma_start3A_1374 = arith.constant 0 : i32
      %dma_start3A_1375 = tpu.memref_slice %arg2[%mul3A_1368, %dma_start3A_1374] : memref<320000x128xf32, #tpu.memory_space<hbm>> -> memref<32x128xf32, #tpu.memory_space<hbm>>
      %dma_start3A_1376 = arith.constant 0 : i32
      %dma_start3A_1377 = arith.constant 0 : i32
      %dma_start3A_1378 = tpu.memref_slice %arg5[%dma_start3A_1369, %dma_start3A_1376, %dma_start3A_1377] : memref<12x32x128xf32, #tpu.memory_space<vmem>> -> memref<1x32x128xf32, #tpu.memory_space<vmem>>
      %dma_start3A_1379 = tpu.memref_squeeze %dma_start3A_1378 : memref<1x32x128xf32, #tpu.memory_space<vmem>> -> memref<32x128xf32, #tpu.memory_space<vmem>>
      %dma_start3A_1380 = arith.constant 0 : i32
      %dma_start3A_1381 = tpu.memref_slice %arg2[%mul3A_1368, %dma_start3A_1380] : memref<320000x128xf32, #tpu.memory_space<hbm>> -> memref<32x128xf32, #tpu.memory_space<hbm>>
      tpu.enqueue_dma source(%dma_start3A_1381 : memref<32x128xf32, #tpu.memory_space<hbm>>) target(%dma_start3A_1379 : memref<32x128xf32, #tpu.memory_space<vmem>>) target_semaphore(%arg12 : memref<!tpu.dma_semaphore, #tpu.memory_space<semaphore_mem>>)
      %dma_start3A_1382 = arith.constant 5 : i32
      %dma_start3A_1383 = arith.constant 0 : i32
      %dma_start3A_1384 = arith.constant 0 : i32
      %dma_start3A_1385 = tpu.memref_slice %arg6[%dma_start3A_1382, %dma_start3A_1383, %dma_start3A_1384] : memref<12x1x32xi32, #tpu.memory_space<vmem>> -> memref<1x1x32xi32, #tpu.memory_space<vmem>>
      %dma_start3A_1386 = tpu.memref_squeeze %dma_start3A_1385 : memref<1x1x32xi32, #tpu.memory_space<vmem>> -> memref<1x32xi32, #tpu.memory_space<vmem>>
      %dma_start3A_1387 = arith.constant 0 : i32
      %dma_start3A_1388 = arith.constant 0 : i32
      %dma_start3A_1389 = tpu.memref_slice %arg3[%add3A_40, %dma_start3A_1387, %dma_start3A_1388] : memref<10000x1x32xi32, #tpu.memory_space<hbm>> -> memref<1x1x32xi32, #tpu.memory_space<hbm>>
      %dma_start3A_1390 = tpu.memref_squeeze %dma_start3A_1389 : memref<1x1x32xi32, #tpu.memory_space<hbm>> -> memref<1x32xi32, #tpu.memory_space<hbm>>
      %dma_start3A_1391 = arith.constant 0 : i32
      %dma_start3A_1392 = arith.constant 0 : i32
      %dma_start3A_1393 = tpu.memref_slice %arg6[%dma_start3A_1382, %dma_start3A_1391, %dma_start3A_1392] : memref<12x1x32xi32, #tpu.memory_space<vmem>> -> memref<1x1x32xi32, #tpu.memory_space<vmem>>
      %dma_start3A_1394 = tpu.memref_squeeze %dma_start3A_1393 : memref<1x1x32xi32, #tpu.memory_space<vmem>> -> memref<1x32xi32, #tpu.memory_space<vmem>>
      %dma_start3A_1395 = arith.constant 0 : i32
      %dma_start3A_1396 = arith.constant 0 : i32
      %dma_start3A_1397 = tpu.memref_slice %arg3[%add3A_40, %dma_start3A_1395, %dma_start3A_1396] : memref<10000x1x32xi32, #tpu.memory_space<hbm>> -> memref<1x1x32xi32, #tpu.memory_space<hbm>>
      %dma_start3A_1398 = tpu.memref_squeeze %dma_start3A_1397 : memref<1x1x32xi32, #tpu.memory_space<hbm>> -> memref<1x32xi32, #tpu.memory_space<hbm>>
      tpu.enqueue_dma source(%dma_start3A_1398 : memref<1x32xi32, #tpu.memory_space<hbm>>) target(%dma_start3A_1394 : memref<1x32xi32, #tpu.memory_space<vmem>>) target_semaphore(%arg12 : memref<!tpu.dma_semaphore, #tpu.memory_space<semaphore_mem>>)
    } else {
    }
    %add3A_46 = arith.constant 192 : i32
    %add3A_47 = arith.addi %add3A, %add3A_46 : i32
    %lt3A_48 = arith.constant 10000 : i32
    %lt3A_49 = arith.cmpi slt, %add3A_47, %lt3A_48 : i32
    %convert_element_type3A_50 = arith.extui %lt3A_49 : i1 to i32
    %cond3A_51 = arith.constant 0 : i32
    %cond3A_52 = arith.cmpi ne, %convert_element_type3A_50, %cond3A_51 : i32
    scf.if %cond3A_52 {
      %mul3A_1367 = arith.constant 32 : i32
      %mul3A_1368 = arith.muli %add3A_47, %mul3A_1367 : i32
      %dma_start3A_1369 = arith.constant 6 : i32
      %dma_start3A_1370 = arith.constant 0 : i32
      %dma_start3A_1371 = arith.constant 0 : i32
      %dma_start3A_1372 = tpu.memref_slice %arg5[%dma_start3A_1369, %dma_start3A_1370, %dma_start3A_1371] : memref<12x32x128xf32, #tpu.memory_space<vmem>> -> memref<1x32x128xf32, #tpu.memory_space<vmem>>
      %dma_start3A_1373 = tpu.memref_squeeze %dma_start3A_1372 : memref<1x32x128xf32, #tpu.memory_space<vmem>> -> memref<32x128xf32, #tpu.memory_space<vmem>>
      %dma_start3A_1374 = arith.constant 0 : i32
      %dma_start3A_1375 = tpu.memref_slice %arg2[%mul3A_1368, %dma_start3A_1374] : memref<320000x128xf32, #tpu.memory_space<hbm>> -> memref<32x128xf32, #tpu.memory_space<hbm>>
      %dma_start3A_1376 = arith.constant 0 : i32
      %dma_start3A_1377 = arith.constant 0 : i32
      %dma_start3A_1378 = tpu.memref_slice %arg5[%dma_start3A_1369, %dma_start3A_1376, %dma_start3A_1377] : memref<12x32x128xf32, #tpu.memory_space<vmem>> -> memref<1x32x128xf32, #tpu.memory_space<vmem>>
      %dma_start3A_1379 = tpu.memref_squeeze %dma_start3A_1378 : memref<1x32x128xf32, #tpu.memory_space<vmem>> -> memref<32x128xf32, #tpu.memory_space<vmem>>
      %dma_start3A_1380 = arith.constant 0 : i32
      %dma_start3A_1381 = tpu.memref_slice %arg2[%mul3A_1368, %dma_start3A_1380] : memref<320000x128xf32, #tpu.memory_space<hbm>> -> memref<32x128xf32, #tpu.memory_space<hbm>>
      tpu.enqueue_dma source(%dma_start3A_1381 : memref<32x128xf32, #tpu.memory_space<hbm>>) target(%dma_start3A_1379 : memref<32x128xf32, #tpu.memory_space<vmem>>) target_semaphore(%arg13 : memref<!tpu.dma_semaphore, #tpu.memory_space<semaphore_mem>>)
      %dma_start3A_1382 = arith.constant 6 : i32
      %dma_start3A_1383 = arith.constant 0 : i32
      %dma_start3A_1384 = arith.constant 0 : i32
      %dma_start3A_1385 = tpu.memref_slice %arg6[%dma_start3A_1382, %dma_start3A_1383, %dma_start3A_1384] : memref<12x1x32xi32, #tpu.memory_space<vmem>> -> memref<1x1x32xi32, #tpu.memory_space<vmem>>
      %dma_start3A_1386 = tpu.memref_squeeze %dma_start3A_1385 : memref<1x1x32xi32, #tpu.memory_space<vmem>> -> memref<1x32xi32, #tpu.memory_space<vmem>>
      %dma_start3A_1387 = arith.constant 0 : i32
      %dma_start3A_1388 = arith.constant 0 : i32
      %dma_start3A_1389 = tpu.memref_slice %arg3[%add3A_47, %dma_start3A_1387, %dma_start3A_1388] : memref<10000x1x32xi32, #tpu.memory_space<hbm>> -> memref<1x1x32xi32, #tpu.memory_space<hbm>>
      %dma_start3A_1390 = tpu.memref_squeeze %dma_start3A_1389 : memref<1x1x32xi32, #tpu.memory_space<hbm>> -> memref<1x32xi32, #tpu.memory_space<hbm>>
      %dma_start3A_1391 = arith.constant 0 : i32
      %dma_start3A_1392 = arith.constant 0 : i32
      %dma_start3A_1393 = tpu.memref_slice %arg6[%dma_start3A_1382, %dma_start3A_1391, %dma_start3A_1392] : memref<12x1x32xi32, #tpu.memory_space<vmem>> -> memref<1x1x32xi32, #tpu.memory_space<vmem>>
      %dma_start3A_1394 = tpu.memref_squeeze %dma_start3A_1393 : memref<1x1x32xi32, #tpu.memory_space<vmem>> -> memref<1x32xi32, #tpu.memory_space<vmem>>
      %dma_start3A_1395 = arith.constant 0 : i32
      %dma_start3A_1396 = arith.constant 0 : i32
      %dma_start3A_1397 = tpu.memref_slice %arg3[%add3A_47, %dma_start3A_1395, %dma_start3A_1396] : memref<10000x1x32xi32, #tpu.memory_space<hbm>> -> memref<1x1x32xi32, #tpu.memory_space<hbm>>
      %dma_start3A_1398 = tpu.memref_squeeze %dma_start3A_1397 : memref<1x1x32xi32, #tpu.memory_space<hbm>> -> memref<1x32xi32, #tpu.memory_space<hbm>>
      tpu.enqueue_dma source(%dma_start3A_1398 : memref<1x32xi32, #tpu.memory_space<hbm>>) target(%dma_start3A_1394 : memref<1x32xi32, #tpu.memory_space<vmem>>) target_semaphore(%arg13 : memref<!tpu.dma_semaphore, #tpu.memory_space<semaphore_mem>>)
    } else {
    }
    %add3A_53 = arith.constant 224 : i32
    %add3A_54 = arith.addi %add3A, %add3A_53 : i32
    %lt3A_55 = arith.constant 10000 : i32
    %lt3A_56 = arith.cmpi slt, %add3A_54, %lt3A_55 : i32
    %convert_element_type3A_57 = arith.extui %lt3A_56 : i1 to i32
    %cond3A_58 = arith.constant 0 : i32
    %cond3A_59 = arith.cmpi ne, %convert_element_type3A_57, %cond3A_58 : i32
    scf.if %cond3A_59 {
      %mul3A_1367 = arith.constant 32 : i32
      %mul3A_1368 = arith.muli %add3A_54, %mul3A_1367 : i32
      %dma_start3A_1369 = arith.constant 7 : i32
      %dma_start3A_1370 = arith.constant 0 : i32
      %dma_start3A_1371 = arith.constant 0 : i32
      %dma_start3A_1372 = tpu.memref_slice %arg5[%dma_start3A_1369, %dma_start3A_1370, %dma_start3A_1371] : memref<12x32x128xf32, #tpu.memory_space<vmem>> -> memref<1x32x128xf32, #tpu.memory_space<vmem>>
      %dma_start3A_1373 = tpu.memref_squeeze %dma_start3A_1372 : memref<1x32x128xf32, #tpu.memory_space<vmem>> -> memref<32x128xf32, #tpu.memory_space<vmem>>
      %dma_start3A_1374 = arith.constant 0 : i32
      %dma_start3A_1375 = tpu.memref_slice %arg2[%mul3A_1368, %dma_start3A_1374] : memref<320000x128xf32, #tpu.memory_space<hbm>> -> memref<32x128xf32, #tpu.memory_space<hbm>>
      %dma_start3A_1376 = arith.constant 0 : i32
      %dma_start3A_1377 = arith.constant 0 : i32
      %dma_start3A_1378 = tpu.memref_slice %arg5[%dma_start3A_1369, %dma_start3A_1376, %dma_start3A_1377] : memref<12x32x128xf32, #tpu.memory_space<vmem>> -> memref<1x32x128xf32, #tpu.memory_space<vmem>>
      %dma_start3A_1379 = tpu.memref_squeeze %dma_start3A_1378 : memref<1x32x128xf32, #tpu.memory_space<vmem>> -> memref<32x128xf32, #tpu.memory_space<vmem>>
      %dma_start3A_1380 = arith.constant 0 : i32
      %dma_start3A_1381 = tpu.memref_slice %arg2[%mul3A_1368, %dma_start3A_1380] : memref<320000x128xf32, #tpu.memory_space<hbm>> -> memref<32x128xf32, #tpu.memory_space<hbm>>
      tpu.enqueue_dma source(%dma_start3A_1381 : memref<32x128xf32, #tpu.memory_space<hbm>>) target(%dma_start3A_1379 : memref<32x128xf32, #tpu.memory_space<vmem>>) target_semaphore(%arg14 : memref<!tpu.dma_semaphore, #tpu.memory_space<semaphore_mem>>)
      %dma_start3A_1382 = arith.constant 7 : i32
      %dma_start3A_1383 = arith.constant 0 : i32
      %dma_start3A_1384 = arith.constant 0 : i32
      %dma_start3A_1385 = tpu.memref_slice %arg6[%dma_start3A_1382, %dma_start3A_1383, %dma_start3A_1384] : memref<12x1x32xi32, #tpu.memory_space<vmem>> -> memref<1x1x32xi32, #tpu.memory_space<vmem>>
      %dma_start3A_1386 = tpu.memref_squeeze %dma_start3A_1385 : memref<1x1x32xi32, #tpu.memory_space<vmem>> -> memref<1x32xi32, #tpu.memory_space<vmem>>
      %dma_start3A_1387 = arith.constant 0 : i32
      %dma_start3A_1388 = arith.constant 0 : i32
      %dma_start3A_1389 = tpu.memref_slice %arg3[%add3A_54, %dma_start3A_1387, %dma_start3A_1388] : memref<10000x1x32xi32, #tpu.memory_space<hbm>> -> memref<1x1x32xi32, #tpu.memory_space<hbm>>
      %dma_start3A_1390 = tpu.memref_squeeze %dma_start3A_1389 : memref<1x1x32xi32, #tpu.memory_space<hbm>> -> memref<1x32xi32, #tpu.memory_space<hbm>>
      %dma_start3A_1391 = arith.constant 0 : i32
      %dma_start3A_1392 = arith.constant 0 : i32
      %dma_start3A_1393 = tpu.memref_slice %arg6[%dma_start3A_1382, %dma_start3A_1391, %dma_start3A_1392] : memref<12x1x32xi32, #tpu.memory_space<vmem>> -> memref<1x1x32xi32, #tpu.memory_space<vmem>>
      %dma_start3A_1394 = tpu.memref_squeeze %dma_start3A_1393 : memref<1x1x32xi32, #tpu.memory_space<vmem>> -> memref<1x32xi32, #tpu.memory_space<vmem>>
      %dma_start3A_1395 = arith.constant 0 : i32
      %dma_start3A_1396 = arith.constant 0 : i32
      %dma_start3A_1397 = tpu.memref_slice %arg3[%add3A_54, %dma_start3A_1395, %dma_start3A_1396] : memref<10000x1x32xi32, #tpu.memory_space<hbm>> -> memref<1x1x32xi32, #tpu.memory_space<hbm>>
      %dma_start3A_1398 = tpu.memref_squeeze %dma_start3A_1397 : memref<1x1x32xi32, #tpu.memory_space<hbm>> -> memref<1x32xi32, #tpu.memory_space<hbm>>
      tpu.enqueue_dma source(%dma_start3A_1398 : memref<1x32xi32, #tpu.memory_space<hbm>>) target(%dma_start3A_1394 : memref<1x32xi32, #tpu.memory_space<vmem>>) target_semaphore(%arg14 : memref<!tpu.dma_semaphore, #tpu.memory_space<semaphore_mem>>)
    } else {
    }
    %add3A_60 = arith.constant 256 : i32
    %add3A_61 = arith.addi %add3A, %add3A_60 : i32
    %lt3A_62 = arith.constant 10000 : i32
    %lt3A_63 = arith.cmpi slt, %add3A_61, %lt3A_62 : i32
    %convert_element_type3A_64 = arith.extui %lt3A_63 : i1 to i32
    %cond3A_65 = arith.constant 0 : i32
    %cond3A_66 = arith.cmpi ne, %convert_element_type3A_64, %cond3A_65 : i32
    scf.if %cond3A_66 {
      %mul3A_1367 = arith.constant 32 : i32
      %mul3A_1368 = arith.muli %add3A_61, %mul3A_1367 : i32
      %dma_start3A_1369 = arith.constant 8 : i32
      %dma_start3A_1370 = arith.constant 0 : i32
      %dma_start3A_1371 = arith.constant 0 : i32
      %dma_start3A_1372 = tpu.memref_slice %arg5[%dma_start3A_1369, %dma_start3A_1370, %dma_start3A_1371] : memref<12x32x128xf32, #tpu.memory_space<vmem>> -> memref<1x32x128xf32, #tpu.memory_space<vmem>>
      %dma_start3A_1373 = tpu.memref_squeeze %dma_start3A_1372 : memref<1x32x128xf32, #tpu.memory_space<vmem>> -> memref<32x128xf32, #tpu.memory_space<vmem>>
      %dma_start3A_1374 = arith.constant 0 : i32
      %dma_start3A_1375 = tpu.memref_slice %arg2[%mul3A_1368, %dma_start3A_1374] : memref<320000x128xf32, #tpu.memory_space<hbm>> -> memref<32x128xf32, #tpu.memory_space<hbm>>
      %dma_start3A_1376 = arith.constant 0 : i32
      %dma_start3A_1377 = arith.constant 0 : i32
      %dma_start3A_1378 = tpu.memref_slice %arg5[%dma_start3A_1369, %dma_start3A_1376, %dma_start3A_1377] : memref<12x32x128xf32, #tpu.memory_space<vmem>> -> memref<1x32x128xf32, #tpu.memory_space<vmem>>
      %dma_start3A_1379 = tpu.memref_squeeze %dma_start3A_1378 : memref<1x32x128xf32, #tpu.memory_space<vmem>> -> memref<32x128xf32, #tpu.memory_space<vmem>>
      %dma_start3A_1380 = arith.constant 0 : i32
      %dma_start3A_1381 = tpu.memref_slice %arg2[%mul3A_1368, %dma_start3A_1380] : memref<320000x128xf32, #tpu.memory_space<hbm>> -> memref<32x128xf32, #tpu.memory_space<hbm>>
      tpu.enqueue_dma source(%dma_start3A_1381 : memref<32x128xf32, #tpu.memory_space<hbm>>) target(%dma_start3A_1379 : memref<32x128xf32, #tpu.memory_space<vmem>>) target_semaphore(%arg15 : memref<!tpu.dma_semaphore, #tpu.memory_space<semaphore_mem>>)
      %dma_start3A_1382 = arith.constant 8 : i32
      %dma_start3A_1383 = arith.constant 0 : i32
      %dma_start3A_1384 = arith.constant 0 : i32
      %dma_start3A_1385 = tpu.memref_slice %arg6[%dma_start3A_1382, %dma_start3A_1383, %dma_start3A_1384] : memref<12x1x32xi32, #tpu.memory_space<vmem>> -> memref<1x1x32xi32, #tpu.memory_space<vmem>>
      %dma_start3A_1386 = tpu.memref_squeeze %dma_start3A_1385 : memref<1x1x32xi32, #tpu.memory_space<vmem>> -> memref<1x32xi32, #tpu.memory_space<vmem>>
      %dma_start3A_1387 = arith.constant 0 : i32
      %dma_start3A_1388 = arith.constant 0 : i32
      %dma_start3A_1389 = tpu.memref_slice %arg3[%add3A_61, %dma_start3A_1387, %dma_start3A_1388] : memref<10000x1x32xi32, #tpu.memory_space<hbm>> -> memref<1x1x32xi32, #tpu.memory_space<hbm>>
      %dma_start3A_1390 = tpu.memref_squeeze %dma_start3A_1389 : memref<1x1x32xi32, #tpu.memory_space<hbm>> -> memref<1x32xi32, #tpu.memory_space<hbm>>
      %dma_start3A_1391 = arith.constant 0 : i32
      %dma_start3A_1392 = arith.constant 0 : i32
      %dma_start3A_1393 = tpu.memref_slice %arg6[%dma_start3A_1382, %dma_start3A_1391, %dma_start3A_1392] : memref<12x1x32xi32, #tpu.memory_space<vmem>> -> memref<1x1x32xi32, #tpu.memory_space<vmem>>
      %dma_start3A_1394 = tpu.memref_squeeze %dma_start3A_1393 : memref<1x1x32xi32, #tpu.memory_space<vmem>> -> memref<1x32xi32, #tpu.memory_space<vmem>>
      %dma_start3A_1395 = arith.constant 0 : i32
      %dma_start3A_1396 = arith.constant 0 : i32
      %dma_start3A_1397 = tpu.memref_slice %arg3[%add3A_61, %dma_start3A_1395, %dma_start3A_1396] : memref<10000x1x32xi32, #tpu.memory_space<hbm>> -> memref<1x1x32xi32, #tpu.memory_space<hbm>>
      %dma_start3A_1398 = tpu.memref_squeeze %dma_start3A_1397 : memref<1x1x32xi32, #tpu.memory_space<hbm>> -> memref<1x32xi32, #tpu.memory_space<hbm>>
      tpu.enqueue_dma source(%dma_start3A_1398 : memref<1x32xi32, #tpu.memory_space<hbm>>) target(%dma_start3A_1394 : memref<1x32xi32, #tpu.memory_space<vmem>>) target_semaphore(%arg15 : memref<!tpu.dma_semaphore, #tpu.memory_space<semaphore_mem>>)
    } else {
    }
    %add3A_67 = arith.constant 288 : i32
    %add3A_68 = arith.addi %add3A, %add3A_67 : i32
    %lt3A_69 = arith.constant 10000 : i32
    %lt3A_70 = arith.cmpi slt, %add3A_68, %lt3A_69 : i32
    %convert_element_type3A_71 = arith.extui %lt3A_70 : i1 to i32
    %cond3A_72 = arith.constant 0 : i32
    %cond3A_73 = arith.cmpi ne, %convert_element_type3A_71, %cond3A_72 : i32
    scf.if %cond3A_73 {
      %mul3A_1367 = arith.constant 32 : i32
      %mul3A_1368 = arith.muli %add3A_68, %mul3A_1367 : i32
      %dma_start3A_1369 = arith.constant 9 : i32
      %dma_start3A_1370 = arith.constant 0 : i32
      %dma_start3A_1371 = arith.constant 0 : i32
      %dma_start3A_1372 = tpu.memref_slice %arg5[%dma_start3A_1369, %dma_start3A_1370, %dma_start3A_1371] : memref<12x32x128xf32, #tpu.memory_space<vmem>> -> memref<1x32x128xf32, #tpu.memory_space<vmem>>
      %dma_start3A_1373 = tpu.memref_squeeze %dma_start3A_1372 : memref<1x32x128xf32, #tpu.memory_space<vmem>> -> memref<32x128xf32, #tpu.memory_space<vmem>>
      %dma_start3A_1374 = arith.constant 0 : i32
      %dma_start3A_1375 = tpu.memref_slice %arg2[%mul3A_1368, %dma_start3A_1374] : memref<320000x128xf32, #tpu.memory_space<hbm>> -> memref<32x128xf32, #tpu.memory_space<hbm>>
      %dma_start3A_1376 = arith.constant 0 : i32
      %dma_start3A_1377 = arith.constant 0 : i32
      %dma_start3A_1378 = tpu.memref_slice %arg5[%dma_start3A_1369, %dma_start3A_1376, %dma_start3A_1377] : memref<12x32x128xf32, #tpu.memory_space<vmem>> -> memref<1x32x128xf32, #tpu.memory_space<vmem>>
      %dma_start3A_1379 = tpu.memref_squeeze %dma_start3A_1378 : memref<1x32x128xf32, #tpu.memory_space<vmem>> -> memref<32x128xf32, #tpu.memory_space<vmem>>
      %dma_start3A_1380 = arith.constant 0 : i32
      %dma_start3A_1381 = tpu.memref_slice %arg2[%mul3A_1368, %dma_start3A_1380] : memref<320000x128xf32, #tpu.memory_space<hbm>> -> memref<32x128xf32, #tpu.memory_space<hbm>>
      tpu.enqueue_dma source(%dma_start3A_1381 : memref<32x128xf32, #tpu.memory_space<hbm>>) target(%dma_start3A_1379 : memref<32x128xf32, #tpu.memory_space<vmem>>) target_semaphore(%arg16 : memref<!tpu.dma_semaphore, #tpu.memory_space<semaphore_mem>>)
      %dma_start3A_1382 = arith.constant 9 : i32
      %dma_start3A_1383 = arith.constant 0 : i32
      %dma_start3A_1384 = arith.constant 0 : i32
      %dma_start3A_1385 = tpu.memref_slice %arg6[%dma_start3A_1382, %dma_start3A_1383, %dma_start3A_1384] : memref<12x1x32xi32, #tpu.memory_space<vmem>> -> memref<1x1x32xi32, #tpu.memory_space<vmem>>
      %dma_start3A_1386 = tpu.memref_squeeze %dma_start3A_1385 : memref<1x1x32xi32, #tpu.memory_space<vmem>> -> memref<1x32xi32, #tpu.memory_space<vmem>>
      %dma_start3A_1387 = arith.constant 0 : i32
      %dma_start3A_1388 = arith.constant 0 : i32
      %dma_start3A_1389 = tpu.memref_slice %arg3[%add3A_68, %dma_start3A_1387, %dma_start3A_1388] : memref<10000x1x32xi32, #tpu.memory_space<hbm>> -> memref<1x1x32xi32, #tpu.memory_space<hbm>>
      %dma_start3A_1390 = tpu.memref_squeeze %dma_start3A_1389 : memref<1x1x32xi32, #tpu.memory_space<hbm>> -> memref<1x32xi32, #tpu.memory_space<hbm>>
      %dma_start3A_1391 = arith.constant 0 : i32
      %dma_start3A_1392 = arith.constant 0 : i32
      %dma_start3A_1393 = tpu.memref_slice %arg6[%dma_start3A_1382, %dma_start3A_1391, %dma_start3A_1392] : memref<12x1x32xi32, #tpu.memory_space<vmem>> -> memref<1x1x32xi32, #tpu.memory_space<vmem>>
      %dma_start3A_1394 = tpu.memref_squeeze %dma_start3A_1393 : memref<1x1x32xi32, #tpu.memory_space<vmem>> -> memref<1x32xi32, #tpu.memory_space<vmem>>
      %dma_start3A_1395 = arith.constant 0 : i32
      %dma_start3A_1396 = arith.constant 0 : i32
      %dma_start3A_1397 = tpu.memref_slice %arg3[%add3A_68, %dma_start3A_1395, %dma_start3A_1396] : memref<10000x1x32xi32, #tpu.memory_space<hbm>> -> memref<1x1x32xi32, #tpu.memory_space<hbm>>
      %dma_start3A_1398 = tpu.memref_squeeze %dma_start3A_1397 : memref<1x1x32xi32, #tpu.memory_space<hbm>> -> memref<1x32xi32, #tpu.memory_space<hbm>>
      tpu.enqueue_dma source(%dma_start3A_1398 : memref<1x32xi32, #tpu.memory_space<hbm>>) target(%dma_start3A_1394 : memref<1x32xi32, #tpu.memory_space<vmem>>) target_semaphore(%arg16 : memref<!tpu.dma_semaphore, #tpu.memory_space<semaphore_mem>>)
    } else {
    }
    %add3A_74 = arith.constant 320 : i32
    %add3A_75 = arith.addi %add3A, %add3A_74 : i32
    %lt3A_76 = arith.constant 10000 : i32
    %lt3A_77 = arith.cmpi slt, %add3A_75, %lt3A_76 : i32
    %convert_element_type3A_78 = arith.extui %lt3A_77 : i1 to i32
    %cond3A_79 = arith.constant 0 : i32
    %cond3A_80 = arith.cmpi ne, %convert_element_type3A_78, %cond3A_79 : i32
    scf.if %cond3A_80 {
      %mul3A_1367 = arith.constant 32 : i32
      %mul3A_1368 = arith.muli %add3A_75, %mul3A_1367 : i32
      %dma_start3A_1369 = arith.constant 10 : i32
      %dma_start3A_1370 = arith.constant 0 : i32
      %dma_start3A_1371 = arith.constant 0 : i32
      %dma_start3A_1372 = tpu.memref_slice %arg5[%dma_start3A_1369, %dma_start3A_1370, %dma_start3A_1371] : memref<12x32x128xf32, #tpu.memory_space<vmem>> -> memref<1x32x128xf32, #tpu.memory_space<vmem>>
      %dma_start3A_1373 = tpu.memref_squeeze %dma_start3A_1372 : memref<1x32x128xf32, #tpu.memory_space<vmem>> -> memref<32x128xf32, #tpu.memory_space<vmem>>
      %dma_start3A_1374 = arith.constant 0 : i32
      %dma_start3A_1375 = tpu.memref_slice %arg2[%mul3A_1368, %dma_start3A_1374] : memref<320000x128xf32, #tpu.memory_space<hbm>> -> memref<32x128xf32, #tpu.memory_space<hbm>>
      %dma_start3A_1376 = arith.constant 0 : i32
      %dma_start3A_1377 = arith.constant 0 : i32
      %dma_start3A_1378 = tpu.memref_slice %arg5[%dma_start3A_1369, %dma_start3A_1376, %dma_start3A_1377] : memref<12x32x128xf32, #tpu.memory_space<vmem>> -> memref<1x32x128xf32, #tpu.memory_space<vmem>>
      %dma_start3A_1379 = tpu.memref_squeeze %dma_start3A_1378 : memref<1x32x128xf32, #tpu.memory_space<vmem>> -> memref<32x128xf32, #tpu.memory_space<vmem>>
      %dma_start3A_1380 = arith.constant 0 : i32
      %dma_start3A_1381 = tpu.memref_slice %arg2[%mul3A_1368, %dma_start3A_1380] : memref<320000x128xf32, #tpu.memory_space<hbm>> -> memref<32x128xf32, #tpu.memory_space<hbm>>
      tpu.enqueue_dma source(%dma_start3A_1381 : memref<32x128xf32, #tpu.memory_space<hbm>>) target(%dma_start3A_1379 : memref<32x128xf32, #tpu.memory_space<vmem>>) target_semaphore(%arg17 : memref<!tpu.dma_semaphore, #tpu.memory_space<semaphore_mem>>)
      %dma_start3A_1382 = arith.constant 10 : i32
      %dma_start3A_1383 = arith.constant 0 : i32
      %dma_start3A_1384 = arith.constant 0 : i32
      %dma_start3A_1385 = tpu.memref_slice %arg6[%dma_start3A_1382, %dma_start3A_1383, %dma_start3A_1384] : memref<12x1x32xi32, #tpu.memory_space<vmem>> -> memref<1x1x32xi32, #tpu.memory_space<vmem>>
      %dma_start3A_1386 = tpu.memref_squeeze %dma_start3A_1385 : memref<1x1x32xi32, #tpu.memory_space<vmem>> -> memref<1x32xi32, #tpu.memory_space<vmem>>
      %dma_start3A_1387 = arith.constant 0 : i32
      %dma_start3A_1388 = arith.constant 0 : i32
      %dma_start3A_1389 = tpu.memref_slice %arg3[%add3A_75, %dma_start3A_1387, %dma_start3A_1388] : memref<10000x1x32xi32, #tpu.memory_space<hbm>> -> memref<1x1x32xi32, #tpu.memory_space<hbm>>
      %dma_start3A_1390 = tpu.memref_squeeze %dma_start3A_1389 : memref<1x1x32xi32, #tpu.memory_space<hbm>> -> memref<1x32xi32, #tpu.memory_space<hbm>>
      %dma_start3A_1391 = arith.constant 0 : i32
      %dma_start3A_1392 = arith.constant 0 : i32
      %dma_start3A_1393 = tpu.memref_slice %arg6[%dma_start3A_1382, %dma_start3A_1391, %dma_start3A_1392] : memref<12x1x32xi32, #tpu.memory_space<vmem>> -> memref<1x1x32xi32, #tpu.memory_space<vmem>>
      %dma_start3A_1394 = tpu.memref_squeeze %dma_start3A_1393 : memref<1x1x32xi32, #tpu.memory_space<vmem>> -> memref<1x32xi32, #tpu.memory_space<vmem>>
      %dma_start3A_1395 = arith.constant 0 : i32
      %dma_start3A_1396 = arith.constant 0 : i32
      %dma_start3A_1397 = tpu.memref_slice %arg3[%add3A_75, %dma_start3A_1395, %dma_start3A_1396] : memref<10000x1x32xi32, #tpu.memory_space<hbm>> -> memref<1x1x32xi32, #tpu.memory_space<hbm>>
      %dma_start3A_1398 = tpu.memref_squeeze %dma_start3A_1397 : memref<1x1x32xi32, #tpu.memory_space<hbm>> -> memref<1x32xi32, #tpu.memory_space<hbm>>
      tpu.enqueue_dma source(%dma_start3A_1398 : memref<1x32xi32, #tpu.memory_space<hbm>>) target(%dma_start3A_1394 : memref<1x32xi32, #tpu.memory_space<vmem>>) target_semaphore(%arg17 : memref<!tpu.dma_semaphore, #tpu.memory_space<semaphore_mem>>)
    } else {
    }
    %broadcast_in_dim3A = arith.constant 0.000000e+00 : f32
    %broadcast_in_dim3A_81 = vector.broadcast %broadcast_in_dim3A : f32 to vector<16xf32>
    %scan3A = arith.constant 0 : i32
    %scan3A_82 = arith.constant 0 : i32
    %scan3A_83 = arith.constant 32 : i32
    %scan3A_84 = arith.addi %scan3A_82, %scan3A_83 : i32
    %scan3A_85 = arith.constant 1 : i32
    scf.for %scan3A_1367 = %scan3A_82 to %scan3A_84 step %scan3A_85  : i32 {
      %swap3A = arith.constant 11 : i32
      %swap3A_1368 = arith.index_cast %swap3A : i32 to index
      %swap3A_1369 = arith.index_cast %scan3A_1367 : i32 to index
      %swap3A_1370 = arith.constant 0 : index
      %swap3A_1371 = tpu.vector_load %arg5[%swap3A_1368, %swap3A_1369, %swap3A_1370] {strides = array<i32>} : memref<12x32x128xf32, #tpu.memory_space<vmem>>, vector<1x1x16xf32>,
      %swap3A_1372 = vector.shape_cast %swap3A_1371 : vector<1x1x16xf32> to vector<16xf32>
      %swap3A_1373 = vector.shape_cast %broadcast_in_dim3A_81 : vector<16xf32> to vector<1x1x16xf32>
      tpu.vector_store %arg5[%swap3A_1368, %swap3A_1369, %swap3A_1370], %swap3A_1373 {strides = array<i32>} : memref<12x32x128xf32, #tpu.memory_space<vmem>>, vector<1x1x16xf32>,
      %swap3A_1374 = arith.constant 11 : i32
      %swap3A_1375 = arith.index_cast %swap3A_1374 : i32 to index
      %swap3A_1376 = arith.index_cast %scan3A_1367 : i32 to index
      %swap3A_1377 = arith.constant 16 : index
      %swap3A_1378 = tpu.vector_load %arg5[%swap3A_1375, %swap3A_1376, %swap3A_1377] {strides = array<i32>} : memref<12x32x128xf32, #tpu.memory_space<vmem>>, vector<1x1x16xf32>,
      %swap3A_1379 = vector.shape_cast %swap3A_1378 : vector<1x1x16xf32> to vector<16xf32>
      %swap3A_1380 = vector.shape_cast %broadcast_in_dim3A_81 : vector<16xf32> to vector<1x1x16xf32>
      tpu.vector_store %arg5[%swap3A_1375, %swap3A_1376, %swap3A_1377], %swap3A_1380 {strides = array<i32>} : memref<12x32x128xf32, #tpu.memory_space<vmem>>, vector<1x1x16xf32>,
      %swap3A_1381 = arith.constant 11 : i32
      %swap3A_1382 = arith.index_cast %swap3A_1381 : i32 to index
      %swap3A_1383 = arith.index_cast %scan3A_1367 : i32 to index
      %swap3A_1384 = arith.constant 32 : index
      %swap3A_1385 = tpu.vector_load %arg5[%swap3A_1382, %swap3A_1383, %swap3A_1384] {strides = array<i32>} : memref<12x32x128xf32, #tpu.memory_space<vmem>>, vector<1x1x16xf32>,
      %swap3A_1386 = vector.shape_cast %swap3A_1385 : vector<1x1x16xf32> to vector<16xf32>
      %swap3A_1387 = vector.shape_cast %broadcast_in_dim3A_81 : vector<16xf32> to vector<1x1x16xf32>
      tpu.vector_store %arg5[%swap3A_1382, %swap3A_1383, %swap3A_1384], %swap3A_1387 {strides = array<i32>} : memref<12x32x128xf32, #tpu.memory_space<vmem>>, vector<1x1x16xf32>,
      %swap3A_1388 = arith.constant 11 : i32
      %swap3A_1389 = arith.index_cast %swap3A_1388 : i32 to index
      %swap3A_1390 = arith.index_cast %scan3A_1367 : i32 to index
      %swap3A_1391 = arith.constant 48 : index
      %swap3A_1392 = tpu.vector_load %arg5[%swap3A_1389, %swap3A_1390, %swap3A_1391] {strides = array<i32>} : memref<12x32x128xf32, #tpu.memory_space<vmem>>, vector<1x1x16xf32>,
      %swap3A_1393 = vector.shape_cast %swap3A_1392 : vector<1x1x16xf32> to vector<16xf32>
      %swap3A_1394 = vector.shape_cast %broadcast_in_dim3A_81 : vector<16xf32> to vector<1x1x16xf32>
      tpu.vector_store %arg5[%swap3A_1389, %swap3A_1390, %swap3A_1391], %swap3A_1394 {strides = array<i32>} : memref<12x32x128xf32, #tpu.memory_space<vmem>>, vector<1x1x16xf32>,
      %swap3A_1395 = arith.constant 11 : i32
      %swap3A_1396 = arith.index_cast %swap3A_1395 : i32 to index
      %swap3A_1397 = arith.index_cast %scan3A_1367 : i32 to index
      %swap3A_1398 = arith.constant 64 : index
      %swap3A_1399 = tpu.vector_load %arg5[%swap3A_1396, %swap3A_1397, %swap3A_1398] {strides = array<i32>} : memref<12x32x128xf32, #tpu.memory_space<vmem>>, vector<1x1x16xf32>,
      %swap3A_1400 = vector.shape_cast %swap3A_1399 : vector<1x1x16xf32> to vector<16xf32>
      %swap3A_1401 = vector.shape_cast %broadcast_in_dim3A_81 : vector<16xf32> to vector<1x1x16xf32>
      tpu.vector_store %arg5[%swap3A_1396, %swap3A_1397, %swap3A_1398], %swap3A_1401 {strides = array<i32>} : memref<12x32x128xf32, #tpu.memory_space<vmem>>, vector<1x1x16xf32>,
      %swap3A_1402 = arith.constant 11 : i32
      %swap3A_1403 = arith.index_cast %swap3A_1402 : i32 to index
      %swap3A_1404 = arith.index_cast %scan3A_1367 : i32 to index
      %swap3A_1405 = arith.constant 80 : index
      %swap3A_1406 = tpu.vector_load %arg5[%swap3A_1403, %swap3A_1404, %swap3A_1405] {strides = array<i32>} : memref<12x32x128xf32, #tpu.memory_space<vmem>>, vector<1x1x16xf32>,
      %swap3A_1407 = vector.shape_cast %swap3A_1406 : vector<1x1x16xf32> to vector<16xf32>
      %swap3A_1408 = vector.shape_cast %broadcast_in_dim3A_81 : vector<16xf32> to vector<1x1x16xf32>
      tpu.vector_store %arg5[%swap3A_1403, %swap3A_1404, %swap3A_1405], %swap3A_1408 {strides = array<i32>} : memref<12x32x128xf32, #tpu.memory_space<vmem>>, vector<1x1x16xf32>,
      %swap3A_1409 = arith.constant 11 : i32
      %swap3A_1410 = arith.index_cast %swap3A_1409 : i32 to index
      %swap3A_1411 = arith.index_cast %scan3A_1367 : i32 to index
      %swap3A_1412 = arith.constant 96 : index
      %swap3A_1413 = tpu.vector_load %arg5[%swap3A_1410, %swap3A_1411, %swap3A_1412] {strides = array<i32>} : memref<12x32x128xf32, #tpu.memory_space<vmem>>, vector<1x1x16xf32>,
      %swap3A_1414 = vector.shape_cast %swap3A_1413 : vector<1x1x16xf32> to vector<16xf32>
      %swap3A_1415 = vector.shape_cast %broadcast_in_dim3A_81 : vector<16xf32> to vector<1x1x16xf32>
      tpu.vector_store %arg5[%swap3A_1410, %swap3A_1411, %swap3A_1412], %swap3A_1415 {strides = array<i32>} : memref<12x32x128xf32, #tpu.memory_space<vmem>>, vector<1x1x16xf32>,
      %swap3A_1416 = arith.constant 11 : i32
      %swap3A_1417 = arith.index_cast %swap3A_1416 : i32 to index
      %swap3A_1418 = arith.index_cast %scan3A_1367 : i32 to index
      %swap3A_1419 = arith.constant 112 : index
      %swap3A_1420 = tpu.vector_load %arg5[%swap3A_1417, %swap3A_1418, %swap3A_1419] {strides = array<i32>} : memref<12x32x128xf32, #tpu.memory_space<vmem>>, vector<1x1x16xf32>,
      %swap3A_1421 = vector.shape_cast %swap3A_1420 : vector<1x1x16xf32> to vector<16xf32>
      %swap3A_1422 = vector.shape_cast %broadcast_in_dim3A_81 : vector<16xf32> to vector<1x1x16xf32>
      tpu.vector_store %arg5[%swap3A_1417, %swap3A_1418, %swap3A_1419], %swap3A_1422 {strides = array<i32>} : memref<12x32x128xf32, #tpu.memory_space<vmem>>, vector<1x1x16xf32>,
    }
    %scan3A_86 = arith.constant 32 : i32
    %add3A_87 = arith.constant 0 : i32
    %add3A_88 = arith.addi %mul3A_2, %add3A_87 : i32
    %dma_start3A = arith.constant 11 : i32
    %dma_start3A_89 = arith.constant 0 : i32
    %dma_start3A_90 = arith.constant 0 : i32
    %dma_start3A_91 = tpu.memref_slice %arg5[%dma_start3A, %dma_start3A_89, %dma_start3A_90] : memref<12x32x128xf32, #tpu.memory_space<vmem>> -> memref<1x32x128xf32, #tpu.memory_space<vmem>>
    %dma_start3A_92 = tpu.memref_squeeze %dma_start3A_91 : memref<1x32x128xf32, #tpu.memory_space<vmem>> -> memref<32x128xf32, #tpu.memory_space<vmem>>
    %dma_start3A_93 = arith.constant 0 : i32
    %dma_start3A_94 = tpu.memref_slice %arg19[%add3A_88, %dma_start3A_93] : memref<10000x128xf32, #tpu.memory_space<vmem_shared>> -> memref<32x128xf32, #tpu.memory_space<vmem_shared>>
    %dma_start3A_95 = arith.constant 0 : i32
    %dma_start3A_96 = tpu.memref_slice %arg19[%add3A_88, %dma_start3A_95] : memref<10000x128xf32, #tpu.memory_space<vmem_shared>> -> memref<32x128xf32, #tpu.memory_space<vmem_shared>>
    %dma_start3A_97 = arith.constant 0 : i32
    %dma_start3A_98 = arith.constant 0 : i32
    %dma_start3A_99 = tpu.memref_slice %arg5[%dma_start3A, %dma_start3A_97, %dma_start3A_98] : memref<12x32x128xf32, #tpu.memory_space<vmem>> -> memref<1x32x128xf32, #tpu.memory_space<vmem>>
    %dma_start3A_100 = tpu.memref_squeeze %dma_start3A_99 : memref<1x32x128xf32, #tpu.memory_space<vmem>> -> memref<32x128xf32, #tpu.memory_space<vmem>>
    tpu.enqueue_dma source(%dma_start3A_100 : memref<32x128xf32, #tpu.memory_space<vmem>>) target(%dma_start3A_96 : memref<32x128xf32, #tpu.memory_space<vmem_shared>>) target_semaphore(%arg18 : memref<!tpu.dma_semaphore, #tpu.memory_space<semaphore_mem>>)
    %add3A_101 = arith.constant 32 : i32
    %add3A_102 = arith.addi %mul3A_2, %add3A_101 : i32
    %dma_start3A_103 = arith.constant 11 : i32
    %dma_start3A_104 = arith.constant 0 : i32
    %dma_start3A_105 = arith.constant 0 : i32
    %dma_start3A_106 = tpu.memref_slice %arg5[%dma_start3A_103, %dma_start3A_104, %dma_start3A_105] : memref<12x32x128xf32, #tpu.memory_space<vmem>> -> memref<1x32x128xf32, #tpu.memory_space<vmem>>
    %dma_start3A_107 = tpu.memref_squeeze %dma_start3A_106 : memref<1x32x128xf32, #tpu.memory_space<vmem>> -> memref<32x128xf32, #tpu.memory_space<vmem>>
    %dma_start3A_108 = arith.constant 0 : i32
    %dma_start3A_109 = tpu.memref_slice %arg19[%add3A_102, %dma_start3A_108] : memref<10000x128xf32, #tpu.memory_space<vmem_shared>> -> memref<32x128xf32, #tpu.memory_space<vmem_shared>>
    %dma_start3A_110 = arith.constant 0 : i32
    %dma_start3A_111 = tpu.memref_slice %arg19[%add3A_102, %dma_start3A_110] : memref<10000x128xf32, #tpu.memory_space<vmem_shared>> -> memref<32x128xf32, #tpu.memory_space<vmem_shared>>
    %dma_start3A_112 = arith.constant 0 : i32
    %dma_start3A_113 = arith.constant 0 : i32
    %dma_start3A_114 = tpu.memref_slice %arg5[%dma_start3A_103, %dma_start3A_112, %dma_start3A_113] : memref<12x32x128xf32, #tpu.memory_space<vmem>> -> memref<1x32x128xf32, #tpu.memory_space<vmem>>
    %dma_start3A_115 = tpu.memref_squeeze %dma_start3A_114 : memref<1x32x128xf32, #tpu.memory_space<vmem>> -> memref<32x128xf32, #tpu.memory_space<vmem>>
    tpu.enqueue_dma source(%dma_start3A_115 : memref<32x128xf32, #tpu.memory_space<vmem>>) target(%dma_start3A_111 : memref<32x128xf32, #tpu.memory_space<vmem_shared>>) target_semaphore(%arg18 : memref<!tpu.dma_semaphore, #tpu.memory_space<semaphore_mem>>)
    %add3A_116 = arith.constant 64 : i32
    %add3A_117 = arith.addi %mul3A_2, %add3A_116 : i32
    %dma_start3A_118 = arith.constant 11 : i32
    %dma_start3A_119 = arith.constant 0 : i32
    %dma_start3A_120 = arith.constant 0 : i32
    %dma_start3A_121 = tpu.memref_slice %arg5[%dma_start3A_118, %dma_start3A_119, %dma_start3A_120] : memref<12x32x128xf32, #tpu.memory_space<vmem>> -> memref<1x32x128xf32, #tpu.memory_space<vmem>>
    %dma_start3A_122 = tpu.memref_squeeze %dma_start3A_121 : memref<1x32x128xf32, #tpu.memory_space<vmem>> -> memref<32x128xf32, #tpu.memory_space<vmem>>
    %dma_start3A_123 = arith.constant 0 : i32
    %dma_start3A_124 = tpu.memref_slice %arg19[%add3A_117, %dma_start3A_123] : memref<10000x128xf32, #tpu.memory_space<vmem_shared>> -> memref<32x128xf32, #tpu.memory_space<vmem_shared>>
    %dma_start3A_125 = arith.constant 0 : i32
    %dma_start3A_126 = tpu.memref_slice %arg19[%add3A_117, %dma_start3A_125] : memref<10000x128xf32, #tpu.memory_space<vmem_shared>> -> memref<32x128xf32, #tpu.memory_space<vmem_shared>>
    %dma_start3A_127 = arith.constant 0 : i32
    %dma_start3A_128 = arith.constant 0 : i32
    %dma_start3A_129 = tpu.memref_slice %arg5[%dma_start3A_118, %dma_start3A_127, %dma_start3A_128] : memref<12x32x128xf32, #tpu.memory_space<vmem>> -> memref<1x32x128xf32, #tpu.memory_space<vmem>>
    %dma_start3A_130 = tpu.memref_squeeze %dma_start3A_129 : memref<1x32x128xf32, #tpu.memory_space<vmem>> -> memref<32x128xf32, #tpu.memory_space<vmem>>
    tpu.enqueue_dma source(%dma_start3A_130 : memref<32x128xf32, #tpu.memory_space<vmem>>) target(%dma_start3A_126 : memref<32x128xf32, #tpu.memory_space<vmem_shared>>) target_semaphore(%arg18 : memref<!tpu.dma_semaphore, #tpu.memory_space<semaphore_mem>>)
    %add3A_131 = arith.constant 96 : i32
    %add3A_132 = arith.addi %mul3A_2, %add3A_131 : i32
    %dma_start3A_133 = arith.constant 11 : i32
    %dma_start3A_134 = arith.constant 0 : i32
    %dma_start3A_135 = arith.constant 0 : i32
    %dma_start3A_136 = tpu.memref_slice %arg5[%dma_start3A_133, %dma_start3A_134, %dma_start3A_135] : memref<12x32x128xf32, #tpu.memory_space<vmem>> -> memref<1x32x128xf32, #tpu.memory_space<vmem>>
    %dma_start3A_137 = tpu.memref_squeeze %dma_start3A_136 : memref<1x32x128xf32, #tpu.memory_space<vmem>> -> memref<32x128xf32, #tpu.memory_space<vmem>>
    %dma_start3A_138 = arith.constant 0 : i32
    %dma_start3A_139 = tpu.memref_slice %arg19[%add3A_132, %dma_start3A_138] : memref<10000x128xf32, #tpu.memory_space<vmem_shared>> -> memref<32x128xf32, #tpu.memory_space<vmem_shared>>
    %dma_start3A_140 = arith.constant 0 : i32
    %dma_start3A_141 = tpu.memref_slice %arg19[%add3A_132, %dma_start3A_140] : memref<10000x128xf32, #tpu.memory_space<vmem_shared>> -> memref<32x128xf32, #tpu.memory_space<vmem_shared>>
    %dma_start3A_142 = arith.constant 0 : i32
    %dma_start3A_143 = arith.constant 0 : i32
    %dma_start3A_144 = tpu.memref_slice %arg5[%dma_start3A_133, %dma_start3A_142, %dma_start3A_143] : memref<12x32x128xf32, #tpu.memory_space<vmem>> -> memref<1x32x128xf32, #tpu.memory_space<vmem>>
    %dma_start3A_145 = tpu.memref_squeeze %dma_start3A_144 : memref<1x32x128xf32, #tpu.memory_space<vmem>> -> memref<32x128xf32, #tpu.memory_space<vmem>>
    tpu.enqueue_dma source(%dma_start3A_145 : memref<32x128xf32, #tpu.memory_space<vmem>>) target(%dma_start3A_141 : memref<32x128xf32, #tpu.memory_space<vmem_shared>>) target_semaphore(%arg18 : memref<!tpu.dma_semaphore, #tpu.memory_space<semaphore_mem>>)
    %add3A_146 = arith.constant 128 : i32
    %add3A_147 = arith.addi %mul3A_2, %add3A_146 : i32
    %dma_start3A_148 = arith.constant 11 : i32
    %dma_start3A_149 = arith.constant 0 : i32
    %dma_start3A_150 = arith.constant 0 : i32
    %dma_start3A_151 = tpu.memref_slice %arg5[%dma_start3A_148, %dma_start3A_149, %dma_start3A_150] : memref<12x32x128xf32, #tpu.memory_space<vmem>> -> memref<1x32x128xf32, #tpu.memory_space<vmem>>
    %dma_start3A_152 = tpu.memref_squeeze %dma_start3A_151 : memref<1x32x128xf32, #tpu.memory_space<vmem>> -> memref<32x128xf32, #tpu.memory_space<vmem>>
    %dma_start3A_153 = arith.constant 0 : i32
    %dma_start3A_154 = tpu.memref_slice %arg19[%add3A_147, %dma_start3A_153] : memref<10000x128xf32, #tpu.memory_space<vmem_shared>> -> memref<32x128xf32, #tpu.memory_space<vmem_shared>>
    %dma_start3A_155 = arith.constant 0 : i32
    %dma_start3A_156 = tpu.memref_slice %arg19[%add3A_147, %dma_start3A_155] : memref<10000x128xf32, #tpu.memory_space<vmem_shared>> -> memref<32x128xf32, #tpu.memory_space<vmem_shared>>
    %dma_start3A_157 = arith.constant 0 : i32
    %dma_start3A_158 = arith.constant 0 : i32
    %dma_start3A_159 = tpu.memref_slice %arg5[%dma_start3A_148, %dma_start3A_157, %dma_start3A_158] : memref<12x32x128xf32, #tpu.memory_space<vmem>> -> memref<1x32x128xf32, #tpu.memory_space<vmem>>
    %dma_start3A_160 = tpu.memref_squeeze %dma_start3A_159 : memref<1x32x128xf32, #tpu.memory_space<vmem>> -> memref<32x128xf32, #tpu.memory_space<vmem>>
    tpu.enqueue_dma source(%dma_start3A_160 : memref<32x128xf32, #tpu.memory_space<vmem>>) target(%dma_start3A_156 : memref<32x128xf32, #tpu.memory_space<vmem_shared>>) target_semaphore(%arg18 : memref<!tpu.dma_semaphore, #tpu.memory_space<semaphore_mem>>)
    %add3A_161 = arith.constant 160 : i32
    %add3A_162 = arith.addi %mul3A_2, %add3A_161 : i32
    %dma_start3A_163 = arith.constant 11 : i32
    %dma_start3A_164 = arith.constant 0 : i32
    %dma_start3A_165 = arith.constant 0 : i32
    %dma_start3A_166 = tpu.memref_slice %arg5[%dma_start3A_163, %dma_start3A_164, %dma_start3A_165] : memref<12x32x128xf32, #tpu.memory_space<vmem>> -> memref<1x32x128xf32, #tpu.memory_space<vmem>>
    %dma_start3A_167 = tpu.memref_squeeze %dma_start3A_166 : memref<1x32x128xf32, #tpu.memory_space<vmem>> -> memref<32x128xf32, #tpu.memory_space<vmem>>
    %dma_start3A_168 = arith.constant 0 : i32
    %dma_start3A_169 = tpu.memref_slice %arg19[%add3A_162, %dma_start3A_168] : memref<10000x128xf32, #tpu.memory_space<vmem_shared>> -> memref<32x128xf32, #tpu.memory_space<vmem_shared>>
    %dma_start3A_170 = arith.constant 0 : i32
    %dma_start3A_171 = tpu.memref_slice %arg19[%add3A_162, %dma_start3A_170] : memref<10000x128xf32, #tpu.memory_space<vmem_shared>> -> memref<32x128xf32, #tpu.memory_space<vmem_shared>>
    %dma_start3A_172 = arith.constant 0 : i32
    %dma_start3A_173 = arith.constant 0 : i32
    %dma_start3A_174 = tpu.memref_slice %arg5[%dma_start3A_163, %dma_start3A_172, %dma_start3A_173] : memref<12x32x128xf32, #tpu.memory_space<vmem>> -> memref<1x32x128xf32, #tpu.memory_space<vmem>>
    %dma_start3A_175 = tpu.memref_squeeze %dma_start3A_174 : memref<1x32x128xf32, #tpu.memory_space<vmem>> -> memref<32x128xf32, #tpu.memory_space<vmem>>
    tpu.enqueue_dma source(%dma_start3A_175 : memref<32x128xf32, #tpu.memory_space<vmem>>) target(%dma_start3A_171 : memref<32x128xf32, #tpu.memory_space<vmem_shared>>) target_semaphore(%arg18 : memref<!tpu.dma_semaphore, #tpu.memory_space<semaphore_mem>>)
    %add3A_176 = arith.constant 192 : i32
    %add3A_177 = arith.addi %mul3A_2, %add3A_176 : i32
    %dma_start3A_178 = arith.constant 11 : i32
    %dma_start3A_179 = arith.constant 0 : i32
    %dma_start3A_180 = arith.constant 0 : i32
    %dma_start3A_181 = tpu.memref_slice %arg5[%dma_start3A_178, %dma_start3A_179, %dma_start3A_180] : memref<12x32x128xf32, #tpu.memory_space<vmem>> -> memref<1x32x128xf32, #tpu.memory_space<vmem>>
    %dma_start3A_182 = tpu.memref_squeeze %dma_start3A_181 : memref<1x32x128xf32, #tpu.memory_space<vmem>> -> memref<32x128xf32, #tpu.memory_space<vmem>>
    %dma_start3A_183 = arith.constant 0 : i32
    %dma_start3A_184 = tpu.memref_slice %arg19[%add3A_177, %dma_start3A_183] : memref<10000x128xf32, #tpu.memory_space<vmem_shared>> -> memref<32x128xf32, #tpu.memory_space<vmem_shared>>
    %dma_start3A_185 = arith.constant 0 : i32
    %dma_start3A_186 = tpu.memref_slice %arg19[%add3A_177, %dma_start3A_185] : memref<10000x128xf32, #tpu.memory_space<vmem_shared>> -> memref<32x128xf32, #tpu.memory_space<vmem_shared>>
    %dma_start3A_187 = arith.constant 0 : i32
    %dma_start3A_188 = arith.constant 0 : i32
    %dma_start3A_189 = tpu.memref_slice %arg5[%dma_start3A_178, %dma_start3A_187, %dma_start3A_188] : memref<12x32x128xf32, #tpu.memory_space<vmem>> -> memref<1x32x128xf32, #tpu.memory_space<vmem>>
    %dma_start3A_190 = tpu.memref_squeeze %dma_start3A_189 : memref<1x32x128xf32, #tpu.memory_space<vmem>> -> memref<32x128xf32, #tpu.memory_space<vmem>>
    tpu.enqueue_dma source(%dma_start3A_190 : memref<32x128xf32, #tpu.memory_space<vmem>>) target(%dma_start3A_186 : memref<32x128xf32, #tpu.memory_space<vmem_shared>>) target_semaphore(%arg18 : memref<!tpu.dma_semaphore, #tpu.memory_space<semaphore_mem>>)
    %add3A_191 = arith.constant 224 : i32
    %add3A_192 = arith.addi %mul3A_2, %add3A_191 : i32
    %dma_start3A_193 = arith.constant 11 : i32
    %dma_start3A_194 = arith.constant 0 : i32
    %dma_start3A_195 = arith.constant 0 : i32
    %dma_start3A_196 = tpu.memref_slice %arg5[%dma_start3A_193, %dma_start3A_194, %dma_start3A_195] : memref<12x32x128xf32, #tpu.memory_space<vmem>> -> memref<1x32x128xf32, #tpu.memory_space<vmem>>
    %dma_start3A_197 = tpu.memref_squeeze %dma_start3A_196 : memref<1x32x128xf32, #tpu.memory_space<vmem>> -> memref<32x128xf32, #tpu.memory_space<vmem>>
    %dma_start3A_198 = arith.constant 0 : i32
    %dma_start3A_199 = tpu.memref_slice %arg19[%add3A_192, %dma_start3A_198] : memref<10000x128xf32, #tpu.memory_space<vmem_shared>> -> memref<32x128xf32, #tpu.memory_space<vmem_shared>>
    %dma_start3A_200 = arith.constant 0 : i32
    %dma_start3A_201 = tpu.memref_slice %arg19[%add3A_192, %dma_start3A_200] : memref<10000x128xf32, #tpu.memory_space<vmem_shared>> -> memref<32x128xf32, #tpu.memory_space<vmem_shared>>
    %dma_start3A_202 = arith.constant 0 : i32
    %dma_start3A_203 = arith.constant 0 : i32
    %dma_start3A_204 = tpu.memref_slice %arg5[%dma_start3A_193, %dma_start3A_202, %dma_start3A_203] : memref<12x32x128xf32, #tpu.memory_space<vmem>> -> memref<1x32x128xf32, #tpu.memory_space<vmem>>
    %dma_start3A_205 = tpu.memref_squeeze %dma_start3A_204 : memref<1x32x128xf32, #tpu.memory_space<vmem>> -> memref<32x128xf32, #tpu.memory_space<vmem>>
    tpu.enqueue_dma source(%dma_start3A_205 : memref<32x128xf32, #tpu.memory_space<vmem>>) target(%dma_start3A_201 : memref<32x128xf32, #tpu.memory_space<vmem_shared>>) target_semaphore(%arg18 : memref<!tpu.dma_semaphore, #tpu.memory_space<semaphore_mem>>)
    %add3A_206 = arith.constant 256 : i32
    %add3A_207 = arith.addi %mul3A_2, %add3A_206 : i32
    %dma_start3A_208 = arith.constant 11 : i32
    %dma_start3A_209 = arith.constant 0 : i32
    %dma_start3A_210 = arith.constant 0 : i32
    %dma_start3A_211 = tpu.memref_slice %arg5[%dma_start3A_208, %dma_start3A_209, %dma_start3A_210] : memref<12x32x128xf32, #tpu.memory_space<vmem>> -> memref<1x32x128xf32, #tpu.memory_space<vmem>>
    %dma_start3A_212 = tpu.memref_squeeze %dma_start3A_211 : memref<1x32x128xf32, #tpu.memory_space<vmem>> -> memref<32x128xf32, #tpu.memory_space<vmem>>
    %dma_start3A_213 = arith.constant 0 : i32
    %dma_start3A_214 = tpu.memref_slice %arg19[%add3A_207, %dma_start3A_213] : memref<10000x128xf32, #tpu.memory_space<vmem_shared>> -> memref<32x128xf32, #tpu.memory_space<vmem_shared>>
    %dma_start3A_215 = arith.constant 0 : i32
    %dma_start3A_216 = tpu.memref_slice %arg19[%add3A_207, %dma_start3A_215] : memref<10000x128xf32, #tpu.memory_space<vmem_shared>> -> memref<32x128xf32, #tpu.memory_space<vmem_shared>>
    %dma_start3A_217 = arith.constant 0 : i32
    %dma_start3A_218 = arith.constant 0 : i32
    %dma_start3A_219 = tpu.memref_slice %arg5[%dma_start3A_208, %dma_start3A_217, %dma_start3A_218] : memref<12x32x128xf32, #tpu.memory_space<vmem>> -> memref<1x32x128xf32, #tpu.memory_space<vmem>>
    %dma_start3A_220 = tpu.memref_squeeze %dma_start3A_219 : memref<1x32x128xf32, #tpu.memory_space<vmem>> -> memref<32x128xf32, #tpu.memory_space<vmem>>
    tpu.enqueue_dma source(%dma_start3A_220 : memref<32x128xf32, #tpu.memory_space<vmem>>) target(%dma_start3A_216 : memref<32x128xf32, #tpu.memory_space<vmem_shared>>) target_semaphore(%arg18 : memref<!tpu.dma_semaphore, #tpu.memory_space<semaphore_mem>>)
    %add3A_221 = arith.constant 288 : i32
    %add3A_222 = arith.addi %mul3A_2, %add3A_221 : i32
    %dma_start3A_223 = arith.constant 11 : i32
    %dma_start3A_224 = arith.constant 0 : i32
    %dma_start3A_225 = arith.constant 0 : i32
    %dma_start3A_226 = tpu.memref_slice %arg5[%dma_start3A_223, %dma_start3A_224, %dma_start3A_225] : memref<12x32x128xf32, #tpu.memory_space<vmem>> -> memref<1x32x128xf32, #tpu.memory_space<vmem>>
    %dma_start3A_227 = tpu.memref_squeeze %dma_start3A_226 : memref<1x32x128xf32, #tpu.memory_space<vmem>> -> memref<32x128xf32, #tpu.memory_space<vmem>>
    %dma_start3A_228 = arith.constant 0 : i32
    %dma_start3A_229 = tpu.memref_slice %arg19[%add3A_222, %dma_start3A_228] : memref<10000x128xf32, #tpu.memory_space<vmem_shared>> -> memref<32x128xf32, #tpu.memory_space<vmem_shared>>
    %dma_start3A_230 = arith.constant 0 : i32
    %dma_start3A_231 = tpu.memref_slice %arg19[%add3A_222, %dma_start3A_230] : memref<10000x128xf32, #tpu.memory_space<vmem_shared>> -> memref<32x128xf32, #tpu.memory_space<vmem_shared>>
    %dma_start3A_232 = arith.constant 0 : i32
    %dma_start3A_233 = arith.constant 0 : i32
    %dma_start3A_234 = tpu.memref_slice %arg5[%dma_start3A_223, %dma_start3A_232, %dma_start3A_233] : memref<12x32x128xf32, #tpu.memory_space<vmem>> -> memref<1x32x128xf32, #tpu.memory_space<vmem>>
    %dma_start3A_235 = tpu.memref_squeeze %dma_start3A_234 : memref<1x32x128xf32, #tpu.memory_space<vmem>> -> memref<32x128xf32, #tpu.memory_space<vmem>>
    tpu.enqueue_dma source(%dma_start3A_235 : memref<32x128xf32, #tpu.memory_space<vmem>>) target(%dma_start3A_231 : memref<32x128xf32, #tpu.memory_space<vmem_shared>>) target_semaphore(%arg18 : memref<!tpu.dma_semaphore, #tpu.memory_space<semaphore_mem>>)
    %add3A_236 = arith.constant 320 : i32
    %add3A_237 = arith.addi %mul3A_2, %add3A_236 : i32
    %dma_start3A_238 = arith.constant 11 : i32
    %dma_start3A_239 = arith.constant 0 : i32
    %dma_start3A_240 = arith.constant 0 : i32
    %dma_start3A_241 = tpu.memref_slice %arg5[%dma_start3A_238, %dma_start3A_239, %dma_start3A_240] : memref<12x32x128xf32, #tpu.memory_space<vmem>> -> memref<1x32x128xf32, #tpu.memory_space<vmem>>
    %dma_start3A_242 = tpu.memref_squeeze %dma_start3A_241 : memref<1x32x128xf32, #tpu.memory_space<vmem>> -> memref<32x128xf32, #tpu.memory_space<vmem>>
    %dma_start3A_243 = arith.constant 0 : i32
    %dma_start3A_244 = tpu.memref_slice %arg19[%add3A_237, %dma_start3A_243] : memref<10000x128xf32, #tpu.memory_space<vmem_shared>> -> memref<32x128xf32, #tpu.memory_space<vmem_shared>>
    %dma_start3A_245 = arith.constant 0 : i32
    %dma_start3A_246 = tpu.memref_slice %arg19[%add3A_237, %dma_start3A_245] : memref<10000x128xf32, #tpu.memory_space<vmem_shared>> -> memref<32x128xf32, #tpu.memory_space<vmem_shared>>
    %dma_start3A_247 = arith.constant 0 : i32
    %dma_start3A_248 = arith.constant 0 : i32
    %dma_start3A_249 = tpu.memref_slice %arg5[%dma_start3A_238, %dma_start3A_247, %dma_start3A_248] : memref<12x32x128xf32, #tpu.memory_space<vmem>> -> memref<1x32x128xf32, #tpu.memory_space<vmem>>
    %dma_start3A_250 = tpu.memref_squeeze %dma_start3A_249 : memref<1x32x128xf32, #tpu.memory_space<vmem>> -> memref<32x128xf32, #tpu.memory_space<vmem>>
    tpu.enqueue_dma source(%dma_start3A_250 : memref<32x128xf32, #tpu.memory_space<vmem>>) target(%dma_start3A_246 : memref<32x128xf32, #tpu.memory_space<vmem_shared>>) target_semaphore(%arg18 : memref<!tpu.dma_semaphore, #tpu.memory_space<semaphore_mem>>)
    %add3A_251 = arith.constant 352 : i32
    %add3A_252 = arith.addi %mul3A_2, %add3A_251 : i32
    %dma_start3A_253 = arith.constant 11 : i32
    %dma_start3A_254 = arith.constant 0 : i32
    %dma_start3A_255 = arith.constant 0 : i32
    %dma_start3A_256 = tpu.memref_slice %arg5[%dma_start3A_253, %dma_start3A_254, %dma_start3A_255] : memref<12x32x128xf32, #tpu.memory_space<vmem>> -> memref<1x32x128xf32, #tpu.memory_space<vmem>>
    %dma_start3A_257 = tpu.memref_squeeze %dma_start3A_256 : memref<1x32x128xf32, #tpu.memory_space<vmem>> -> memref<32x128xf32, #tpu.memory_space<vmem>>
    %dma_start3A_258 = arith.constant 0 : i32
    %dma_start3A_259 = tpu.memref_slice %arg19[%add3A_252, %dma_start3A_258] : memref<10000x128xf32, #tpu.memory_space<vmem_shared>> -> memref<32x128xf32, #tpu.memory_space<vmem_shared>>
    %dma_start3A_260 = arith.constant 0 : i32
    %dma_start3A_261 = tpu.memref_slice %arg19[%add3A_252, %dma_start3A_260] : memref<10000x128xf32, #tpu.memory_space<vmem_shared>> -> memref<32x128xf32, #tpu.memory_space<vmem_shared>>
    %dma_start3A_262 = arith.constant 0 : i32
    %dma_start3A_263 = arith.constant 0 : i32
    %dma_start3A_264 = tpu.memref_slice %arg5[%dma_start3A_253, %dma_start3A_262, %dma_start3A_263] : memref<12x32x128xf32, #tpu.memory_space<vmem>> -> memref<1x32x128xf32, #tpu.memory_space<vmem>>
    %dma_start3A_265 = tpu.memref_squeeze %dma_start3A_264 : memref<1x32x128xf32, #tpu.memory_space<vmem>> -> memref<32x128xf32, #tpu.memory_space<vmem>>
    tpu.enqueue_dma source(%dma_start3A_265 : memref<32x128xf32, #tpu.memory_space<vmem>>) target(%dma_start3A_261 : memref<32x128xf32, #tpu.memory_space<vmem_shared>>) target_semaphore(%arg18 : memref<!tpu.dma_semaphore, #tpu.memory_space<semaphore_mem>>)
    %add3A_266 = arith.constant 384 : i32
    %add3A_267 = arith.addi %mul3A_2, %add3A_266 : i32
    %dma_start3A_268 = arith.constant 11 : i32
    %dma_start3A_269 = arith.constant 0 : i32
    %dma_start3A_270 = arith.constant 0 : i32
    %dma_start3A_271 = tpu.memref_slice %arg5[%dma_start3A_268, %dma_start3A_269, %dma_start3A_270] : memref<12x32x128xf32, #tpu.memory_space<vmem>> -> memref<1x32x128xf32, #tpu.memory_space<vmem>>
    %dma_start3A_272 = tpu.memref_squeeze %dma_start3A_271 : memref<1x32x128xf32, #tpu.memory_space<vmem>> -> memref<32x128xf32, #tpu.memory_space<vmem>>
    %dma_start3A_273 = arith.constant 0 : i32
    %dma_start3A_274 = tpu.memref_slice %arg19[%add3A_267, %dma_start3A_273] : memref<10000x128xf32, #tpu.memory_space<vmem_shared>> -> memref<32x128xf32, #tpu.memory_space<vmem_shared>>
    %dma_start3A_275 = arith.constant 0 : i32
    %dma_start3A_276 = tpu.memref_slice %arg19[%add3A_267, %dma_start3A_275] : memref<10000x128xf32, #tpu.memory_space<vmem_shared>> -> memref<32x128xf32, #tpu.memory_space<vmem_shared>>
    %dma_start3A_277 = arith.constant 0 : i32
    %dma_start3A_278 = arith.constant 0 : i32
    %dma_start3A_279 = tpu.memref_slice %arg5[%dma_start3A_268, %dma_start3A_277, %dma_start3A_278] : memref<12x32x128xf32, #tpu.memory_space<vmem>> -> memref<1x32x128xf32, #tpu.memory_space<vmem>>
    %dma_start3A_280 = tpu.memref_squeeze %dma_start3A_279 : memref<1x32x128xf32, #tpu.memory_space<vmem>> -> memref<32x128xf32, #tpu.memory_space<vmem>>
    tpu.enqueue_dma source(%dma_start3A_280 : memref<32x128xf32, #tpu.memory_space<vmem>>) target(%dma_start3A_276 : memref<32x128xf32, #tpu.memory_space<vmem_shared>>) target_semaphore(%arg18 : memref<!tpu.dma_semaphore, #tpu.memory_space<semaphore_mem>>)
    %add3A_281 = arith.constant 416 : i32
    %add3A_282 = arith.addi %mul3A_2, %add3A_281 : i32
    %dma_start3A_283 = arith.constant 11 : i32
    %dma_start3A_284 = arith.constant 0 : i32
    %dma_start3A_285 = arith.constant 0 : i32
    %dma_start3A_286 = tpu.memref_slice %arg5[%dma_start3A_283, %dma_start3A_284, %dma_start3A_285] : memref<12x32x128xf32, #tpu.memory_space<vmem>> -> memref<1x32x128xf32, #tpu.memory_space<vmem>>
    %dma_start3A_287 = tpu.memref_squeeze %dma_start3A_286 : memref<1x32x128xf32, #tpu.memory_space<vmem>> -> memref<32x128xf32, #tpu.memory_space<vmem>>
    %dma_start3A_288 = arith.constant 0 : i32
    %dma_start3A_289 = tpu.memref_slice %arg19[%add3A_282, %dma_start3A_288] : memref<10000x128xf32, #tpu.memory_space<vmem_shared>> -> memref<32x128xf32, #tpu.memory_space<vmem_shared>>
    %dma_start3A_290 = arith.constant 0 : i32
    %dma_start3A_291 = tpu.memref_slice %arg19[%add3A_282, %dma_start3A_290] : memref<10000x128xf32, #tpu.memory_space<vmem_shared>> -> memref<32x128xf32, #tpu.memory_space<vmem_shared>>
    %dma_start3A_292 = arith.constant 0 : i32
    %dma_start3A_293 = arith.constant 0 : i32
    %dma_start3A_294 = tpu.memref_slice %arg5[%dma_start3A_283, %dma_start3A_292, %dma_start3A_293] : memref<12x32x128xf32, #tpu.memory_space<vmem>> -> memref<1x32x128xf32, #tpu.memory_space<vmem>>
    %dma_start3A_295 = tpu.memref_squeeze %dma_start3A_294 : memref<1x32x128xf32, #tpu.memory_space<vmem>> -> memref<32x128xf32, #tpu.memory_space<vmem>>
    tpu.enqueue_dma source(%dma_start3A_295 : memref<32x128xf32, #tpu.memory_space<vmem>>) target(%dma_start3A_291 : memref<32x128xf32, #tpu.memory_space<vmem_shared>>) target_semaphore(%arg18 : memref<!tpu.dma_semaphore, #tpu.memory_space<semaphore_mem>>)
    %add3A_296 = arith.constant 448 : i32
    %add3A_297 = arith.addi %mul3A_2, %add3A_296 : i32
    %dma_start3A_298 = arith.constant 11 : i32
    %dma_start3A_299 = arith.constant 0 : i32
    %dma_start3A_300 = arith.constant 0 : i32
    %dma_start3A_301 = tpu.memref_slice %arg5[%dma_start3A_298, %dma_start3A_299, %dma_start3A_300] : memref<12x32x128xf32, #tpu.memory_space<vmem>> -> memref<1x32x128xf32, #tpu.memory_space<vmem>>
    %dma_start3A_302 = tpu.memref_squeeze %dma_start3A_301 : memref<1x32x128xf32, #tpu.memory_space<vmem>> -> memref<32x128xf32, #tpu.memory_space<vmem>>
    %dma_start3A_303 = arith.constant 0 : i32
    %dma_start3A_304 = tpu.memref_slice %arg19[%add3A_297, %dma_start3A_303] : memref<10000x128xf32, #tpu.memory_space<vmem_shared>> -> memref<32x128xf32, #tpu.memory_space<vmem_shared>>
    %dma_start3A_305 = arith.constant 0 : i32
    %dma_start3A_306 = tpu.memref_slice %arg19[%add3A_297, %dma_start3A_305] : memref<10000x128xf32, #tpu.memory_space<vmem_shared>> -> memref<32x128xf32, #tpu.memory_space<vmem_shared>>
    %dma_start3A_307 = arith.constant 0 : i32
    %dma_start3A_308 = arith.constant 0 : i32
    %dma_start3A_309 = tpu.memref_slice %arg5[%dma_start3A_298, %dma_start3A_307, %dma_start3A_308] : memref<12x32x128xf32, #tpu.memory_space<vmem>> -> memref<1x32x128xf32, #tpu.memory_space<vmem>>
    %dma_start3A_310 = tpu.memref_squeeze %dma_start3A_309 : memref<1x32x128xf32, #tpu.memory_space<vmem>> -> memref<32x128xf32, #tpu.memory_space<vmem>>
    tpu.enqueue_dma source(%dma_start3A_310 : memref<32x128xf32, #tpu.memory_space<vmem>>) target(%dma_start3A_306 : memref<32x128xf32, #tpu.memory_space<vmem_shared>>) target_semaphore(%arg18 : memref<!tpu.dma_semaphore, #tpu.memory_space<semaphore_mem>>)
    %add3A_311 = arith.constant 480 : i32
    %add3A_312 = arith.addi %mul3A_2, %add3A_311 : i32
    %dma_start3A_313 = arith.constant 11 : i32
    %dma_start3A_314 = arith.constant 0 : i32
    %dma_start3A_315 = arith.constant 0 : i32
    %dma_start3A_316 = tpu.memref_slice %arg5[%dma_start3A_313, %dma_start3A_314, %dma_start3A_315] : memref<12x32x128xf32, #tpu.memory_space<vmem>> -> memref<1x32x128xf32, #tpu.memory_space<vmem>>
    %dma_start3A_317 = tpu.memref_squeeze %dma_start3A_316 : memref<1x32x128xf32, #tpu.memory_space<vmem>> -> memref<32x128xf32, #tpu.memory_space<vmem>>
    %dma_start3A_318 = arith.constant 0 : i32
    %dma_start3A_319 = tpu.memref_slice %arg19[%add3A_312, %dma_start3A_318] : memref<10000x128xf32, #tpu.memory_space<vmem_shared>> -> memref<32x128xf32, #tpu.memory_space<vmem_shared>>
    %dma_start3A_320 = arith.constant 0 : i32
    %dma_start3A_321 = tpu.memref_slice %arg19[%add3A_312, %dma_start3A_320] : memref<10000x128xf32, #tpu.memory_space<vmem_shared>> -> memref<32x128xf32, #tpu.memory_space<vmem_shared>>
    %dma_start3A_322 = arith.constant 0 : i32
    %dma_start3A_323 = arith.constant 0 : i32
    %dma_start3A_324 = tpu.memref_slice %arg5[%dma_start3A_313, %dma_start3A_322, %dma_start3A_323] : memref<12x32x128xf32, #tpu.memory_space<vmem>> -> memref<1x32x128xf32, #tpu.memory_space<vmem>>
    %dma_start3A_325 = tpu.memref_squeeze %dma_start3A_324 : memref<1x32x128xf32, #tpu.memory_space<vmem>> -> memref<32x128xf32, #tpu.memory_space<vmem>>
    tpu.enqueue_dma source(%dma_start3A_325 : memref<32x128xf32, #tpu.memory_space<vmem>>) target(%dma_start3A_321 : memref<32x128xf32, #tpu.memory_space<vmem_shared>>) target_semaphore(%arg18 : memref<!tpu.dma_semaphore, #tpu.memory_space<semaphore_mem>>)
    %add3A_326 = arith.constant 512 : i32
    %add3A_327 = arith.addi %mul3A_2, %add3A_326 : i32
    %dma_start3A_328 = arith.constant 11 : i32
    %dma_start3A_329 = arith.constant 0 : i32
    %dma_start3A_330 = arith.constant 0 : i32
    %dma_start3A_331 = tpu.memref_slice %arg5[%dma_start3A_328, %dma_start3A_329, %dma_start3A_330] : memref<12x32x128xf32, #tpu.memory_space<vmem>> -> memref<1x32x128xf32, #tpu.memory_space<vmem>>
    %dma_start3A_332 = tpu.memref_squeeze %dma_start3A_331 : memref<1x32x128xf32, #tpu.memory_space<vmem>> -> memref<32x128xf32, #tpu.memory_space<vmem>>
    %dma_start3A_333 = arith.constant 0 : i32
    %dma_start3A_334 = tpu.memref_slice %arg19[%add3A_327, %dma_start3A_333] : memref<10000x128xf32, #tpu.memory_space<vmem_shared>> -> memref<32x128xf32, #tpu.memory_space<vmem_shared>>
    %dma_start3A_335 = arith.constant 0 : i32
    %dma_start3A_336 = tpu.memref_slice %arg19[%add3A_327, %dma_start3A_335] : memref<10000x128xf32, #tpu.memory_space<vmem_shared>> -> memref<32x128xf32, #tpu.memory_space<vmem_shared>>
    %dma_start3A_337 = arith.constant 0 : i32
    %dma_start3A_338 = arith.constant 0 : i32
    %dma_start3A_339 = tpu.memref_slice %arg5[%dma_start3A_328, %dma_start3A_337, %dma_start3A_338] : memref<12x32x128xf32, #tpu.memory_space<vmem>> -> memref<1x32x128xf32, #tpu.memory_space<vmem>>
    %dma_start3A_340 = tpu.memref_squeeze %dma_start3A_339 : memref<1x32x128xf32, #tpu.memory_space<vmem>> -> memref<32x128xf32, #tpu.memory_space<vmem>>
    tpu.enqueue_dma source(%dma_start3A_340 : memref<32x128xf32, #tpu.memory_space<vmem>>) target(%dma_start3A_336 : memref<32x128xf32, #tpu.memory_space<vmem_shared>>) target_semaphore(%arg18 : memref<!tpu.dma_semaphore, #tpu.memory_space<semaphore_mem>>)
    %add3A_341 = arith.constant 544 : i32
    %add3A_342 = arith.addi %mul3A_2, %add3A_341 : i32
    %dma_start3A_343 = arith.constant 11 : i32
    %dma_start3A_344 = arith.constant 0 : i32
    %dma_start3A_345 = arith.constant 0 : i32
    %dma_start3A_346 = tpu.memref_slice %arg5[%dma_start3A_343, %dma_start3A_344, %dma_start3A_345] : memref<12x32x128xf32, #tpu.memory_space<vmem>> -> memref<1x32x128xf32, #tpu.memory_space<vmem>>
    %dma_start3A_347 = tpu.memref_squeeze %dma_start3A_346 : memref<1x32x128xf32, #tpu.memory_space<vmem>> -> memref<32x128xf32, #tpu.memory_space<vmem>>
    %dma_start3A_348 = arith.constant 0 : i32
    %dma_start3A_349 = tpu.memref_slice %arg19[%add3A_342, %dma_start3A_348] : memref<10000x128xf32, #tpu.memory_space<vmem_shared>> -> memref<32x128xf32, #tpu.memory_space<vmem_shared>>
    %dma_start3A_350 = arith.constant 0 : i32
    %dma_start3A_351 = tpu.memref_slice %arg19[%add3A_342, %dma_start3A_350] : memref<10000x128xf32, #tpu.memory_space<vmem_shared>> -> memref<32x128xf32, #tpu.memory_space<vmem_shared>>
    %dma_start3A_352 = arith.constant 0 : i32
    %dma_start3A_353 = arith.constant 0 : i32
    %dma_start3A_354 = tpu.memref_slice %arg5[%dma_start3A_343, %dma_start3A_352, %dma_start3A_353] : memref<12x32x128xf32, #tpu.memory_space<vmem>> -> memref<1x32x128xf32, #tpu.memory_space<vmem>>
    %dma_start3A_355 = tpu.memref_squeeze %dma_start3A_354 : memref<1x32x128xf32, #tpu.memory_space<vmem>> -> memref<32x128xf32, #tpu.memory_space<vmem>>
    tpu.enqueue_dma source(%dma_start3A_355 : memref<32x128xf32, #tpu.memory_space<vmem>>) target(%dma_start3A_351 : memref<32x128xf32, #tpu.memory_space<vmem_shared>>) target_semaphore(%arg18 : memref<!tpu.dma_semaphore, #tpu.memory_space<semaphore_mem>>)
    %add3A_356 = arith.constant 576 : i32
    %add3A_357 = arith.addi %mul3A_2, %add3A_356 : i32
    %dma_start3A_358 = arith.constant 11 : i32
    %dma_start3A_359 = arith.constant 0 : i32
    %dma_start3A_360 = arith.constant 0 : i32
    %dma_start3A_361 = tpu.memref_slice %arg5[%dma_start3A_358, %dma_start3A_359, %dma_start3A_360] : memref<12x32x128xf32, #tpu.memory_space<vmem>> -> memref<1x32x128xf32, #tpu.memory_space<vmem>>
    %dma_start3A_362 = tpu.memref_squeeze %dma_start3A_361 : memref<1x32x128xf32, #tpu.memory_space<vmem>> -> memref<32x128xf32, #tpu.memory_space<vmem>>
    %dma_start3A_363 = arith.constant 0 : i32
    %dma_start3A_364 = tpu.memref_slice %arg19[%add3A_357, %dma_start3A_363] : memref<10000x128xf32, #tpu.memory_space<vmem_shared>> -> memref<32x128xf32, #tpu.memory_space<vmem_shared>>
    %dma_start3A_365 = arith.constant 0 : i32
    %dma_start3A_366 = tpu.memref_slice %arg19[%add3A_357, %dma_start3A_365] : memref<10000x128xf32, #tpu.memory_space<vmem_shared>> -> memref<32x128xf32, #tpu.memory_space<vmem_shared>>
    %dma_start3A_367 = arith.constant 0 : i32
    %dma_start3A_368 = arith.constant 0 : i32
    %dma_start3A_369 = tpu.memref_slice %arg5[%dma_start3A_358, %dma_start3A_367, %dma_start3A_368] : memref<12x32x128xf32, #tpu.memory_space<vmem>> -> memref<1x32x128xf32, #tpu.memory_space<vmem>>
    %dma_start3A_370 = tpu.memref_squeeze %dma_start3A_369 : memref<1x32x128xf32, #tpu.memory_space<vmem>> -> memref<32x128xf32, #tpu.memory_space<vmem>>
    tpu.enqueue_dma source(%dma_start3A_370 : memref<32x128xf32, #tpu.memory_space<vmem>>) target(%dma_start3A_366 : memref<32x128xf32, #tpu.memory_space<vmem_shared>>) target_semaphore(%arg18 : memref<!tpu.dma_semaphore, #tpu.memory_space<semaphore_mem>>)
    %add3A_371 = arith.constant 608 : i32
    %add3A_372 = arith.addi %mul3A_2, %add3A_371 : i32
    %dma_start3A_373 = arith.constant 11 : i32
    %dma_start3A_374 = arith.constant 0 : i32
    %dma_start3A_375 = arith.constant 0 : i32
    %dma_start3A_376 = tpu.memref_slice %arg5[%dma_start3A_373, %dma_start3A_374, %dma_start3A_375] : memref<12x32x128xf32, #tpu.memory_space<vmem>> -> memref<1x16x128xf32, #tpu.memory_space<vmem>>
    %dma_start3A_377 = tpu.memref_squeeze %dma_start3A_376 : memref<1x16x128xf32, #tpu.memory_space<vmem>> -> memref<16x128xf32, #tpu.memory_space<vmem>>
    %dma_start3A_378 = arith.constant 0 : i32
    %dma_start3A_379 = tpu.memref_slice %arg19[%add3A_372, %dma_start3A_378] : memref<10000x128xf32, #tpu.memory_space<vmem_shared>> -> memref<16x128xf32, #tpu.memory_space<vmem_shared>>
    %dma_start3A_380 = arith.constant 0 : i32
    %dma_start3A_381 = tpu.memref_slice %arg19[%add3A_372, %dma_start3A_380] : memref<10000x128xf32, #tpu.memory_space<vmem_shared>> -> memref<16x128xf32, #tpu.memory_space<vmem_shared>>
    %dma_start3A_382 = arith.constant 0 : i32
    %dma_start3A_383 = arith.constant 0 : i32
    %dma_start3A_384 = tpu.memref_slice %arg5[%dma_start3A_373, %dma_start3A_382, %dma_start3A_383] : memref<12x32x128xf32, #tpu.memory_space<vmem>> -> memref<1x16x128xf32, #tpu.memory_space<vmem>>
    %dma_start3A_385 = tpu.memref_squeeze %dma_start3A_384 : memref<1x16x128xf32, #tpu.memory_space<vmem>> -> memref<16x128xf32, #tpu.memory_space<vmem>>
    tpu.enqueue_dma source(%dma_start3A_385 : memref<16x128xf32, #tpu.memory_space<vmem>>) target(%dma_start3A_381 : memref<16x128xf32, #tpu.memory_space<vmem_shared>>) target_semaphore(%arg18 : memref<!tpu.dma_semaphore, #tpu.memory_space<semaphore_mem>>)
    %convert_element_type3A_386 = arith.extui %eq3A_6 : i1 to i32
    %cond3A_387 = arith.constant 0 : i32
    %cond3A_388 = arith.cmpi ne, %convert_element_type3A_386, %cond3A_387 : i32
    scf.if %cond3A_388 {
      %add3A_1367 = arith.constant 624 : i32
      %add3A_1368 = arith.addi %mul3A_2, %add3A_1367 : i32
      %dma_start3A_1369 = arith.constant 11 : i32
      %dma_start3A_1370 = arith.constant 0 : i32
      %dma_start3A_1371 = arith.constant 0 : i32
      %dma_start3A_1372 = tpu.memref_slice %arg5[%dma_start3A_1369, %dma_start3A_1370, %dma_start3A_1371] : memref<12x32x128xf32, #tpu.memory_space<vmem>> -> memref<1x16x128xf32, #tpu.memory_space<vmem>>
      %dma_start3A_1373 = tpu.memref_squeeze %dma_start3A_1372 : memref<1x16x128xf32, #tpu.memory_space<vmem>> -> memref<16x128xf32, #tpu.memory_space<vmem>>
      %dma_start3A_1374 = arith.constant 0 : i32
      %dma_start3A_1375 = tpu.memref_slice %arg19[%add3A_1368, %dma_start3A_1374] : memref<10000x128xf32, #tpu.memory_space<vmem_shared>> -> memref<16x128xf32, #tpu.memory_space<vmem_shared>>
      %dma_start3A_1376 = arith.constant 0 : i32
      %dma_start3A_1377 = tpu.memref_slice %arg19[%add3A_1368, %dma_start3A_1376] : memref<10000x128xf32, #tpu.memory_space<vmem_shared>> -> memref<16x128xf32, #tpu.memory_space<vmem_shared>>
      %dma_start3A_1378 = arith.constant 0 : i32
      %dma_start3A_1379 = arith.constant 0 : i32
      %dma_start3A_1380 = tpu.memref_slice %arg5[%dma_start3A_1369, %dma_start3A_1378, %dma_start3A_1379] : memref<12x32x128xf32, #tpu.memory_space<vmem>> -> memref<1x16x128xf32, #tpu.memory_space<vmem>>
      %dma_start3A_1381 = tpu.memref_squeeze %dma_start3A_1380 : memref<1x16x128xf32, #tpu.memory_space<vmem>> -> memref<16x128xf32, #tpu.memory_space<vmem>>
      tpu.enqueue_dma source(%dma_start3A_1381 : memref<16x128xf32, #tpu.memory_space<vmem>>) target(%dma_start3A_1377 : memref<16x128xf32, #tpu.memory_space<vmem_shared>>) target_semaphore(%arg18 : memref<!tpu.dma_semaphore, #tpu.memory_space<semaphore_mem>>)
    } else {
    }
    %add3A_389 = arith.constant 0 : i32
    %add3A_390 = arith.addi %mul3A_2, %add3A_389 : i32
    %dma_wait3A = arith.constant 11 : i32
    %dma_wait3A_391 = arith.constant 0 : i32
    %dma_wait3A_392 = arith.constant 0 : i32
    %dma_wait3A_393 = tpu.memref_slice %arg5[%dma_wait3A, %dma_wait3A_391, %dma_wait3A_392] : memref<12x32x128xf32, #tpu.memory_space<vmem>> -> memref<1x32x128xf32, #tpu.memory_space<vmem>>
    %dma_wait3A_394 = tpu.memref_squeeze %dma_wait3A_393 : memref<1x32x128xf32, #tpu.memory_space<vmem>> -> memref<32x128xf32, #tpu.memory_space<vmem>>
    %dma_wait3A_395 = arith.constant 0 : i32
    %dma_wait3A_396 = tpu.memref_slice %arg19[%add3A_390, %dma_wait3A_395] : memref<10000x128xf32, #tpu.memory_space<vmem_shared>> -> memref<32x128xf32, #tpu.memory_space<vmem_shared>>
    %dma_wait3A_397 = arith.constant 0 : i32
    %dma_wait3A_398 = tpu.memref_slice %arg19[%add3A_390, %dma_wait3A_397] : memref<10000x128xf32, #tpu.memory_space<vmem_shared>> -> memref<32x128xf32, #tpu.memory_space<vmem_shared>>
    %dma_wait3A_399 = arith.constant 0 : i32
    %dma_wait3A_400 = arith.constant 0 : i32
    %dma_wait3A_401 = tpu.memref_slice %arg5[%dma_wait3A, %dma_wait3A_399, %dma_wait3A_400] : memref<12x32x128xf32, #tpu.memory_space<vmem>> -> memref<1x32x128xf32, #tpu.memory_space<vmem>>
    %dma_wait3A_402 = tpu.memref_squeeze %dma_wait3A_401 : memref<1x32x128xf32, #tpu.memory_space<vmem>> -> memref<32x128xf32, #tpu.memory_space<vmem>>
    tpu.wait_dma2 semaphore(%arg18 : memref<!tpu.dma_semaphore, #tpu.memory_space<semaphore_mem>>) src(%dma_wait3A_402 : memref<32x128xf32, #tpu.memory_space<vmem>>) dst(%dma_wait3A_398 : memref<32x128xf32, #tpu.memory_space<vmem_shared>>)
    %add3A_403 = arith.constant 32 : i32
    %add3A_404 = arith.addi %mul3A_2, %add3A_403 : i32
    %dma_wait3A_405 = arith.constant 11 : i32
    %dma_wait3A_406 = arith.constant 0 : i32
    %dma_wait3A_407 = arith.constant 0 : i32
    %dma_wait3A_408 = tpu.memref_slice %arg5[%dma_wait3A_405, %dma_wait3A_406, %dma_wait3A_407] : memref<12x32x128xf32, #tpu.memory_space<vmem>> -> memref<1x32x128xf32, #tpu.memory_space<vmem>>
    %dma_wait3A_409 = tpu.memref_squeeze %dma_wait3A_408 : memref<1x32x128xf32, #tpu.memory_space<vmem>> -> memref<32x128xf32, #tpu.memory_space<vmem>>
    %dma_wait3A_410 = arith.constant 0 : i32
    %dma_wait3A_411 = tpu.memref_slice %arg19[%add3A_404, %dma_wait3A_410] : memref<10000x128xf32, #tpu.memory_space<vmem_shared>> -> memref<32x128xf32, #tpu.memory_space<vmem_shared>>
    %dma_wait3A_412 = arith.constant 0 : i32
    %dma_wait3A_413 = tpu.memref_slice %arg19[%add3A_404, %dma_wait3A_412] : memref<10000x128xf32, #tpu.memory_space<vmem_shared>> -> memref<32x128xf32, #tpu.memory_space<vmem_shared>>
    %dma_wait3A_414 = arith.constant 0 : i32
    %dma_wait3A_415 = arith.constant 0 : i32
    %dma_wait3A_416 = tpu.memref_slice %arg5[%dma_wait3A_405, %dma_wait3A_414, %dma_wait3A_415] : memref<12x32x128xf32, #tpu.memory_space<vmem>> -> memref<1x32x128xf32, #tpu.memory_space<vmem>>
    %dma_wait3A_417 = tpu.memref_squeeze %dma_wait3A_416 : memref<1x32x128xf32, #tpu.memory_space<vmem>> -> memref<32x128xf32, #tpu.memory_space<vmem>>
    tpu.wait_dma2 semaphore(%arg18 : memref<!tpu.dma_semaphore, #tpu.memory_space<semaphore_mem>>) src(%dma_wait3A_417 : memref<32x128xf32, #tpu.memory_space<vmem>>) dst(%dma_wait3A_413 : memref<32x128xf32, #tpu.memory_space<vmem_shared>>)
    %add3A_418 = arith.constant 64 : i32
    %add3A_419 = arith.addi %mul3A_2, %add3A_418 : i32
    %dma_wait3A_420 = arith.constant 11 : i32
    %dma_wait3A_421 = arith.constant 0 : i32
    %dma_wait3A_422 = arith.constant 0 : i32
    %dma_wait3A_423 = tpu.memref_slice %arg5[%dma_wait3A_420, %dma_wait3A_421, %dma_wait3A_422] : memref<12x32x128xf32, #tpu.memory_space<vmem>> -> memref<1x32x128xf32, #tpu.memory_space<vmem>>
    %dma_wait3A_424 = tpu.memref_squeeze %dma_wait3A_423 : memref<1x32x128xf32, #tpu.memory_space<vmem>> -> memref<32x128xf32, #tpu.memory_space<vmem>>
    %dma_wait3A_425 = arith.constant 0 : i32
    %dma_wait3A_426 = tpu.memref_slice %arg19[%add3A_419, %dma_wait3A_425] : memref<10000x128xf32, #tpu.memory_space<vmem_shared>> -> memref<32x128xf32, #tpu.memory_space<vmem_shared>>
    %dma_wait3A_427 = arith.constant 0 : i32
    %dma_wait3A_428 = tpu.memref_slice %arg19[%add3A_419, %dma_wait3A_427] : memref<10000x128xf32, #tpu.memory_space<vmem_shared>> -> memref<32x128xf32, #tpu.memory_space<vmem_shared>>
    %dma_wait3A_429 = arith.constant 0 : i32
    %dma_wait3A_430 = arith.constant 0 : i32
    %dma_wait3A_431 = tpu.memref_slice %arg5[%dma_wait3A_420, %dma_wait3A_429, %dma_wait3A_430] : memref<12x32x128xf32, #tpu.memory_space<vmem>> -> memref<1x32x128xf32, #tpu.memory_space<vmem>>
    %dma_wait3A_432 = tpu.memref_squeeze %dma_wait3A_431 : memref<1x32x128xf32, #tpu.memory_space<vmem>> -> memref<32x128xf32, #tpu.memory_space<vmem>>
    tpu.wait_dma2 semaphore(%arg18 : memref<!tpu.dma_semaphore, #tpu.memory_space<semaphore_mem>>) src(%dma_wait3A_432 : memref<32x128xf32, #tpu.memory_space<vmem>>) dst(%dma_wait3A_428 : memref<32x128xf32, #tpu.memory_space<vmem_shared>>)
    %add3A_433 = arith.constant 96 : i32
    %add3A_434 = arith.addi %mul3A_2, %add3A_433 : i32
    %dma_wait3A_435 = arith.constant 11 : i32
    %dma_wait3A_436 = arith.constant 0 : i32
    %dma_wait3A_437 = arith.constant 0 : i32
    %dma_wait3A_438 = tpu.memref_slice %arg5[%dma_wait3A_435, %dma_wait3A_436, %dma_wait3A_437] : memref<12x32x128xf32, #tpu.memory_space<vmem>> -> memref<1x32x128xf32, #tpu.memory_space<vmem>>
    %dma_wait3A_439 = tpu.memref_squeeze %dma_wait3A_438 : memref<1x32x128xf32, #tpu.memory_space<vmem>> -> memref<32x128xf32, #tpu.memory_space<vmem>>
    %dma_wait3A_440 = arith.constant 0 : i32
    %dma_wait3A_441 = tpu.memref_slice %arg19[%add3A_434, %dma_wait3A_440] : memref<10000x128xf32, #tpu.memory_space<vmem_shared>> -> memref<32x128xf32, #tpu.memory_space<vmem_shared>>
    %dma_wait3A_442 = arith.constant 0 : i32
    %dma_wait3A_443 = tpu.memref_slice %arg19[%add3A_434, %dma_wait3A_442] : memref<10000x128xf32, #tpu.memory_space<vmem_shared>> -> memref<32x128xf32, #tpu.memory_space<vmem_shared>>
    %dma_wait3A_444 = arith.constant 0 : i32
    %dma_wait3A_445 = arith.constant 0 : i32
    %dma_wait3A_446 = tpu.memref_slice %arg5[%dma_wait3A_435, %dma_wait3A_444, %dma_wait3A_445] : memref<12x32x128xf32, #tpu.memory_space<vmem>> -> memref<1x32x128xf32, #tpu.memory_space<vmem>>
    %dma_wait3A_447 = tpu.memref_squeeze %dma_wait3A_446 : memref<1x32x128xf32, #tpu.memory_space<vmem>> -> memref<32x128xf32, #tpu.memory_space<vmem>>
    tpu.wait_dma2 semaphore(%arg18 : memref<!tpu.dma_semaphore, #tpu.memory_space<semaphore_mem>>) src(%dma_wait3A_447 : memref<32x128xf32, #tpu.memory_space<vmem>>) dst(%dma_wait3A_443 : memref<32x128xf32, #tpu.memory_space<vmem_shared>>)
    %add3A_448 = arith.constant 128 : i32
    %add3A_449 = arith.addi %mul3A_2, %add3A_448 : i32
    %dma_wait3A_450 = arith.constant 11 : i32
    %dma_wait3A_451 = arith.constant 0 : i32
    %dma_wait3A_452 = arith.constant 0 : i32
    %dma_wait3A_453 = tpu.memref_slice %arg5[%dma_wait3A_450, %dma_wait3A_451, %dma_wait3A_452] : memref<12x32x128xf32, #tpu.memory_space<vmem>> -> memref<1x32x128xf32, #tpu.memory_space<vmem>>
    %dma_wait3A_454 = tpu.memref_squeeze %dma_wait3A_453 : memref<1x32x128xf32, #tpu.memory_space<vmem>> -> memref<32x128xf32, #tpu.memory_space<vmem>>
    %dma_wait3A_455 = arith.constant 0 : i32
    %dma_wait3A_456 = tpu.memref_slice %arg19[%add3A_449, %dma_wait3A_455] : memref<10000x128xf32, #tpu.memory_space<vmem_shared>> -> memref<32x128xf32, #tpu.memory_space<vmem_shared>>
    %dma_wait3A_457 = arith.constant 0 : i32
    %dma_wait3A_458 = tpu.memref_slice %arg19[%add3A_449, %dma_wait3A_457] : memref<10000x128xf32, #tpu.memory_space<vmem_shared>> -> memref<32x128xf32, #tpu.memory_space<vmem_shared>>
    %dma_wait3A_459 = arith.constant 0 : i32
    %dma_wait3A_460 = arith.constant 0 : i32
    %dma_wait3A_461 = tpu.memref_slice %arg5[%dma_wait3A_450, %dma_wait3A_459, %dma_wait3A_460] : memref<12x32x128xf32, #tpu.memory_space<vmem>> -> memref<1x32x128xf32, #tpu.memory_space<vmem>>
    %dma_wait3A_462 = tpu.memref_squeeze %dma_wait3A_461 : memref<1x32x128xf32, #tpu.memory_space<vmem>> -> memref<32x128xf32, #tpu.memory_space<vmem>>
    tpu.wait_dma2 semaphore(%arg18 : memref<!tpu.dma_semaphore, #tpu.memory_space<semaphore_mem>>) src(%dma_wait3A_462 : memref<32x128xf32, #tpu.memory_space<vmem>>) dst(%dma_wait3A_458 : memref<32x128xf32, #tpu.memory_space<vmem_shared>>)
    %add3A_463 = arith.constant 160 : i32
    %add3A_464 = arith.addi %mul3A_2, %add3A_463 : i32
    %dma_wait3A_465 = arith.constant 11 : i32
    %dma_wait3A_466 = arith.constant 0 : i32
    %dma_wait3A_467 = arith.constant 0 : i32
    %dma_wait3A_468 = tpu.memref_slice %arg5[%dma_wait3A_465, %dma_wait3A_466, %dma_wait3A_467] : memref<12x32x128xf32, #tpu.memory_space<vmem>> -> memref<1x32x128xf32, #tpu.memory_space<vmem>>
    %dma_wait3A_469 = tpu.memref_squeeze %dma_wait3A_468 : memref<1x32x128xf32, #tpu.memory_space<vmem>> -> memref<32x128xf32, #tpu.memory_space<vmem>>
    %dma_wait3A_470 = arith.constant 0 : i32
    %dma_wait3A_471 = tpu.memref_slice %arg19[%add3A_464, %dma_wait3A_470] : memref<10000x128xf32, #tpu.memory_space<vmem_shared>> -> memref<32x128xf32, #tpu.memory_space<vmem_shared>>
    %dma_wait3A_472 = arith.constant 0 : i32
    %dma_wait3A_473 = tpu.memref_slice %arg19[%add3A_464, %dma_wait3A_472] : memref<10000x128xf32, #tpu.memory_space<vmem_shared>> -> memref<32x128xf32, #tpu.memory_space<vmem_shared>>
    %dma_wait3A_474 = arith.constant 0 : i32
    %dma_wait3A_475 = arith.constant 0 : i32
    %dma_wait3A_476 = tpu.memref_slice %arg5[%dma_wait3A_465, %dma_wait3A_474, %dma_wait3A_475] : memref<12x32x128xf32, #tpu.memory_space<vmem>> -> memref<1x32x128xf32, #tpu.memory_space<vmem>>
    %dma_wait3A_477 = tpu.memref_squeeze %dma_wait3A_476 : memref<1x32x128xf32, #tpu.memory_space<vmem>> -> memref<32x128xf32, #tpu.memory_space<vmem>>
    tpu.wait_dma2 semaphore(%arg18 : memref<!tpu.dma_semaphore, #tpu.memory_space<semaphore_mem>>) src(%dma_wait3A_477 : memref<32x128xf32, #tpu.memory_space<vmem>>) dst(%dma_wait3A_473 : memref<32x128xf32, #tpu.memory_space<vmem_shared>>)
    %add3A_478 = arith.constant 192 : i32
    %add3A_479 = arith.addi %mul3A_2, %add3A_478 : i32
    %dma_wait3A_480 = arith.constant 11 : i32
    %dma_wait3A_481 = arith.constant 0 : i32
    %dma_wait3A_482 = arith.constant 0 : i32
    %dma_wait3A_483 = tpu.memref_slice %arg5[%dma_wait3A_480, %dma_wait3A_481, %dma_wait3A_482] : memref<12x32x128xf32, #tpu.memory_space<vmem>> -> memref<1x32x128xf32, #tpu.memory_space<vmem>>
    %dma_wait3A_484 = tpu.memref_squeeze %dma_wait3A_483 : memref<1x32x128xf32, #tpu.memory_space<vmem>> -> memref<32x128xf32, #tpu.memory_space<vmem>>
    %dma_wait3A_485 = arith.constant 0 : i32
    %dma_wait3A_486 = tpu.memref_slice %arg19[%add3A_479, %dma_wait3A_485] : memref<10000x128xf32, #tpu.memory_space<vmem_shared>> -> memref<32x128xf32, #tpu.memory_space<vmem_shared>>
    %dma_wait3A_487 = arith.constant 0 : i32
    %dma_wait3A_488 = tpu.memref_slice %arg19[%add3A_479, %dma_wait3A_487] : memref<10000x128xf32, #tpu.memory_space<vmem_shared>> -> memref<32x128xf32, #tpu.memory_space<vmem_shared>>
    %dma_wait3A_489 = arith.constant 0 : i32
    %dma_wait3A_490 = arith.constant 0 : i32
    %dma_wait3A_491 = tpu.memref_slice %arg5[%dma_wait3A_480, %dma_wait3A_489, %dma_wait3A_490] : memref<12x32x128xf32, #tpu.memory_space<vmem>> -> memref<1x32x128xf32, #tpu.memory_space<vmem>>
    %dma_wait3A_492 = tpu.memref_squeeze %dma_wait3A_491 : memref<1x32x128xf32, #tpu.memory_space<vmem>> -> memref<32x128xf32, #tpu.memory_space<vmem>>
    tpu.wait_dma2 semaphore(%arg18 : memref<!tpu.dma_semaphore, #tpu.memory_space<semaphore_mem>>) src(%dma_wait3A_492 : memref<32x128xf32, #tpu.memory_space<vmem>>) dst(%dma_wait3A_488 : memref<32x128xf32, #tpu.memory_space<vmem_shared>>)
    %add3A_493 = arith.constant 224 : i32
    %add3A_494 = arith.addi %mul3A_2, %add3A_493 : i32
    %dma_wait3A_495 = arith.constant 11 : i32
    %dma_wait3A_496 = arith.constant 0 : i32
    %dma_wait3A_497 = arith.constant 0 : i32
    %dma_wait3A_498 = tpu.memref_slice %arg5[%dma_wait3A_495, %dma_wait3A_496, %dma_wait3A_497] : memref<12x32x128xf32, #tpu.memory_space<vmem>> -> memref<1x32x128xf32, #tpu.memory_space<vmem>>
    %dma_wait3A_499 = tpu.memref_squeeze %dma_wait3A_498 : memref<1x32x128xf32, #tpu.memory_space<vmem>> -> memref<32x128xf32, #tpu.memory_space<vmem>>
    %dma_wait3A_500 = arith.constant 0 : i32
    %dma_wait3A_501 = tpu.memref_slice %arg19[%add3A_494, %dma_wait3A_500] : memref<10000x128xf32, #tpu.memory_space<vmem_shared>> -> memref<32x128xf32, #tpu.memory_space<vmem_shared>>
    %dma_wait3A_502 = arith.constant 0 : i32
    %dma_wait3A_503 = tpu.memref_slice %arg19[%add3A_494, %dma_wait3A_502] : memref<10000x128xf32, #tpu.memory_space<vmem_shared>> -> memref<32x128xf32, #tpu.memory_space<vmem_shared>>
    %dma_wait3A_504 = arith.constant 0 : i32
    %dma_wait3A_505 = arith.constant 0 : i32
    %dma_wait3A_506 = tpu.memref_slice %arg5[%dma_wait3A_495, %dma_wait3A_504, %dma_wait3A_505] : memref<12x32x128xf32, #tpu.memory_space<vmem>> -> memref<1x32x128xf32, #tpu.memory_space<vmem>>
    %dma_wait3A_507 = tpu.memref_squeeze %dma_wait3A_506 : memref<1x32x128xf32, #tpu.memory_space<vmem>> -> memref<32x128xf32, #tpu.memory_space<vmem>>
    tpu.wait_dma2 semaphore(%arg18 : memref<!tpu.dma_semaphore, #tpu.memory_space<semaphore_mem>>) src(%dma_wait3A_507 : memref<32x128xf32, #tpu.memory_space<vmem>>) dst(%dma_wait3A_503 : memref<32x128xf32, #tpu.memory_space<vmem_shared>>)
    %add3A_508 = arith.constant 256 : i32
    %add3A_509 = arith.addi %mul3A_2, %add3A_508 : i32
    %dma_wait3A_510 = arith.constant 11 : i32
    %dma_wait3A_511 = arith.constant 0 : i32
    %dma_wait3A_512 = arith.constant 0 : i32
    %dma_wait3A_513 = tpu.memref_slice %arg5[%dma_wait3A_510, %dma_wait3A_511, %dma_wait3A_512] : memref<12x32x128xf32, #tpu.memory_space<vmem>> -> memref<1x32x128xf32, #tpu.memory_space<vmem>>
    %dma_wait3A_514 = tpu.memref_squeeze %dma_wait3A_513 : memref<1x32x128xf32, #tpu.memory_space<vmem>> -> memref<32x128xf32, #tpu.memory_space<vmem>>
    %dma_wait3A_515 = arith.constant 0 : i32
    %dma_wait3A_516 = tpu.memref_slice %arg19[%add3A_509, %dma_wait3A_515] : memref<10000x128xf32, #tpu.memory_space<vmem_shared>> -> memref<32x128xf32, #tpu.memory_space<vmem_shared>>
    %dma_wait3A_517 = arith.constant 0 : i32
    %dma_wait3A_518 = tpu.memref_slice %arg19[%add3A_509, %dma_wait3A_517] : memref<10000x128xf32, #tpu.memory_space<vmem_shared>> -> memref<32x128xf32, #tpu.memory_space<vmem_shared>>
    %dma_wait3A_519 = arith.constant 0 : i32
    %dma_wait3A_520 = arith.constant 0 : i32
    %dma_wait3A_521 = tpu.memref_slice %arg5[%dma_wait3A_510, %dma_wait3A_519, %dma_wait3A_520] : memref<12x32x128xf32, #tpu.memory_space<vmem>> -> memref<1x32x128xf32, #tpu.memory_space<vmem>>
    %dma_wait3A_522 = tpu.memref_squeeze %dma_wait3A_521 : memref<1x32x128xf32, #tpu.memory_space<vmem>> -> memref<32x128xf32, #tpu.memory_space<vmem>>
    tpu.wait_dma2 semaphore(%arg18 : memref<!tpu.dma_semaphore, #tpu.memory_space<semaphore_mem>>) src(%dma_wait3A_522 : memref<32x128xf32, #tpu.memory_space<vmem>>) dst(%dma_wait3A_518 : memref<32x128xf32, #tpu.memory_space<vmem_shared>>)
    %add3A_523 = arith.constant 288 : i32
    %add3A_524 = arith.addi %mul3A_2, %add3A_523 : i32
    %dma_wait3A_525 = arith.constant 11 : i32
    %dma_wait3A_526 = arith.constant 0 : i32
    %dma_wait3A_527 = arith.constant 0 : i32
    %dma_wait3A_528 = tpu.memref_slice %arg5[%dma_wait3A_525, %dma_wait3A_526, %dma_wait3A_527] : memref<12x32x128xf32, #tpu.memory_space<vmem>> -> memref<1x32x128xf32, #tpu.memory_space<vmem>>
    %dma_wait3A_529 = tpu.memref_squeeze %dma_wait3A_528 : memref<1x32x128xf32, #tpu.memory_space<vmem>> -> memref<32x128xf32, #tpu.memory_space<vmem>>
    %dma_wait3A_530 = arith.constant 0 : i32
    %dma_wait3A_531 = tpu.memref_slice %arg19[%add3A_524, %dma_wait3A_530] : memref<10000x128xf32, #tpu.memory_space<vmem_shared>> -> memref<32x128xf32, #tpu.memory_space<vmem_shared>>
    %dma_wait3A_532 = arith.constant 0 : i32
    %dma_wait3A_533 = tpu.memref_slice %arg19[%add3A_524, %dma_wait3A_532] : memref<10000x128xf32, #tpu.memory_space<vmem_shared>> -> memref<32x128xf32, #tpu.memory_space<vmem_shared>>
    %dma_wait3A_534 = arith.constant 0 : i32
    %dma_wait3A_535 = arith.constant 0 : i32
    %dma_wait3A_536 = tpu.memref_slice %arg5[%dma_wait3A_525, %dma_wait3A_534, %dma_wait3A_535] : memref<12x32x128xf32, #tpu.memory_space<vmem>> -> memref<1x32x128xf32, #tpu.memory_space<vmem>>
    %dma_wait3A_537 = tpu.memref_squeeze %dma_wait3A_536 : memref<1x32x128xf32, #tpu.memory_space<vmem>> -> memref<32x128xf32, #tpu.memory_space<vmem>>
    tpu.wait_dma2 semaphore(%arg18 : memref<!tpu.dma_semaphore, #tpu.memory_space<semaphore_mem>>) src(%dma_wait3A_537 : memref<32x128xf32, #tpu.memory_space<vmem>>) dst(%dma_wait3A_533 : memref<32x128xf32, #tpu.memory_space<vmem_shared>>)
    %add3A_538 = arith.constant 320 : i32
    %add3A_539 = arith.addi %mul3A_2, %add3A_538 : i32
    %dma_wait3A_540 = arith.constant 11 : i32
    %dma_wait3A_541 = arith.constant 0 : i32
    %dma_wait3A_542 = arith.constant 0 : i32
    %dma_wait3A_543 = tpu.memref_slice %arg5[%dma_wait3A_540, %dma_wait3A_541, %dma_wait3A_542] : memref<12x32x128xf32, #tpu.memory_space<vmem>> -> memref<1x32x128xf32, #tpu.memory_space<vmem>>
    %dma_wait3A_544 = tpu.memref_squeeze %dma_wait3A_543 : memref<1x32x128xf32, #tpu.memory_space<vmem>> -> memref<32x128xf32, #tpu.memory_space<vmem>>
    %dma_wait3A_545 = arith.constant 0 : i32
    %dma_wait3A_546 = tpu.memref_slice %arg19[%add3A_539, %dma_wait3A_545] : memref<10000x128xf32, #tpu.memory_space<vmem_shared>> -> memref<32x128xf32, #tpu.memory_space<vmem_shared>>
    %dma_wait3A_547 = arith.constant 0 : i32
    %dma_wait3A_548 = tpu.memref_slice %arg19[%add3A_539, %dma_wait3A_547] : memref<10000x128xf32, #tpu.memory_space<vmem_shared>> -> memref<32x128xf32, #tpu.memory_space<vmem_shared>>
    %dma_wait3A_549 = arith.constant 0 : i32
    %dma_wait3A_550 = arith.constant 0 : i32
    %dma_wait3A_551 = tpu.memref_slice %arg5[%dma_wait3A_540, %dma_wait3A_549, %dma_wait3A_550] : memref<12x32x128xf32, #tpu.memory_space<vmem>> -> memref<1x32x128xf32, #tpu.memory_space<vmem>>
    %dma_wait3A_552 = tpu.memref_squeeze %dma_wait3A_551 : memref<1x32x128xf32, #tpu.memory_space<vmem>> -> memref<32x128xf32, #tpu.memory_space<vmem>>
    tpu.wait_dma2 semaphore(%arg18 : memref<!tpu.dma_semaphore, #tpu.memory_space<semaphore_mem>>) src(%dma_wait3A_552 : memref<32x128xf32, #tpu.memory_space<vmem>>) dst(%dma_wait3A_548 : memref<32x128xf32, #tpu.memory_space<vmem_shared>>)
    %add3A_553 = arith.constant 352 : i32
    %add3A_554 = arith.addi %mul3A_2, %add3A_553 : i32
    %dma_wait3A_555 = arith.constant 11 : i32
    %dma_wait3A_556 = arith.constant 0 : i32
    %dma_wait3A_557 = arith.constant 0 : i32
    %dma_wait3A_558 = tpu.memref_slice %arg5[%dma_wait3A_555, %dma_wait3A_556, %dma_wait3A_557] : memref<12x32x128xf32, #tpu.memory_space<vmem>> -> memref<1x32x128xf32, #tpu.memory_space<vmem>>
    %dma_wait3A_559 = tpu.memref_squeeze %dma_wait3A_558 : memref<1x32x128xf32, #tpu.memory_space<vmem>> -> memref<32x128xf32, #tpu.memory_space<vmem>>
    %dma_wait3A_560 = arith.constant 0 : i32
    %dma_wait3A_561 = tpu.memref_slice %arg19[%add3A_554, %dma_wait3A_560] : memref<10000x128xf32, #tpu.memory_space<vmem_shared>> -> memref<32x128xf32, #tpu.memory_space<vmem_shared>>
    %dma_wait3A_562 = arith.constant 0 : i32
    %dma_wait3A_563 = tpu.memref_slice %arg19[%add3A_554, %dma_wait3A_562] : memref<10000x128xf32, #tpu.memory_space<vmem_shared>> -> memref<32x128xf32, #tpu.memory_space<vmem_shared>>
    %dma_wait3A_564 = arith.constant 0 : i32
    %dma_wait3A_565 = arith.constant 0 : i32
    %dma_wait3A_566 = tpu.memref_slice %arg5[%dma_wait3A_555, %dma_wait3A_564, %dma_wait3A_565] : memref<12x32x128xf32, #tpu.memory_space<vmem>> -> memref<1x32x128xf32, #tpu.memory_space<vmem>>
    %dma_wait3A_567 = tpu.memref_squeeze %dma_wait3A_566 : memref<1x32x128xf32, #tpu.memory_space<vmem>> -> memref<32x128xf32, #tpu.memory_space<vmem>>
    tpu.wait_dma2 semaphore(%arg18 : memref<!tpu.dma_semaphore, #tpu.memory_space<semaphore_mem>>) src(%dma_wait3A_567 : memref<32x128xf32, #tpu.memory_space<vmem>>) dst(%dma_wait3A_563 : memref<32x128xf32, #tpu.memory_space<vmem_shared>>)
    %add3A_568 = arith.constant 384 : i32
    %add3A_569 = arith.addi %mul3A_2, %add3A_568 : i32
    %dma_wait3A_570 = arith.constant 11 : i32
    %dma_wait3A_571 = arith.constant 0 : i32
    %dma_wait3A_572 = arith.constant 0 : i32
    %dma_wait3A_573 = tpu.memref_slice %arg5[%dma_wait3A_570, %dma_wait3A_571, %dma_wait3A_572] : memref<12x32x128xf32, #tpu.memory_space<vmem>> -> memref<1x32x128xf32, #tpu.memory_space<vmem>>
    %dma_wait3A_574 = tpu.memref_squeeze %dma_wait3A_573 : memref<1x32x128xf32, #tpu.memory_space<vmem>> -> memref<32x128xf32, #tpu.memory_space<vmem>>
    %dma_wait3A_575 = arith.constant 0 : i32
    %dma_wait3A_576 = tpu.memref_slice %arg19[%add3A_569, %dma_wait3A_575] : memref<10000x128xf32, #tpu.memory_space<vmem_shared>> -> memref<32x128xf32, #tpu.memory_space<vmem_shared>>
    %dma_wait3A_577 = arith.constant 0 : i32
    %dma_wait3A_578 = tpu.memref_slice %arg19[%add3A_569, %dma_wait3A_577] : memref<10000x128xf32, #tpu.memory_space<vmem_shared>> -> memref<32x128xf32, #tpu.memory_space<vmem_shared>>
    %dma_wait3A_579 = arith.constant 0 : i32
    %dma_wait3A_580 = arith.constant 0 : i32
    %dma_wait3A_581 = tpu.memref_slice %arg5[%dma_wait3A_570, %dma_wait3A_579, %dma_wait3A_580] : memref<12x32x128xf32, #tpu.memory_space<vmem>> -> memref<1x32x128xf32, #tpu.memory_space<vmem>>
    %dma_wait3A_582 = tpu.memref_squeeze %dma_wait3A_581 : memref<1x32x128xf32, #tpu.memory_space<vmem>> -> memref<32x128xf32, #tpu.memory_space<vmem>>
    tpu.wait_dma2 semaphore(%arg18 : memref<!tpu.dma_semaphore, #tpu.memory_space<semaphore_mem>>) src(%dma_wait3A_582 : memref<32x128xf32, #tpu.memory_space<vmem>>) dst(%dma_wait3A_578 : memref<32x128xf32, #tpu.memory_space<vmem_shared>>)
    %add3A_583 = arith.constant 416 : i32
    %add3A_584 = arith.addi %mul3A_2, %add3A_583 : i32
    %dma_wait3A_585 = arith.constant 11 : i32
    %dma_wait3A_586 = arith.constant 0 : i32
    %dma_wait3A_587 = arith.constant 0 : i32
    %dma_wait3A_588 = tpu.memref_slice %arg5[%dma_wait3A_585, %dma_wait3A_586, %dma_wait3A_587] : memref<12x32x128xf32, #tpu.memory_space<vmem>> -> memref<1x32x128xf32, #tpu.memory_space<vmem>>
    %dma_wait3A_589 = tpu.memref_squeeze %dma_wait3A_588 : memref<1x32x128xf32, #tpu.memory_space<vmem>> -> memref<32x128xf32, #tpu.memory_space<vmem>>
    %dma_wait3A_590 = arith.constant 0 : i32
    %dma_wait3A_591 = tpu.memref_slice %arg19[%add3A_584, %dma_wait3A_590] : memref<10000x128xf32, #tpu.memory_space<vmem_shared>> -> memref<32x128xf32, #tpu.memory_space<vmem_shared>>
    %dma_wait3A_592 = arith.constant 0 : i32
    %dma_wait3A_593 = tpu.memref_slice %arg19[%add3A_584, %dma_wait3A_592] : memref<10000x128xf32, #tpu.memory_space<vmem_shared>> -> memref<32x128xf32, #tpu.memory_space<vmem_shared>>
    %dma_wait3A_594 = arith.constant 0 : i32
    %dma_wait3A_595 = arith.constant 0 : i32
    %dma_wait3A_596 = tpu.memref_slice %arg5[%dma_wait3A_585, %dma_wait3A_594, %dma_wait3A_595] : memref<12x32x128xf32, #tpu.memory_space<vmem>> -> memref<1x32x128xf32, #tpu.memory_space<vmem>>
    %dma_wait3A_597 = tpu.memref_squeeze %dma_wait3A_596 : memref<1x32x128xf32, #tpu.memory_space<vmem>> -> memref<32x128xf32, #tpu.memory_space<vmem>>
    tpu.wait_dma2 semaphore(%arg18 : memref<!tpu.dma_semaphore, #tpu.memory_space<semaphore_mem>>) src(%dma_wait3A_597 : memref<32x128xf32, #tpu.memory_space<vmem>>) dst(%dma_wait3A_593 : memref<32x128xf32, #tpu.memory_space<vmem_shared>>)
    %add3A_598 = arith.constant 448 : i32
    %add3A_599 = arith.addi %mul3A_2, %add3A_598 : i32
    %dma_wait3A_600 = arith.constant 11 : i32
    %dma_wait3A_601 = arith.constant 0 : i32
    %dma_wait3A_602 = arith.constant 0 : i32
    %dma_wait3A_603 = tpu.memref_slice %arg5[%dma_wait3A_600, %dma_wait3A_601, %dma_wait3A_602] : memref<12x32x128xf32, #tpu.memory_space<vmem>> -> memref<1x32x128xf32, #tpu.memory_space<vmem>>
    %dma_wait3A_604 = tpu.memref_squeeze %dma_wait3A_603 : memref<1x32x128xf32, #tpu.memory_space<vmem>> -> memref<32x128xf32, #tpu.memory_space<vmem>>
    %dma_wait3A_605 = arith.constant 0 : i32
    %dma_wait3A_606 = tpu.memref_slice %arg19[%add3A_599, %dma_wait3A_605] : memref<10000x128xf32, #tpu.memory_space<vmem_shared>> -> memref<32x128xf32, #tpu.memory_space<vmem_shared>>
    %dma_wait3A_607 = arith.constant 0 : i32
    %dma_wait3A_608 = tpu.memref_slice %arg19[%add3A_599, %dma_wait3A_607] : memref<10000x128xf32, #tpu.memory_space<vmem_shared>> -> memref<32x128xf32, #tpu.memory_space<vmem_shared>>
    %dma_wait3A_609 = arith.constant 0 : i32
    %dma_wait3A_610 = arith.constant 0 : i32
    %dma_wait3A_611 = tpu.memref_slice %arg5[%dma_wait3A_600, %dma_wait3A_609, %dma_wait3A_610] : memref<12x32x128xf32, #tpu.memory_space<vmem>> -> memref<1x32x128xf32, #tpu.memory_space<vmem>>
    %dma_wait3A_612 = tpu.memref_squeeze %dma_wait3A_611 : memref<1x32x128xf32, #tpu.memory_space<vmem>> -> memref<32x128xf32, #tpu.memory_space<vmem>>
    tpu.wait_dma2 semaphore(%arg18 : memref<!tpu.dma_semaphore, #tpu.memory_space<semaphore_mem>>) src(%dma_wait3A_612 : memref<32x128xf32, #tpu.memory_space<vmem>>) dst(%dma_wait3A_608 : memref<32x128xf32, #tpu.memory_space<vmem_shared>>)
    %add3A_613 = arith.constant 480 : i32
    %add3A_614 = arith.addi %mul3A_2, %add3A_613 : i32
    %dma_wait3A_615 = arith.constant 11 : i32
    %dma_wait3A_616 = arith.constant 0 : i32
    %dma_wait3A_617 = arith.constant 0 : i32
    %dma_wait3A_618 = tpu.memref_slice %arg5[%dma_wait3A_615, %dma_wait3A_616, %dma_wait3A_617] : memref<12x32x128xf32, #tpu.memory_space<vmem>> -> memref<1x32x128xf32, #tpu.memory_space<vmem>>
    %dma_wait3A_619 = tpu.memref_squeeze %dma_wait3A_618 : memref<1x32x128xf32, #tpu.memory_space<vmem>> -> memref<32x128xf32, #tpu.memory_space<vmem>>
    %dma_wait3A_620 = arith.constant 0 : i32
    %dma_wait3A_621 = tpu.memref_slice %arg19[%add3A_614, %dma_wait3A_620] : memref<10000x128xf32, #tpu.memory_space<vmem_shared>> -> memref<32x128xf32, #tpu.memory_space<vmem_shared>>
    %dma_wait3A_622 = arith.constant 0 : i32
    %dma_wait3A_623 = tpu.memref_slice %arg19[%add3A_614, %dma_wait3A_622] : memref<10000x128xf32, #tpu.memory_space<vmem_shared>> -> memref<32x128xf32, #tpu.memory_space<vmem_shared>>
    %dma_wait3A_624 = arith.constant 0 : i32
    %dma_wait3A_625 = arith.constant 0 : i32
    %dma_wait3A_626 = tpu.memref_slice %arg5[%dma_wait3A_615, %dma_wait3A_624, %dma_wait3A_625] : memref<12x32x128xf32, #tpu.memory_space<vmem>> -> memref<1x32x128xf32, #tpu.memory_space<vmem>>
    %dma_wait3A_627 = tpu.memref_squeeze %dma_wait3A_626 : memref<1x32x128xf32, #tpu.memory_space<vmem>> -> memref<32x128xf32, #tpu.memory_space<vmem>>
    tpu.wait_dma2 semaphore(%arg18 : memref<!tpu.dma_semaphore, #tpu.memory_space<semaphore_mem>>) src(%dma_wait3A_627 : memref<32x128xf32, #tpu.memory_space<vmem>>) dst(%dma_wait3A_623 : memref<32x128xf32, #tpu.memory_space<vmem_shared>>)
    %add3A_628 = arith.constant 512 : i32
    %add3A_629 = arith.addi %mul3A_2, %add3A_628 : i32
    %dma_wait3A_630 = arith.constant 11 : i32
    %dma_wait3A_631 = arith.constant 0 : i32
    %dma_wait3A_632 = arith.constant 0 : i32
    %dma_wait3A_633 = tpu.memref_slice %arg5[%dma_wait3A_630, %dma_wait3A_631, %dma_wait3A_632] : memref<12x32x128xf32, #tpu.memory_space<vmem>> -> memref<1x32x128xf32, #tpu.memory_space<vmem>>
    %dma_wait3A_634 = tpu.memref_squeeze %dma_wait3A_633 : memref<1x32x128xf32, #tpu.memory_space<vmem>> -> memref<32x128xf32, #tpu.memory_space<vmem>>
    %dma_wait3A_635 = arith.constant 0 : i32
    %dma_wait3A_636 = tpu.memref_slice %arg19[%add3A_629, %dma_wait3A_635] : memref<10000x128xf32, #tpu.memory_space<vmem_shared>> -> memref<32x128xf32, #tpu.memory_space<vmem_shared>>
    %dma_wait3A_637 = arith.constant 0 : i32
    %dma_wait3A_638 = tpu.memref_slice %arg19[%add3A_629, %dma_wait3A_637] : memref<10000x128xf32, #tpu.memory_space<vmem_shared>> -> memref<32x128xf32, #tpu.memory_space<vmem_shared>>
    %dma_wait3A_639 = arith.constant 0 : i32
    %dma_wait3A_640 = arith.constant 0 : i32
    %dma_wait3A_641 = tpu.memref_slice %arg5[%dma_wait3A_630, %dma_wait3A_639, %dma_wait3A_640] : memref<12x32x128xf32, #tpu.memory_space<vmem>> -> memref<1x32x128xf32, #tpu.memory_space<vmem>>
    %dma_wait3A_642 = tpu.memref_squeeze %dma_wait3A_641 : memref<1x32x128xf32, #tpu.memory_space<vmem>> -> memref<32x128xf32, #tpu.memory_space<vmem>>
    tpu.wait_dma2 semaphore(%arg18 : memref<!tpu.dma_semaphore, #tpu.memory_space<semaphore_mem>>) src(%dma_wait3A_642 : memref<32x128xf32, #tpu.memory_space<vmem>>) dst(%dma_wait3A_638 : memref<32x128xf32, #tpu.memory_space<vmem_shared>>)
    %add3A_643 = arith.constant 544 : i32
    %add3A_644 = arith.addi %mul3A_2, %add3A_643 : i32
    %dma_wait3A_645 = arith.constant 11 : i32
    %dma_wait3A_646 = arith.constant 0 : i32
    %dma_wait3A_647 = arith.constant 0 : i32
    %dma_wait3A_648 = tpu.memref_slice %arg5[%dma_wait3A_645, %dma_wait3A_646, %dma_wait3A_647] : memref<12x32x128xf32, #tpu.memory_space<vmem>> -> memref<1x32x128xf32, #tpu.memory_space<vmem>>
    %dma_wait3A_649 = tpu.memref_squeeze %dma_wait3A_648 : memref<1x32x128xf32, #tpu.memory_space<vmem>> -> memref<32x128xf32, #tpu.memory_space<vmem>>
    %dma_wait3A_650 = arith.constant 0 : i32
    %dma_wait3A_651 = tpu.memref_slice %arg19[%add3A_644, %dma_wait3A_650] : memref<10000x128xf32, #tpu.memory_space<vmem_shared>> -> memref<32x128xf32, #tpu.memory_space<vmem_shared>>
    %dma_wait3A_652 = arith.constant 0 : i32
    %dma_wait3A_653 = tpu.memref_slice %arg19[%add3A_644, %dma_wait3A_652] : memref<10000x128xf32, #tpu.memory_space<vmem_shared>> -> memref<32x128xf32, #tpu.memory_space<vmem_shared>>
    %dma_wait3A_654 = arith.constant 0 : i32
    %dma_wait3A_655 = arith.constant 0 : i32
    %dma_wait3A_656 = tpu.memref_slice %arg5[%dma_wait3A_645, %dma_wait3A_654, %dma_wait3A_655] : memref<12x32x128xf32, #tpu.memory_space<vmem>> -> memref<1x32x128xf32, #tpu.memory_space<vmem>>
    %dma_wait3A_657 = tpu.memref_squeeze %dma_wait3A_656 : memref<1x32x128xf32, #tpu.memory_space<vmem>> -> memref<32x128xf32, #tpu.memory_space<vmem>>
    tpu.wait_dma2 semaphore(%arg18 : memref<!tpu.dma_semaphore, #tpu.memory_space<semaphore_mem>>) src(%dma_wait3A_657 : memref<32x128xf32, #tpu.memory_space<vmem>>) dst(%dma_wait3A_653 : memref<32x128xf32, #tpu.memory_space<vmem_shared>>)
    %add3A_658 = arith.constant 576 : i32
    %add3A_659 = arith.addi %mul3A_2, %add3A_658 : i32
    %dma_wait3A_660 = arith.constant 11 : i32
    %dma_wait3A_661 = arith.constant 0 : i32
    %dma_wait3A_662 = arith.constant 0 : i32
    %dma_wait3A_663 = tpu.memref_slice %arg5[%dma_wait3A_660, %dma_wait3A_661, %dma_wait3A_662] : memref<12x32x128xf32, #tpu.memory_space<vmem>> -> memref<1x32x128xf32, #tpu.memory_space<vmem>>
    %dma_wait3A_664 = tpu.memref_squeeze %dma_wait3A_663 : memref<1x32x128xf32, #tpu.memory_space<vmem>> -> memref<32x128xf32, #tpu.memory_space<vmem>>
    %dma_wait3A_665 = arith.constant 0 : i32
    %dma_wait3A_666 = tpu.memref_slice %arg19[%add3A_659, %dma_wait3A_665] : memref<10000x128xf32, #tpu.memory_space<vmem_shared>> -> memref<32x128xf32, #tpu.memory_space<vmem_shared>>
    %dma_wait3A_667 = arith.constant 0 : i32
    %dma_wait3A_668 = tpu.memref_slice %arg19[%add3A_659, %dma_wait3A_667] : memref<10000x128xf32, #tpu.memory_space<vmem_shared>> -> memref<32x128xf32, #tpu.memory_space<vmem_shared>>
    %dma_wait3A_669 = arith.constant 0 : i32
    %dma_wait3A_670 = arith.constant 0 : i32
    %dma_wait3A_671 = tpu.memref_slice %arg5[%dma_wait3A_660, %dma_wait3A_669, %dma_wait3A_670] : memref<12x32x128xf32, #tpu.memory_space<vmem>> -> memref<1x32x128xf32, #tpu.memory_space<vmem>>
    %dma_wait3A_672 = tpu.memref_squeeze %dma_wait3A_671 : memref<1x32x128xf32, #tpu.memory_space<vmem>> -> memref<32x128xf32, #tpu.memory_space<vmem>>
    tpu.wait_dma2 semaphore(%arg18 : memref<!tpu.dma_semaphore, #tpu.memory_space<semaphore_mem>>) src(%dma_wait3A_672 : memref<32x128xf32, #tpu.memory_space<vmem>>) dst(%dma_wait3A_668 : memref<32x128xf32, #tpu.memory_space<vmem_shared>>)
    %add3A_673 = arith.constant 608 : i32
    %add3A_674 = arith.addi %mul3A_2, %add3A_673 : i32
    %dma_wait3A_675 = arith.constant 11 : i32
    %dma_wait3A_676 = arith.constant 0 : i32
    %dma_wait3A_677 = arith.constant 0 : i32
    %dma_wait3A_678 = tpu.memref_slice %arg5[%dma_wait3A_675, %dma_wait3A_676, %dma_wait3A_677] : memref<12x32x128xf32, #tpu.memory_space<vmem>> -> memref<1x16x128xf32, #tpu.memory_space<vmem>>
    %dma_wait3A_679 = tpu.memref_squeeze %dma_wait3A_678 : memref<1x16x128xf32, #tpu.memory_space<vmem>> -> memref<16x128xf32, #tpu.memory_space<vmem>>
    %dma_wait3A_680 = arith.constant 0 : i32
    %dma_wait3A_681 = tpu.memref_slice %arg19[%add3A_674, %dma_wait3A_680] : memref<10000x128xf32, #tpu.memory_space<vmem_shared>> -> memref<16x128xf32, #tpu.memory_space<vmem_shared>>
    %dma_wait3A_682 = arith.constant 0 : i32
    %dma_wait3A_683 = tpu.memref_slice %arg19[%add3A_674, %dma_wait3A_682] : memref<10000x128xf32, #tpu.memory_space<vmem_shared>> -> memref<16x128xf32, #tpu.memory_space<vmem_shared>>
    %dma_wait3A_684 = arith.constant 0 : i32
    %dma_wait3A_685 = arith.constant 0 : i32
    %dma_wait3A_686 = tpu.memref_slice %arg5[%dma_wait3A_675, %dma_wait3A_684, %dma_wait3A_685] : memref<12x32x128xf32, #tpu.memory_space<vmem>> -> memref<1x16x128xf32, #tpu.memory_space<vmem>>
    %dma_wait3A_687 = tpu.memref_squeeze %dma_wait3A_686 : memref<1x16x128xf32, #tpu.memory_space<vmem>> -> memref<16x128xf32, #tpu.memory_space<vmem>>
    tpu.wait_dma2 semaphore(%arg18 : memref<!tpu.dma_semaphore, #tpu.memory_space<semaphore_mem>>) src(%dma_wait3A_687 : memref<16x128xf32, #tpu.memory_space<vmem>>) dst(%dma_wait3A_683 : memref<16x128xf32, #tpu.memory_space<vmem_shared>>)
    %convert_element_type3A_688 = arith.extui %eq3A_6 : i1 to i32
    %cond3A_689 = arith.constant 0 : i32
    %cond3A_690 = arith.cmpi ne, %convert_element_type3A_688, %cond3A_689 : i32
    scf.if %cond3A_690 {
      %add3A_1367 = arith.constant 624 : i32
      %add3A_1368 = arith.addi %mul3A_2, %add3A_1367 : i32
      %dma_wait3A_1369 = arith.constant 11 : i32
      %dma_wait3A_1370 = arith.constant 0 : i32
      %dma_wait3A_1371 = arith.constant 0 : i32
      %dma_wait3A_1372 = tpu.memref_slice %arg5[%dma_wait3A_1369, %dma_wait3A_1370, %dma_wait3A_1371] : memref<12x32x128xf32, #tpu.memory_space<vmem>> -> memref<1x16x128xf32, #tpu.memory_space<vmem>>
      %dma_wait3A_1373 = tpu.memref_squeeze %dma_wait3A_1372 : memref<1x16x128xf32, #tpu.memory_space<vmem>> -> memref<16x128xf32, #tpu.memory_space<vmem>>
      %dma_wait3A_1374 = arith.constant 0 : i32
      %dma_wait3A_1375 = tpu.memref_slice %arg19[%add3A_1368, %dma_wait3A_1374] : memref<10000x128xf32, #tpu.memory_space<vmem_shared>> -> memref<16x128xf32, #tpu.memory_space<vmem_shared>>
      %dma_wait3A_1376 = arith.constant 0 : i32
      %dma_wait3A_1377 = tpu.memref_slice %arg19[%add3A_1368, %dma_wait3A_1376] : memref<10000x128xf32, #tpu.memory_space<vmem_shared>> -> memref<16x128xf32, #tpu.memory_space<vmem_shared>>
      %dma_wait3A_1378 = arith.constant 0 : i32
      %dma_wait3A_1379 = arith.constant 0 : i32
      %dma_wait3A_1380 = tpu.memref_slice %arg5[%dma_wait3A_1369, %dma_wait3A_1378, %dma_wait3A_1379] : memref<12x32x128xf32, #tpu.memory_space<vmem>> -> memref<1x16x128xf32, #tpu.memory_space<vmem>>
      %dma_wait3A_1381 = tpu.memref_squeeze %dma_wait3A_1380 : memref<1x16x128xf32, #tpu.memory_space<vmem>> -> memref<16x128xf32, #tpu.memory_space<vmem>>
      tpu.wait_dma2 semaphore(%arg18 : memref<!tpu.dma_semaphore, #tpu.memory_space<semaphore_mem>>) src(%dma_wait3A_1381 : memref<16x128xf32, #tpu.memory_space<vmem>>) dst(%dma_wait3A_1377 : memref<16x128xf32, #tpu.memory_space<vmem_shared>>)
    } else {
    }
    %add3A_691 = arith.constant 352 : i32
    %add3A_692 = arith.addi %add3A, %add3A_691 : i32
    %lt3A_693 = arith.constant 10000 : i32
    %lt3A_694 = arith.cmpi slt, %add3A_692, %lt3A_693 : i32
    %convert_element_type3A_695 = arith.extui %lt3A_694 : i1 to i32
    %cond3A_696 = arith.constant 0 : i32
    %cond3A_697 = arith.cmpi ne, %convert_element_type3A_695, %cond3A_696 : i32
    scf.if %cond3A_697 {
      %mul3A_1367 = arith.constant 32 : i32
      %mul3A_1368 = arith.muli %add3A_692, %mul3A_1367 : i32
      %dma_start3A_1369 = arith.constant 11 : i32
      %dma_start3A_1370 = arith.constant 0 : i32
      %dma_start3A_1371 = arith.constant 0 : i32
      %dma_start3A_1372 = tpu.memref_slice %arg5[%dma_start3A_1369, %dma_start3A_1370, %dma_start3A_1371] : memref<12x32x128xf32, #tpu.memory_space<vmem>> -> memref<1x32x128xf32, #tpu.memory_space<vmem>>
      %dma_start3A_1373 = tpu.memref_squeeze %dma_start3A_1372 : memref<1x32x128xf32, #tpu.memory_space<vmem>> -> memref<32x128xf32, #tpu.memory_space<vmem>>
      %dma_start3A_1374 = arith.constant 0 : i32
      %dma_start3A_1375 = tpu.memref_slice %arg2[%mul3A_1368, %dma_start3A_1374] : memref<320000x128xf32, #tpu.memory_space<hbm>> -> memref<32x128xf32, #tpu.memory_space<hbm>>
      %dma_start3A_1376 = arith.constant 0 : i32
      %dma_start3A_1377 = arith.constant 0 : i32
      %dma_start3A_1378 = tpu.memref_slice %arg5[%dma_start3A_1369, %dma_start3A_1376, %dma_start3A_1377] : memref<12x32x128xf32, #tpu.memory_space<vmem>> -> memref<1x32x128xf32, #tpu.memory_space<vmem>>
      %dma_start3A_1379 = tpu.memref_squeeze %dma_start3A_1378 : memref<1x32x128xf32, #tpu.memory_space<vmem>> -> memref<32x128xf32, #tpu.memory_space<vmem>>
      %dma_start3A_1380 = arith.constant 0 : i32
      %dma_start3A_1381 = tpu.memref_slice %arg2[%mul3A_1368, %dma_start3A_1380] : memref<320000x128xf32, #tpu.memory_space<hbm>> -> memref<32x128xf32, #tpu.memory_space<hbm>>
      tpu.enqueue_dma source(%dma_start3A_1381 : memref<32x128xf32, #tpu.memory_space<hbm>>) target(%dma_start3A_1379 : memref<32x128xf32, #tpu.memory_space<vmem>>) target_semaphore(%arg18 : memref<!tpu.dma_semaphore, #tpu.memory_space<semaphore_mem>>)
      %dma_start3A_1382 = arith.constant 11 : i32
      %dma_start3A_1383 = arith.constant 0 : i32
      %dma_start3A_1384 = arith.constant 0 : i32
      %dma_start3A_1385 = tpu.memref_slice %arg6[%dma_start3A_1382, %dma_start3A_1383, %dma_start3A_1384] : memref<12x1x32xi32, #tpu.memory_space<vmem>> -> memref<1x1x32xi32, #tpu.memory_space<vmem>>
      %dma_start3A_1386 = tpu.memref_squeeze %dma_start3A_1385 : memref<1x1x32xi32, #tpu.memory_space<vmem>> -> memref<1x32xi32, #tpu.memory_space<vmem>>
      %dma_start3A_1387 = arith.constant 0 : i32
      %dma_start3A_1388 = arith.constant 0 : i32
      %dma_start3A_1389 = tpu.memref_slice %arg3[%add3A_692, %dma_start3A_1387, %dma_start3A_1388] : memref<10000x1x32xi32, #tpu.memory_space<hbm>> -> memref<1x1x32xi32, #tpu.memory_space<hbm>>
      %dma_start3A_1390 = tpu.memref_squeeze %dma_start3A_1389 : memref<1x1x32xi32, #tpu.memory_space<hbm>> -> memref<1x32xi32, #tpu.memory_space<hbm>>
      %dma_start3A_1391 = arith.constant 0 : i32
      %dma_start3A_1392 = arith.constant 0 : i32
      %dma_start3A_1393 = tpu.memref_slice %arg6[%dma_start3A_1382, %dma_start3A_1391, %dma_start3A_1392] : memref<12x1x32xi32, #tpu.memory_space<vmem>> -> memref<1x1x32xi32, #tpu.memory_space<vmem>>
      %dma_start3A_1394 = tpu.memref_squeeze %dma_start3A_1393 : memref<1x1x32xi32, #tpu.memory_space<vmem>> -> memref<1x32xi32, #tpu.memory_space<vmem>>
      %dma_start3A_1395 = arith.constant 0 : i32
      %dma_start3A_1396 = arith.constant 0 : i32
      %dma_start3A_1397 = tpu.memref_slice %arg3[%add3A_692, %dma_start3A_1395, %dma_start3A_1396] : memref<10000x1x32xi32, #tpu.memory_space<hbm>> -> memref<1x1x32xi32, #tpu.memory_space<hbm>>
      %dma_start3A_1398 = tpu.memref_squeeze %dma_start3A_1397 : memref<1x1x32xi32, #tpu.memory_space<hbm>> -> memref<1x32xi32, #tpu.memory_space<hbm>>
      tpu.enqueue_dma source(%dma_start3A_1398 : memref<1x32xi32, #tpu.memory_space<hbm>>) target(%dma_start3A_1394 : memref<1x32xi32, #tpu.memory_space<vmem>>) target_semaphore(%arg18 : memref<!tpu.dma_semaphore, #tpu.memory_space<semaphore_mem>>)
    } else {
    }
    %barrier3A = arith.constant 0 : index
    tpu.barrier barrier_id(%barrier3A)
    %scan3A_698 = arith.constant 0 : i32
    %scan3A_699 = arith.constant 0 : i32
    %scan3A_700 = arith.constant 27 : i32
    %scan3A_701 = arith.addi %scan3A_699, %scan3A_700 : i32
    %scan3A_702 = arith.constant 1 : i32
    scf.for %scan3A_1367 = %scan3A_699 to %scan3A_701 step %scan3A_702  : i32 {
      %mul3A_1368 = arith.constant 12 : i32
      %mul3A_1369 = arith.muli %scan3A_1367, %mul3A_1368 : i32
      %add3A_1370 = arith.constant 0 : i32
      %add3A_1371 = arith.addi %mul3A_1369, %add3A_1370 : i32
      %mul3A_1372 = arith.constant 32 : i32
      %mul3A_1373 = arith.muli %add3A_1371, %mul3A_1372 : i32
      %add3A_1374 = arith.addi %add3A, %mul3A_1373 : i32
      %lt3A_1375 = arith.constant 10000 : i32
      %lt3A_1376 = arith.cmpi slt, %add3A_1374, %lt3A_1375 : i32
      %convert_element_type3A_1377 = arith.extui %lt3A_1376 : i1 to i32
      %cond3A_1378 = arith.constant 0 : i32
      %cond3A_1379 = arith.cmpi ne, %convert_element_type3A_1377, %cond3A_1378 : i32
      scf.if %cond3A_1379 {
        %mul3A_1610 = arith.constant 32 : i32
        %mul3A_1611 = arith.muli %add3A_1374, %mul3A_1610 : i32
        %dma_wait3A_1612 = arith.constant 0 : i32
        %dma_wait3A_1613 = arith.constant 0 : i32
        %dma_wait3A_1614 = arith.constant 0 : i32
        %dma_wait3A_1615 = tpu.memref_slice %arg5[%dma_wait3A_1612, %dma_wait3A_1613, %dma_wait3A_1614] : memref<12x32x128xf32, #tpu.memory_space<vmem>> -> memref<1x32x128xf32, #tpu.memory_space<vmem>>
        %dma_wait3A_1616 = tpu.memref_squeeze %dma_wait3A_1615 : memref<1x32x128xf32, #tpu.memory_space<vmem>> -> memref<32x128xf32, #tpu.memory_space<vmem>>
        %dma_wait3A_1617 = arith.constant 0 : i32
        %dma_wait3A_1618 = tpu.memref_slice %arg2[%mul3A_1611, %dma_wait3A_1617] : memref<320000x128xf32, #tpu.memory_space<hbm>> -> memref<32x128xf32, #tpu.memory_space<hbm>>
        %dma_wait3A_1619 = arith.constant 0 : i32
        %dma_wait3A_1620 = arith.constant 0 : i32
        %dma_wait3A_1621 = tpu.memref_slice %arg5[%dma_wait3A_1612, %dma_wait3A_1619, %dma_wait3A_1620] : memref<12x32x128xf32, #tpu.memory_space<vmem>> -> memref<1x32x128xf32, #tpu.memory_space<vmem>>
        %dma_wait3A_1622 = tpu.memref_squeeze %dma_wait3A_1621 : memref<1x32x128xf32, #tpu.memory_space<vmem>> -> memref<32x128xf32, #tpu.memory_space<vmem>>
        %dma_wait3A_1623 = arith.constant 0 : i32
        %dma_wait3A_1624 = tpu.memref_slice %arg2[%mul3A_1611, %dma_wait3A_1623] : memref<320000x128xf32, #tpu.memory_space<hbm>> -> memref<32x128xf32, #tpu.memory_space<hbm>>
        tpu.wait_dma2 semaphore(%arg7 : memref<!tpu.dma_semaphore, #tpu.memory_space<semaphore_mem>>) src(%dma_wait3A_1624 : memref<32x128xf32, #tpu.memory_space<hbm>>) dst(%dma_wait3A_1622 : memref<32x128xf32, #tpu.memory_space<vmem>>)
        %dma_wait3A_1625 = arith.constant 0 : i32
        %dma_wait3A_1626 = arith.constant 0 : i32
        %dma_wait3A_1627 = arith.constant 0 : i32
        %dma_wait3A_1628 = tpu.memref_slice %arg6[%dma_wait3A_1625, %dma_wait3A_1626, %dma_wait3A_1627] : memref<12x1x32xi32, #tpu.memory_space<vmem>> -> memref<1x1x32xi32, #tpu.memory_space<vmem>>
        %dma_wait3A_1629 = tpu.memref_squeeze %dma_wait3A_1628 : memref<1x1x32xi32, #tpu.memory_space<vmem>> -> memref<1x32xi32, #tpu.memory_space<vmem>>
        %dma_wait3A_1630 = arith.constant 0 : i32
        %dma_wait3A_1631 = arith.constant 0 : i32
        %dma_wait3A_1632 = tpu.memref_slice %arg3[%add3A_1374, %dma_wait3A_1630, %dma_wait3A_1631] : memref<10000x1x32xi32, #tpu.memory_space<hbm>> -> memref<1x1x32xi32, #tpu.memory_space<hbm>>
        %dma_wait3A_1633 = tpu.memref_squeeze %dma_wait3A_1632 : memref<1x1x32xi32, #tpu.memory_space<hbm>> -> memref<1x32xi32, #tpu.memory_space<hbm>>
        %dma_wait3A_1634 = arith.constant 0 : i32
        %dma_wait3A_1635 = arith.constant 0 : i32
        %dma_wait3A_1636 = tpu.memref_slice %arg6[%dma_wait3A_1625, %dma_wait3A_1634, %dma_wait3A_1635] : memref<12x1x32xi32, #tpu.memory_space<vmem>> -> memref<1x1x32xi32, #tpu.memory_space<vmem>>
        %dma_wait3A_1637 = tpu.memref_squeeze %dma_wait3A_1636 : memref<1x1x32xi32, #tpu.memory_space<vmem>> -> memref<1x32xi32, #tpu.memory_space<vmem>>
        %dma_wait3A_1638 = arith.constant 0 : i32
        %dma_wait3A_1639 = arith.constant 0 : i32
        %dma_wait3A_1640 = tpu.memref_slice %arg3[%add3A_1374, %dma_wait3A_1638, %dma_wait3A_1639] : memref<10000x1x32xi32, #tpu.memory_space<hbm>> -> memref<1x1x32xi32, #tpu.memory_space<hbm>>
        %dma_wait3A_1641 = tpu.memref_squeeze %dma_wait3A_1640 : memref<1x1x32xi32, #tpu.memory_space<hbm>> -> memref<1x32xi32, #tpu.memory_space<hbm>>
        tpu.wait_dma2 semaphore(%arg7 : memref<!tpu.dma_semaphore, #tpu.memory_space<semaphore_mem>>) src(%dma_wait3A_1641 : memref<1x32xi32, #tpu.memory_space<hbm>>) dst(%dma_wait3A_1637 : memref<1x32xi32, #tpu.memory_space<vmem>>)
        %run_scoped3A_1642 = arith.constant 0 : i32
        %run_scoped3A_1643 = arith.constant 0 : i32
        %run_scoped3A_1644 = arith.constant 0 : i32
        "tpu.region"() ({
          %run_scoped3A_1645 = tpu.sem_alloc : memref<!tpu.dma_semaphore, #tpu.memory_space<semaphore_mem>>
          %dma_start3A_1646 = arith.constant 0 : i32
          %dma_start3A_1647 = arith.constant 0 : i32
          %dma_start3A_1648 = tpu.memref_slice %arg5[%run_scoped3A_1642, %dma_start3A_1646, %dma_start3A_1647] : memref<12x32x128xf32, #tpu.memory_space<vmem>> -> memref<1x32x128xf32, #tpu.memory_space<vmem>>
          %dma_start3A_1649 = tpu.memref_squeeze %dma_start3A_1648 : memref<1x32x128xf32, #tpu.memory_space<vmem>> -> memref<32x128xf32, #tpu.memory_space<vmem>>
          %dma_start3A_1650 = arith.constant 0 : i32
          %dma_start3A_1651 = tpu.memref_slice %arg6[%run_scoped3A_1643, %run_scoped3A_1644, %dma_start3A_1650] : memref<12x1x32xi32, #tpu.memory_space<vmem>> -> memref<1x1x32xi32, #tpu.memory_space<vmem>>
          %dma_start3A_1652 = tpu.memref_squeeze %dma_start3A_1651 : memref<1x1x32xi32, #tpu.memory_space<vmem>> -> memref<32xi32, #tpu.memory_space<vmem>>
          %dma_start3A_1653 = arith.constant 0 : i32
          %dma_start3A_1654 = arith.constant 0 : i32
          %dma_start3A_1655 = tpu.memref_slice %arg19[%dma_start3A_1653, %dma_start3A_1654] : memref<10000x128xf32, #tpu.memory_space<vmem_shared>> -> memref<10000x128xf32, #tpu.memory_space<vmem_shared>>
          tpu.enqueue_indirect_dma source(%dma_start3A_1649 : memref<32x128xf32, #tpu.memory_space<vmem>>) target(%dma_start3A_1655 : memref<10000x128xf32, #tpu.memory_space<vmem_shared>>) offsets(%dma_start3A_1652 : memref<32xi32, #tpu.memory_space<vmem>>) semaphore(%run_scoped3A_1645 : memref<!tpu.dma_semaphore, #tpu.memory_space<semaphore_mem>>) {add = true}
          %dma_wait3A_1656 = arith.constant 0 : i32
          %dma_wait3A_1657 = arith.constant 0 : i32
          %dma_wait3A_1658 = tpu.memref_slice %arg5[%run_scoped3A_1642, %dma_wait3A_1656, %dma_wait3A_1657] : memref<12x32x128xf32, #tpu.memory_space<vmem>> -> memref<1x32x128xf32, #tpu.memory_space<vmem>>
          %dma_wait3A_1659 = tpu.memref_squeeze %dma_wait3A_1658 : memref<1x32x128xf32, #tpu.memory_space<vmem>> -> memref<32x128xf32, #tpu.memory_space<vmem>>
          %dma_wait3A_1660 = arith.constant 0 : i32
          %dma_wait3A_1661 = tpu.memref_slice %arg6[%run_scoped3A_1643, %run_scoped3A_1644, %dma_wait3A_1660] : memref<12x1x32xi32, #tpu.memory_space<vmem>> -> memref<1x1x32xi32, #tpu.memory_space<vmem>>
          %dma_wait3A_1662 = tpu.memref_squeeze %dma_wait3A_1661 : memref<1x1x32xi32, #tpu.memory_space<vmem>> -> memref<32xi32, #tpu.memory_space<vmem>>
          %dma_wait3A_1663 = arith.constant 0 : i32
          %dma_wait3A_1664 = arith.constant 0 : i32
          %dma_wait3A_1665 = tpu.memref_slice %arg19[%dma_wait3A_1663, %dma_wait3A_1664] : memref<10000x128xf32, #tpu.memory_space<vmem_shared>> -> memref<10000x128xf32, #tpu.memory_space<vmem_shared>>
          tpu.wait_indirect_dma semaphore(%run_scoped3A_1645 : memref<!tpu.dma_semaphore, #tpu.memory_space<semaphore_mem>>) src(%dma_wait3A_1659 : memref<32x128xf32, #tpu.memory_space<vmem>>) dst(%dma_wait3A_1665 : memref<10000x128xf32, #tpu.memory_space<vmem_shared>>)
          tpu.yield
        }) : () -> ()
      } else {
      }
      %add3A_1380 = arith.constant 12 : i32
      %add3A_1381 = arith.addi %add3A_1371, %add3A_1380 : i32
      %mul3A_1382 = arith.constant 32 : i32
      %mul3A_1383 = arith.muli %add3A_1381, %mul3A_1382 : i32
      %add3A_1384 = arith.addi %add3A, %mul3A_1383 : i32
      %lt3A_1385 = arith.constant 10000 : i32
      %lt3A_1386 = arith.cmpi slt, %add3A_1384, %lt3A_1385 : i32
      %convert_element_type3A_1387 = arith.extui %lt3A_1386 : i1 to i32
      %cond3A_1388 = arith.constant 0 : i32
      %cond3A_1389 = arith.cmpi ne, %convert_element_type3A_1387, %cond3A_1388 : i32
      scf.if %cond3A_1389 {
        %mul3A_1610 = arith.constant 32 : i32
        %mul3A_1611 = arith.muli %add3A_1384, %mul3A_1610 : i32
        %dma_start3A_1612 = arith.constant 0 : i32
        %dma_start3A_1613 = arith.constant 0 : i32
        %dma_start3A_1614 = arith.constant 0 : i32
        %dma_start3A_1615 = tpu.memref_slice %arg5[%dma_start3A_1612, %dma_start3A_1613, %dma_start3A_1614] : memref<12x32x128xf32, #tpu.memory_space<vmem>> -> memref<1x32x128xf32, #tpu.memory_space<vmem>>
        %dma_start3A_1616 = tpu.memref_squeeze %dma_start3A_1615 : memref<1x32x128xf32, #tpu.memory_space<vmem>> -> memref<32x128xf32, #tpu.memory_space<vmem>>
        %dma_start3A_1617 = arith.constant 0 : i32
        %dma_start3A_1618 = tpu.memref_slice %arg2[%mul3A_1611, %dma_start3A_1617] : memref<320000x128xf32, #tpu.memory_space<hbm>> -> memref<32x128xf32, #tpu.memory_space<hbm>>
        %dma_start3A_1619 = arith.constant 0 : i32
        %dma_start3A_1620 = arith.constant 0 : i32
        %dma_start3A_1621 = tpu.memref_slice %arg5[%dma_start3A_1612, %dma_start3A_1619, %dma_start3A_1620] : memref<12x32x128xf32, #tpu.memory_space<vmem>> -> memref<1x32x128xf32, #tpu.memory_space<vmem>>
        %dma_start3A_1622 = tpu.memref_squeeze %dma_start3A_1621 : memref<1x32x128xf32, #tpu.memory_space<vmem>> -> memref<32x128xf32, #tpu.memory_space<vmem>>
        %dma_start3A_1623 = arith.constant 0 : i32
        %dma_start3A_1624 = tpu.memref_slice %arg2[%mul3A_1611, %dma_start3A_1623] : memref<320000x128xf32, #tpu.memory_space<hbm>> -> memref<32x128xf32, #tpu.memory_space<hbm>>
        tpu.enqueue_dma source(%dma_start3A_1624 : memref<32x128xf32, #tpu.memory_space<hbm>>) target(%dma_start3A_1622 : memref<32x128xf32, #tpu.memory_space<vmem>>) target_semaphore(%arg7 : memref<!tpu.dma_semaphore, #tpu.memory_space<semaphore_mem>>)
        %dma_start3A_1625 = arith.constant 0 : i32
        %dma_start3A_1626 = arith.constant 0 : i32
        %dma_start3A_1627 = arith.constant 0 : i32
        %dma_start3A_1628 = tpu.memref_slice %arg6[%dma_start3A_1625, %dma_start3A_1626, %dma_start3A_1627] : memref<12x1x32xi32, #tpu.memory_space<vmem>> -> memref<1x1x32xi32, #tpu.memory_space<vmem>>
        %dma_start3A_1629 = tpu.memref_squeeze %dma_start3A_1628 : memref<1x1x32xi32, #tpu.memory_space<vmem>> -> memref<1x32xi32, #tpu.memory_space<vmem>>
        %dma_start3A_1630 = arith.constant 0 : i32
        %dma_start3A_1631 = arith.constant 0 : i32
        %dma_start3A_1632 = tpu.memref_slice %arg3[%add3A_1384, %dma_start3A_1630, %dma_start3A_1631] : memref<10000x1x32xi32, #tpu.memory_space<hbm>> -> memref<1x1x32xi32, #tpu.memory_space<hbm>>
        %dma_start3A_1633 = tpu.memref_squeeze %dma_start3A_1632 : memref<1x1x32xi32, #tpu.memory_space<hbm>> -> memref<1x32xi32, #tpu.memory_space<hbm>>
        %dma_start3A_1634 = arith.constant 0 : i32
        %dma_start3A_1635 = arith.constant 0 : i32
        %dma_start3A_1636 = tpu.memref_slice %arg6[%dma_start3A_1625, %dma_start3A_1634, %dma_start3A_1635] : memref<12x1x32xi32, #tpu.memory_space<vmem>> -> memref<1x1x32xi32, #tpu.memory_space<vmem>>
        %dma_start3A_1637 = tpu.memref_squeeze %dma_start3A_1636 : memref<1x1x32xi32, #tpu.memory_space<vmem>> -> memref<1x32xi32, #tpu.memory_space<vmem>>
        %dma_start3A_1638 = arith.constant 0 : i32
        %dma_start3A_1639 = arith.constant 0 : i32
        %dma_start3A_1640 = tpu.memref_slice %arg3[%add3A_1384, %dma_start3A_1638, %dma_start3A_1639] : memref<10000x1x32xi32, #tpu.memory_space<hbm>> -> memref<1x1x32xi32, #tpu.memory_space<hbm>>
        %dma_start3A_1641 = tpu.memref_squeeze %dma_start3A_1640 : memref<1x1x32xi32, #tpu.memory_space<hbm>> -> memref<1x32xi32, #tpu.memory_space<hbm>>
        tpu.enqueue_dma source(%dma_start3A_1641 : memref<1x32xi32, #tpu.memory_space<hbm>>) target(%dma_start3A_1637 : memref<1x32xi32, #tpu.memory_space<vmem>>) target_semaphore(%arg7 : memref<!tpu.dma_semaphore, #tpu.memory_space<semaphore_mem>>)
      } else {
      }
      %add3A_1390 = arith.constant 1 : i32
      %add3A_1391 = arith.addi %mul3A_1369, %add3A_1390 : i32
      %mul3A_1392 = arith.constant 32 : i32
      %mul3A_1393 = arith.muli %add3A_1391, %mul3A_1392 : i32
      %add3A_1394 = arith.addi %add3A, %mul3A_1393 : i32
      %lt3A_1395 = arith.constant 10000 : i32
      %lt3A_1396 = arith.cmpi slt, %add3A_1394, %lt3A_1395 : i32
      %convert_element_type3A_1397 = arith.extui %lt3A_1396 : i1 to i32
      %cond3A_1398 = arith.constant 0 : i32
      %cond3A_1399 = arith.cmpi ne, %convert_element_type3A_1397, %cond3A_1398 : i32
      scf.if %cond3A_1399 {
        %mul3A_1610 = arith.constant 32 : i32
        %mul3A_1611 = arith.muli %add3A_1394, %mul3A_1610 : i32
        %dma_wait3A_1612 = arith.constant 1 : i32
        %dma_wait3A_1613 = arith.constant 0 : i32
        %dma_wait3A_1614 = arith.constant 0 : i32
        %dma_wait3A_1615 = tpu.memref_slice %arg5[%dma_wait3A_1612, %dma_wait3A_1613, %dma_wait3A_1614] : memref<12x32x128xf32, #tpu.memory_space<vmem>> -> memref<1x32x128xf32, #tpu.memory_space<vmem>>
        %dma_wait3A_1616 = tpu.memref_squeeze %dma_wait3A_1615 : memref<1x32x128xf32, #tpu.memory_space<vmem>> -> memref<32x128xf32, #tpu.memory_space<vmem>>
        %dma_wait3A_1617 = arith.constant 0 : i32
        %dma_wait3A_1618 = tpu.memref_slice %arg2[%mul3A_1611, %dma_wait3A_1617] : memref<320000x128xf32, #tpu.memory_space<hbm>> -> memref<32x128xf32, #tpu.memory_space<hbm>>
        %dma_wait3A_1619 = arith.constant 0 : i32
        %dma_wait3A_1620 = arith.constant 0 : i32
        %dma_wait3A_1621 = tpu.memref_slice %arg5[%dma_wait3A_1612, %dma_wait3A_1619, %dma_wait3A_1620] : memref<12x32x128xf32, #tpu.memory_space<vmem>> -> memref<1x32x128xf32, #tpu.memory_space<vmem>>
        %dma_wait3A_1622 = tpu.memref_squeeze %dma_wait3A_1621 : memref<1x32x128xf32, #tpu.memory_space<vmem>> -> memref<32x128xf32, #tpu.memory_space<vmem>>
        %dma_wait3A_1623 = arith.constant 0 : i32
        %dma_wait3A_1624 = tpu.memref_slice %arg2[%mul3A_1611, %dma_wait3A_1623] : memref<320000x128xf32, #tpu.memory_space<hbm>> -> memref<32x128xf32, #tpu.memory_space<hbm>>
        tpu.wait_dma2 semaphore(%arg8 : memref<!tpu.dma_semaphore, #tpu.memory_space<semaphore_mem>>) src(%dma_wait3A_1624 : memref<32x128xf32, #tpu.memory_space<hbm>>) dst(%dma_wait3A_1622 : memref<32x128xf32, #tpu.memory_space<vmem>>)
        %dma_wait3A_1625 = arith.constant 1 : i32
        %dma_wait3A_1626 = arith.constant 0 : i32
        %dma_wait3A_1627 = arith.constant 0 : i32
        %dma_wait3A_1628 = tpu.memref_slice %arg6[%dma_wait3A_1625, %dma_wait3A_1626, %dma_wait3A_1627] : memref<12x1x32xi32, #tpu.memory_space<vmem>> -> memref<1x1x32xi32, #tpu.memory_space<vmem>>
        %dma_wait3A_1629 = tpu.memref_squeeze %dma_wait3A_1628 : memref<1x1x32xi32, #tpu.memory_space<vmem>> -> memref<1x32xi32, #tpu.memory_space<vmem>>
        %dma_wait3A_1630 = arith.constant 0 : i32
        %dma_wait3A_1631 = arith.constant 0 : i32
        %dma_wait3A_1632 = tpu.memref_slice %arg3[%add3A_1394, %dma_wait3A_1630, %dma_wait3A_1631] : memref<10000x1x32xi32, #tpu.memory_space<hbm>> -> memref<1x1x32xi32, #tpu.memory_space<hbm>>
        %dma_wait3A_1633 = tpu.memref_squeeze %dma_wait3A_1632 : memref<1x1x32xi32, #tpu.memory_space<hbm>> -> memref<1x32xi32, #tpu.memory_space<hbm>>
        %dma_wait3A_1634 = arith.constant 0 : i32
        %dma_wait3A_1635 = arith.constant 0 : i32
        %dma_wait3A_1636 = tpu.memref_slice %arg6[%dma_wait3A_1625, %dma_wait3A_1634, %dma_wait3A_1635] : memref<12x1x32xi32, #tpu.memory_space<vmem>> -> memref<1x1x32xi32, #tpu.memory_space<vmem>>
        %dma_wait3A_1637 = tpu.memref_squeeze %dma_wait3A_1636 : memref<1x1x32xi32, #tpu.memory_space<vmem>> -> memref<1x32xi32, #tpu.memory_space<vmem>>
        %dma_wait3A_1638 = arith.constant 0 : i32
        %dma_wait3A_1639 = arith.constant 0 : i32
        %dma_wait3A_1640 = tpu.memref_slice %arg3[%add3A_1394, %dma_wait3A_1638, %dma_wait3A_1639] : memref<10000x1x32xi32, #tpu.memory_space<hbm>> -> memref<1x1x32xi32, #tpu.memory_space<hbm>>
        %dma_wait3A_1641 = tpu.memref_squeeze %dma_wait3A_1640 : memref<1x1x32xi32, #tpu.memory_space<hbm>> -> memref<1x32xi32, #tpu.memory_space<hbm>>
        tpu.wait_dma2 semaphore(%arg8 : memref<!tpu.dma_semaphore, #tpu.memory_space<semaphore_mem>>) src(%dma_wait3A_1641 : memref<1x32xi32, #tpu.memory_space<hbm>>) dst(%dma_wait3A_1637 : memref<1x32xi32, #tpu.memory_space<vmem>>)
        %run_scoped3A_1642 = arith.constant 1 : i32
        %run_scoped3A_1643 = arith.constant 1 : i32
        %run_scoped3A_1644 = arith.constant 0 : i32
        "tpu.region"() ({
          %run_scoped3A_1645 = tpu.sem_alloc : memref<!tpu.dma_semaphore, #tpu.memory_space<semaphore_mem>>
          %dma_start3A_1646 = arith.constant 0 : i32
          %dma_start3A_1647 = arith.constant 0 : i32
          %dma_start3A_1648 = tpu.memref_slice %arg5[%run_scoped3A_1642, %dma_start3A_1646, %dma_start3A_1647] : memref<12x32x128xf32, #tpu.memory_space<vmem>> -> memref<1x32x128xf32, #tpu.memory_space<vmem>>
          %dma_start3A_1649 = tpu.memref_squeeze %dma_start3A_1648 : memref<1x32x128xf32, #tpu.memory_space<vmem>> -> memref<32x128xf32, #tpu.memory_space<vmem>>
          %dma_start3A_1650 = arith.constant 0 : i32
          %dma_start3A_1651 = tpu.memref_slice %arg6[%run_scoped3A_1643, %run_scoped3A_1644, %dma_start3A_1650] : memref<12x1x32xi32, #tpu.memory_space<vmem>> -> memref<1x1x32xi32, #tpu.memory_space<vmem>>
          %dma_start3A_1652 = tpu.memref_squeeze %dma_start3A_1651 : memref<1x1x32xi32, #tpu.memory_space<vmem>> -> memref<32xi32, #tpu.memory_space<vmem>>
          %dma_start3A_1653 = arith.constant 0 : i32
          %dma_start3A_1654 = arith.constant 0 : i32
          %dma_start3A_1655 = tpu.memref_slice %arg19[%dma_start3A_1653, %dma_start3A_1654] : memref<10000x128xf32, #tpu.memory_space<vmem_shared>> -> memref<10000x128xf32, #tpu.memory_space<vmem_shared>>
          tpu.enqueue_indirect_dma source(%dma_start3A_1649 : memref<32x128xf32, #tpu.memory_space<vmem>>) target(%dma_start3A_1655 : memref<10000x128xf32, #tpu.memory_space<vmem_shared>>) offsets(%dma_start3A_1652 : memref<32xi32, #tpu.memory_space<vmem>>) semaphore(%run_scoped3A_1645 : memref<!tpu.dma_semaphore, #tpu.memory_space<semaphore_mem>>) {add = true}
          %dma_wait3A_1656 = arith.constant 0 : i32
          %dma_wait3A_1657 = arith.constant 0 : i32
          %dma_wait3A_1658 = tpu.memref_slice %arg5[%run_scoped3A_1642, %dma_wait3A_1656, %dma_wait3A_1657] : memref<12x32x128xf32, #tpu.memory_space<vmem>> -> memref<1x32x128xf32, #tpu.memory_space<vmem>>
          %dma_wait3A_1659 = tpu.memref_squeeze %dma_wait3A_1658 : memref<1x32x128xf32, #tpu.memory_space<vmem>> -> memref<32x128xf32, #tpu.memory_space<vmem>>
          %dma_wait3A_1660 = arith.constant 0 : i32
          %dma_wait3A_1661 = tpu.memref_slice %arg6[%run_scoped3A_1643, %run_scoped3A_1644, %dma_wait3A_1660] : memref<12x1x32xi32, #tpu.memory_space<vmem>> -> memref<1x1x32xi32, #tpu.memory_space<vmem>>
          %dma_wait3A_1662 = tpu.memref_squeeze %dma_wait3A_1661 : memref<1x1x32xi32, #tpu.memory_space<vmem>> -> memref<32xi32, #tpu.memory_space<vmem>>
          %dma_wait3A_1663 = arith.constant 0 : i32
          %dma_wait3A_1664 = arith.constant 0 : i32
          %dma_wait3A_1665 = tpu.memref_slice %arg19[%dma_wait3A_1663, %dma_wait3A_1664] : memref<10000x128xf32, #tpu.memory_space<vmem_shared>> -> memref<10000x128xf32, #tpu.memory_space<vmem_shared>>
          tpu.wait_indirect_dma semaphore(%run_scoped3A_1645 : memref<!tpu.dma_semaphore, #tpu.memory_space<semaphore_mem>>) src(%dma_wait3A_1659 : memref<32x128xf32, #tpu.memory_space<vmem>>) dst(%dma_wait3A_1665 : memref<10000x128xf32, #tpu.memory_space<vmem_shared>>)
          tpu.yield
        }) : () -> ()
      } else {
      }
      %add3A_1400 = arith.constant 12 : i32
      %add3A_1401 = arith.addi %add3A_1391, %add3A_1400 : i32
      %mul3A_1402 = arith.constant 32 : i32
      %mul3A_1403 = arith.muli %add3A_1401, %mul3A_1402 : i32
      %add3A_1404 = arith.addi %add3A, %mul3A_1403 : i32
      %lt3A_1405 = arith.constant 10000 : i32
      %lt3A_1406 = arith.cmpi slt, %add3A_1404, %lt3A_1405 : i32
      %convert_element_type3A_1407 = arith.extui %lt3A_1406 : i1 to i32
      %cond3A_1408 = arith.constant 0 : i32
      %cond3A_1409 = arith.cmpi ne, %convert_element_type3A_1407, %cond3A_1408 : i32
      scf.if %cond3A_1409 {
        %mul3A_1610 = arith.constant 32 : i32
        %mul3A_1611 = arith.muli %add3A_1404, %mul3A_1610 : i32
        %dma_start3A_1612 = arith.constant 1 : i32
        %dma_start3A_1613 = arith.constant 0 : i32
        %dma_start3A_1614 = arith.constant 0 : i32
        %dma_start3A_1615 = tpu.memref_slice %arg5[%dma_start3A_1612, %dma_start3A_1613, %dma_start3A_1614] : memref<12x32x128xf32, #tpu.memory_space<vmem>> -> memref<1x32x128xf32, #tpu.memory_space<vmem>>
        %dma_start3A_1616 = tpu.memref_squeeze %dma_start3A_1615 : memref<1x32x128xf32, #tpu.memory_space<vmem>> -> memref<32x128xf32, #tpu.memory_space<vmem>>
        %dma_start3A_1617 = arith.constant 0 : i32
        %dma_start3A_1618 = tpu.memref_slice %arg2[%mul3A_1611, %dma_start3A_1617] : memref<320000x128xf32, #tpu.memory_space<hbm>> -> memref<32x128xf32, #tpu.memory_space<hbm>>
        %dma_start3A_1619 = arith.constant 0 : i32
        %dma_start3A_1620 = arith.constant 0 : i32
        %dma_start3A_1621 = tpu.memref_slice %arg5[%dma_start3A_1612, %dma_start3A_1619, %dma_start3A_1620] : memref<12x32x128xf32, #tpu.memory_space<vmem>> -> memref<1x32x128xf32, #tpu.memory_space<vmem>>
        %dma_start3A_1622 = tpu.memref_squeeze %dma_start3A_1621 : memref<1x32x128xf32, #tpu.memory_space<vmem>> -> memref<32x128xf32, #tpu.memory_space<vmem>>
        %dma_start3A_1623 = arith.constant 0 : i32
        %dma_start3A_1624 = tpu.memref_slice %arg2[%mul3A_1611, %dma_start3A_1623] : memref<320000x128xf32, #tpu.memory_space<hbm>> -> memref<32x128xf32, #tpu.memory_space<hbm>>
        tpu.enqueue_dma source(%dma_start3A_1624 : memref<32x128xf32, #tpu.memory_space<hbm>>) target(%dma_start3A_1622 : memref<32x128xf32, #tpu.memory_space<vmem>>) target_semaphore(%arg8 : memref<!tpu.dma_semaphore, #tpu.memory_space<semaphore_mem>>)
        %dma_start3A_1625 = arith.constant 1 : i32
        %dma_start3A_1626 = arith.constant 0 : i32
        %dma_start3A_1627 = arith.constant 0 : i32
        %dma_start3A_1628 = tpu.memref_slice %arg6[%dma_start3A_1625, %dma_start3A_1626, %dma_start3A_1627] : memref<12x1x32xi32, #tpu.memory_space<vmem>> -> memref<1x1x32xi32, #tpu.memory_space<vmem>>
        %dma_start3A_1629 = tpu.memref_squeeze %dma_start3A_1628 : memref<1x1x32xi32, #tpu.memory_space<vmem>> -> memref<1x32xi32, #tpu.memory_space<vmem>>
        %dma_start3A_1630 = arith.constant 0 : i32
        %dma_start3A_1631 = arith.constant 0 : i32
        %dma_start3A_1632 = tpu.memref_slice %arg3[%add3A_1404, %dma_start3A_1630, %dma_start3A_1631] : memref<10000x1x32xi32, #tpu.memory_space<hbm>> -> memref<1x1x32xi32, #tpu.memory_space<hbm>>
        %dma_start3A_1633 = tpu.memref_squeeze %dma_start3A_1632 : memref<1x1x32xi32, #tpu.memory_space<hbm>> -> memref<1x32xi32, #tpu.memory_space<hbm>>
        %dma_start3A_1634 = arith.constant 0 : i32
        %dma_start3A_1635 = arith.constant 0 : i32
        %dma_start3A_1636 = tpu.memref_slice %arg6[%dma_start3A_1625, %dma_start3A_1634, %dma_start3A_1635] : memref<12x1x32xi32, #tpu.memory_space<vmem>> -> memref<1x1x32xi32, #tpu.memory_space<vmem>>
        %dma_start3A_1637 = tpu.memref_squeeze %dma_start3A_1636 : memref<1x1x32xi32, #tpu.memory_space<vmem>> -> memref<1x32xi32, #tpu.memory_space<vmem>>
        %dma_start3A_1638 = arith.constant 0 : i32
        %dma_start3A_1639 = arith.constant 0 : i32
        %dma_start3A_1640 = tpu.memref_slice %arg3[%add3A_1404, %dma_start3A_1638, %dma_start3A_1639] : memref<10000x1x32xi32, #tpu.memory_space<hbm>> -> memref<1x1x32xi32, #tpu.memory_space<hbm>>
        %dma_start3A_1641 = tpu.memref_squeeze %dma_start3A_1640 : memref<1x1x32xi32, #tpu.memory_space<hbm>> -> memref<1x32xi32, #tpu.memory_space<hbm>>
        tpu.enqueue_dma source(%dma_start3A_1641 : memref<1x32xi32, #tpu.memory_space<hbm>>) target(%dma_start3A_1637 : memref<1x32xi32, #tpu.memory_space<vmem>>) target_semaphore(%arg8 : memref<!tpu.dma_semaphore, #tpu.memory_space<semaphore_mem>>)
      } else {
      }
      %add3A_1410 = arith.constant 2 : i32
      %add3A_1411 = arith.addi %mul3A_1369, %add3A_1410 : i32
      %mul3A_1412 = arith.constant 32 : i32
      %mul3A_1413 = arith.muli %add3A_1411, %mul3A_1412 : i32
      %add3A_1414 = arith.addi %add3A, %mul3A_1413 : i32
      %lt3A_1415 = arith.constant 10000 : i32
      %lt3A_1416 = arith.cmpi slt, %add3A_1414, %lt3A_1415 : i32
      %convert_element_type3A_1417 = arith.extui %lt3A_1416 : i1 to i32
      %cond3A_1418 = arith.constant 0 : i32
      %cond3A_1419 = arith.cmpi ne, %convert_element_type3A_1417, %cond3A_1418 : i32
      scf.if %cond3A_1419 {
        %mul3A_1610 = arith.constant 32 : i32
        %mul3A_1611 = arith.muli %add3A_1414, %mul3A_1610 : i32
        %dma_wait3A_1612 = arith.constant 2 : i32
        %dma_wait3A_1613 = arith.constant 0 : i32
        %dma_wait3A_1614 = arith.constant 0 : i32
        %dma_wait3A_1615 = tpu.memref_slice %arg5[%dma_wait3A_1612, %dma_wait3A_1613, %dma_wait3A_1614] : memref<12x32x128xf32, #tpu.memory_space<vmem>> -> memref<1x32x128xf32, #tpu.memory_space<vmem>>
        %dma_wait3A_1616 = tpu.memref_squeeze %dma_wait3A_1615 : memref<1x32x128xf32, #tpu.memory_space<vmem>> -> memref<32x128xf32, #tpu.memory_space<vmem>>
        %dma_wait3A_1617 = arith.constant 0 : i32
        %dma_wait3A_1618 = tpu.memref_slice %arg2[%mul3A_1611, %dma_wait3A_1617] : memref<320000x128xf32, #tpu.memory_space<hbm>> -> memref<32x128xf32, #tpu.memory_space<hbm>>
        %dma_wait3A_1619 = arith.constant 0 : i32
        %dma_wait3A_1620 = arith.constant 0 : i32
        %dma_wait3A_1621 = tpu.memref_slice %arg5[%dma_wait3A_1612, %dma_wait3A_1619, %dma_wait3A_1620] : memref<12x32x128xf32, #tpu.memory_space<vmem>> -> memref<1x32x128xf32, #tpu.memory_space<vmem>>
        %dma_wait3A_1622 = tpu.memref_squeeze %dma_wait3A_1621 : memref<1x32x128xf32, #tpu.memory_space<vmem>> -> memref<32x128xf32, #tpu.memory_space<vmem>>
        %dma_wait3A_1623 = arith.constant 0 : i32
        %dma_wait3A_1624 = tpu.memref_slice %arg2[%mul3A_1611, %dma_wait3A_1623] : memref<320000x128xf32, #tpu.memory_space<hbm>> -> memref<32x128xf32, #tpu.memory_space<hbm>>
        tpu.wait_dma2 semaphore(%arg9 : memref<!tpu.dma_semaphore, #tpu.memory_space<semaphore_mem>>) src(%dma_wait3A_1624 : memref<32x128xf32, #tpu.memory_space<hbm>>) dst(%dma_wait3A_1622 : memref<32x128xf32, #tpu.memory_space<vmem>>)
        %dma_wait3A_1625 = arith.constant 2 : i32
        %dma_wait3A_1626 = arith.constant 0 : i32
        %dma_wait3A_1627 = arith.constant 0 : i32
        %dma_wait3A_1628 = tpu.memref_slice %arg6[%dma_wait3A_1625, %dma_wait3A_1626, %dma_wait3A_1627] : memref<12x1x32xi32, #tpu.memory_space<vmem>> -> memref<1x1x32xi32, #tpu.memory_space<vmem>>
        %dma_wait3A_1629 = tpu.memref_squeeze %dma_wait3A_1628 : memref<1x1x32xi32, #tpu.memory_space<vmem>> -> memref<1x32xi32, #tpu.memory_space<vmem>>
        %dma_wait3A_1630 = arith.constant 0 : i32
        %dma_wait3A_1631 = arith.constant 0 : i32
        %dma_wait3A_1632 = tpu.memref_slice %arg3[%add3A_1414, %dma_wait3A_1630, %dma_wait3A_1631] : memref<10000x1x32xi32, #tpu.memory_space<hbm>> -> memref<1x1x32xi32, #tpu.memory_space<hbm>>
        %dma_wait3A_1633 = tpu.memref_squeeze %dma_wait3A_1632 : memref<1x1x32xi32, #tpu.memory_space<hbm>> -> memref<1x32xi32, #tpu.memory_space<hbm>>
        %dma_wait3A_1634 = arith.constant 0 : i32
        %dma_wait3A_1635 = arith.constant 0 : i32
        %dma_wait3A_1636 = tpu.memref_slice %arg6[%dma_wait3A_1625, %dma_wait3A_1634, %dma_wait3A_1635] : memref<12x1x32xi32, #tpu.memory_space<vmem>> -> memref<1x1x32xi32, #tpu.memory_space<vmem>>
        %dma_wait3A_1637 = tpu.memref_squeeze %dma_wait3A_1636 : memref<1x1x32xi32, #tpu.memory_space<vmem>> -> memref<1x32xi32, #tpu.memory_space<vmem>>
        %dma_wait3A_1638 = arith.constant 0 : i32
        %dma_wait3A_1639 = arith.constant 0 : i32
        %dma_wait3A_1640 = tpu.memref_slice %arg3[%add3A_1414, %dma_wait3A_1638, %dma_wait3A_1639] : memref<10000x1x32xi32, #tpu.memory_space<hbm>> -> memref<1x1x32xi32, #tpu.memory_space<hbm>>
        %dma_wait3A_1641 = tpu.memref_squeeze %dma_wait3A_1640 : memref<1x1x32xi32, #tpu.memory_space<hbm>> -> memref<1x32xi32, #tpu.memory_space<hbm>>
        tpu.wait_dma2 semaphore(%arg9 : memref<!tpu.dma_semaphore, #tpu.memory_space<semaphore_mem>>) src(%dma_wait3A_1641 : memref<1x32xi32, #tpu.memory_space<hbm>>) dst(%dma_wait3A_1637 : memref<1x32xi32, #tpu.memory_space<vmem>>)
        %run_scoped3A_1642 = arith.constant 2 : i32
        %run_scoped3A_1643 = arith.constant 2 : i32
        %run_scoped3A_1644 = arith.constant 0 : i32
        "tpu.region"() ({
          %run_scoped3A_1645 = tpu.sem_alloc : memref<!tpu.dma_semaphore, #tpu.memory_space<semaphore_mem>>
          %dma_start3A_1646 = arith.constant 0 : i32
          %dma_start3A_1647 = arith.constant 0 : i32
          %dma_start3A_1648 = tpu.memref_slice %arg5[%run_scoped3A_1642, %dma_start3A_1646, %dma_start3A_1647] : memref<12x32x128xf32, #tpu.memory_space<vmem>> -> memref<1x32x128xf32, #tpu.memory_space<vmem>>
          %dma_start3A_1649 = tpu.memref_squeeze %dma_start3A_1648 : memref<1x32x128xf32, #tpu.memory_space<vmem>> -> memref<32x128xf32, #tpu.memory_space<vmem>>
          %dma_start3A_1650 = arith.constant 0 : i32
          %dma_start3A_1651 = tpu.memref_slice %arg6[%run_scoped3A_1643, %run_scoped3A_1644, %dma_start3A_1650] : memref<12x1x32xi32, #tpu.memory_space<vmem>> -> memref<1x1x32xi32, #tpu.memory_space<vmem>>
          %dma_start3A_1652 = tpu.memref_squeeze %dma_start3A_1651 : memref<1x1x32xi32, #tpu.memory_space<vmem>> -> memref<32xi32, #tpu.memory_space<vmem>>
          %dma_start3A_1653 = arith.constant 0 : i32
          %dma_start3A_1654 = arith.constant 0 : i32
          %dma_start3A_1655 = tpu.memref_slice %arg19[%dma_start3A_1653, %dma_start3A_1654] : memref<10000x128xf32, #tpu.memory_space<vmem_shared>> -> memref<10000x128xf32, #tpu.memory_space<vmem_shared>>
          tpu.enqueue_indirect_dma source(%dma_start3A_1649 : memref<32x128xf32, #tpu.memory_space<vmem>>) target(%dma_start3A_1655 : memref<10000x128xf32, #tpu.memory_space<vmem_shared>>) offsets(%dma_start3A_1652 : memref<32xi32, #tpu.memory_space<vmem>>) semaphore(%run_scoped3A_1645 : memref<!tpu.dma_semaphore, #tpu.memory_space<semaphore_mem>>) {add = true}
          %dma_wait3A_1656 = arith.constant 0 : i32
          %dma_wait3A_1657 = arith.constant 0 : i32
          %dma_wait3A_1658 = tpu.memref_slice %arg5[%run_scoped3A_1642, %dma_wait3A_1656, %dma_wait3A_1657] : memref<12x32x128xf32, #tpu.memory_space<vmem>> -> memref<1x32x128xf32, #tpu.memory_space<vmem>>
          %dma_wait3A_1659 = tpu.memref_squeeze %dma_wait3A_1658 : memref<1x32x128xf32, #tpu.memory_space<vmem>> -> memref<32x128xf32, #tpu.memory_space<vmem>>
          %dma_wait3A_1660 = arith.constant 0 : i32
          %dma_wait3A_1661 = tpu.memref_slice %arg6[%run_scoped3A_1643, %run_scoped3A_1644, %dma_wait3A_1660] : memref<12x1x32xi32, #tpu.memory_space<vmem>> -> memref<1x1x32xi32, #tpu.memory_space<vmem>>
          %dma_wait3A_1662 = tpu.memref_squeeze %dma_wait3A_1661 : memref<1x1x32xi32, #tpu.memory_space<vmem>> -> memref<32xi32, #tpu.memory_space<vmem>>
          %dma_wait3A_1663 = arith.constant 0 : i32
          %dma_wait3A_1664 = arith.constant 0 : i32
          %dma_wait3A_1665 = tpu.memref_slice %arg19[%dma_wait3A_1663, %dma_wait3A_1664] : memref<10000x128xf32, #tpu.memory_space<vmem_shared>> -> memref<10000x128xf32, #tpu.memory_space<vmem_shared>>
          tpu.wait_indirect_dma semaphore(%run_scoped3A_1645 : memref<!tpu.dma_semaphore, #tpu.memory_space<semaphore_mem>>) src(%dma_wait3A_1659 : memref<32x128xf32, #tpu.memory_space<vmem>>) dst(%dma_wait3A_1665 : memref<10000x128xf32, #tpu.memory_space<vmem_shared>>)
          tpu.yield
        }) : () -> ()
      } else {
      }
      %add3A_1420 = arith.constant 12 : i32
      %add3A_1421 = arith.addi %add3A_1411, %add3A_1420 : i32
      %mul3A_1422 = arith.constant 32 : i32
      %mul3A_1423 = arith.muli %add3A_1421, %mul3A_1422 : i32
      %add3A_1424 = arith.addi %add3A, %mul3A_1423 : i32
      %lt3A_1425 = arith.constant 10000 : i32
      %lt3A_1426 = arith.cmpi slt, %add3A_1424, %lt3A_1425 : i32
      %convert_element_type3A_1427 = arith.extui %lt3A_1426 : i1 to i32
      %cond3A_1428 = arith.constant 0 : i32
      %cond3A_1429 = arith.cmpi ne, %convert_element_type3A_1427, %cond3A_1428 : i32
      scf.if %cond3A_1429 {
        %mul3A_1610 = arith.constant 32 : i32
        %mul3A_1611 = arith.muli %add3A_1424, %mul3A_1610 : i32
        %dma_start3A_1612 = arith.constant 2 : i32
        %dma_start3A_1613 = arith.constant 0 : i32
        %dma_start3A_1614 = arith.constant 0 : i32
        %dma_start3A_1615 = tpu.memref_slice %arg5[%dma_start3A_1612, %dma_start3A_1613, %dma_start3A_1614] : memref<12x32x128xf32, #tpu.memory_space<vmem>> -> memref<1x32x128xf32, #tpu.memory_space<vmem>>
        %dma_start3A_1616 = tpu.memref_squeeze %dma_start3A_1615 : memref<1x32x128xf32, #tpu.memory_space<vmem>> -> memref<32x128xf32, #tpu.memory_space<vmem>>
        %dma_start3A_1617 = arith.constant 0 : i32
        %dma_start3A_1618 = tpu.memref_slice %arg2[%mul3A_1611, %dma_start3A_1617] : memref<320000x128xf32, #tpu.memory_space<hbm>> -> memref<32x128xf32, #tpu.memory_space<hbm>>
        %dma_start3A_1619 = arith.constant 0 : i32
        %dma_start3A_1620 = arith.constant 0 : i32
        %dma_start3A_1621 = tpu.memref_slice %arg5[%dma_start3A_1612, %dma_start3A_1619, %dma_start3A_1620] : memref<12x32x128xf32, #tpu.memory_space<vmem>> -> memref<1x32x128xf32, #tpu.memory_space<vmem>>
        %dma_start3A_1622 = tpu.memref_squeeze %dma_start3A_1621 : memref<1x32x128xf32, #tpu.memory_space<vmem>> -> memref<32x128xf32, #tpu.memory_space<vmem>>
        %dma_start3A_1623 = arith.constant 0 : i32
        %dma_start3A_1624 = tpu.memref_slice %arg2[%mul3A_1611, %dma_start3A_1623] : memref<320000x128xf32, #tpu.memory_space<hbm>> -> memref<32x128xf32, #tpu.memory_space<hbm>>
        tpu.enqueue_dma source(%dma_start3A_1624 : memref<32x128xf32, #tpu.memory_space<hbm>>) target(%dma_start3A_1622 : memref<32x128xf32, #tpu.memory_space<vmem>>) target_semaphore(%arg9 : memref<!tpu.dma_semaphore, #tpu.memory_space<semaphore_mem>>)
        %dma_start3A_1625 = arith.constant 2 : i32
        %dma_start3A_1626 = arith.constant 0 : i32
        %dma_start3A_1627 = arith.constant 0 : i32
        %dma_start3A_1628 = tpu.memref_slice %arg6[%dma_start3A_1625, %dma_start3A_1626, %dma_start3A_1627] : memref<12x1x32xi32, #tpu.memory_space<vmem>> -> memref<1x1x32xi32, #tpu.memory_space<vmem>>
        %dma_start3A_1629 = tpu.memref_squeeze %dma_start3A_1628 : memref<1x1x32xi32, #tpu.memory_space<vmem>> -> memref<1x32xi32, #tpu.memory_space<vmem>>
        %dma_start3A_1630 = arith.constant 0 : i32
        %dma_start3A_1631 = arith.constant 0 : i32
        %dma_start3A_1632 = tpu.memref_slice %arg3[%add3A_1424, %dma_start3A_1630, %dma_start3A_1631] : memref<10000x1x32xi32, #tpu.memory_space<hbm>> -> memref<1x1x32xi32, #tpu.memory_space<hbm>>
        %dma_start3A_1633 = tpu.memref_squeeze %dma_start3A_1632 : memref<1x1x32xi32, #tpu.memory_space<hbm>> -> memref<1x32xi32, #tpu.memory_space<hbm>>
        %dma_start3A_1634 = arith.constant 0 : i32
        %dma_start3A_1635 = arith.constant 0 : i32
        %dma_start3A_1636 = tpu.memref_slice %arg6[%dma_start3A_1625, %dma_start3A_1634, %dma_start3A_1635] : memref<12x1x32xi32, #tpu.memory_space<vmem>> -> memref<1x1x32xi32, #tpu.memory_space<vmem>>
        %dma_start3A_1637 = tpu.memref_squeeze %dma_start3A_1636 : memref<1x1x32xi32, #tpu.memory_space<vmem>> -> memref<1x32xi32, #tpu.memory_space<vmem>>
        %dma_start3A_1638 = arith.constant 0 : i32
        %dma_start3A_1639 = arith.constant 0 : i32
        %dma_start3A_1640 = tpu.memref_slice %arg3[%add3A_1424, %dma_start3A_1638, %dma_start3A_1639] : memref<10000x1x32xi32, #tpu.memory_space<hbm>> -> memref<1x1x32xi32, #tpu.memory_space<hbm>>
        %dma_start3A_1641 = tpu.memref_squeeze %dma_start3A_1640 : memref<1x1x32xi32, #tpu.memory_space<hbm>> -> memref<1x32xi32, #tpu.memory_space<hbm>>
        tpu.enqueue_dma source(%dma_start3A_1641 : memref<1x32xi32, #tpu.memory_space<hbm>>) target(%dma_start3A_1637 : memref<1x32xi32, #tpu.memory_space<vmem>>) target_semaphore(%arg9 : memref<!tpu.dma_semaphore, #tpu.memory_space<semaphore_mem>>)
      } else {
      }
      %add3A_1430 = arith.constant 3 : i32
      %add3A_1431 = arith.addi %mul3A_1369, %add3A_1430 : i32
      %mul3A_1432 = arith.constant 32 : i32
      %mul3A_1433 = arith.muli %add3A_1431, %mul3A_1432 : i32
      %add3A_1434 = arith.addi %add3A, %mul3A_1433 : i32
      %lt3A_1435 = arith.constant 10000 : i32
      %lt3A_1436 = arith.cmpi slt, %add3A_1434, %lt3A_1435 : i32
      %convert_element_type3A_1437 = arith.extui %lt3A_1436 : i1 to i32
      %cond3A_1438 = arith.constant 0 : i32
      %cond3A_1439 = arith.cmpi ne, %convert_element_type3A_1437, %cond3A_1438 : i32
      scf.if %cond3A_1439 {
        %mul3A_1610 = arith.constant 32 : i32
        %mul3A_1611 = arith.muli %add3A_1434, %mul3A_1610 : i32
        %dma_wait3A_1612 = arith.constant 3 : i32
        %dma_wait3A_1613 = arith.constant 0 : i32
        %dma_wait3A_1614 = arith.constant 0 : i32
        %dma_wait3A_1615 = tpu.memref_slice %arg5[%dma_wait3A_1612, %dma_wait3A_1613, %dma_wait3A_1614] : memref<12x32x128xf32, #tpu.memory_space<vmem>> -> memref<1x32x128xf32, #tpu.memory_space<vmem>>
        %dma_wait3A_1616 = tpu.memref_squeeze %dma_wait3A_1615 : memref<1x32x128xf32, #tpu.memory_space<vmem>> -> memref<32x128xf32, #tpu.memory_space<vmem>>
        %dma_wait3A_1617 = arith.constant 0 : i32
        %dma_wait3A_1618 = tpu.memref_slice %arg2[%mul3A_1611, %dma_wait3A_1617] : memref<320000x128xf32, #tpu.memory_space<hbm>> -> memref<32x128xf32, #tpu.memory_space<hbm>>
        %dma_wait3A_1619 = arith.constant 0 : i32
        %dma_wait3A_1620 = arith.constant 0 : i32
        %dma_wait3A_1621 = tpu.memref_slice %arg5[%dma_wait3A_1612, %dma_wait3A_1619, %dma_wait3A_1620] : memref<12x32x128xf32, #tpu.memory_space<vmem>> -> memref<1x32x128xf32, #tpu.memory_space<vmem>>
        %dma_wait3A_1622 = tpu.memref_squeeze %dma_wait3A_1621 : memref<1x32x128xf32, #tpu.memory_space<vmem>> -> memref<32x128xf32, #tpu.memory_space<vmem>>
        %dma_wait3A_1623 = arith.constant 0 : i32
        %dma_wait3A_1624 = tpu.memref_slice %arg2[%mul3A_1611, %dma_wait3A_1623] : memref<320000x128xf32, #tpu.memory_space<hbm>> -> memref<32x128xf32, #tpu.memory_space<hbm>>
        tpu.wait_dma2 semaphore(%arg10 : memref<!tpu.dma_semaphore, #tpu.memory_space<semaphore_mem>>) src(%dma_wait3A_1624 : memref<32x128xf32, #tpu.memory_space<hbm>>) dst(%dma_wait3A_1622 : memref<32x128xf32, #tpu.memory_space<vmem>>)
        %dma_wait3A_1625 = arith.constant 3 : i32
        %dma_wait3A_1626 = arith.constant 0 : i32
        %dma_wait3A_1627 = arith.constant 0 : i32
        %dma_wait3A_1628 = tpu.memref_slice %arg6[%dma_wait3A_1625, %dma_wait3A_1626, %dma_wait3A_1627] : memref<12x1x32xi32, #tpu.memory_space<vmem>> -> memref<1x1x32xi32, #tpu.memory_space<vmem>>
        %dma_wait3A_1629 = tpu.memref_squeeze %dma_wait3A_1628 : memref<1x1x32xi32, #tpu.memory_space<vmem>> -> memref<1x32xi32, #tpu.memory_space<vmem>>
        %dma_wait3A_1630 = arith.constant 0 : i32
        %dma_wait3A_1631 = arith.constant 0 : i32
        %dma_wait3A_1632 = tpu.memref_slice %arg3[%add3A_1434, %dma_wait3A_1630, %dma_wait3A_1631] : memref<10000x1x32xi32, #tpu.memory_space<hbm>> -> memref<1x1x32xi32, #tpu.memory_space<hbm>>
        %dma_wait3A_1633 = tpu.memref_squeeze %dma_wait3A_1632 : memref<1x1x32xi32, #tpu.memory_space<hbm>> -> memref<1x32xi32, #tpu.memory_space<hbm>>
        %dma_wait3A_1634 = arith.constant 0 : i32
        %dma_wait3A_1635 = arith.constant 0 : i32
        %dma_wait3A_1636 = tpu.memref_slice %arg6[%dma_wait3A_1625, %dma_wait3A_1634, %dma_wait3A_1635] : memref<12x1x32xi32, #tpu.memory_space<vmem>> -> memref<1x1x32xi32, #tpu.memory_space<vmem>>
        %dma_wait3A_1637 = tpu.memref_squeeze %dma_wait3A_1636 : memref<1x1x32xi32, #tpu.memory_space<vmem>> -> memref<1x32xi32, #tpu.memory_space<vmem>>
        %dma_wait3A_1638 = arith.constant 0 : i32
        %dma_wait3A_1639 = arith.constant 0 : i32
        %dma_wait3A_1640 = tpu.memref_slice %arg3[%add3A_1434, %dma_wait3A_1638, %dma_wait3A_1639] : memref<10000x1x32xi32, #tpu.memory_space<hbm>> -> memref<1x1x32xi32, #tpu.memory_space<hbm>>
        %dma_wait3A_1641 = tpu.memref_squeeze %dma_wait3A_1640 : memref<1x1x32xi32, #tpu.memory_space<hbm>> -> memref<1x32xi32, #tpu.memory_space<hbm>>
        tpu.wait_dma2 semaphore(%arg10 : memref<!tpu.dma_semaphore, #tpu.memory_space<semaphore_mem>>) src(%dma_wait3A_1641 : memref<1x32xi32, #tpu.memory_space<hbm>>) dst(%dma_wait3A_1637 : memref<1x32xi32, #tpu.memory_space<vmem>>)
        %run_scoped3A_1642 = arith.constant 3 : i32
        %run_scoped3A_1643 = arith.constant 3 : i32
        %run_scoped3A_1644 = arith.constant 0 : i32
        "tpu.region"() ({
          %run_scoped3A_1645 = tpu.sem_alloc : memref<!tpu.dma_semaphore, #tpu.memory_space<semaphore_mem>>
          %dma_start3A_1646 = arith.constant 0 : i32
          %dma_start3A_1647 = arith.constant 0 : i32
          %dma_start3A_1648 = tpu.memref_slice %arg5[%run_scoped3A_1642, %dma_start3A_1646, %dma_start3A_1647] : memref<12x32x128xf32, #tpu.memory_space<vmem>> -> memref<1x32x128xf32, #tpu.memory_space<vmem>>
          %dma_start3A_1649 = tpu.memref_squeeze %dma_start3A_1648 : memref<1x32x128xf32, #tpu.memory_space<vmem>> -> memref<32x128xf32, #tpu.memory_space<vmem>>
          %dma_start3A_1650 = arith.constant 0 : i32
          %dma_start3A_1651 = tpu.memref_slice %arg6[%run_scoped3A_1643, %run_scoped3A_1644, %dma_start3A_1650] : memref<12x1x32xi32, #tpu.memory_space<vmem>> -> memref<1x1x32xi32, #tpu.memory_space<vmem>>
          %dma_start3A_1652 = tpu.memref_squeeze %dma_start3A_1651 : memref<1x1x32xi32, #tpu.memory_space<vmem>> -> memref<32xi32, #tpu.memory_space<vmem>>
          %dma_start3A_1653 = arith.constant 0 : i32
          %dma_start3A_1654 = arith.constant 0 : i32
          %dma_start3A_1655 = tpu.memref_slice %arg19[%dma_start3A_1653, %dma_start3A_1654] : memref<10000x128xf32, #tpu.memory_space<vmem_shared>> -> memref<10000x128xf32, #tpu.memory_space<vmem_shared>>
          tpu.enqueue_indirect_dma source(%dma_start3A_1649 : memref<32x128xf32, #tpu.memory_space<vmem>>) target(%dma_start3A_1655 : memref<10000x128xf32, #tpu.memory_space<vmem_shared>>) offsets(%dma_start3A_1652 : memref<32xi32, #tpu.memory_space<vmem>>) semaphore(%run_scoped3A_1645 : memref<!tpu.dma_semaphore, #tpu.memory_space<semaphore_mem>>) {add = true}
          %dma_wait3A_1656 = arith.constant 0 : i32
          %dma_wait3A_1657 = arith.constant 0 : i32
          %dma_wait3A_1658 = tpu.memref_slice %arg5[%run_scoped3A_1642, %dma_wait3A_1656, %dma_wait3A_1657] : memref<12x32x128xf32, #tpu.memory_space<vmem>> -> memref<1x32x128xf32, #tpu.memory_space<vmem>>
          %dma_wait3A_1659 = tpu.memref_squeeze %dma_wait3A_1658 : memref<1x32x128xf32, #tpu.memory_space<vmem>> -> memref<32x128xf32, #tpu.memory_space<vmem>>
          %dma_wait3A_1660 = arith.constant 0 : i32
          %dma_wait3A_1661 = tpu.memref_slice %arg6[%run_scoped3A_1643, %run_scoped3A_1644, %dma_wait3A_1660] : memref<12x1x32xi32, #tpu.memory_space<vmem>> -> memref<1x1x32xi32, #tpu.memory_space<vmem>>
          %dma_wait3A_1662 = tpu.memref_squeeze %dma_wait3A_1661 : memref<1x1x32xi32, #tpu.memory_space<vmem>> -> memref<32xi32, #tpu.memory_space<vmem>>
          %dma_wait3A_1663 = arith.constant 0 : i32
          %dma_wait3A_1664 = arith.constant 0 : i32
          %dma_wait3A_1665 = tpu.memref_slice %arg19[%dma_wait3A_1663, %dma_wait3A_1664] : memref<10000x128xf32, #tpu.memory_space<vmem_shared>> -> memref<10000x128xf32, #tpu.memory_space<vmem_shared>>
          tpu.wait_indirect_dma semaphore(%run_scoped3A_1645 : memref<!tpu.dma_semaphore, #tpu.memory_space<semaphore_mem>>) src(%dma_wait3A_1659 : memref<32x128xf32, #tpu.memory_space<vmem>>) dst(%dma_wait3A_1665 : memref<10000x128xf32, #tpu.memory_space<vmem_shared>>)
          tpu.yield
        }) : () -> ()
      } else {
      }
      %add3A_1440 = arith.constant 12 : i32
      %add3A_1441 = arith.addi %add3A_1431, %add3A_1440 : i32
      %mul3A_1442 = arith.constant 32 : i32
      %mul3A_1443 = arith.muli %add3A_1441, %mul3A_1442 : i32
      %add3A_1444 = arith.addi %add3A, %mul3A_1443 : i32
      %lt3A_1445 = arith.constant 10000 : i32
      %lt3A_1446 = arith.cmpi slt, %add3A_1444, %lt3A_1445 : i32
      %convert_element_type3A_1447 = arith.extui %lt3A_1446 : i1 to i32
      %cond3A_1448 = arith.constant 0 : i32
      %cond3A_1449 = arith.cmpi ne, %convert_element_type3A_1447, %cond3A_1448 : i32
      scf.if %cond3A_1449 {
        %mul3A_1610 = arith.constant 32 : i32
        %mul3A_1611 = arith.muli %add3A_1444, %mul3A_1610 : i32
        %dma_start3A_1612 = arith.constant 3 : i32
        %dma_start3A_1613 = arith.constant 0 : i32
        %dma_start3A_1614 = arith.constant 0 : i32
        %dma_start3A_1615 = tpu.memref_slice %arg5[%dma_start3A_1612, %dma_start3A_1613, %dma_start3A_1614] : memref<12x32x128xf32, #tpu.memory_space<vmem>> -> memref<1x32x128xf32, #tpu.memory_space<vmem>>
        %dma_start3A_1616 = tpu.memref_squeeze %dma_start3A_1615 : memref<1x32x128xf32, #tpu.memory_space<vmem>> -> memref<32x128xf32, #tpu.memory_space<vmem>>
        %dma_start3A_1617 = arith.constant 0 : i32
        %dma_start3A_1618 = tpu.memref_slice %arg2[%mul3A_1611, %dma_start3A_1617] : memref<320000x128xf32, #tpu.memory_space<hbm>> -> memref<32x128xf32, #tpu.memory_space<hbm>>
        %dma_start3A_1619 = arith.constant 0 : i32
        %dma_start3A_1620 = arith.constant 0 : i32
        %dma_start3A_1621 = tpu.memref_slice %arg5[%dma_start3A_1612, %dma_start3A_1619, %dma_start3A_1620] : memref<12x32x128xf32, #tpu.memory_space<vmem>> -> memref<1x32x128xf32, #tpu.memory_space<vmem>>
        %dma_start3A_1622 = tpu.memref_squeeze %dma_start3A_1621 : memref<1x32x128xf32, #tpu.memory_space<vmem>> -> memref<32x128xf32, #tpu.memory_space<vmem>>
        %dma_start3A_1623 = arith.constant 0 : i32
        %dma_start3A_1624 = tpu.memref_slice %arg2[%mul3A_1611, %dma_start3A_1623] : memref<320000x128xf32, #tpu.memory_space<hbm>> -> memref<32x128xf32, #tpu.memory_space<hbm>>
        tpu.enqueue_dma source(%dma_start3A_1624 : memref<32x128xf32, #tpu.memory_space<hbm>>) target(%dma_start3A_1622 : memref<32x128xf32, #tpu.memory_space<vmem>>) target_semaphore(%arg10 : memref<!tpu.dma_semaphore, #tpu.memory_space<semaphore_mem>>)
        %dma_start3A_1625 = arith.constant 3 : i32
        %dma_start3A_1626 = arith.constant 0 : i32
        %dma_start3A_1627 = arith.constant 0 : i32
        %dma_start3A_1628 = tpu.memref_slice %arg6[%dma_start3A_1625, %dma_start3A_1626, %dma_start3A_1627] : memref<12x1x32xi32, #tpu.memory_space<vmem>> -> memref<1x1x32xi32, #tpu.memory_space<vmem>>
        %dma_start3A_1629 = tpu.memref_squeeze %dma_start3A_1628 : memref<1x1x32xi32, #tpu.memory_space<vmem>> -> memref<1x32xi32, #tpu.memory_space<vmem>>
        %dma_start3A_1630 = arith.constant 0 : i32
        %dma_start3A_1631 = arith.constant 0 : i32
        %dma_start3A_1632 = tpu.memref_slice %arg3[%add3A_1444, %dma_start3A_1630, %dma_start3A_1631] : memref<10000x1x32xi32, #tpu.memory_space<hbm>> -> memref<1x1x32xi32, #tpu.memory_space<hbm>>
        %dma_start3A_1633 = tpu.memref_squeeze %dma_start3A_1632 : memref<1x1x32xi32, #tpu.memory_space<hbm>> -> memref<1x32xi32, #tpu.memory_space<hbm>>
        %dma_start3A_1634 = arith.constant 0 : i32
        %dma_start3A_1635 = arith.constant 0 : i32
        %dma_start3A_1636 = tpu.memref_slice %arg6[%dma_start3A_1625, %dma_start3A_1634, %dma_start3A_1635] : memref<12x1x32xi32, #tpu.memory_space<vmem>> -> memref<1x1x32xi32, #tpu.memory_space<vmem>>
        %dma_start3A_1637 = tpu.memref_squeeze %dma_start3A_1636 : memref<1x1x32xi32, #tpu.memory_space<vmem>> -> memref<1x32xi32, #tpu.memory_space<vmem>>
        %dma_start3A_1638 = arith.constant 0 : i32
        %dma_start3A_1639 = arith.constant 0 : i32
        %dma_start3A_1640 = tpu.memref_slice %arg3[%add3A_1444, %dma_start3A_1638, %dma_start3A_1639] : memref<10000x1x32xi32, #tpu.memory_space<hbm>> -> memref<1x1x32xi32, #tpu.memory_space<hbm>>
        %dma_start3A_1641 = tpu.memref_squeeze %dma_start3A_1640 : memref<1x1x32xi32, #tpu.memory_space<hbm>> -> memref<1x32xi32, #tpu.memory_space<hbm>>
        tpu.enqueue_dma source(%dma_start3A_1641 : memref<1x32xi32, #tpu.memory_space<hbm>>) target(%dma_start3A_1637 : memref<1x32xi32, #tpu.memory_space<vmem>>) target_semaphore(%arg10 : memref<!tpu.dma_semaphore, #tpu.memory_space<semaphore_mem>>)
      } else {
      }
      %add3A_1450 = arith.constant 4 : i32
      %add3A_1451 = arith.addi %mul3A_1369, %add3A_1450 : i32
      %mul3A_1452 = arith.constant 32 : i32
      %mul3A_1453 = arith.muli %add3A_1451, %mul3A_1452 : i32
      %add3A_1454 = arith.addi %add3A, %mul3A_1453 : i32
      %lt3A_1455 = arith.constant 10000 : i32
      %lt3A_1456 = arith.cmpi slt, %add3A_1454, %lt3A_1455 : i32
      %convert_element_type3A_1457 = arith.extui %lt3A_1456 : i1 to i32
      %cond3A_1458 = arith.constant 0 : i32
      %cond3A_1459 = arith.cmpi ne, %convert_element_type3A_1457, %cond3A_1458 : i32
      scf.if %cond3A_1459 {
        %mul3A_1610 = arith.constant 32 : i32
        %mul3A_1611 = arith.muli %add3A_1454, %mul3A_1610 : i32
        %dma_wait3A_1612 = arith.constant 4 : i32
        %dma_wait3A_1613 = arith.constant 0 : i32
        %dma_wait3A_1614 = arith.constant 0 : i32
        %dma_wait3A_1615 = tpu.memref_slice %arg5[%dma_wait3A_1612, %dma_wait3A_1613, %dma_wait3A_1614] : memref<12x32x128xf32, #tpu.memory_space<vmem>> -> memref<1x32x128xf32, #tpu.memory_space<vmem>>
        %dma_wait3A_1616 = tpu.memref_squeeze %dma_wait3A_1615 : memref<1x32x128xf32, #tpu.memory_space<vmem>> -> memref<32x128xf32, #tpu.memory_space<vmem>>
        %dma_wait3A_1617 = arith.constant 0 : i32
        %dma_wait3A_1618 = tpu.memref_slice %arg2[%mul3A_1611, %dma_wait3A_1617] : memref<320000x128xf32, #tpu.memory_space<hbm>> -> memref<32x128xf32, #tpu.memory_space<hbm>>
        %dma_wait3A_1619 = arith.constant 0 : i32
        %dma_wait3A_1620 = arith.constant 0 : i32
        %dma_wait3A_1621 = tpu.memref_slice %arg5[%dma_wait3A_1612, %dma_wait3A_1619, %dma_wait3A_1620] : memref<12x32x128xf32, #tpu.memory_space<vmem>> -> memref<1x32x128xf32, #tpu.memory_space<vmem>>
        %dma_wait3A_1622 = tpu.memref_squeeze %dma_wait3A_1621 : memref<1x32x128xf32, #tpu.memory_space<vmem>> -> memref<32x128xf32, #tpu.memory_space<vmem>>
        %dma_wait3A_1623 = arith.constant 0 : i32
        %dma_wait3A_1624 = tpu.memref_slice %arg2[%mul3A_1611, %dma_wait3A_1623] : memref<320000x128xf32, #tpu.memory_space<hbm>> -> memref<32x128xf32, #tpu.memory_space<hbm>>
        tpu.wait_dma2 semaphore(%arg11 : memref<!tpu.dma_semaphore, #tpu.memory_space<semaphore_mem>>) src(%dma_wait3A_1624 : memref<32x128xf32, #tpu.memory_space<hbm>>) dst(%dma_wait3A_1622 : memref<32x128xf32, #tpu.memory_space<vmem>>)
        %dma_wait3A_1625 = arith.constant 4 : i32
        %dma_wait3A_1626 = arith.constant 0 : i32
        %dma_wait3A_1627 = arith.constant 0 : i32
        %dma_wait3A_1628 = tpu.memref_slice %arg6[%dma_wait3A_1625, %dma_wait3A_1626, %dma_wait3A_1627] : memref<12x1x32xi32, #tpu.memory_space<vmem>> -> memref<1x1x32xi32, #tpu.memory_space<vmem>>
        %dma_wait3A_1629 = tpu.memref_squeeze %dma_wait3A_1628 : memref<1x1x32xi32, #tpu.memory_space<vmem>> -> memref<1x32xi32, #tpu.memory_space<vmem>>
        %dma_wait3A_1630 = arith.constant 0 : i32
        %dma_wait3A_1631 = arith.constant 0 : i32
        %dma_wait3A_1632 = tpu.memref_slice %arg3[%add3A_1454, %dma_wait3A_1630, %dma_wait3A_1631] : memref<10000x1x32xi32, #tpu.memory_space<hbm>> -> memref<1x1x32xi32, #tpu.memory_space<hbm>>
        %dma_wait3A_1633 = tpu.memref_squeeze %dma_wait3A_1632 : memref<1x1x32xi32, #tpu.memory_space<hbm>> -> memref<1x32xi32, #tpu.memory_space<hbm>>
        %dma_wait3A_1634 = arith.constant 0 : i32
        %dma_wait3A_1635 = arith.constant 0 : i32
        %dma_wait3A_1636 = tpu.memref_slice %arg6[%dma_wait3A_1625, %dma_wait3A_1634, %dma_wait3A_1635] : memref<12x1x32xi32, #tpu.memory_space<vmem>> -> memref<1x1x32xi32, #tpu.memory_space<vmem>>
        %dma_wait3A_1637 = tpu.memref_squeeze %dma_wait3A_1636 : memref<1x1x32xi32, #tpu.memory_space<vmem>> -> memref<1x32xi32, #tpu.memory_space<vmem>>
        %dma_wait3A_1638 = arith.constant 0 : i32
        %dma_wait3A_1639 = arith.constant 0 : i32
        %dma_wait3A_1640 = tpu.memref_slice %arg3[%add3A_1454, %dma_wait3A_1638, %dma_wait3A_1639] : memref<10000x1x32xi32, #tpu.memory_space<hbm>> -> memref<1x1x32xi32, #tpu.memory_space<hbm>>
        %dma_wait3A_1641 = tpu.memref_squeeze %dma_wait3A_1640 : memref<1x1x32xi32, #tpu.memory_space<hbm>> -> memref<1x32xi32, #tpu.memory_space<hbm>>
        tpu.wait_dma2 semaphore(%arg11 : memref<!tpu.dma_semaphore, #tpu.memory_space<semaphore_mem>>) src(%dma_wait3A_1641 : memref<1x32xi32, #tpu.memory_space<hbm>>) dst(%dma_wait3A_1637 : memref<1x32xi32, #tpu.memory_space<vmem>>)
        %run_scoped3A_1642 = arith.constant 4 : i32
        %run_scoped3A_1643 = arith.constant 4 : i32
        %run_scoped3A_1644 = arith.constant 0 : i32
        "tpu.region"() ({
          %run_scoped3A_1645 = tpu.sem_alloc : memref<!tpu.dma_semaphore, #tpu.memory_space<semaphore_mem>>
          %dma_start3A_1646 = arith.constant 0 : i32
          %dma_start3A_1647 = arith.constant 0 : i32
          %dma_start3A_1648 = tpu.memref_slice %arg5[%run_scoped3A_1642, %dma_start3A_1646, %dma_start3A_1647] : memref<12x32x128xf32, #tpu.memory_space<vmem>> -> memref<1x32x128xf32, #tpu.memory_space<vmem>>
          %dma_start3A_1649 = tpu.memref_squeeze %dma_start3A_1648 : memref<1x32x128xf32, #tpu.memory_space<vmem>> -> memref<32x128xf32, #tpu.memory_space<vmem>>
          %dma_start3A_1650 = arith.constant 0 : i32
          %dma_start3A_1651 = tpu.memref_slice %arg6[%run_scoped3A_1643, %run_scoped3A_1644, %dma_start3A_1650] : memref<12x1x32xi32, #tpu.memory_space<vmem>> -> memref<1x1x32xi32, #tpu.memory_space<vmem>>
          %dma_start3A_1652 = tpu.memref_squeeze %dma_start3A_1651 : memref<1x1x32xi32, #tpu.memory_space<vmem>> -> memref<32xi32, #tpu.memory_space<vmem>>
          %dma_start3A_1653 = arith.constant 0 : i32
          %dma_start3A_1654 = arith.constant 0 : i32
          %dma_start3A_1655 = tpu.memref_slice %arg19[%dma_start3A_1653, %dma_start3A_1654] : memref<10000x128xf32, #tpu.memory_space<vmem_shared>> -> memref<10000x128xf32, #tpu.memory_space<vmem_shared>>
          tpu.enqueue_indirect_dma source(%dma_start3A_1649 : memref<32x128xf32, #tpu.memory_space<vmem>>) target(%dma_start3A_1655 : memref<10000x128xf32, #tpu.memory_space<vmem_shared>>) offsets(%dma_start3A_1652 : memref<32xi32, #tpu.memory_space<vmem>>) semaphore(%run_scoped3A_1645 : memref<!tpu.dma_semaphore, #tpu.memory_space<semaphore_mem>>) {add = true}
          %dma_wait3A_1656 = arith.constant 0 : i32
          %dma_wait3A_1657 = arith.constant 0 : i32
          %dma_wait3A_1658 = tpu.memref_slice %arg5[%run_scoped3A_1642, %dma_wait3A_1656, %dma_wait3A_1657] : memref<12x32x128xf32, #tpu.memory_space<vmem>> -> memref<1x32x128xf32, #tpu.memory_space<vmem>>
          %dma_wait3A_1659 = tpu.memref_squeeze %dma_wait3A_1658 : memref<1x32x128xf32, #tpu.memory_space<vmem>> -> memref<32x128xf32, #tpu.memory_space<vmem>>
          %dma_wait3A_1660 = arith.constant 0 : i32
          %dma_wait3A_1661 = tpu.memref_slice %arg6[%run_scoped3A_1643, %run_scoped3A_1644, %dma_wait3A_1660] : memref<12x1x32xi32, #tpu.memory_space<vmem>> -> memref<1x1x32xi32, #tpu.memory_space<vmem>>
          %dma_wait3A_1662 = tpu.memref_squeeze %dma_wait3A_1661 : memref<1x1x32xi32, #tpu.memory_space<vmem>> -> memref<32xi32, #tpu.memory_space<vmem>>
          %dma_wait3A_1663 = arith.constant 0 : i32
          %dma_wait3A_1664 = arith.constant 0 : i32
          %dma_wait3A_1665 = tpu.memref_slice %arg19[%dma_wait3A_1663, %dma_wait3A_1664] : memref<10000x128xf32, #tpu.memory_space<vmem_shared>> -> memref<10000x128xf32, #tpu.memory_space<vmem_shared>>
          tpu.wait_indirect_dma semaphore(%run_scoped3A_1645 : memref<!tpu.dma_semaphore, #tpu.memory_space<semaphore_mem>>) src(%dma_wait3A_1659 : memref<32x128xf32, #tpu.memory_space<vmem>>) dst(%dma_wait3A_1665 : memref<10000x128xf32, #tpu.memory_space<vmem_shared>>)
          tpu.yield
        }) : () -> ()
      } else {
      }
      %add3A_1460 = arith.constant 12 : i32
      %add3A_1461 = arith.addi %add3A_1451, %add3A_1460 : i32
      %mul3A_1462 = arith.constant 32 : i32
      %mul3A_1463 = arith.muli %add3A_1461, %mul3A_1462 : i32
      %add3A_1464 = arith.addi %add3A, %mul3A_1463 : i32
      %lt3A_1465 = arith.constant 10000 : i32
      %lt3A_1466 = arith.cmpi slt, %add3A_1464, %lt3A_1465 : i32
      %convert_element_type3A_1467 = arith.extui %lt3A_1466 : i1 to i32
      %cond3A_1468 = arith.constant 0 : i32
      %cond3A_1469 = arith.cmpi ne, %convert_element_type3A_1467, %cond3A_1468 : i32
      scf.if %cond3A_1469 {
        %mul3A_1610 = arith.constant 32 : i32
        %mul3A_1611 = arith.muli %add3A_1464, %mul3A_1610 : i32
        %dma_start3A_1612 = arith.constant 4 : i32
        %dma_start3A_1613 = arith.constant 0 : i32
        %dma_start3A_1614 = arith.constant 0 : i32
        %dma_start3A_1615 = tpu.memref_slice %arg5[%dma_start3A_1612, %dma_start3A_1613, %dma_start3A_1614] : memref<12x32x128xf32, #tpu.memory_space<vmem>> -> memref<1x32x128xf32, #tpu.memory_space<vmem>>
        %dma_start3A_1616 = tpu.memref_squeeze %dma_start3A_1615 : memref<1x32x128xf32, #tpu.memory_space<vmem>> -> memref<32x128xf32, #tpu.memory_space<vmem>>
        %dma_start3A_1617 = arith.constant 0 : i32
        %dma_start3A_1618 = tpu.memref_slice %arg2[%mul3A_1611, %dma_start3A_1617] : memref<320000x128xf32, #tpu.memory_space<hbm>> -> memref<32x128xf32, #tpu.memory_space<hbm>>
        %dma_start3A_1619 = arith.constant 0 : i32
        %dma_start3A_1620 = arith.constant 0 : i32
        %dma_start3A_1621 = tpu.memref_slice %arg5[%dma_start3A_1612, %dma_start3A_1619, %dma_start3A_1620] : memref<12x32x128xf32, #tpu.memory_space<vmem>> -> memref<1x32x128xf32, #tpu.memory_space<vmem>>
        %dma_start3A_1622 = tpu.memref_squeeze %dma_start3A_1621 : memref<1x32x128xf32, #tpu.memory_space<vmem>> -> memref<32x128xf32, #tpu.memory_space<vmem>>
        %dma_start3A_1623 = arith.constant 0 : i32
        %dma_start3A_1624 = tpu.memref_slice %arg2[%mul3A_1611, %dma_start3A_1623] : memref<320000x128xf32, #tpu.memory_space<hbm>> -> memref<32x128xf32, #tpu.memory_space<hbm>>
        tpu.enqueue_dma source(%dma_start3A_1624 : memref<32x128xf32, #tpu.memory_space<hbm>>) target(%dma_start3A_1622 : memref<32x128xf32, #tpu.memory_space<vmem>>) target_semaphore(%arg11 : memref<!tpu.dma_semaphore, #tpu.memory_space<semaphore_mem>>)
        %dma_start3A_1625 = arith.constant 4 : i32
        %dma_start3A_1626 = arith.constant 0 : i32
        %dma_start3A_1627 = arith.constant 0 : i32
        %dma_start3A_1628 = tpu.memref_slice %arg6[%dma_start3A_1625, %dma_start3A_1626, %dma_start3A_1627] : memref<12x1x32xi32, #tpu.memory_space<vmem>> -> memref<1x1x32xi32, #tpu.memory_space<vmem>>
        %dma_start3A_1629 = tpu.memref_squeeze %dma_start3A_1628 : memref<1x1x32xi32, #tpu.memory_space<vmem>> -> memref<1x32xi32, #tpu.memory_space<vmem>>
        %dma_start3A_1630 = arith.constant 0 : i32
        %dma_start3A_1631 = arith.constant 0 : i32
        %dma_start3A_1632 = tpu.memref_slice %arg3[%add3A_1464, %dma_start3A_1630, %dma_start3A_1631] : memref<10000x1x32xi32, #tpu.memory_space<hbm>> -> memref<1x1x32xi32, #tpu.memory_space<hbm>>
        %dma_start3A_1633 = tpu.memref_squeeze %dma_start3A_1632 : memref<1x1x32xi32, #tpu.memory_space<hbm>> -> memref<1x32xi32, #tpu.memory_space<hbm>>
        %dma_start3A_1634 = arith.constant 0 : i32
        %dma_start3A_1635 = arith.constant 0 : i32
        %dma_start3A_1636 = tpu.memref_slice %arg6[%dma_start3A_1625, %dma_start3A_1634, %dma_start3A_1635] : memref<12x1x32xi32, #tpu.memory_space<vmem>> -> memref<1x1x32xi32, #tpu.memory_space<vmem>>
        %dma_start3A_1637 = tpu.memref_squeeze %dma_start3A_1636 : memref<1x1x32xi32, #tpu.memory_space<vmem>> -> memref<1x32xi32, #tpu.memory_space<vmem>>
        %dma_start3A_1638 = arith.constant 0 : i32
        %dma_start3A_1639 = arith.constant 0 : i32
        %dma_start3A_1640 = tpu.memref_slice %arg3[%add3A_1464, %dma_start3A_1638, %dma_start3A_1639] : memref<10000x1x32xi32, #tpu.memory_space<hbm>> -> memref<1x1x32xi32, #tpu.memory_space<hbm>>
        %dma_start3A_1641 = tpu.memref_squeeze %dma_start3A_1640 : memref<1x1x32xi32, #tpu.memory_space<hbm>> -> memref<1x32xi32, #tpu.memory_space<hbm>>
        tpu.enqueue_dma source(%dma_start3A_1641 : memref<1x32xi32, #tpu.memory_space<hbm>>) target(%dma_start3A_1637 : memref<1x32xi32, #tpu.memory_space<vmem>>) target_semaphore(%arg11 : memref<!tpu.dma_semaphore, #tpu.memory_space<semaphore_mem>>)
      } else {
      }
      %add3A_1470 = arith.constant 5 : i32
      %add3A_1471 = arith.addi %mul3A_1369, %add3A_1470 : i32
      %mul3A_1472 = arith.constant 32 : i32
      %mul3A_1473 = arith.muli %add3A_1471, %mul3A_1472 : i32
      %add3A_1474 = arith.addi %add3A, %mul3A_1473 : i32
      %lt3A_1475 = arith.constant 10000 : i32
      %lt3A_1476 = arith.cmpi slt, %add3A_1474, %lt3A_1475 : i32
      %convert_element_type3A_1477 = arith.extui %lt3A_1476 : i1 to i32
      %cond3A_1478 = arith.constant 0 : i32
      %cond3A_1479 = arith.cmpi ne, %convert_element_type3A_1477, %cond3A_1478 : i32
      scf.if %cond3A_1479 {
        %mul3A_1610 = arith.constant 32 : i32
        %mul3A_1611 = arith.muli %add3A_1474, %mul3A_1610 : i32
        %dma_wait3A_1612 = arith.constant 5 : i32
        %dma_wait3A_1613 = arith.constant 0 : i32
        %dma_wait3A_1614 = arith.constant 0 : i32
        %dma_wait3A_1615 = tpu.memref_slice %arg5[%dma_wait3A_1612, %dma_wait3A_1613, %dma_wait3A_1614] : memref<12x32x128xf32, #tpu.memory_space<vmem>> -> memref<1x32x128xf32, #tpu.memory_space<vmem>>
        %dma_wait3A_1616 = tpu.memref_squeeze %dma_wait3A_1615 : memref<1x32x128xf32, #tpu.memory_space<vmem>> -> memref<32x128xf32, #tpu.memory_space<vmem>>
        %dma_wait3A_1617 = arith.constant 0 : i32
        %dma_wait3A_1618 = tpu.memref_slice %arg2[%mul3A_1611, %dma_wait3A_1617] : memref<320000x128xf32, #tpu.memory_space<hbm>> -> memref<32x128xf32, #tpu.memory_space<hbm>>
        %dma_wait3A_1619 = arith.constant 0 : i32
        %dma_wait3A_1620 = arith.constant 0 : i32
        %dma_wait3A_1621 = tpu.memref_slice %arg5[%dma_wait3A_1612, %dma_wait3A_1619, %dma_wait3A_1620] : memref<12x32x128xf32, #tpu.memory_space<vmem>> -> memref<1x32x128xf32, #tpu.memory_space<vmem>>
        %dma_wait3A_1622 = tpu.memref_squeeze %dma_wait3A_1621 : memref<1x32x128xf32, #tpu.memory_space<vmem>> -> memref<32x128xf32, #tpu.memory_space<vmem>>
        %dma_wait3A_1623 = arith.constant 0 : i32
        %dma_wait3A_1624 = tpu.memref_slice %arg2[%mul3A_1611, %dma_wait3A_1623] : memref<320000x128xf32, #tpu.memory_space<hbm>> -> memref<32x128xf32, #tpu.memory_space<hbm>>
        tpu.wait_dma2 semaphore(%arg12 : memref<!tpu.dma_semaphore, #tpu.memory_space<semaphore_mem>>) src(%dma_wait3A_1624 : memref<32x128xf32, #tpu.memory_space<hbm>>) dst(%dma_wait3A_1622 : memref<32x128xf32, #tpu.memory_space<vmem>>)
        %dma_wait3A_1625 = arith.constant 5 : i32
        %dma_wait3A_1626 = arith.constant 0 : i32
        %dma_wait3A_1627 = arith.constant 0 : i32
        %dma_wait3A_1628 = tpu.memref_slice %arg6[%dma_wait3A_1625, %dma_wait3A_1626, %dma_wait3A_1627] : memref<12x1x32xi32, #tpu.memory_space<vmem>> -> memref<1x1x32xi32, #tpu.memory_space<vmem>>
        %dma_wait3A_1629 = tpu.memref_squeeze %dma_wait3A_1628 : memref<1x1x32xi32, #tpu.memory_space<vmem>> -> memref<1x32xi32, #tpu.memory_space<vmem>>
        %dma_wait3A_1630 = arith.constant 0 : i32
        %dma_wait3A_1631 = arith.constant 0 : i32
        %dma_wait3A_1632 = tpu.memref_slice %arg3[%add3A_1474, %dma_wait3A_1630, %dma_wait3A_1631] : memref<10000x1x32xi32, #tpu.memory_space<hbm>> -> memref<1x1x32xi32, #tpu.memory_space<hbm>>
        %dma_wait3A_1633 = tpu.memref_squeeze %dma_wait3A_1632 : memref<1x1x32xi32, #tpu.memory_space<hbm>> -> memref<1x32xi32, #tpu.memory_space<hbm>>
        %dma_wait3A_1634 = arith.constant 0 : i32
        %dma_wait3A_1635 = arith.constant 0 : i32
        %dma_wait3A_1636 = tpu.memref_slice %arg6[%dma_wait3A_1625, %dma_wait3A_1634, %dma_wait3A_1635] : memref<12x1x32xi32, #tpu.memory_space<vmem>> -> memref<1x1x32xi32, #tpu.memory_space<vmem>>
        %dma_wait3A_1637 = tpu.memref_squeeze %dma_wait3A_1636 : memref<1x1x32xi32, #tpu.memory_space<vmem>> -> memref<1x32xi32, #tpu.memory_space<vmem>>
        %dma_wait3A_1638 = arith.constant 0 : i32
        %dma_wait3A_1639 = arith.constant 0 : i32
        %dma_wait3A_1640 = tpu.memref_slice %arg3[%add3A_1474, %dma_wait3A_1638, %dma_wait3A_1639] : memref<10000x1x32xi32, #tpu.memory_space<hbm>> -> memref<1x1x32xi32, #tpu.memory_space<hbm>>
        %dma_wait3A_1641 = tpu.memref_squeeze %dma_wait3A_1640 : memref<1x1x32xi32, #tpu.memory_space<hbm>> -> memref<1x32xi32, #tpu.memory_space<hbm>>
        tpu.wait_dma2 semaphore(%arg12 : memref<!tpu.dma_semaphore, #tpu.memory_space<semaphore_mem>>) src(%dma_wait3A_1641 : memref<1x32xi32, #tpu.memory_space<hbm>>) dst(%dma_wait3A_1637 : memref<1x32xi32, #tpu.memory_space<vmem>>)
        %run_scoped3A_1642 = arith.constant 5 : i32
        %run_scoped3A_1643 = arith.constant 5 : i32
        %run_scoped3A_1644 = arith.constant 0 : i32
        "tpu.region"() ({
          %run_scoped3A_1645 = tpu.sem_alloc : memref<!tpu.dma_semaphore, #tpu.memory_space<semaphore_mem>>
          %dma_start3A_1646 = arith.constant 0 : i32
          %dma_start3A_1647 = arith.constant 0 : i32
          %dma_start3A_1648 = tpu.memref_slice %arg5[%run_scoped3A_1642, %dma_start3A_1646, %dma_start3A_1647] : memref<12x32x128xf32, #tpu.memory_space<vmem>> -> memref<1x32x128xf32, #tpu.memory_space<vmem>>
          %dma_start3A_1649 = tpu.memref_squeeze %dma_start3A_1648 : memref<1x32x128xf32, #tpu.memory_space<vmem>> -> memref<32x128xf32, #tpu.memory_space<vmem>>
          %dma_start3A_1650 = arith.constant 0 : i32
          %dma_start3A_1651 = tpu.memref_slice %arg6[%run_scoped3A_1643, %run_scoped3A_1644, %dma_start3A_1650] : memref<12x1x32xi32, #tpu.memory_space<vmem>> -> memref<1x1x32xi32, #tpu.memory_space<vmem>>
          %dma_start3A_1652 = tpu.memref_squeeze %dma_start3A_1651 : memref<1x1x32xi32, #tpu.memory_space<vmem>> -> memref<32xi32, #tpu.memory_space<vmem>>
          %dma_start3A_1653 = arith.constant 0 : i32
          %dma_start3A_1654 = arith.constant 0 : i32
          %dma_start3A_1655 = tpu.memref_slice %arg19[%dma_start3A_1653, %dma_start3A_1654] : memref<10000x128xf32, #tpu.memory_space<vmem_shared>> -> memref<10000x128xf32, #tpu.memory_space<vmem_shared>>
          tpu.enqueue_indirect_dma source(%dma_start3A_1649 : memref<32x128xf32, #tpu.memory_space<vmem>>) target(%dma_start3A_1655 : memref<10000x128xf32, #tpu.memory_space<vmem_shared>>) offsets(%dma_start3A_1652 : memref<32xi32, #tpu.memory_space<vmem>>) semaphore(%run_scoped3A_1645 : memref<!tpu.dma_semaphore, #tpu.memory_space<semaphore_mem>>) {add = true}
          %dma_wait3A_1656 = arith.constant 0 : i32
          %dma_wait3A_1657 = arith.constant 0 : i32
          %dma_wait3A_1658 = tpu.memref_slice %arg5[%run_scoped3A_1642, %dma_wait3A_1656, %dma_wait3A_1657] : memref<12x32x128xf32, #tpu.memory_space<vmem>> -> memref<1x32x128xf32, #tpu.memory_space<vmem>>
          %dma_wait3A_1659 = tpu.memref_squeeze %dma_wait3A_1658 : memref<1x32x128xf32, #tpu.memory_space<vmem>> -> memref<32x128xf32, #tpu.memory_space<vmem>>
          %dma_wait3A_1660 = arith.constant 0 : i32
          %dma_wait3A_1661 = tpu.memref_slice %arg6[%run_scoped3A_1643, %run_scoped3A_1644, %dma_wait3A_1660] : memref<12x1x32xi32, #tpu.memory_space<vmem>> -> memref<1x1x32xi32, #tpu.memory_space<vmem>>
          %dma_wait3A_1662 = tpu.memref_squeeze %dma_wait3A_1661 : memref<1x1x32xi32, #tpu.memory_space<vmem>> -> memref<32xi32, #tpu.memory_space<vmem>>
          %dma_wait3A_1663 = arith.constant 0 : i32
          %dma_wait3A_1664 = arith.constant 0 : i32
          %dma_wait3A_1665 = tpu.memref_slice %arg19[%dma_wait3A_1663, %dma_wait3A_1664] : memref<10000x128xf32, #tpu.memory_space<vmem_shared>> -> memref<10000x128xf32, #tpu.memory_space<vmem_shared>>
          tpu.wait_indirect_dma semaphore(%run_scoped3A_1645 : memref<!tpu.dma_semaphore, #tpu.memory_space<semaphore_mem>>) src(%dma_wait3A_1659 : memref<32x128xf32, #tpu.memory_space<vmem>>) dst(%dma_wait3A_1665 : memref<10000x128xf32, #tpu.memory_space<vmem_shared>>)
          tpu.yield
        }) : () -> ()
      } else {
      }
      %add3A_1480 = arith.constant 12 : i32
      %add3A_1481 = arith.addi %add3A_1471, %add3A_1480 : i32
      %mul3A_1482 = arith.constant 32 : i32
      %mul3A_1483 = arith.muli %add3A_1481, %mul3A_1482 : i32
      %add3A_1484 = arith.addi %add3A, %mul3A_1483 : i32
      %lt3A_1485 = arith.constant 10000 : i32
      %lt3A_1486 = arith.cmpi slt, %add3A_1484, %lt3A_1485 : i32
      %convert_element_type3A_1487 = arith.extui %lt3A_1486 : i1 to i32
      %cond3A_1488 = arith.constant 0 : i32
      %cond3A_1489 = arith.cmpi ne, %convert_element_type3A_1487, %cond3A_1488 : i32
      scf.if %cond3A_1489 {
        %mul3A_1610 = arith.constant 32 : i32
        %mul3A_1611 = arith.muli %add3A_1484, %mul3A_1610 : i32
        %dma_start3A_1612 = arith.constant 5 : i32
        %dma_start3A_1613 = arith.constant 0 : i32
        %dma_start3A_1614 = arith.constant 0 : i32
        %dma_start3A_1615 = tpu.memref_slice %arg5[%dma_start3A_1612, %dma_start3A_1613, %dma_start3A_1614] : memref<12x32x128xf32, #tpu.memory_space<vmem>> -> memref<1x32x128xf32, #tpu.memory_space<vmem>>
        %dma_start3A_1616 = tpu.memref_squeeze %dma_start3A_1615 : memref<1x32x128xf32, #tpu.memory_space<vmem>> -> memref<32x128xf32, #tpu.memory_space<vmem>>
        %dma_start3A_1617 = arith.constant 0 : i32
        %dma_start3A_1618 = tpu.memref_slice %arg2[%mul3A_1611, %dma_start3A_1617] : memref<320000x128xf32, #tpu.memory_space<hbm>> -> memref<32x128xf32, #tpu.memory_space<hbm>>
        %dma_start3A_1619 = arith.constant 0 : i32
        %dma_start3A_1620 = arith.constant 0 : i32
        %dma_start3A_1621 = tpu.memref_slice %arg5[%dma_start3A_1612, %dma_start3A_1619, %dma_start3A_1620] : memref<12x32x128xf32, #tpu.memory_space<vmem>> -> memref<1x32x128xf32, #tpu.memory_space<vmem>>
        %dma_start3A_1622 = tpu.memref_squeeze %dma_start3A_1621 : memref<1x32x128xf32, #tpu.memory_space<vmem>> -> memref<32x128xf32, #tpu.memory_space<vmem>>
        %dma_start3A_1623 = arith.constant 0 : i32
        %dma_start3A_1624 = tpu.memref_slice %arg2[%mul3A_1611, %dma_start3A_1623] : memref<320000x128xf32, #tpu.memory_space<hbm>> -> memref<32x128xf32, #tpu.memory_space<hbm>>
        tpu.enqueue_dma source(%dma_start3A_1624 : memref<32x128xf32, #tpu.memory_space<hbm>>) target(%dma_start3A_1622 : memref<32x128xf32, #tpu.memory_space<vmem>>) target_semaphore(%arg12 : memref<!tpu.dma_semaphore, #tpu.memory_space<semaphore_mem>>)
        %dma_start3A_1625 = arith.constant 5 : i32
        %dma_start3A_1626 = arith.constant 0 : i32
        %dma_start3A_1627 = arith.constant 0 : i32
        %dma_start3A_1628 = tpu.memref_slice %arg6[%dma_start3A_1625, %dma_start3A_1626, %dma_start3A_1627] : memref<12x1x32xi32, #tpu.memory_space<vmem>> -> memref<1x1x32xi32, #tpu.memory_space<vmem>>
        %dma_start3A_1629 = tpu.memref_squeeze %dma_start3A_1628 : memref<1x1x32xi32, #tpu.memory_space<vmem>> -> memref<1x32xi32, #tpu.memory_space<vmem>>
        %dma_start3A_1630 = arith.constant 0 : i32
        %dma_start3A_1631 = arith.constant 0 : i32
        %dma_start3A_1632 = tpu.memref_slice %arg3[%add3A_1484, %dma_start3A_1630, %dma_start3A_1631] : memref<10000x1x32xi32, #tpu.memory_space<hbm>> -> memref<1x1x32xi32, #tpu.memory_space<hbm>>
        %dma_start3A_1633 = tpu.memref_squeeze %dma_start3A_1632 : memref<1x1x32xi32, #tpu.memory_space<hbm>> -> memref<1x32xi32, #tpu.memory_space<hbm>>
        %dma_start3A_1634 = arith.constant 0 : i32
        %dma_start3A_1635 = arith.constant 0 : i32
        %dma_start3A_1636 = tpu.memref_slice %arg6[%dma_start3A_1625, %dma_start3A_1634, %dma_start3A_1635] : memref<12x1x32xi32, #tpu.memory_space<vmem>> -> memref<1x1x32xi32, #tpu.memory_space<vmem>>
        %dma_start3A_1637 = tpu.memref_squeeze %dma_start3A_1636 : memref<1x1x32xi32, #tpu.memory_space<vmem>> -> memref<1x32xi32, #tpu.memory_space<vmem>>
        %dma_start3A_1638 = arith.constant 0 : i32
        %dma_start3A_1639 = arith.constant 0 : i32
        %dma_start3A_1640 = tpu.memref_slice %arg3[%add3A_1484, %dma_start3A_1638, %dma_start3A_1639] : memref<10000x1x32xi32, #tpu.memory_space<hbm>> -> memref<1x1x32xi32, #tpu.memory_space<hbm>>
        %dma_start3A_1641 = tpu.memref_squeeze %dma_start3A_1640 : memref<1x1x32xi32, #tpu.memory_space<hbm>> -> memref<1x32xi32, #tpu.memory_space<hbm>>
        tpu.enqueue_dma source(%dma_start3A_1641 : memref<1x32xi32, #tpu.memory_space<hbm>>) target(%dma_start3A_1637 : memref<1x32xi32, #tpu.memory_space<vmem>>) target_semaphore(%arg12 : memref<!tpu.dma_semaphore, #tpu.memory_space<semaphore_mem>>)
      } else {
      }
      %add3A_1490 = arith.constant 6 : i32
      %add3A_1491 = arith.addi %mul3A_1369, %add3A_1490 : i32
      %mul3A_1492 = arith.constant 32 : i32
      %mul3A_1493 = arith.muli %add3A_1491, %mul3A_1492 : i32
      %add3A_1494 = arith.addi %add3A, %mul3A_1493 : i32
      %lt3A_1495 = arith.constant 10000 : i32
      %lt3A_1496 = arith.cmpi slt, %add3A_1494, %lt3A_1495 : i32
      %convert_element_type3A_1497 = arith.extui %lt3A_1496 : i1 to i32
      %cond3A_1498 = arith.constant 0 : i32
      %cond3A_1499 = arith.cmpi ne, %convert_element_type3A_1497, %cond3A_1498 : i32
      scf.if %cond3A_1499 {
        %mul3A_1610 = arith.constant 32 : i32
        %mul3A_1611 = arith.muli %add3A_1494, %mul3A_1610 : i32
        %dma_wait3A_1612 = arith.constant 6 : i32
        %dma_wait3A_1613 = arith.constant 0 : i32
        %dma_wait3A_1614 = arith.constant 0 : i32
        %dma_wait3A_1615 = tpu.memref_slice %arg5[%dma_wait3A_1612, %dma_wait3A_1613, %dma_wait3A_1614] : memref<12x32x128xf32, #tpu.memory_space<vmem>> -> memref<1x32x128xf32, #tpu.memory_space<vmem>>
        %dma_wait3A_1616 = tpu.memref_squeeze %dma_wait3A_1615 : memref<1x32x128xf32, #tpu.memory_space<vmem>> -> memref<32x128xf32, #tpu.memory_space<vmem>>
        %dma_wait3A_1617 = arith.constant 0 : i32
        %dma_wait3A_1618 = tpu.memref_slice %arg2[%mul3A_1611, %dma_wait3A_1617] : memref<320000x128xf32, #tpu.memory_space<hbm>> -> memref<32x128xf32, #tpu.memory_space<hbm>>
        %dma_wait3A_1619 = arith.constant 0 : i32
        %dma_wait3A_1620 = arith.constant 0 : i32
        %dma_wait3A_1621 = tpu.memref_slice %arg5[%dma_wait3A_1612, %dma_wait3A_1619, %dma_wait3A_1620] : memref<12x32x128xf32, #tpu.memory_space<vmem>> -> memref<1x32x128xf32, #tpu.memory_space<vmem>>
        %dma_wait3A_1622 = tpu.memref_squeeze %dma_wait3A_1621 : memref<1x32x128xf32, #tpu.memory_space<vmem>> -> memref<32x128xf32, #tpu.memory_space<vmem>>
        %dma_wait3A_1623 = arith.constant 0 : i32
        %dma_wait3A_1624 = tpu.memref_slice %arg2[%mul3A_1611, %dma_wait3A_1623] : memref<320000x128xf32, #tpu.memory_space<hbm>> -> memref<32x128xf32, #tpu.memory_space<hbm>>
        tpu.wait_dma2 semaphore(%arg13 : memref<!tpu.dma_semaphore, #tpu.memory_space<semaphore_mem>>) src(%dma_wait3A_1624 : memref<32x128xf32, #tpu.memory_space<hbm>>) dst(%dma_wait3A_1622 : memref<32x128xf32, #tpu.memory_space<vmem>>)
        %dma_wait3A_1625 = arith.constant 6 : i32
        %dma_wait3A_1626 = arith.constant 0 : i32
        %dma_wait3A_1627 = arith.constant 0 : i32
        %dma_wait3A_1628 = tpu.memref_slice %arg6[%dma_wait3A_1625, %dma_wait3A_1626, %dma_wait3A_1627] : memref<12x1x32xi32, #tpu.memory_space<vmem>> -> memref<1x1x32xi32, #tpu.memory_space<vmem>>
        %dma_wait3A_1629 = tpu.memref_squeeze %dma_wait3A_1628 : memref<1x1x32xi32, #tpu.memory_space<vmem>> -> memref<1x32xi32, #tpu.memory_space<vmem>>
        %dma_wait3A_1630 = arith.constant 0 : i32
        %dma_wait3A_1631 = arith.constant 0 : i32
        %dma_wait3A_1632 = tpu.memref_slice %arg3[%add3A_1494, %dma_wait3A_1630, %dma_wait3A_1631] : memref<10000x1x32xi32, #tpu.memory_space<hbm>> -> memref<1x1x32xi32, #tpu.memory_space<hbm>>
        %dma_wait3A_1633 = tpu.memref_squeeze %dma_wait3A_1632 : memref<1x1x32xi32, #tpu.memory_space<hbm>> -> memref<1x32xi32, #tpu.memory_space<hbm>>
        %dma_wait3A_1634 = arith.constant 0 : i32
        %dma_wait3A_1635 = arith.constant 0 : i32
        %dma_wait3A_1636 = tpu.memref_slice %arg6[%dma_wait3A_1625, %dma_wait3A_1634, %dma_wait3A_1635] : memref<12x1x32xi32, #tpu.memory_space<vmem>> -> memref<1x1x32xi32, #tpu.memory_space<vmem>>
        %dma_wait3A_1637 = tpu.memref_squeeze %dma_wait3A_1636 : memref<1x1x32xi32, #tpu.memory_space<vmem>> -> memref<1x32xi32, #tpu.memory_space<vmem>>
        %dma_wait3A_1638 = arith.constant 0 : i32
        %dma_wait3A_1639 = arith.constant 0 : i32
        %dma_wait3A_1640 = tpu.memref_slice %arg3[%add3A_1494, %dma_wait3A_1638, %dma_wait3A_1639] : memref<10000x1x32xi32, #tpu.memory_space<hbm>> -> memref<1x1x32xi32, #tpu.memory_space<hbm>>
        %dma_wait3A_1641 = tpu.memref_squeeze %dma_wait3A_1640 : memref<1x1x32xi32, #tpu.memory_space<hbm>> -> memref<1x32xi32, #tpu.memory_space<hbm>>
        tpu.wait_dma2 semaphore(%arg13 : memref<!tpu.dma_semaphore, #tpu.memory_space<semaphore_mem>>) src(%dma_wait3A_1641 : memref<1x32xi32, #tpu.memory_space<hbm>>) dst(%dma_wait3A_1637 : memref<1x32xi32, #tpu.memory_space<vmem>>)
        %run_scoped3A_1642 = arith.constant 6 : i32
        %run_scoped3A_1643 = arith.constant 6 : i32
        %run_scoped3A_1644 = arith.constant 0 : i32
        "tpu.region"() ({
          %run_scoped3A_1645 = tpu.sem_alloc : memref<!tpu.dma_semaphore, #tpu.memory_space<semaphore_mem>>
          %dma_start3A_1646 = arith.constant 0 : i32
          %dma_start3A_1647 = arith.constant 0 : i32
          %dma_start3A_1648 = tpu.memref_slice %arg5[%run_scoped3A_1642, %dma_start3A_1646, %dma_start3A_1647] : memref<12x32x128xf32, #tpu.memory_space<vmem>> -> memref<1x32x128xf32, #tpu.memory_space<vmem>>
          %dma_start3A_1649 = tpu.memref_squeeze %dma_start3A_1648 : memref<1x32x128xf32, #tpu.memory_space<vmem>> -> memref<32x128xf32, #tpu.memory_space<vmem>>
          %dma_start3A_1650 = arith.constant 0 : i32
          %dma_start3A_1651 = tpu.memref_slice %arg6[%run_scoped3A_1643, %run_scoped3A_1644, %dma_start3A_1650] : memref<12x1x32xi32, #tpu.memory_space<vmem>> -> memref<1x1x32xi32, #tpu.memory_space<vmem>>
          %dma_start3A_1652 = tpu.memref_squeeze %dma_start3A_1651 : memref<1x1x32xi32, #tpu.memory_space<vmem>> -> memref<32xi32, #tpu.memory_space<vmem>>
          %dma_start3A_1653 = arith.constant 0 : i32
          %dma_start3A_1654 = arith.constant 0 : i32
          %dma_start3A_1655 = tpu.memref_slice %arg19[%dma_start3A_1653, %dma_start3A_1654] : memref<10000x128xf32, #tpu.memory_space<vmem_shared>> -> memref<10000x128xf32, #tpu.memory_space<vmem_shared>>
          tpu.enqueue_indirect_dma source(%dma_start3A_1649 : memref<32x128xf32, #tpu.memory_space<vmem>>) target(%dma_start3A_1655 : memref<10000x128xf32, #tpu.memory_space<vmem_shared>>) offsets(%dma_start3A_1652 : memref<32xi32, #tpu.memory_space<vmem>>) semaphore(%run_scoped3A_1645 : memref<!tpu.dma_semaphore, #tpu.memory_space<semaphore_mem>>) {add = true}
          %dma_wait3A_1656 = arith.constant 0 : i32
          %dma_wait3A_1657 = arith.constant 0 : i32
          %dma_wait3A_1658 = tpu.memref_slice %arg5[%run_scoped3A_1642, %dma_wait3A_1656, %dma_wait3A_1657] : memref<12x32x128xf32, #tpu.memory_space<vmem>> -> memref<1x32x128xf32, #tpu.memory_space<vmem>>
          %dma_wait3A_1659 = tpu.memref_squeeze %dma_wait3A_1658 : memref<1x32x128xf32, #tpu.memory_space<vmem>> -> memref<32x128xf32, #tpu.memory_space<vmem>>
          %dma_wait3A_1660 = arith.constant 0 : i32
          %dma_wait3A_1661 = tpu.memref_slice %arg6[%run_scoped3A_1643, %run_scoped3A_1644, %dma_wait3A_1660] : memref<12x1x32xi32, #tpu.memory_space<vmem>> -> memref<1x1x32xi32, #tpu.memory_space<vmem>>
          %dma_wait3A_1662 = tpu.memref_squeeze %dma_wait3A_1661 : memref<1x1x32xi32, #tpu.memory_space<vmem>> -> memref<32xi32, #tpu.memory_space<vmem>>
          %dma_wait3A_1663 = arith.constant 0 : i32
          %dma_wait3A_1664 = arith.constant 0 : i32
          %dma_wait3A_1665 = tpu.memref_slice %arg19[%dma_wait3A_1663, %dma_wait3A_1664] : memref<10000x128xf32, #tpu.memory_space<vmem_shared>> -> memref<10000x128xf32, #tpu.memory_space<vmem_shared>>
          tpu.wait_indirect_dma semaphore(%run_scoped3A_1645 : memref<!tpu.dma_semaphore, #tpu.memory_space<semaphore_mem>>) src(%dma_wait3A_1659 : memref<32x128xf32, #tpu.memory_space<vmem>>) dst(%dma_wait3A_1665 : memref<10000x128xf32, #tpu.memory_space<vmem_shared>>)
          tpu.yield
        }) : () -> ()
      } else {
      }
      %add3A_1500 = arith.constant 12 : i32
      %add3A_1501 = arith.addi %add3A_1491, %add3A_1500 : i32
      %mul3A_1502 = arith.constant 32 : i32
      %mul3A_1503 = arith.muli %add3A_1501, %mul3A_1502 : i32
      %add3A_1504 = arith.addi %add3A, %mul3A_1503 : i32
      %lt3A_1505 = arith.constant 10000 : i32
      %lt3A_1506 = arith.cmpi slt, %add3A_1504, %lt3A_1505 : i32
      %convert_element_type3A_1507 = arith.extui %lt3A_1506 : i1 to i32
      %cond3A_1508 = arith.constant 0 : i32
      %cond3A_1509 = arith.cmpi ne, %convert_element_type3A_1507, %cond3A_1508 : i32
      scf.if %cond3A_1509 {
        %mul3A_1610 = arith.constant 32 : i32
        %mul3A_1611 = arith.muli %add3A_1504, %mul3A_1610 : i32
        %dma_start3A_1612 = arith.constant 6 : i32
        %dma_start3A_1613 = arith.constant 0 : i32
        %dma_start3A_1614 = arith.constant 0 : i32
        %dma_start3A_1615 = tpu.memref_slice %arg5[%dma_start3A_1612, %dma_start3A_1613, %dma_start3A_1614] : memref<12x32x128xf32, #tpu.memory_space<vmem>> -> memref<1x32x128xf32, #tpu.memory_space<vmem>>
        %dma_start3A_1616 = tpu.memref_squeeze %dma_start3A_1615 : memref<1x32x128xf32, #tpu.memory_space<vmem>> -> memref<32x128xf32, #tpu.memory_space<vmem>>
        %dma_start3A_1617 = arith.constant 0 : i32
        %dma_start3A_1618 = tpu.memref_slice %arg2[%mul3A_1611, %dma_start3A_1617] : memref<320000x128xf32, #tpu.memory_space<hbm>> -> memref<32x128xf32, #tpu.memory_space<hbm>>
        %dma_start3A_1619 = arith.constant 0 : i32
        %dma_start3A_1620 = arith.constant 0 : i32
        %dma_start3A_1621 = tpu.memref_slice %arg5[%dma_start3A_1612, %dma_start3A_1619, %dma_start3A_1620] : memref<12x32x128xf32, #tpu.memory_space<vmem>> -> memref<1x32x128xf32, #tpu.memory_space<vmem>>
        %dma_start3A_1622 = tpu.memref_squeeze %dma_start3A_1621 : memref<1x32x128xf32, #tpu.memory_space<vmem>> -> memref<32x128xf32, #tpu.memory_space<vmem>>
        %dma_start3A_1623 = arith.constant 0 : i32
        %dma_start3A_1624 = tpu.memref_slice %arg2[%mul3A_1611, %dma_start3A_1623] : memref<320000x128xf32, #tpu.memory_space<hbm>> -> memref<32x128xf32, #tpu.memory_space<hbm>>
        tpu.enqueue_dma source(%dma_start3A_1624 : memref<32x128xf32, #tpu.memory_space<hbm>>) target(%dma_start3A_1622 : memref<32x128xf32, #tpu.memory_space<vmem>>) target_semaphore(%arg13 : memref<!tpu.dma_semaphore, #tpu.memory_space<semaphore_mem>>)
        %dma_start3A_1625 = arith.constant 6 : i32
        %dma_start3A_1626 = arith.constant 0 : i32
        %dma_start3A_1627 = arith.constant 0 : i32
        %dma_start3A_1628 = tpu.memref_slice %arg6[%dma_start3A_1625, %dma_start3A_1626, %dma_start3A_1627] : memref<12x1x32xi32, #tpu.memory_space<vmem>> -> memref<1x1x32xi32, #tpu.memory_space<vmem>>
        %dma_start3A_1629 = tpu.memref_squeeze %dma_start3A_1628 : memref<1x1x32xi32, #tpu.memory_space<vmem>> -> memref<1x32xi32, #tpu.memory_space<vmem>>
        %dma_start3A_1630 = arith.constant 0 : i32
        %dma_start3A_1631 = arith.constant 0 : i32
        %dma_start3A_1632 = tpu.memref_slice %arg3[%add3A_1504, %dma_start3A_1630, %dma_start3A_1631] : memref<10000x1x32xi32, #tpu.memory_space<hbm>> -> memref<1x1x32xi32, #tpu.memory_space<hbm>>
        %dma_start3A_1633 = tpu.memref_squeeze %dma_start3A_1632 : memref<1x1x32xi32, #tpu.memory_space<hbm>> -> memref<1x32xi32, #tpu.memory_space<hbm>>
        %dma_start3A_1634 = arith.constant 0 : i32
        %dma_start3A_1635 = arith.constant 0 : i32
        %dma_start3A_1636 = tpu.memref_slice %arg6[%dma_start3A_1625, %dma_start3A_1634, %dma_start3A_1635] : memref<12x1x32xi32, #tpu.memory_space<vmem>> -> memref<1x1x32xi32, #tpu.memory_space<vmem>>
        %dma_start3A_1637 = tpu.memref_squeeze %dma_start3A_1636 : memref<1x1x32xi32, #tpu.memory_space<vmem>> -> memref<1x32xi32, #tpu.memory_space<vmem>>
        %dma_start3A_1638 = arith.constant 0 : i32
        %dma_start3A_1639 = arith.constant 0 : i32
        %dma_start3A_1640 = tpu.memref_slice %arg3[%add3A_1504, %dma_start3A_1638, %dma_start3A_1639] : memref<10000x1x32xi32, #tpu.memory_space<hbm>> -> memref<1x1x32xi32, #tpu.memory_space<hbm>>
        %dma_start3A_1641 = tpu.memref_squeeze %dma_start3A_1640 : memref<1x1x32xi32, #tpu.memory_space<hbm>> -> memref<1x32xi32, #tpu.memory_space<hbm>>
        tpu.enqueue_dma source(%dma_start3A_1641 : memref<1x32xi32, #tpu.memory_space<hbm>>) target(%dma_start3A_1637 : memref<1x32xi32, #tpu.memory_space<vmem>>) target_semaphore(%arg13 : memref<!tpu.dma_semaphore, #tpu.memory_space<semaphore_mem>>)
      } else {
      }
      %add3A_1510 = arith.constant 7 : i32
      %add3A_1511 = arith.addi %mul3A_1369, %add3A_1510 : i32
      %mul3A_1512 = arith.constant 32 : i32
      %mul3A_1513 = arith.muli %add3A_1511, %mul3A_1512 : i32
      %add3A_1514 = arith.addi %add3A, %mul3A_1513 : i32
      %lt3A_1515 = arith.constant 10000 : i32
      %lt3A_1516 = arith.cmpi slt, %add3A_1514, %lt3A_1515 : i32
      %convert_element_type3A_1517 = arith.extui %lt3A_1516 : i1 to i32
      %cond3A_1518 = arith.constant 0 : i32
      %cond3A_1519 = arith.cmpi ne, %convert_element_type3A_1517, %cond3A_1518 : i32
      scf.if %cond3A_1519 {
        %mul3A_1610 = arith.constant 32 : i32
        %mul3A_1611 = arith.muli %add3A_1514, %mul3A_1610 : i32
        %dma_wait3A_1612 = arith.constant 7 : i32
        %dma_wait3A_1613 = arith.constant 0 : i32
        %dma_wait3A_1614 = arith.constant 0 : i32
        %dma_wait3A_1615 = tpu.memref_slice %arg5[%dma_wait3A_1612, %dma_wait3A_1613, %dma_wait3A_1614] : memref<12x32x128xf32, #tpu.memory_space<vmem>> -> memref<1x32x128xf32, #tpu.memory_space<vmem>>
        %dma_wait3A_1616 = tpu.memref_squeeze %dma_wait3A_1615 : memref<1x32x128xf32, #tpu.memory_space<vmem>> -> memref<32x128xf32, #tpu.memory_space<vmem>>
        %dma_wait3A_1617 = arith.constant 0 : i32
        %dma_wait3A_1618 = tpu.memref_slice %arg2[%mul3A_1611, %dma_wait3A_1617] : memref<320000x128xf32, #tpu.memory_space<hbm>> -> memref<32x128xf32, #tpu.memory_space<hbm>>
        %dma_wait3A_1619 = arith.constant 0 : i32
        %dma_wait3A_1620 = arith.constant 0 : i32
        %dma_wait3A_1621 = tpu.memref_slice %arg5[%dma_wait3A_1612, %dma_wait3A_1619, %dma_wait3A_1620] : memref<12x32x128xf32, #tpu.memory_space<vmem>> -> memref<1x32x128xf32, #tpu.memory_space<vmem>>
        %dma_wait3A_1622 = tpu.memref_squeeze %dma_wait3A_1621 : memref<1x32x128xf32, #tpu.memory_space<vmem>> -> memref<32x128xf32, #tpu.memory_space<vmem>>
        %dma_wait3A_1623 = arith.constant 0 : i32
        %dma_wait3A_1624 = tpu.memref_slice %arg2[%mul3A_1611, %dma_wait3A_1623] : memref<320000x128xf32, #tpu.memory_space<hbm>> -> memref<32x128xf32, #tpu.memory_space<hbm>>
        tpu.wait_dma2 semaphore(%arg14 : memref<!tpu.dma_semaphore, #tpu.memory_space<semaphore_mem>>) src(%dma_wait3A_1624 : memref<32x128xf32, #tpu.memory_space<hbm>>) dst(%dma_wait3A_1622 : memref<32x128xf32, #tpu.memory_space<vmem>>)
        %dma_wait3A_1625 = arith.constant 7 : i32
        %dma_wait3A_1626 = arith.constant 0 : i32
        %dma_wait3A_1627 = arith.constant 0 : i32
        %dma_wait3A_1628 = tpu.memref_slice %arg6[%dma_wait3A_1625, %dma_wait3A_1626, %dma_wait3A_1627] : memref<12x1x32xi32, #tpu.memory_space<vmem>> -> memref<1x1x32xi32, #tpu.memory_space<vmem>>
        %dma_wait3A_1629 = tpu.memref_squeeze %dma_wait3A_1628 : memref<1x1x32xi32, #tpu.memory_space<vmem>> -> memref<1x32xi32, #tpu.memory_space<vmem>>
        %dma_wait3A_1630 = arith.constant 0 : i32
        %dma_wait3A_1631 = arith.constant 0 : i32
        %dma_wait3A_1632 = tpu.memref_slice %arg3[%add3A_1514, %dma_wait3A_1630, %dma_wait3A_1631] : memref<10000x1x32xi32, #tpu.memory_space<hbm>> -> memref<1x1x32xi32, #tpu.memory_space<hbm>>
        %dma_wait3A_1633 = tpu.memref_squeeze %dma_wait3A_1632 : memref<1x1x32xi32, #tpu.memory_space<hbm>> -> memref<1x32xi32, #tpu.memory_space<hbm>>
        %dma_wait3A_1634 = arith.constant 0 : i32
        %dma_wait3A_1635 = arith.constant 0 : i32
        %dma_wait3A_1636 = tpu.memref_slice %arg6[%dma_wait3A_1625, %dma_wait3A_1634, %dma_wait3A_1635] : memref<12x1x32xi32, #tpu.memory_space<vmem>> -> memref<1x1x32xi32, #tpu.memory_space<vmem>>
        %dma_wait3A_1637 = tpu.memref_squeeze %dma_wait3A_1636 : memref<1x1x32xi32, #tpu.memory_space<vmem>> -> memref<1x32xi32, #tpu.memory_space<vmem>>
        %dma_wait3A_1638 = arith.constant 0 : i32
        %dma_wait3A_1639 = arith.constant 0 : i32
        %dma_wait3A_1640 = tpu.memref_slice %arg3[%add3A_1514, %dma_wait3A_1638, %dma_wait3A_1639] : memref<10000x1x32xi32, #tpu.memory_space<hbm>> -> memref<1x1x32xi32, #tpu.memory_space<hbm>>
        %dma_wait3A_1641 = tpu.memref_squeeze %dma_wait3A_1640 : memref<1x1x32xi32, #tpu.memory_space<hbm>> -> memref<1x32xi32, #tpu.memory_space<hbm>>
        tpu.wait_dma2 semaphore(%arg14 : memref<!tpu.dma_semaphore, #tpu.memory_space<semaphore_mem>>) src(%dma_wait3A_1641 : memref<1x32xi32, #tpu.memory_space<hbm>>) dst(%dma_wait3A_1637 : memref<1x32xi32, #tpu.memory_space<vmem>>)
        %run_scoped3A_1642 = arith.constant 7 : i32
        %run_scoped3A_1643 = arith.constant 7 : i32
        %run_scoped3A_1644 = arith.constant 0 : i32
        "tpu.region"() ({
          %run_scoped3A_1645 = tpu.sem_alloc : memref<!tpu.dma_semaphore, #tpu.memory_space<semaphore_mem>>
          %dma_start3A_1646 = arith.constant 0 : i32
          %dma_start3A_1647 = arith.constant 0 : i32
          %dma_start3A_1648 = tpu.memref_slice %arg5[%run_scoped3A_1642, %dma_start3A_1646, %dma_start3A_1647] : memref<12x32x128xf32, #tpu.memory_space<vmem>> -> memref<1x32x128xf32, #tpu.memory_space<vmem>>
          %dma_start3A_1649 = tpu.memref_squeeze %dma_start3A_1648 : memref<1x32x128xf32, #tpu.memory_space<vmem>> -> memref<32x128xf32, #tpu.memory_space<vmem>>
          %dma_start3A_1650 = arith.constant 0 : i32
          %dma_start3A_1651 = tpu.memref_slice %arg6[%run_scoped3A_1643, %run_scoped3A_1644, %dma_start3A_1650] : memref<12x1x32xi32, #tpu.memory_space<vmem>> -> memref<1x1x32xi32, #tpu.memory_space<vmem>>
          %dma_start3A_1652 = tpu.memref_squeeze %dma_start3A_1651 : memref<1x1x32xi32, #tpu.memory_space<vmem>> -> memref<32xi32, #tpu.memory_space<vmem>>
          %dma_start3A_1653 = arith.constant 0 : i32
          %dma_start3A_1654 = arith.constant 0 : i32
          %dma_start3A_1655 = tpu.memref_slice %arg19[%dma_start3A_1653, %dma_start3A_1654] : memref<10000x128xf32, #tpu.memory_space<vmem_shared>> -> memref<10000x128xf32, #tpu.memory_space<vmem_shared>>
          tpu.enqueue_indirect_dma source(%dma_start3A_1649 : memref<32x128xf32, #tpu.memory_space<vmem>>) target(%dma_start3A_1655 : memref<10000x128xf32, #tpu.memory_space<vmem_shared>>) offsets(%dma_start3A_1652 : memref<32xi32, #tpu.memory_space<vmem>>) semaphore(%run_scoped3A_1645 : memref<!tpu.dma_semaphore, #tpu.memory_space<semaphore_mem>>) {add = true}
          %dma_wait3A_1656 = arith.constant 0 : i32
          %dma_wait3A_1657 = arith.constant 0 : i32
          %dma_wait3A_1658 = tpu.memref_slice %arg5[%run_scoped3A_1642, %dma_wait3A_1656, %dma_wait3A_1657] : memref<12x32x128xf32, #tpu.memory_space<vmem>> -> memref<1x32x128xf32, #tpu.memory_space<vmem>>
          %dma_wait3A_1659 = tpu.memref_squeeze %dma_wait3A_1658 : memref<1x32x128xf32, #tpu.memory_space<vmem>> -> memref<32x128xf32, #tpu.memory_space<vmem>>
          %dma_wait3A_1660 = arith.constant 0 : i32
          %dma_wait3A_1661 = tpu.memref_slice %arg6[%run_scoped3A_1643, %run_scoped3A_1644, %dma_wait3A_1660] : memref<12x1x32xi32, #tpu.memory_space<vmem>> -> memref<1x1x32xi32, #tpu.memory_space<vmem>>
          %dma_wait3A_1662 = tpu.memref_squeeze %dma_wait3A_1661 : memref<1x1x32xi32, #tpu.memory_space<vmem>> -> memref<32xi32, #tpu.memory_space<vmem>>
          %dma_wait3A_1663 = arith.constant 0 : i32
          %dma_wait3A_1664 = arith.constant 0 : i32
          %dma_wait3A_1665 = tpu.memref_slice %arg19[%dma_wait3A_1663, %dma_wait3A_1664] : memref<10000x128xf32, #tpu.memory_space<vmem_shared>> -> memref<10000x128xf32, #tpu.memory_space<vmem_shared>>
          tpu.wait_indirect_dma semaphore(%run_scoped3A_1645 : memref<!tpu.dma_semaphore, #tpu.memory_space<semaphore_mem>>) src(%dma_wait3A_1659 : memref<32x128xf32, #tpu.memory_space<vmem>>) dst(%dma_wait3A_1665 : memref<10000x128xf32, #tpu.memory_space<vmem_shared>>)
          tpu.yield
        }) : () -> ()
      } else {
      }
      %add3A_1520 = arith.constant 12 : i32
      %add3A_1521 = arith.addi %add3A_1511, %add3A_1520 : i32
      %mul3A_1522 = arith.constant 32 : i32
      %mul3A_1523 = arith.muli %add3A_1521, %mul3A_1522 : i32
      %add3A_1524 = arith.addi %add3A, %mul3A_1523 : i32
      %lt3A_1525 = arith.constant 10000 : i32
      %lt3A_1526 = arith.cmpi slt, %add3A_1524, %lt3A_1525 : i32
      %convert_element_type3A_1527 = arith.extui %lt3A_1526 : i1 to i32
      %cond3A_1528 = arith.constant 0 : i32
      %cond3A_1529 = arith.cmpi ne, %convert_element_type3A_1527, %cond3A_1528 : i32
      scf.if %cond3A_1529 {
        %mul3A_1610 = arith.constant 32 : i32
        %mul3A_1611 = arith.muli %add3A_1524, %mul3A_1610 : i32
        %dma_start3A_1612 = arith.constant 7 : i32
        %dma_start3A_1613 = arith.constant 0 : i32
        %dma_start3A_1614 = arith.constant 0 : i32
        %dma_start3A_1615 = tpu.memref_slice %arg5[%dma_start3A_1612, %dma_start3A_1613, %dma_start3A_1614] : memref<12x32x128xf32, #tpu.memory_space<vmem>> -> memref<1x32x128xf32, #tpu.memory_space<vmem>>
        %dma_start3A_1616 = tpu.memref_squeeze %dma_start3A_1615 : memref<1x32x128xf32, #tpu.memory_space<vmem>> -> memref<32x128xf32, #tpu.memory_space<vmem>>
        %dma_start3A_1617 = arith.constant 0 : i32
        %dma_start3A_1618 = tpu.memref_slice %arg2[%mul3A_1611, %dma_start3A_1617] : memref<320000x128xf32, #tpu.memory_space<hbm>> -> memref<32x128xf32, #tpu.memory_space<hbm>>
        %dma_start3A_1619 = arith.constant 0 : i32
        %dma_start3A_1620 = arith.constant 0 : i32
        %dma_start3A_1621 = tpu.memref_slice %arg5[%dma_start3A_1612, %dma_start3A_1619, %dma_start3A_1620] : memref<12x32x128xf32, #tpu.memory_space<vmem>> -> memref<1x32x128xf32, #tpu.memory_space<vmem>>
        %dma_start3A_1622 = tpu.memref_squeeze %dma_start3A_1621 : memref<1x32x128xf32, #tpu.memory_space<vmem>> -> memref<32x128xf32, #tpu.memory_space<vmem>>
        %dma_start3A_1623 = arith.constant 0 : i32
        %dma_start3A_1624 = tpu.memref_slice %arg2[%mul3A_1611, %dma_start3A_1623] : memref<320000x128xf32, #tpu.memory_space<hbm>> -> memref<32x128xf32, #tpu.memory_space<hbm>>
        tpu.enqueue_dma source(%dma_start3A_1624 : memref<32x128xf32, #tpu.memory_space<hbm>>) target(%dma_start3A_1622 : memref<32x128xf32, #tpu.memory_space<vmem>>) target_semaphore(%arg14 : memref<!tpu.dma_semaphore, #tpu.memory_space<semaphore_mem>>)
        %dma_start3A_1625 = arith.constant 7 : i32
        %dma_start3A_1626 = arith.constant 0 : i32
        %dma_start3A_1627 = arith.constant 0 : i32
        %dma_start3A_1628 = tpu.memref_slice %arg6[%dma_start3A_1625, %dma_start3A_1626, %dma_start3A_1627] : memref<12x1x32xi32, #tpu.memory_space<vmem>> -> memref<1x1x32xi32, #tpu.memory_space<vmem>>
        %dma_start3A_1629 = tpu.memref_squeeze %dma_start3A_1628 : memref<1x1x32xi32, #tpu.memory_space<vmem>> -> memref<1x32xi32, #tpu.memory_space<vmem>>
        %dma_start3A_1630 = arith.constant 0 : i32
        %dma_start3A_1631 = arith.constant 0 : i32
        %dma_start3A_1632 = tpu.memref_slice %arg3[%add3A_1524, %dma_start3A_1630, %dma_start3A_1631] : memref<10000x1x32xi32, #tpu.memory_space<hbm>> -> memref<1x1x32xi32, #tpu.memory_space<hbm>>
        %dma_start3A_1633 = tpu.memref_squeeze %dma_start3A_1632 : memref<1x1x32xi32, #tpu.memory_space<hbm>> -> memref<1x32xi32, #tpu.memory_space<hbm>>
        %dma_start3A_1634 = arith.constant 0 : i32
        %dma_start3A_1635 = arith.constant 0 : i32
        %dma_start3A_1636 = tpu.memref_slice %arg6[%dma_start3A_1625, %dma_start3A_1634, %dma_start3A_1635] : memref<12x1x32xi32, #tpu.memory_space<vmem>> -> memref<1x1x32xi32, #tpu.memory_space<vmem>>
        %dma_start3A_1637 = tpu.memref_squeeze %dma_start3A_1636 : memref<1x1x32xi32, #tpu.memory_space<vmem>> -> memref<1x32xi32, #tpu.memory_space<vmem>>
        %dma_start3A_1638 = arith.constant 0 : i32
        %dma_start3A_1639 = arith.constant 0 : i32
        %dma_start3A_1640 = tpu.memref_slice %arg3[%add3A_1524, %dma_start3A_1638, %dma_start3A_1639] : memref<10000x1x32xi32, #tpu.memory_space<hbm>> -> memref<1x1x32xi32, #tpu.memory_space<hbm>>
        %dma_start3A_1641 = tpu.memref_squeeze %dma_start3A_1640 : memref<1x1x32xi32, #tpu.memory_space<hbm>> -> memref<1x32xi32, #tpu.memory_space<hbm>>
        tpu.enqueue_dma source(%dma_start3A_1641 : memref<1x32xi32, #tpu.memory_space<hbm>>) target(%dma_start3A_1637 : memref<1x32xi32, #tpu.memory_space<vmem>>) target_semaphore(%arg14 : memref<!tpu.dma_semaphore, #tpu.memory_space<semaphore_mem>>)
      } else {
      }
      %add3A_1530 = arith.constant 8 : i32
      %add3A_1531 = arith.addi %mul3A_1369, %add3A_1530 : i32
      %mul3A_1532 = arith.constant 32 : i32
      %mul3A_1533 = arith.muli %add3A_1531, %mul3A_1532 : i32
      %add3A_1534 = arith.addi %add3A, %mul3A_1533 : i32
      %lt3A_1535 = arith.constant 10000 : i32
      %lt3A_1536 = arith.cmpi slt, %add3A_1534, %lt3A_1535 : i32
      %convert_element_type3A_1537 = arith.extui %lt3A_1536 : i1 to i32
      %cond3A_1538 = arith.constant 0 : i32
      %cond3A_1539 = arith.cmpi ne, %convert_element_type3A_1537, %cond3A_1538 : i32
      scf.if %cond3A_1539 {
        %mul3A_1610 = arith.constant 32 : i32
        %mul3A_1611 = arith.muli %add3A_1534, %mul3A_1610 : i32
        %dma_wait3A_1612 = arith.constant 8 : i32
        %dma_wait3A_1613 = arith.constant 0 : i32
        %dma_wait3A_1614 = arith.constant 0 : i32
        %dma_wait3A_1615 = tpu.memref_slice %arg5[%dma_wait3A_1612, %dma_wait3A_1613, %dma_wait3A_1614] : memref<12x32x128xf32, #tpu.memory_space<vmem>> -> memref<1x32x128xf32, #tpu.memory_space<vmem>>
        %dma_wait3A_1616 = tpu.memref_squeeze %dma_wait3A_1615 : memref<1x32x128xf32, #tpu.memory_space<vmem>> -> memref<32x128xf32, #tpu.memory_space<vmem>>
        %dma_wait3A_1617 = arith.constant 0 : i32
        %dma_wait3A_1618 = tpu.memref_slice %arg2[%mul3A_1611, %dma_wait3A_1617] : memref<320000x128xf32, #tpu.memory_space<hbm>> -> memref<32x128xf32, #tpu.memory_space<hbm>>
        %dma_wait3A_1619 = arith.constant 0 : i32
        %dma_wait3A_1620 = arith.constant 0 : i32
        %dma_wait3A_1621 = tpu.memref_slice %arg5[%dma_wait3A_1612, %dma_wait3A_1619, %dma_wait3A_1620] : memref<12x32x128xf32, #tpu.memory_space<vmem>> -> memref<1x32x128xf32, #tpu.memory_space<vmem>>
        %dma_wait3A_1622 = tpu.memref_squeeze %dma_wait3A_1621 : memref<1x32x128xf32, #tpu.memory_space<vmem>> -> memref<32x128xf32, #tpu.memory_space<vmem>>
        %dma_wait3A_1623 = arith.constant 0 : i32
        %dma_wait3A_1624 = tpu.memref_slice %arg2[%mul3A_1611, %dma_wait3A_1623] : memref<320000x128xf32, #tpu.memory_space<hbm>> -> memref<32x128xf32, #tpu.memory_space<hbm>>
        tpu.wait_dma2 semaphore(%arg15 : memref<!tpu.dma_semaphore, #tpu.memory_space<semaphore_mem>>) src(%dma_wait3A_1624 : memref<32x128xf32, #tpu.memory_space<hbm>>) dst(%dma_wait3A_1622 : memref<32x128xf32, #tpu.memory_space<vmem>>)
        %dma_wait3A_1625 = arith.constant 8 : i32
        %dma_wait3A_1626 = arith.constant 0 : i32
        %dma_wait3A_1627 = arith.constant 0 : i32
        %dma_wait3A_1628 = tpu.memref_slice %arg6[%dma_wait3A_1625, %dma_wait3A_1626, %dma_wait3A_1627] : memref<12x1x32xi32, #tpu.memory_space<vmem>> -> memref<1x1x32xi32, #tpu.memory_space<vmem>>
        %dma_wait3A_1629 = tpu.memref_squeeze %dma_wait3A_1628 : memref<1x1x32xi32, #tpu.memory_space<vmem>> -> memref<1x32xi32, #tpu.memory_space<vmem>>
        %dma_wait3A_1630 = arith.constant 0 : i32
        %dma_wait3A_1631 = arith.constant 0 : i32
        %dma_wait3A_1632 = tpu.memref_slice %arg3[%add3A_1534, %dma_wait3A_1630, %dma_wait3A_1631] : memref<10000x1x32xi32, #tpu.memory_space<hbm>> -> memref<1x1x32xi32, #tpu.memory_space<hbm>>
        %dma_wait3A_1633 = tpu.memref_squeeze %dma_wait3A_1632 : memref<1x1x32xi32, #tpu.memory_space<hbm>> -> memref<1x32xi32, #tpu.memory_space<hbm>>
        %dma_wait3A_1634 = arith.constant 0 : i32
        %dma_wait3A_1635 = arith.constant 0 : i32
        %dma_wait3A_1636 = tpu.memref_slice %arg6[%dma_wait3A_1625, %dma_wait3A_1634, %dma_wait3A_1635] : memref<12x1x32xi32, #tpu.memory_space<vmem>> -> memref<1x1x32xi32, #tpu.memory_space<vmem>>
        %dma_wait3A_1637 = tpu.memref_squeeze %dma_wait3A_1636 : memref<1x1x32xi32, #tpu.memory_space<vmem>> -> memref<1x32xi32, #tpu.memory_space<vmem>>
        %dma_wait3A_1638 = arith.constant 0 : i32
        %dma_wait3A_1639 = arith.constant 0 : i32
        %dma_wait3A_1640 = tpu.memref_slice %arg3[%add3A_1534, %dma_wait3A_1638, %dma_wait3A_1639] : memref<10000x1x32xi32, #tpu.memory_space<hbm>> -> memref<1x1x32xi32, #tpu.memory_space<hbm>>
        %dma_wait3A_1641 = tpu.memref_squeeze %dma_wait3A_1640 : memref<1x1x32xi32, #tpu.memory_space<hbm>> -> memref<1x32xi32, #tpu.memory_space<hbm>>
        tpu.wait_dma2 semaphore(%arg15 : memref<!tpu.dma_semaphore, #tpu.memory_space<semaphore_mem>>) src(%dma_wait3A_1641 : memref<1x32xi32, #tpu.memory_space<hbm>>) dst(%dma_wait3A_1637 : memref<1x32xi32, #tpu.memory_space<vmem>>)
        %run_scoped3A_1642 = arith.constant 8 : i32
        %run_scoped3A_1643 = arith.constant 8 : i32
        %run_scoped3A_1644 = arith.constant 0 : i32
        "tpu.region"() ({
          %run_scoped3A_1645 = tpu.sem_alloc : memref<!tpu.dma_semaphore, #tpu.memory_space<semaphore_mem>>
          %dma_start3A_1646 = arith.constant 0 : i32
          %dma_start3A_1647 = arith.constant 0 : i32
          %dma_start3A_1648 = tpu.memref_slice %arg5[%run_scoped3A_1642, %dma_start3A_1646, %dma_start3A_1647] : memref<12x32x128xf32, #tpu.memory_space<vmem>> -> memref<1x32x128xf32, #tpu.memory_space<vmem>>
          %dma_start3A_1649 = tpu.memref_squeeze %dma_start3A_1648 : memref<1x32x128xf32, #tpu.memory_space<vmem>> -> memref<32x128xf32, #tpu.memory_space<vmem>>
          %dma_start3A_1650 = arith.constant 0 : i32
          %dma_start3A_1651 = tpu.memref_slice %arg6[%run_scoped3A_1643, %run_scoped3A_1644, %dma_start3A_1650] : memref<12x1x32xi32, #tpu.memory_space<vmem>> -> memref<1x1x32xi32, #tpu.memory_space<vmem>>
          %dma_start3A_1652 = tpu.memref_squeeze %dma_start3A_1651 : memref<1x1x32xi32, #tpu.memory_space<vmem>> -> memref<32xi32, #tpu.memory_space<vmem>>
          %dma_start3A_1653 = arith.constant 0 : i32
          %dma_start3A_1654 = arith.constant 0 : i32
          %dma_start3A_1655 = tpu.memref_slice %arg19[%dma_start3A_1653, %dma_start3A_1654] : memref<10000x128xf32, #tpu.memory_space<vmem_shared>> -> memref<10000x128xf32, #tpu.memory_space<vmem_shared>>
          tpu.enqueue_indirect_dma source(%dma_start3A_1649 : memref<32x128xf32, #tpu.memory_space<vmem>>) target(%dma_start3A_1655 : memref<10000x128xf32, #tpu.memory_space<vmem_shared>>) offsets(%dma_start3A_1652 : memref<32xi32, #tpu.memory_space<vmem>>) semaphore(%run_scoped3A_1645 : memref<!tpu.dma_semaphore, #tpu.memory_space<semaphore_mem>>) {add = true}
          %dma_wait3A_1656 = arith.constant 0 : i32
          %dma_wait3A_1657 = arith.constant 0 : i32
          %dma_wait3A_1658 = tpu.memref_slice %arg5[%run_scoped3A_1642, %dma_wait3A_1656, %dma_wait3A_1657] : memref<12x32x128xf32, #tpu.memory_space<vmem>> -> memref<1x32x128xf32, #tpu.memory_space<vmem>>
          %dma_wait3A_1659 = tpu.memref_squeeze %dma_wait3A_1658 : memref<1x32x128xf32, #tpu.memory_space<vmem>> -> memref<32x128xf32, #tpu.memory_space<vmem>>
          %dma_wait3A_1660 = arith.constant 0 : i32
          %dma_wait3A_1661 = tpu.memref_slice %arg6[%run_scoped3A_1643, %run_scoped3A_1644, %dma_wait3A_1660] : memref<12x1x32xi32, #tpu.memory_space<vmem>> -> memref<1x1x32xi32, #tpu.memory_space<vmem>>
          %dma_wait3A_1662 = tpu.memref_squeeze %dma_wait3A_1661 : memref<1x1x32xi32, #tpu.memory_space<vmem>> -> memref<32xi32, #tpu.memory_space<vmem>>
          %dma_wait3A_1663 = arith.constant 0 : i32
          %dma_wait3A_1664 = arith.constant 0 : i32
          %dma_wait3A_1665 = tpu.memref_slice %arg19[%dma_wait3A_1663, %dma_wait3A_1664] : memref<10000x128xf32, #tpu.memory_space<vmem_shared>> -> memref<10000x128xf32, #tpu.memory_space<vmem_shared>>
          tpu.wait_indirect_dma semaphore(%run_scoped3A_1645 : memref<!tpu.dma_semaphore, #tpu.memory_space<semaphore_mem>>) src(%dma_wait3A_1659 : memref<32x128xf32, #tpu.memory_space<vmem>>) dst(%dma_wait3A_1665 : memref<10000x128xf32, #tpu.memory_space<vmem_shared>>)
          tpu.yield
        }) : () -> ()
      } else {
      }
      %add3A_1540 = arith.constant 12 : i32
      %add3A_1541 = arith.addi %add3A_1531, %add3A_1540 : i32
      %mul3A_1542 = arith.constant 32 : i32
      %mul3A_1543 = arith.muli %add3A_1541, %mul3A_1542 : i32
      %add3A_1544 = arith.addi %add3A, %mul3A_1543 : i32
      %lt3A_1545 = arith.constant 10000 : i32
      %lt3A_1546 = arith.cmpi slt, %add3A_1544, %lt3A_1545 : i32
      %convert_element_type3A_1547 = arith.extui %lt3A_1546 : i1 to i32
      %cond3A_1548 = arith.constant 0 : i32
      %cond3A_1549 = arith.cmpi ne, %convert_element_type3A_1547, %cond3A_1548 : i32
      scf.if %cond3A_1549 {
        %mul3A_1610 = arith.constant 32 : i32
        %mul3A_1611 = arith.muli %add3A_1544, %mul3A_1610 : i32
        %dma_start3A_1612 = arith.constant 8 : i32
        %dma_start3A_1613 = arith.constant 0 : i32
        %dma_start3A_1614 = arith.constant 0 : i32
        %dma_start3A_1615 = tpu.memref_slice %arg5[%dma_start3A_1612, %dma_start3A_1613, %dma_start3A_1614] : memref<12x32x128xf32, #tpu.memory_space<vmem>> -> memref<1x32x128xf32, #tpu.memory_space<vmem>>
        %dma_start3A_1616 = tpu.memref_squeeze %dma_start3A_1615 : memref<1x32x128xf32, #tpu.memory_space<vmem>> -> memref<32x128xf32, #tpu.memory_space<vmem>>
        %dma_start3A_1617 = arith.constant 0 : i32
        %dma_start3A_1618 = tpu.memref_slice %arg2[%mul3A_1611, %dma_start3A_1617] : memref<320000x128xf32, #tpu.memory_space<hbm>> -> memref<32x128xf32, #tpu.memory_space<hbm>>
        %dma_start3A_1619 = arith.constant 0 : i32
        %dma_start3A_1620 = arith.constant 0 : i32
        %dma_start3A_1621 = tpu.memref_slice %arg5[%dma_start3A_1612, %dma_start3A_1619, %dma_start3A_1620] : memref<12x32x128xf32, #tpu.memory_space<vmem>> -> memref<1x32x128xf32, #tpu.memory_space<vmem>>
        %dma_start3A_1622 = tpu.memref_squeeze %dma_start3A_1621 : memref<1x32x128xf32, #tpu.memory_space<vmem>> -> memref<32x128xf32, #tpu.memory_space<vmem>>
        %dma_start3A_1623 = arith.constant 0 : i32
        %dma_start3A_1624 = tpu.memref_slice %arg2[%mul3A_1611, %dma_start3A_1623] : memref<320000x128xf32, #tpu.memory_space<hbm>> -> memref<32x128xf32, #tpu.memory_space<hbm>>
        tpu.enqueue_dma source(%dma_start3A_1624 : memref<32x128xf32, #tpu.memory_space<hbm>>) target(%dma_start3A_1622 : memref<32x128xf32, #tpu.memory_space<vmem>>) target_semaphore(%arg15 : memref<!tpu.dma_semaphore, #tpu.memory_space<semaphore_mem>>)
        %dma_start3A_1625 = arith.constant 8 : i32
        %dma_start3A_1626 = arith.constant 0 : i32
        %dma_start3A_1627 = arith.constant 0 : i32
        %dma_start3A_1628 = tpu.memref_slice %arg6[%dma_start3A_1625, %dma_start3A_1626, %dma_start3A_1627] : memref<12x1x32xi32, #tpu.memory_space<vmem>> -> memref<1x1x32xi32, #tpu.memory_space<vmem>>
        %dma_start3A_1629 = tpu.memref_squeeze %dma_start3A_1628 : memref<1x1x32xi32, #tpu.memory_space<vmem>> -> memref<1x32xi32, #tpu.memory_space<vmem>>
        %dma_start3A_1630 = arith.constant 0 : i32
        %dma_start3A_1631 = arith.constant 0 : i32
        %dma_start3A_1632 = tpu.memref_slice %arg3[%add3A_1544, %dma_start3A_1630, %dma_start3A_1631] : memref<10000x1x32xi32, #tpu.memory_space<hbm>> -> memref<1x1x32xi32, #tpu.memory_space<hbm>>
        %dma_start3A_1633 = tpu.memref_squeeze %dma_start3A_1632 : memref<1x1x32xi32, #tpu.memory_space<hbm>> -> memref<1x32xi32, #tpu.memory_space<hbm>>
        %dma_start3A_1634 = arith.constant 0 : i32
        %dma_start3A_1635 = arith.constant 0 : i32
        %dma_start3A_1636 = tpu.memref_slice %arg6[%dma_start3A_1625, %dma_start3A_1634, %dma_start3A_1635] : memref<12x1x32xi32, #tpu.memory_space<vmem>> -> memref<1x1x32xi32, #tpu.memory_space<vmem>>
        %dma_start3A_1637 = tpu.memref_squeeze %dma_start3A_1636 : memref<1x1x32xi32, #tpu.memory_space<vmem>> -> memref<1x32xi32, #tpu.memory_space<vmem>>
        %dma_start3A_1638 = arith.constant 0 : i32
        %dma_start3A_1639 = arith.constant 0 : i32
        %dma_start3A_1640 = tpu.memref_slice %arg3[%add3A_1544, %dma_start3A_1638, %dma_start3A_1639] : memref<10000x1x32xi32, #tpu.memory_space<hbm>> -> memref<1x1x32xi32, #tpu.memory_space<hbm>>
        %dma_start3A_1641 = tpu.memref_squeeze %dma_start3A_1640 : memref<1x1x32xi32, #tpu.memory_space<hbm>> -> memref<1x32xi32, #tpu.memory_space<hbm>>
        tpu.enqueue_dma source(%dma_start3A_1641 : memref<1x32xi32, #tpu.memory_space<hbm>>) target(%dma_start3A_1637 : memref<1x32xi32, #tpu.memory_space<vmem>>) target_semaphore(%arg15 : memref<!tpu.dma_semaphore, #tpu.memory_space<semaphore_mem>>)
      } else {
      }
      %add3A_1550 = arith.constant 9 : i32
      %add3A_1551 = arith.addi %mul3A_1369, %add3A_1550 : i32
      %mul3A_1552 = arith.constant 32 : i32
      %mul3A_1553 = arith.muli %add3A_1551, %mul3A_1552 : i32
      %add3A_1554 = arith.addi %add3A, %mul3A_1553 : i32
      %lt3A_1555 = arith.constant 10000 : i32
      %lt3A_1556 = arith.cmpi slt, %add3A_1554, %lt3A_1555 : i32
      %convert_element_type3A_1557 = arith.extui %lt3A_1556 : i1 to i32
      %cond3A_1558 = arith.constant 0 : i32
      %cond3A_1559 = arith.cmpi ne, %convert_element_type3A_1557, %cond3A_1558 : i32
      scf.if %cond3A_1559 {
        %mul3A_1610 = arith.constant 32 : i32
        %mul3A_1611 = arith.muli %add3A_1554, %mul3A_1610 : i32
        %dma_wait3A_1612 = arith.constant 9 : i32
        %dma_wait3A_1613 = arith.constant 0 : i32
        %dma_wait3A_1614 = arith.constant 0 : i32
        %dma_wait3A_1615 = tpu.memref_slice %arg5[%dma_wait3A_1612, %dma_wait3A_1613, %dma_wait3A_1614] : memref<12x32x128xf32, #tpu.memory_space<vmem>> -> memref<1x32x128xf32, #tpu.memory_space<vmem>>
        %dma_wait3A_1616 = tpu.memref_squeeze %dma_wait3A_1615 : memref<1x32x128xf32, #tpu.memory_space<vmem>> -> memref<32x128xf32, #tpu.memory_space<vmem>>
        %dma_wait3A_1617 = arith.constant 0 : i32
        %dma_wait3A_1618 = tpu.memref_slice %arg2[%mul3A_1611, %dma_wait3A_1617] : memref<320000x128xf32, #tpu.memory_space<hbm>> -> memref<32x128xf32, #tpu.memory_space<hbm>>
        %dma_wait3A_1619 = arith.constant 0 : i32
        %dma_wait3A_1620 = arith.constant 0 : i32
        %dma_wait3A_1621 = tpu.memref_slice %arg5[%dma_wait3A_1612, %dma_wait3A_1619, %dma_wait3A_1620] : memref<12x32x128xf32, #tpu.memory_space<vmem>> -> memref<1x32x128xf32, #tpu.memory_space<vmem>>
        %dma_wait3A_1622 = tpu.memref_squeeze %dma_wait3A_1621 : memref<1x32x128xf32, #tpu.memory_space<vmem>> -> memref<32x128xf32, #tpu.memory_space<vmem>>
        %dma_wait3A_1623 = arith.constant 0 : i32
        %dma_wait3A_1624 = tpu.memref_slice %arg2[%mul3A_1611, %dma_wait3A_1623] : memref<320000x128xf32, #tpu.memory_space<hbm>> -> memref<32x128xf32, #tpu.memory_space<hbm>>
        tpu.wait_dma2 semaphore(%arg16 : memref<!tpu.dma_semaphore, #tpu.memory_space<semaphore_mem>>) src(%dma_wait3A_1624 : memref<32x128xf32, #tpu.memory_space<hbm>>) dst(%dma_wait3A_1622 : memref<32x128xf32, #tpu.memory_space<vmem>>)
        %dma_wait3A_1625 = arith.constant 9 : i32
        %dma_wait3A_1626 = arith.constant 0 : i32
        %dma_wait3A_1627 = arith.constant 0 : i32
        %dma_wait3A_1628 = tpu.memref_slice %arg6[%dma_wait3A_1625, %dma_wait3A_1626, %dma_wait3A_1627] : memref<12x1x32xi32, #tpu.memory_space<vmem>> -> memref<1x1x32xi32, #tpu.memory_space<vmem>>
        %dma_wait3A_1629 = tpu.memref_squeeze %dma_wait3A_1628 : memref<1x1x32xi32, #tpu.memory_space<vmem>> -> memref<1x32xi32, #tpu.memory_space<vmem>>
        %dma_wait3A_1630 = arith.constant 0 : i32
        %dma_wait3A_1631 = arith.constant 0 : i32
        %dma_wait3A_1632 = tpu.memref_slice %arg3[%add3A_1554, %dma_wait3A_1630, %dma_wait3A_1631] : memref<10000x1x32xi32, #tpu.memory_space<hbm>> -> memref<1x1x32xi32, #tpu.memory_space<hbm>>
        %dma_wait3A_1633 = tpu.memref_squeeze %dma_wait3A_1632 : memref<1x1x32xi32, #tpu.memory_space<hbm>> -> memref<1x32xi32, #tpu.memory_space<hbm>>
        %dma_wait3A_1634 = arith.constant 0 : i32
        %dma_wait3A_1635 = arith.constant 0 : i32
        %dma_wait3A_1636 = tpu.memref_slice %arg6[%dma_wait3A_1625, %dma_wait3A_1634, %dma_wait3A_1635] : memref<12x1x32xi32, #tpu.memory_space<vmem>> -> memref<1x1x32xi32, #tpu.memory_space<vmem>>
        %dma_wait3A_1637 = tpu.memref_squeeze %dma_wait3A_1636 : memref<1x1x32xi32, #tpu.memory_space<vmem>> -> memref<1x32xi32, #tpu.memory_space<vmem>>
        %dma_wait3A_1638 = arith.constant 0 : i32
        %dma_wait3A_1639 = arith.constant 0 : i32
        %dma_wait3A_1640 = tpu.memref_slice %arg3[%add3A_1554, %dma_wait3A_1638, %dma_wait3A_1639] : memref<10000x1x32xi32, #tpu.memory_space<hbm>> -> memref<1x1x32xi32, #tpu.memory_space<hbm>>
        %dma_wait3A_1641 = tpu.memref_squeeze %dma_wait3A_1640 : memref<1x1x32xi32, #tpu.memory_space<hbm>> -> memref<1x32xi32, #tpu.memory_space<hbm>>
        tpu.wait_dma2 semaphore(%arg16 : memref<!tpu.dma_semaphore, #tpu.memory_space<semaphore_mem>>) src(%dma_wait3A_1641 : memref<1x32xi32, #tpu.memory_space<hbm>>) dst(%dma_wait3A_1637 : memref<1x32xi32, #tpu.memory_space<vmem>>)
        %run_scoped3A_1642 = arith.constant 9 : i32
        %run_scoped3A_1643 = arith.constant 9 : i32
        %run_scoped3A_1644 = arith.constant 0 : i32
        "tpu.region"() ({
          %run_scoped3A_1645 = tpu.sem_alloc : memref<!tpu.dma_semaphore, #tpu.memory_space<semaphore_mem>>
          %dma_start3A_1646 = arith.constant 0 : i32
          %dma_start3A_1647 = arith.constant 0 : i32
          %dma_start3A_1648 = tpu.memref_slice %arg5[%run_scoped3A_1642, %dma_start3A_1646, %dma_start3A_1647] : memref<12x32x128xf32, #tpu.memory_space<vmem>> -> memref<1x32x128xf32, #tpu.memory_space<vmem>>
          %dma_start3A_1649 = tpu.memref_squeeze %dma_start3A_1648 : memref<1x32x128xf32, #tpu.memory_space<vmem>> -> memref<32x128xf32, #tpu.memory_space<vmem>>
          %dma_start3A_1650 = arith.constant 0 : i32
          %dma_start3A_1651 = tpu.memref_slice %arg6[%run_scoped3A_1643, %run_scoped3A_1644, %dma_start3A_1650] : memref<12x1x32xi32, #tpu.memory_space<vmem>> -> memref<1x1x32xi32, #tpu.memory_space<vmem>>
          %dma_start3A_1652 = tpu.memref_squeeze %dma_start3A_1651 : memref<1x1x32xi32, #tpu.memory_space<vmem>> -> memref<32xi32, #tpu.memory_space<vmem>>
          %dma_start3A_1653 = arith.constant 0 : i32
          %dma_start3A_1654 = arith.constant 0 : i32
          %dma_start3A_1655 = tpu.memref_slice %arg19[%dma_start3A_1653, %dma_start3A_1654] : memref<10000x128xf32, #tpu.memory_space<vmem_shared>> -> memref<10000x128xf32, #tpu.memory_space<vmem_shared>>
          tpu.enqueue_indirect_dma source(%dma_start3A_1649 : memref<32x128xf32, #tpu.memory_space<vmem>>) target(%dma_start3A_1655 : memref<10000x128xf32, #tpu.memory_space<vmem_shared>>) offsets(%dma_start3A_1652 : memref<32xi32, #tpu.memory_space<vmem>>) semaphore(%run_scoped3A_1645 : memref<!tpu.dma_semaphore, #tpu.memory_space<semaphore_mem>>) {add = true}
          %dma_wait3A_1656 = arith.constant 0 : i32
          %dma_wait3A_1657 = arith.constant 0 : i32
          %dma_wait3A_1658 = tpu.memref_slice %arg5[%run_scoped3A_1642, %dma_wait3A_1656, %dma_wait3A_1657] : memref<12x32x128xf32, #tpu.memory_space<vmem>> -> memref<1x32x128xf32, #tpu.memory_space<vmem>>
          %dma_wait3A_1659 = tpu.memref_squeeze %dma_wait3A_1658 : memref<1x32x128xf32, #tpu.memory_space<vmem>> -> memref<32x128xf32, #tpu.memory_space<vmem>>
          %dma_wait3A_1660 = arith.constant 0 : i32
          %dma_wait3A_1661 = tpu.memref_slice %arg6[%run_scoped3A_1643, %run_scoped3A_1644, %dma_wait3A_1660] : memref<12x1x32xi32, #tpu.memory_space<vmem>> -> memref<1x1x32xi32, #tpu.memory_space<vmem>>
          %dma_wait3A_1662 = tpu.memref_squeeze %dma_wait3A_1661 : memref<1x1x32xi32, #tpu.memory_space<vmem>> -> memref<32xi32, #tpu.memory_space<vmem>>
          %dma_wait3A_1663 = arith.constant 0 : i32
          %dma_wait3A_1664 = arith.constant 0 : i32
          %dma_wait3A_1665 = tpu.memref_slice %arg19[%dma_wait3A_1663, %dma_wait3A_1664] : memref<10000x128xf32, #tpu.memory_space<vmem_shared>> -> memref<10000x128xf32, #tpu.memory_space<vmem_shared>>
          tpu.wait_indirect_dma semaphore(%run_scoped3A_1645 : memref<!tpu.dma_semaphore, #tpu.memory_space<semaphore_mem>>) src(%dma_wait3A_1659 : memref<32x128xf32, #tpu.memory_space<vmem>>) dst(%dma_wait3A_1665 : memref<10000x128xf32, #tpu.memory_space<vmem_shared>>)
          tpu.yield
        }) : () -> ()
      } else {
      }
      %add3A_1560 = arith.constant 12 : i32
      %add3A_1561 = arith.addi %add3A_1551, %add3A_1560 : i32
      %mul3A_1562 = arith.constant 32 : i32
      %mul3A_1563 = arith.muli %add3A_1561, %mul3A_1562 : i32
      %add3A_1564 = arith.addi %add3A, %mul3A_1563 : i32
      %lt3A_1565 = arith.constant 10000 : i32
      %lt3A_1566 = arith.cmpi slt, %add3A_1564, %lt3A_1565 : i32
      %convert_element_type3A_1567 = arith.extui %lt3A_1566 : i1 to i32
      %cond3A_1568 = arith.constant 0 : i32
      %cond3A_1569 = arith.cmpi ne, %convert_element_type3A_1567, %cond3A_1568 : i32
      scf.if %cond3A_1569 {
        %mul3A_1610 = arith.constant 32 : i32
        %mul3A_1611 = arith.muli %add3A_1564, %mul3A_1610 : i32
        %dma_start3A_1612 = arith.constant 9 : i32
        %dma_start3A_1613 = arith.constant 0 : i32
        %dma_start3A_1614 = arith.constant 0 : i32
        %dma_start3A_1615 = tpu.memref_slice %arg5[%dma_start3A_1612, %dma_start3A_1613, %dma_start3A_1614] : memref<12x32x128xf32, #tpu.memory_space<vmem>> -> memref<1x32x128xf32, #tpu.memory_space<vmem>>
        %dma_start3A_1616 = tpu.memref_squeeze %dma_start3A_1615 : memref<1x32x128xf32, #tpu.memory_space<vmem>> -> memref<32x128xf32, #tpu.memory_space<vmem>>
        %dma_start3A_1617 = arith.constant 0 : i32
        %dma_start3A_1618 = tpu.memref_slice %arg2[%mul3A_1611, %dma_start3A_1617] : memref<320000x128xf32, #tpu.memory_space<hbm>> -> memref<32x128xf32, #tpu.memory_space<hbm>>
        %dma_start3A_1619 = arith.constant 0 : i32
        %dma_start3A_1620 = arith.constant 0 : i32
        %dma_start3A_1621 = tpu.memref_slice %arg5[%dma_start3A_1612, %dma_start3A_1619, %dma_start3A_1620] : memref<12x32x128xf32, #tpu.memory_space<vmem>> -> memref<1x32x128xf32, #tpu.memory_space<vmem>>
        %dma_start3A_1622 = tpu.memref_squeeze %dma_start3A_1621 : memref<1x32x128xf32, #tpu.memory_space<vmem>> -> memref<32x128xf32, #tpu.memory_space<vmem>>
        %dma_start3A_1623 = arith.constant 0 : i32
        %dma_start3A_1624 = tpu.memref_slice %arg2[%mul3A_1611, %dma_start3A_1623] : memref<320000x128xf32, #tpu.memory_space<hbm>> -> memref<32x128xf32, #tpu.memory_space<hbm>>
        tpu.enqueue_dma source(%dma_start3A_1624 : memref<32x128xf32, #tpu.memory_space<hbm>>) target(%dma_start3A_1622 : memref<32x128xf32, #tpu.memory_space<vmem>>) target_semaphore(%arg16 : memref<!tpu.dma_semaphore, #tpu.memory_space<semaphore_mem>>)
        %dma_start3A_1625 = arith.constant 9 : i32
        %dma_start3A_1626 = arith.constant 0 : i32
        %dma_start3A_1627 = arith.constant 0 : i32
        %dma_start3A_1628 = tpu.memref_slice %arg6[%dma_start3A_1625, %dma_start3A_1626, %dma_start3A_1627] : memref<12x1x32xi32, #tpu.memory_space<vmem>> -> memref<1x1x32xi32, #tpu.memory_space<vmem>>
        %dma_start3A_1629 = tpu.memref_squeeze %dma_start3A_1628 : memref<1x1x32xi32, #tpu.memory_space<vmem>> -> memref<1x32xi32, #tpu.memory_space<vmem>>
        %dma_start3A_1630 = arith.constant 0 : i32
        %dma_start3A_1631 = arith.constant 0 : i32
        %dma_start3A_1632 = tpu.memref_slice %arg3[%add3A_1564, %dma_start3A_1630, %dma_start3A_1631] : memref<10000x1x32xi32, #tpu.memory_space<hbm>> -> memref<1x1x32xi32, #tpu.memory_space<hbm>>
        %dma_start3A_1633 = tpu.memref_squeeze %dma_start3A_1632 : memref<1x1x32xi32, #tpu.memory_space<hbm>> -> memref<1x32xi32, #tpu.memory_space<hbm>>
        %dma_start3A_1634 = arith.constant 0 : i32
        %dma_start3A_1635 = arith.constant 0 : i32
        %dma_start3A_1636 = tpu.memref_slice %arg6[%dma_start3A_1625, %dma_start3A_1634, %dma_start3A_1635] : memref<12x1x32xi32, #tpu.memory_space<vmem>> -> memref<1x1x32xi32, #tpu.memory_space<vmem>>
        %dma_start3A_1637 = tpu.memref_squeeze %dma_start3A_1636 : memref<1x1x32xi32, #tpu.memory_space<vmem>> -> memref<1x32xi32, #tpu.memory_space<vmem>>
        %dma_start3A_1638 = arith.constant 0 : i32
        %dma_start3A_1639 = arith.constant 0 : i32
        %dma_start3A_1640 = tpu.memref_slice %arg3[%add3A_1564, %dma_start3A_1638, %dma_start3A_1639] : memref<10000x1x32xi32, #tpu.memory_space<hbm>> -> memref<1x1x32xi32, #tpu.memory_space<hbm>>
        %dma_start3A_1641 = tpu.memref_squeeze %dma_start3A_1640 : memref<1x1x32xi32, #tpu.memory_space<hbm>> -> memref<1x32xi32, #tpu.memory_space<hbm>>
        tpu.enqueue_dma source(%dma_start3A_1641 : memref<1x32xi32, #tpu.memory_space<hbm>>) target(%dma_start3A_1637 : memref<1x32xi32, #tpu.memory_space<vmem>>) target_semaphore(%arg16 : memref<!tpu.dma_semaphore, #tpu.memory_space<semaphore_mem>>)
      } else {
      }
      %add3A_1570 = arith.constant 10 : i32
      %add3A_1571 = arith.addi %mul3A_1369, %add3A_1570 : i32
      %mul3A_1572 = arith.constant 32 : i32
      %mul3A_1573 = arith.muli %add3A_1571, %mul3A_1572 : i32
      %add3A_1574 = arith.addi %add3A, %mul3A_1573 : i32
      %lt3A_1575 = arith.constant 10000 : i32
      %lt3A_1576 = arith.cmpi slt, %add3A_1574, %lt3A_1575 : i32
      %convert_element_type3A_1577 = arith.extui %lt3A_1576 : i1 to i32
      %cond3A_1578 = arith.constant 0 : i32
      %cond3A_1579 = arith.cmpi ne, %convert_element_type3A_1577, %cond3A_1578 : i32
      scf.if %cond3A_1579 {
        %mul3A_1610 = arith.constant 32 : i32
        %mul3A_1611 = arith.muli %add3A_1574, %mul3A_1610 : i32
        %dma_wait3A_1612 = arith.constant 10 : i32
        %dma_wait3A_1613 = arith.constant 0 : i32
        %dma_wait3A_1614 = arith.constant 0 : i32
        %dma_wait3A_1615 = tpu.memref_slice %arg5[%dma_wait3A_1612, %dma_wait3A_1613, %dma_wait3A_1614] : memref<12x32x128xf32, #tpu.memory_space<vmem>> -> memref<1x32x128xf32, #tpu.memory_space<vmem>>
        %dma_wait3A_1616 = tpu.memref_squeeze %dma_wait3A_1615 : memref<1x32x128xf32, #tpu.memory_space<vmem>> -> memref<32x128xf32, #tpu.memory_space<vmem>>
        %dma_wait3A_1617 = arith.constant 0 : i32
        %dma_wait3A_1618 = tpu.memref_slice %arg2[%mul3A_1611, %dma_wait3A_1617] : memref<320000x128xf32, #tpu.memory_space<hbm>> -> memref<32x128xf32, #tpu.memory_space<hbm>>
        %dma_wait3A_1619 = arith.constant 0 : i32
        %dma_wait3A_1620 = arith.constant 0 : i32
        %dma_wait3A_1621 = tpu.memref_slice %arg5[%dma_wait3A_1612, %dma_wait3A_1619, %dma_wait3A_1620] : memref<12x32x128xf32, #tpu.memory_space<vmem>> -> memref<1x32x128xf32, #tpu.memory_space<vmem>>
        %dma_wait3A_1622 = tpu.memref_squeeze %dma_wait3A_1621 : memref<1x32x128xf32, #tpu.memory_space<vmem>> -> memref<32x128xf32, #tpu.memory_space<vmem>>
        %dma_wait3A_1623 = arith.constant 0 : i32
        %dma_wait3A_1624 = tpu.memref_slice %arg2[%mul3A_1611, %dma_wait3A_1623] : memref<320000x128xf32, #tpu.memory_space<hbm>> -> memref<32x128xf32, #tpu.memory_space<hbm>>
        tpu.wait_dma2 semaphore(%arg17 : memref<!tpu.dma_semaphore, #tpu.memory_space<semaphore_mem>>) src(%dma_wait3A_1624 : memref<32x128xf32, #tpu.memory_space<hbm>>) dst(%dma_wait3A_1622 : memref<32x128xf32, #tpu.memory_space<vmem>>)
        %dma_wait3A_1625 = arith.constant 10 : i32
        %dma_wait3A_1626 = arith.constant 0 : i32
        %dma_wait3A_1627 = arith.constant 0 : i32
        %dma_wait3A_1628 = tpu.memref_slice %arg6[%dma_wait3A_1625, %dma_wait3A_1626, %dma_wait3A_1627] : memref<12x1x32xi32, #tpu.memory_space<vmem>> -> memref<1x1x32xi32, #tpu.memory_space<vmem>>
        %dma_wait3A_1629 = tpu.memref_squeeze %dma_wait3A_1628 : memref<1x1x32xi32, #tpu.memory_space<vmem>> -> memref<1x32xi32, #tpu.memory_space<vmem>>
        %dma_wait3A_1630 = arith.constant 0 : i32
        %dma_wait3A_1631 = arith.constant 0 : i32
        %dma_wait3A_1632 = tpu.memref_slice %arg3[%add3A_1574, %dma_wait3A_1630, %dma_wait3A_1631] : memref<10000x1x32xi32, #tpu.memory_space<hbm>> -> memref<1x1x32xi32, #tpu.memory_space<hbm>>
        %dma_wait3A_1633 = tpu.memref_squeeze %dma_wait3A_1632 : memref<1x1x32xi32, #tpu.memory_space<hbm>> -> memref<1x32xi32, #tpu.memory_space<hbm>>
        %dma_wait3A_1634 = arith.constant 0 : i32
        %dma_wait3A_1635 = arith.constant 0 : i32
        %dma_wait3A_1636 = tpu.memref_slice %arg6[%dma_wait3A_1625, %dma_wait3A_1634, %dma_wait3A_1635] : memref<12x1x32xi32, #tpu.memory_space<vmem>> -> memref<1x1x32xi32, #tpu.memory_space<vmem>>
        %dma_wait3A_1637 = tpu.memref_squeeze %dma_wait3A_1636 : memref<1x1x32xi32, #tpu.memory_space<vmem>> -> memref<1x32xi32, #tpu.memory_space<vmem>>
        %dma_wait3A_1638 = arith.constant 0 : i32
        %dma_wait3A_1639 = arith.constant 0 : i32
        %dma_wait3A_1640 = tpu.memref_slice %arg3[%add3A_1574, %dma_wait3A_1638, %dma_wait3A_1639] : memref<10000x1x32xi32, #tpu.memory_space<hbm>> -> memref<1x1x32xi32, #tpu.memory_space<hbm>>
        %dma_wait3A_1641 = tpu.memref_squeeze %dma_wait3A_1640 : memref<1x1x32xi32, #tpu.memory_space<hbm>> -> memref<1x32xi32, #tpu.memory_space<hbm>>
        tpu.wait_dma2 semaphore(%arg17 : memref<!tpu.dma_semaphore, #tpu.memory_space<semaphore_mem>>) src(%dma_wait3A_1641 : memref<1x32xi32, #tpu.memory_space<hbm>>) dst(%dma_wait3A_1637 : memref<1x32xi32, #tpu.memory_space<vmem>>)
        %run_scoped3A_1642 = arith.constant 10 : i32
        %run_scoped3A_1643 = arith.constant 10 : i32
        %run_scoped3A_1644 = arith.constant 0 : i32
        "tpu.region"() ({
          %run_scoped3A_1645 = tpu.sem_alloc : memref<!tpu.dma_semaphore, #tpu.memory_space<semaphore_mem>>
          %dma_start3A_1646 = arith.constant 0 : i32
          %dma_start3A_1647 = arith.constant 0 : i32
          %dma_start3A_1648 = tpu.memref_slice %arg5[%run_scoped3A_1642, %dma_start3A_1646, %dma_start3A_1647] : memref<12x32x128xf32, #tpu.memory_space<vmem>> -> memref<1x32x128xf32, #tpu.memory_space<vmem>>
          %dma_start3A_1649 = tpu.memref_squeeze %dma_start3A_1648 : memref<1x32x128xf32, #tpu.memory_space<vmem>> -> memref<32x128xf32, #tpu.memory_space<vmem>>
          %dma_start3A_1650 = arith.constant 0 : i32
          %dma_start3A_1651 = tpu.memref_slice %arg6[%run_scoped3A_1643, %run_scoped3A_1644, %dma_start3A_1650] : memref<12x1x32xi32, #tpu.memory_space<vmem>> -> memref<1x1x32xi32, #tpu.memory_space<vmem>>
          %dma_start3A_1652 = tpu.memref_squeeze %dma_start3A_1651 : memref<1x1x32xi32, #tpu.memory_space<vmem>> -> memref<32xi32, #tpu.memory_space<vmem>>
          %dma_start3A_1653 = arith.constant 0 : i32
          %dma_start3A_1654 = arith.constant 0 : i32
          %dma_start3A_1655 = tpu.memref_slice %arg19[%dma_start3A_1653, %dma_start3A_1654] : memref<10000x128xf32, #tpu.memory_space<vmem_shared>> -> memref<10000x128xf32, #tpu.memory_space<vmem_shared>>
          tpu.enqueue_indirect_dma source(%dma_start3A_1649 : memref<32x128xf32, #tpu.memory_space<vmem>>) target(%dma_start3A_1655 : memref<10000x128xf32, #tpu.memory_space<vmem_shared>>) offsets(%dma_start3A_1652 : memref<32xi32, #tpu.memory_space<vmem>>) semaphore(%run_scoped3A_1645 : memref<!tpu.dma_semaphore, #tpu.memory_space<semaphore_mem>>) {add = true}
          %dma_wait3A_1656 = arith.constant 0 : i32
          %dma_wait3A_1657 = arith.constant 0 : i32
          %dma_wait3A_1658 = tpu.memref_slice %arg5[%run_scoped3A_1642, %dma_wait3A_1656, %dma_wait3A_1657] : memref<12x32x128xf32, #tpu.memory_space<vmem>> -> memref<1x32x128xf32, #tpu.memory_space<vmem>>
          %dma_wait3A_1659 = tpu.memref_squeeze %dma_wait3A_1658 : memref<1x32x128xf32, #tpu.memory_space<vmem>> -> memref<32x128xf32, #tpu.memory_space<vmem>>
          %dma_wait3A_1660 = arith.constant 0 : i32
          %dma_wait3A_1661 = tpu.memref_slice %arg6[%run_scoped3A_1643, %run_scoped3A_1644, %dma_wait3A_1660] : memref<12x1x32xi32, #tpu.memory_space<vmem>> -> memref<1x1x32xi32, #tpu.memory_space<vmem>>
          %dma_wait3A_1662 = tpu.memref_squeeze %dma_wait3A_1661 : memref<1x1x32xi32, #tpu.memory_space<vmem>> -> memref<32xi32, #tpu.memory_space<vmem>>
          %dma_wait3A_1663 = arith.constant 0 : i32
          %dma_wait3A_1664 = arith.constant 0 : i32
          %dma_wait3A_1665 = tpu.memref_slice %arg19[%dma_wait3A_1663, %dma_wait3A_1664] : memref<10000x128xf32, #tpu.memory_space<vmem_shared>> -> memref<10000x128xf32, #tpu.memory_space<vmem_shared>>
          tpu.wait_indirect_dma semaphore(%run_scoped3A_1645 : memref<!tpu.dma_semaphore, #tpu.memory_space<semaphore_mem>>) src(%dma_wait3A_1659 : memref<32x128xf32, #tpu.memory_space<vmem>>) dst(%dma_wait3A_1665 : memref<10000x128xf32, #tpu.memory_space<vmem_shared>>)
          tpu.yield
        }) : () -> ()
      } else {
      }
      %add3A_1580 = arith.constant 12 : i32
      %add3A_1581 = arith.addi %add3A_1571, %add3A_1580 : i32
      %mul3A_1582 = arith.constant 32 : i32
      %mul3A_1583 = arith.muli %add3A_1581, %mul3A_1582 : i32
      %add3A_1584 = arith.addi %add3A, %mul3A_1583 : i32
      %lt3A_1585 = arith.constant 10000 : i32
      %lt3A_1586 = arith.cmpi slt, %add3A_1584, %lt3A_1585 : i32
      %convert_element_type3A_1587 = arith.extui %lt3A_1586 : i1 to i32
      %cond3A_1588 = arith.constant 0 : i32
      %cond3A_1589 = arith.cmpi ne, %convert_element_type3A_1587, %cond3A_1588 : i32
      scf.if %cond3A_1589 {
        %mul3A_1610 = arith.constant 32 : i32
        %mul3A_1611 = arith.muli %add3A_1584, %mul3A_1610 : i32
        %dma_start3A_1612 = arith.constant 10 : i32
        %dma_start3A_1613 = arith.constant 0 : i32
        %dma_start3A_1614 = arith.constant 0 : i32
        %dma_start3A_1615 = tpu.memref_slice %arg5[%dma_start3A_1612, %dma_start3A_1613, %dma_start3A_1614] : memref<12x32x128xf32, #tpu.memory_space<vmem>> -> memref<1x32x128xf32, #tpu.memory_space<vmem>>
        %dma_start3A_1616 = tpu.memref_squeeze %dma_start3A_1615 : memref<1x32x128xf32, #tpu.memory_space<vmem>> -> memref<32x128xf32, #tpu.memory_space<vmem>>
        %dma_start3A_1617 = arith.constant 0 : i32
        %dma_start3A_1618 = tpu.memref_slice %arg2[%mul3A_1611, %dma_start3A_1617] : memref<320000x128xf32, #tpu.memory_space<hbm>> -> memref<32x128xf32, #tpu.memory_space<hbm>>
        %dma_start3A_1619 = arith.constant 0 : i32
        %dma_start3A_1620 = arith.constant 0 : i32
        %dma_start3A_1621 = tpu.memref_slice %arg5[%dma_start3A_1612, %dma_start3A_1619, %dma_start3A_1620] : memref<12x32x128xf32, #tpu.memory_space<vmem>> -> memref<1x32x128xf32, #tpu.memory_space<vmem>>
        %dma_start3A_1622 = tpu.memref_squeeze %dma_start3A_1621 : memref<1x32x128xf32, #tpu.memory_space<vmem>> -> memref<32x128xf32, #tpu.memory_space<vmem>>
        %dma_start3A_1623 = arith.constant 0 : i32
        %dma_start3A_1624 = tpu.memref_slice %arg2[%mul3A_1611, %dma_start3A_1623] : memref<320000x128xf32, #tpu.memory_space<hbm>> -> memref<32x128xf32, #tpu.memory_space<hbm>>
        tpu.enqueue_dma source(%dma_start3A_1624 : memref<32x128xf32, #tpu.memory_space<hbm>>) target(%dma_start3A_1622 : memref<32x128xf32, #tpu.memory_space<vmem>>) target_semaphore(%arg17 : memref<!tpu.dma_semaphore, #tpu.memory_space<semaphore_mem>>)
        %dma_start3A_1625 = arith.constant 10 : i32
        %dma_start3A_1626 = arith.constant 0 : i32
        %dma_start3A_1627 = arith.constant 0 : i32
        %dma_start3A_1628 = tpu.memref_slice %arg6[%dma_start3A_1625, %dma_start3A_1626, %dma_start3A_1627] : memref<12x1x32xi32, #tpu.memory_space<vmem>> -> memref<1x1x32xi32, #tpu.memory_space<vmem>>
        %dma_start3A_1629 = tpu.memref_squeeze %dma_start3A_1628 : memref<1x1x32xi32, #tpu.memory_space<vmem>> -> memref<1x32xi32, #tpu.memory_space<vmem>>
        %dma_start3A_1630 = arith.constant 0 : i32
        %dma_start3A_1631 = arith.constant 0 : i32
        %dma_start3A_1632 = tpu.memref_slice %arg3[%add3A_1584, %dma_start3A_1630, %dma_start3A_1631] : memref<10000x1x32xi32, #tpu.memory_space<hbm>> -> memref<1x1x32xi32, #tpu.memory_space<hbm>>
        %dma_start3A_1633 = tpu.memref_squeeze %dma_start3A_1632 : memref<1x1x32xi32, #tpu.memory_space<hbm>> -> memref<1x32xi32, #tpu.memory_space<hbm>>
        %dma_start3A_1634 = arith.constant 0 : i32
        %dma_start3A_1635 = arith.constant 0 : i32
        %dma_start3A_1636 = tpu.memref_slice %arg6[%dma_start3A_1625, %dma_start3A_1634, %dma_start3A_1635] : memref<12x1x32xi32, #tpu.memory_space<vmem>> -> memref<1x1x32xi32, #tpu.memory_space<vmem>>
        %dma_start3A_1637 = tpu.memref_squeeze %dma_start3A_1636 : memref<1x1x32xi32, #tpu.memory_space<vmem>> -> memref<1x32xi32, #tpu.memory_space<vmem>>
        %dma_start3A_1638 = arith.constant 0 : i32
        %dma_start3A_1639 = arith.constant 0 : i32
        %dma_start3A_1640 = tpu.memref_slice %arg3[%add3A_1584, %dma_start3A_1638, %dma_start3A_1639] : memref<10000x1x32xi32, #tpu.memory_space<hbm>> -> memref<1x1x32xi32, #tpu.memory_space<hbm>>
        %dma_start3A_1641 = tpu.memref_squeeze %dma_start3A_1640 : memref<1x1x32xi32, #tpu.memory_space<hbm>> -> memref<1x32xi32, #tpu.memory_space<hbm>>
        tpu.enqueue_dma source(%dma_start3A_1641 : memref<1x32xi32, #tpu.memory_space<hbm>>) target(%dma_start3A_1637 : memref<1x32xi32, #tpu.memory_space<vmem>>) target_semaphore(%arg17 : memref<!tpu.dma_semaphore, #tpu.memory_space<semaphore_mem>>)
      } else {
      }
      %add3A_1590 = arith.constant 11 : i32
      %add3A_1591 = arith.addi %mul3A_1369, %add3A_1590 : i32
      %mul3A_1592 = arith.constant 32 : i32
      %mul3A_1593 = arith.muli %add3A_1591, %mul3A_1592 : i32
      %add3A_1594 = arith.addi %add3A, %mul3A_1593 : i32
      %lt3A_1595 = arith.constant 10000 : i32
      %lt3A_1596 = arith.cmpi slt, %add3A_1594, %lt3A_1595 : i32
      %convert_element_type3A_1597 = arith.extui %lt3A_1596 : i1 to i32
      %cond3A_1598 = arith.constant 0 : i32
      %cond3A_1599 = arith.cmpi ne, %convert_element_type3A_1597, %cond3A_1598 : i32
      scf.if %cond3A_1599 {
        %mul3A_1610 = arith.constant 32 : i32
        %mul3A_1611 = arith.muli %add3A_1594, %mul3A_1610 : i32
        %dma_wait3A_1612 = arith.constant 11 : i32
        %dma_wait3A_1613 = arith.constant 0 : i32
        %dma_wait3A_1614 = arith.constant 0 : i32
        %dma_wait3A_1615 = tpu.memref_slice %arg5[%dma_wait3A_1612, %dma_wait3A_1613, %dma_wait3A_1614] : memref<12x32x128xf32, #tpu.memory_space<vmem>> -> memref<1x32x128xf32, #tpu.memory_space<vmem>>
        %dma_wait3A_1616 = tpu.memref_squeeze %dma_wait3A_1615 : memref<1x32x128xf32, #tpu.memory_space<vmem>> -> memref<32x128xf32, #tpu.memory_space<vmem>>
        %dma_wait3A_1617 = arith.constant 0 : i32
        %dma_wait3A_1618 = tpu.memref_slice %arg2[%mul3A_1611, %dma_wait3A_1617] : memref<320000x128xf32, #tpu.memory_space<hbm>> -> memref<32x128xf32, #tpu.memory_space<hbm>>
        %dma_wait3A_1619 = arith.constant 0 : i32
        %dma_wait3A_1620 = arith.constant 0 : i32
        %dma_wait3A_1621 = tpu.memref_slice %arg5[%dma_wait3A_1612, %dma_wait3A_1619, %dma_wait3A_1620] : memref<12x32x128xf32, #tpu.memory_space<vmem>> -> memref<1x32x128xf32, #tpu.memory_space<vmem>>
        %dma_wait3A_1622 = tpu.memref_squeeze %dma_wait3A_1621 : memref<1x32x128xf32, #tpu.memory_space<vmem>> -> memref<32x128xf32, #tpu.memory_space<vmem>>
        %dma_wait3A_1623 = arith.constant 0 : i32
        %dma_wait3A_1624 = tpu.memref_slice %arg2[%mul3A_1611, %dma_wait3A_1623] : memref<320000x128xf32, #tpu.memory_space<hbm>> -> memref<32x128xf32, #tpu.memory_space<hbm>>
        tpu.wait_dma2 semaphore(%arg18 : memref<!tpu.dma_semaphore, #tpu.memory_space<semaphore_mem>>) src(%dma_wait3A_1624 : memref<32x128xf32, #tpu.memory_space<hbm>>) dst(%dma_wait3A_1622 : memref<32x128xf32, #tpu.memory_space<vmem>>)
        %dma_wait3A_1625 = arith.constant 11 : i32
        %dma_wait3A_1626 = arith.constant 0 : i32
        %dma_wait3A_1627 = arith.constant 0 : i32
        %dma_wait3A_1628 = tpu.memref_slice %arg6[%dma_wait3A_1625, %dma_wait3A_1626, %dma_wait3A_1627] : memref<12x1x32xi32, #tpu.memory_space<vmem>> -> memref<1x1x32xi32, #tpu.memory_space<vmem>>
        %dma_wait3A_1629 = tpu.memref_squeeze %dma_wait3A_1628 : memref<1x1x32xi32, #tpu.memory_space<vmem>> -> memref<1x32xi32, #tpu.memory_space<vmem>>
        %dma_wait3A_1630 = arith.constant 0 : i32
        %dma_wait3A_1631 = arith.constant 0 : i32
        %dma_wait3A_1632 = tpu.memref_slice %arg3[%add3A_1594, %dma_wait3A_1630, %dma_wait3A_1631] : memref<10000x1x32xi32, #tpu.memory_space<hbm>> -> memref<1x1x32xi32, #tpu.memory_space<hbm>>
        %dma_wait3A_1633 = tpu.memref_squeeze %dma_wait3A_1632 : memref<1x1x32xi32, #tpu.memory_space<hbm>> -> memref<1x32xi32, #tpu.memory_space<hbm>>
        %dma_wait3A_1634 = arith.constant 0 : i32
        %dma_wait3A_1635 = arith.constant 0 : i32
        %dma_wait3A_1636 = tpu.memref_slice %arg6[%dma_wait3A_1625, %dma_wait3A_1634, %dma_wait3A_1635] : memref<12x1x32xi32, #tpu.memory_space<vmem>> -> memref<1x1x32xi32, #tpu.memory_space<vmem>>
        %dma_wait3A_1637 = tpu.memref_squeeze %dma_wait3A_1636 : memref<1x1x32xi32, #tpu.memory_space<vmem>> -> memref<1x32xi32, #tpu.memory_space<vmem>>
        %dma_wait3A_1638 = arith.constant 0 : i32
        %dma_wait3A_1639 = arith.constant 0 : i32
        %dma_wait3A_1640 = tpu.memref_slice %arg3[%add3A_1594, %dma_wait3A_1638, %dma_wait3A_1639] : memref<10000x1x32xi32, #tpu.memory_space<hbm>> -> memref<1x1x32xi32, #tpu.memory_space<hbm>>
        %dma_wait3A_1641 = tpu.memref_squeeze %dma_wait3A_1640 : memref<1x1x32xi32, #tpu.memory_space<hbm>> -> memref<1x32xi32, #tpu.memory_space<hbm>>
        tpu.wait_dma2 semaphore(%arg18 : memref<!tpu.dma_semaphore, #tpu.memory_space<semaphore_mem>>) src(%dma_wait3A_1641 : memref<1x32xi32, #tpu.memory_space<hbm>>) dst(%dma_wait3A_1637 : memref<1x32xi32, #tpu.memory_space<vmem>>)
        %run_scoped3A_1642 = arith.constant 11 : i32
        %run_scoped3A_1643 = arith.constant 11 : i32
        %run_scoped3A_1644 = arith.constant 0 : i32
        "tpu.region"() ({
          %run_scoped3A_1645 = tpu.sem_alloc : memref<!tpu.dma_semaphore, #tpu.memory_space<semaphore_mem>>
          %dma_start3A_1646 = arith.constant 0 : i32
          %dma_start3A_1647 = arith.constant 0 : i32
          %dma_start3A_1648 = tpu.memref_slice %arg5[%run_scoped3A_1642, %dma_start3A_1646, %dma_start3A_1647] : memref<12x32x128xf32, #tpu.memory_space<vmem>> -> memref<1x32x128xf32, #tpu.memory_space<vmem>>
          %dma_start3A_1649 = tpu.memref_squeeze %dma_start3A_1648 : memref<1x32x128xf32, #tpu.memory_space<vmem>> -> memref<32x128xf32, #tpu.memory_space<vmem>>
          %dma_start3A_1650 = arith.constant 0 : i32
          %dma_start3A_1651 = tpu.memref_slice %arg6[%run_scoped3A_1643, %run_scoped3A_1644, %dma_start3A_1650] : memref<12x1x32xi32, #tpu.memory_space<vmem>> -> memref<1x1x32xi32, #tpu.memory_space<vmem>>
          %dma_start3A_1652 = tpu.memref_squeeze %dma_start3A_1651 : memref<1x1x32xi32, #tpu.memory_space<vmem>> -> memref<32xi32, #tpu.memory_space<vmem>>
          %dma_start3A_1653 = arith.constant 0 : i32
          %dma_start3A_1654 = arith.constant 0 : i32
          %dma_start3A_1655 = tpu.memref_slice %arg19[%dma_start3A_1653, %dma_start3A_1654] : memref<10000x128xf32, #tpu.memory_space<vmem_shared>> -> memref<10000x128xf32, #tpu.memory_space<vmem_shared>>
          tpu.enqueue_indirect_dma source(%dma_start3A_1649 : memref<32x128xf32, #tpu.memory_space<vmem>>) target(%dma_start3A_1655 : memref<10000x128xf32, #tpu.memory_space<vmem_shared>>) offsets(%dma_start3A_1652 : memref<32xi32, #tpu.memory_space<vmem>>) semaphore(%run_scoped3A_1645 : memref<!tpu.dma_semaphore, #tpu.memory_space<semaphore_mem>>) {add = true}
          %dma_wait3A_1656 = arith.constant 0 : i32
          %dma_wait3A_1657 = arith.constant 0 : i32
          %dma_wait3A_1658 = tpu.memref_slice %arg5[%run_scoped3A_1642, %dma_wait3A_1656, %dma_wait3A_1657] : memref<12x32x128xf32, #tpu.memory_space<vmem>> -> memref<1x32x128xf32, #tpu.memory_space<vmem>>
          %dma_wait3A_1659 = tpu.memref_squeeze %dma_wait3A_1658 : memref<1x32x128xf32, #tpu.memory_space<vmem>> -> memref<32x128xf32, #tpu.memory_space<vmem>>
          %dma_wait3A_1660 = arith.constant 0 : i32
          %dma_wait3A_1661 = tpu.memref_slice %arg6[%run_scoped3A_1643, %run_scoped3A_1644, %dma_wait3A_1660] : memref<12x1x32xi32, #tpu.memory_space<vmem>> -> memref<1x1x32xi32, #tpu.memory_space<vmem>>
          %dma_wait3A_1662 = tpu.memref_squeeze %dma_wait3A_1661 : memref<1x1x32xi32, #tpu.memory_space<vmem>> -> memref<32xi32, #tpu.memory_space<vmem>>
          %dma_wait3A_1663 = arith.constant 0 : i32
          %dma_wait3A_1664 = arith.constant 0 : i32
          %dma_wait3A_1665 = tpu.memref_slice %arg19[%dma_wait3A_1663, %dma_wait3A_1664] : memref<10000x128xf32, #tpu.memory_space<vmem_shared>> -> memref<10000x128xf32, #tpu.memory_space<vmem_shared>>
          tpu.wait_indirect_dma semaphore(%run_scoped3A_1645 : memref<!tpu.dma_semaphore, #tpu.memory_space<semaphore_mem>>) src(%dma_wait3A_1659 : memref<32x128xf32, #tpu.memory_space<vmem>>) dst(%dma_wait3A_1665 : memref<10000x128xf32, #tpu.memory_space<vmem_shared>>)
          tpu.yield
        }) : () -> ()
      } else {
      }
      %add3A_1600 = arith.constant 12 : i32
      %add3A_1601 = arith.addi %add3A_1591, %add3A_1600 : i32
      %mul3A_1602 = arith.constant 32 : i32
      %mul3A_1603 = arith.muli %add3A_1601, %mul3A_1602 : i32
      %add3A_1604 = arith.addi %add3A, %mul3A_1603 : i32
      %lt3A_1605 = arith.constant 10000 : i32
      %lt3A_1606 = arith.cmpi slt, %add3A_1604, %lt3A_1605 : i32
      %convert_element_type3A_1607 = arith.extui %lt3A_1606 : i1 to i32
      %cond3A_1608 = arith.constant 0 : i32
      %cond3A_1609 = arith.cmpi ne, %convert_element_type3A_1607, %cond3A_1608 : i32
      scf.if %cond3A_1609 {
        %mul3A_1610 = arith.constant 32 : i32
        %mul3A_1611 = arith.muli %add3A_1604, %mul3A_1610 : i32
        %dma_start3A_1612 = arith.constant 11 : i32
        %dma_start3A_1613 = arith.constant 0 : i32
        %dma_start3A_1614 = arith.constant 0 : i32
        %dma_start3A_1615 = tpu.memref_slice %arg5[%dma_start3A_1612, %dma_start3A_1613, %dma_start3A_1614] : memref<12x32x128xf32, #tpu.memory_space<vmem>> -> memref<1x32x128xf32, #tpu.memory_space<vmem>>
        %dma_start3A_1616 = tpu.memref_squeeze %dma_start3A_1615 : memref<1x32x128xf32, #tpu.memory_space<vmem>> -> memref<32x128xf32, #tpu.memory_space<vmem>>
        %dma_start3A_1617 = arith.constant 0 : i32
        %dma_start3A_1618 = tpu.memref_slice %arg2[%mul3A_1611, %dma_start3A_1617] : memref<320000x128xf32, #tpu.memory_space<hbm>> -> memref<32x128xf32, #tpu.memory_space<hbm>>
        %dma_start3A_1619 = arith.constant 0 : i32
        %dma_start3A_1620 = arith.constant 0 : i32
        %dma_start3A_1621 = tpu.memref_slice %arg5[%dma_start3A_1612, %dma_start3A_1619, %dma_start3A_1620] : memref<12x32x128xf32, #tpu.memory_space<vmem>> -> memref<1x32x128xf32, #tpu.memory_space<vmem>>
        %dma_start3A_1622 = tpu.memref_squeeze %dma_start3A_1621 : memref<1x32x128xf32, #tpu.memory_space<vmem>> -> memref<32x128xf32, #tpu.memory_space<vmem>>
        %dma_start3A_1623 = arith.constant 0 : i32
        %dma_start3A_1624 = tpu.memref_slice %arg2[%mul3A_1611, %dma_start3A_1623] : memref<320000x128xf32, #tpu.memory_space<hbm>> -> memref<32x128xf32, #tpu.memory_space<hbm>>
        tpu.enqueue_dma source(%dma_start3A_1624 : memref<32x128xf32, #tpu.memory_space<hbm>>) target(%dma_start3A_1622 : memref<32x128xf32, #tpu.memory_space<vmem>>) target_semaphore(%arg18 : memref<!tpu.dma_semaphore, #tpu.memory_space<semaphore_mem>>)
        %dma_start3A_1625 = arith.constant 11 : i32
        %dma_start3A_1626 = arith.constant 0 : i32
        %dma_start3A_1627 = arith.constant 0 : i32
        %dma_start3A_1628 = tpu.memref_slice %arg6[%dma_start3A_1625, %dma_start3A_1626, %dma_start3A_1627] : memref<12x1x32xi32, #tpu.memory_space<vmem>> -> memref<1x1x32xi32, #tpu.memory_space<vmem>>
        %dma_start3A_1629 = tpu.memref_squeeze %dma_start3A_1628 : memref<1x1x32xi32, #tpu.memory_space<vmem>> -> memref<1x32xi32, #tpu.memory_space<vmem>>
        %dma_start3A_1630 = arith.constant 0 : i32
        %dma_start3A_1631 = arith.constant 0 : i32
        %dma_start3A_1632 = tpu.memref_slice %arg3[%add3A_1604, %dma_start3A_1630, %dma_start3A_1631] : memref<10000x1x32xi32, #tpu.memory_space<hbm>> -> memref<1x1x32xi32, #tpu.memory_space<hbm>>
        %dma_start3A_1633 = tpu.memref_squeeze %dma_start3A_1632 : memref<1x1x32xi32, #tpu.memory_space<hbm>> -> memref<1x32xi32, #tpu.memory_space<hbm>>
        %dma_start3A_1634 = arith.constant 0 : i32
        %dma_start3A_1635 = arith.constant 0 : i32
        %dma_start3A_1636 = tpu.memref_slice %arg6[%dma_start3A_1625, %dma_start3A_1634, %dma_start3A_1635] : memref<12x1x32xi32, #tpu.memory_space<vmem>> -> memref<1x1x32xi32, #tpu.memory_space<vmem>>
        %dma_start3A_1637 = tpu.memref_squeeze %dma_start3A_1636 : memref<1x1x32xi32, #tpu.memory_space<vmem>> -> memref<1x32xi32, #tpu.memory_space<vmem>>
        %dma_start3A_1638 = arith.constant 0 : i32
        %dma_start3A_1639 = arith.constant 0 : i32
        %dma_start3A_1640 = tpu.memref_slice %arg3[%add3A_1604, %dma_start3A_1638, %dma_start3A_1639] : memref<10000x1x32xi32, #tpu.memory_space<hbm>> -> memref<1x1x32xi32, #tpu.memory_space<hbm>>
        %dma_start3A_1641 = tpu.memref_squeeze %dma_start3A_1640 : memref<1x1x32xi32, #tpu.memory_space<hbm>> -> memref<1x32xi32, #tpu.memory_space<hbm>>
        tpu.enqueue_dma source(%dma_start3A_1641 : memref<1x32xi32, #tpu.memory_space<hbm>>) target(%dma_start3A_1637 : memref<1x32xi32, #tpu.memory_space<vmem>>) target_semaphore(%arg18 : memref<!tpu.dma_semaphore, #tpu.memory_space<semaphore_mem>>)
      } else {
      }
    }
    %scan3A_703 = arith.constant 27 : i32
    %barrier3A_704 = arith.constant 0 : index
    tpu.barrier barrier_id(%barrier3A_704)
    %add3A_705 = arith.constant 0 : i32
    %add3A_706 = arith.addi %add3A_5, %add3A_705 : i32
    %add3A_707 = arith.constant 0 : i32
    %add3A_708 = arith.addi %mul3A_2, %add3A_707 : i32
    %run_scoped3A = arith.constant 0 : i32
    "tpu.region"() ({
      %run_scoped3A_1367 = tpu.sem_alloc : memref<!tpu.dma_semaphore, #tpu.memory_space<semaphore_mem>>
      %dma_start3A_1368 = arith.constant 0 : i32
      %dma_start3A_1369 = arith.constant 0 : i32
      %dma_start3A_1370 = tpu.memref_slice %arg5[%run_scoped3A, %dma_start3A_1368, %dma_start3A_1369] : memref<12x32x128xf32, #tpu.memory_space<vmem>> -> memref<1x32x128xf32, #tpu.memory_space<vmem>>
      %dma_start3A_1371 = tpu.memref_squeeze %dma_start3A_1370 : memref<1x32x128xf32, #tpu.memory_space<vmem>> -> memref<32x128xf32, #tpu.memory_space<vmem>>
      %dma_start3A_1372 = arith.constant 0 : i32
      %dma_start3A_1373 = tpu.memref_slice %arg19[%add3A_708, %dma_start3A_1372] : memref<10000x128xf32, #tpu.memory_space<vmem_shared>> -> memref<32x128xf32, #tpu.memory_space<vmem_shared>>
      %dma_start3A_1374 = arith.constant 0 : i32
      %dma_start3A_1375 = arith.constant 0 : i32
      %dma_start3A_1376 = tpu.memref_slice %arg5[%run_scoped3A, %dma_start3A_1374, %dma_start3A_1375] : memref<12x32x128xf32, #tpu.memory_space<vmem>> -> memref<1x32x128xf32, #tpu.memory_space<vmem>>
      %dma_start3A_1377 = tpu.memref_squeeze %dma_start3A_1376 : memref<1x32x128xf32, #tpu.memory_space<vmem>> -> memref<32x128xf32, #tpu.memory_space<vmem>>
      %dma_start3A_1378 = arith.constant 0 : i32
      %dma_start3A_1379 = tpu.memref_slice %arg19[%add3A_708, %dma_start3A_1378] : memref<10000x128xf32, #tpu.memory_space<vmem_shared>> -> memref<32x128xf32, #tpu.memory_space<vmem_shared>>
      tpu.enqueue_dma source(%dma_start3A_1379 : memref<32x128xf32, #tpu.memory_space<vmem_shared>>) target(%dma_start3A_1377 : memref<32x128xf32, #tpu.memory_space<vmem>>) target_semaphore(%run_scoped3A_1367 : memref<!tpu.dma_semaphore, #tpu.memory_space<semaphore_mem>>)
      %dma_wait3A_1380 = arith.constant 0 : i32
      %dma_wait3A_1381 = arith.constant 0 : i32
      %dma_wait3A_1382 = tpu.memref_slice %arg5[%run_scoped3A, %dma_wait3A_1380, %dma_wait3A_1381] : memref<12x32x128xf32, #tpu.memory_space<vmem>> -> memref<1x32x128xf32, #tpu.memory_space<vmem>>
      %dma_wait3A_1383 = tpu.memref_squeeze %dma_wait3A_1382 : memref<1x32x128xf32, #tpu.memory_space<vmem>> -> memref<32x128xf32, #tpu.memory_space<vmem>>
      %dma_wait3A_1384 = arith.constant 0 : i32
      %dma_wait3A_1385 = tpu.memref_slice %arg19[%add3A_708, %dma_wait3A_1384] : memref<10000x128xf32, #tpu.memory_space<vmem_shared>> -> memref<32x128xf32, #tpu.memory_space<vmem_shared>>
      %dma_wait3A_1386 = arith.constant 0 : i32
      %dma_wait3A_1387 = arith.constant 0 : i32
      %dma_wait3A_1388 = tpu.memref_slice %arg5[%run_scoped3A, %dma_wait3A_1386, %dma_wait3A_1387] : memref<12x32x128xf32, #tpu.memory_space<vmem>> -> memref<1x32x128xf32, #tpu.memory_space<vmem>>
      %dma_wait3A_1389 = tpu.memref_squeeze %dma_wait3A_1388 : memref<1x32x128xf32, #tpu.memory_space<vmem>> -> memref<32x128xf32, #tpu.memory_space<vmem>>
      %dma_wait3A_1390 = arith.constant 0 : i32
      %dma_wait3A_1391 = tpu.memref_slice %arg19[%add3A_708, %dma_wait3A_1390] : memref<10000x128xf32, #tpu.memory_space<vmem_shared>> -> memref<32x128xf32, #tpu.memory_space<vmem_shared>>
      tpu.wait_dma2 semaphore(%run_scoped3A_1367 : memref<!tpu.dma_semaphore, #tpu.memory_space<semaphore_mem>>) src(%dma_wait3A_1391 : memref<32x128xf32, #tpu.memory_space<vmem_shared>>) dst(%dma_wait3A_1389 : memref<32x128xf32, #tpu.memory_space<vmem>>)
      tpu.yield
    }) : () -> ()
    %dma_start3A_709 = arith.constant 0 : i32
    %dma_start3A_710 = arith.constant 0 : i32
    %dma_start3A_711 = arith.constant 0 : i32
    %dma_start3A_712 = tpu.memref_slice %arg5[%dma_start3A_709, %dma_start3A_710, %dma_start3A_711] : memref<12x32x128xf32, #tpu.memory_space<vmem>> -> memref<1x32x128xf32, #tpu.memory_space<vmem>>
    %dma_start3A_713 = tpu.memref_squeeze %dma_start3A_712 : memref<1x32x128xf32, #tpu.memory_space<vmem>> -> memref<32x128xf32, #tpu.memory_space<vmem>>
    %dma_start3A_714 = arith.constant 0 : i32
    %dma_start3A_715 = tpu.memref_slice %arg4[%add3A_706, %dma_start3A_714] : memref<20000x128xf32, #tpu.memory_space<hbm>> -> memref<32x128xf32, #tpu.memory_space<hbm>>
    %dma_start3A_716 = arith.constant 0 : i32
    %dma_start3A_717 = tpu.memref_slice %arg4[%add3A_706, %dma_start3A_716] : memref<20000x128xf32, #tpu.memory_space<hbm>> -> memref<32x128xf32, #tpu.memory_space<hbm>>
    %dma_start3A_718 = arith.constant 0 : i32
    %dma_start3A_719 = arith.constant 0 : i32
    %dma_start3A_720 = tpu.memref_slice %arg5[%dma_start3A_709, %dma_start3A_718, %dma_start3A_719] : memref<12x32x128xf32, #tpu.memory_space<vmem>> -> memref<1x32x128xf32, #tpu.memory_space<vmem>>
    %dma_start3A_721 = tpu.memref_squeeze %dma_start3A_720 : memref<1x32x128xf32, #tpu.memory_space<vmem>> -> memref<32x128xf32, #tpu.memory_space<vmem>>
    tpu.enqueue_dma source(%dma_start3A_721 : memref<32x128xf32, #tpu.memory_space<vmem>>) target(%dma_start3A_717 : memref<32x128xf32, #tpu.memory_space<hbm>>) target_semaphore(%arg7 : memref<!tpu.dma_semaphore, #tpu.memory_space<semaphore_mem>>)
    %add3A_722 = arith.constant 32 : i32
    %add3A_723 = arith.addi %add3A_5, %add3A_722 : i32
    %add3A_724 = arith.constant 32 : i32
    %add3A_725 = arith.addi %mul3A_2, %add3A_724 : i32
    %run_scoped3A_726 = arith.constant 1 : i32
    "tpu.region"() ({
      %run_scoped3A_1367 = tpu.sem_alloc : memref<!tpu.dma_semaphore, #tpu.memory_space<semaphore_mem>>
      %dma_start3A_1368 = arith.constant 0 : i32
      %dma_start3A_1369 = arith.constant 0 : i32
      %dma_start3A_1370 = tpu.memref_slice %arg5[%run_scoped3A_726, %dma_start3A_1368, %dma_start3A_1369] : memref<12x32x128xf32, #tpu.memory_space<vmem>> -> memref<1x32x128xf32, #tpu.memory_space<vmem>>
      %dma_start3A_1371 = tpu.memref_squeeze %dma_start3A_1370 : memref<1x32x128xf32, #tpu.memory_space<vmem>> -> memref<32x128xf32, #tpu.memory_space<vmem>>
      %dma_start3A_1372 = arith.constant 0 : i32
      %dma_start3A_1373 = tpu.memref_slice %arg19[%add3A_725, %dma_start3A_1372] : memref<10000x128xf32, #tpu.memory_space<vmem_shared>> -> memref<32x128xf32, #tpu.memory_space<vmem_shared>>
      %dma_start3A_1374 = arith.constant 0 : i32
      %dma_start3A_1375 = arith.constant 0 : i32
      %dma_start3A_1376 = tpu.memref_slice %arg5[%run_scoped3A_726, %dma_start3A_1374, %dma_start3A_1375] : memref<12x32x128xf32, #tpu.memory_space<vmem>> -> memref<1x32x128xf32, #tpu.memory_space<vmem>>
      %dma_start3A_1377 = tpu.memref_squeeze %dma_start3A_1376 : memref<1x32x128xf32, #tpu.memory_space<vmem>> -> memref<32x128xf32, #tpu.memory_space<vmem>>
      %dma_start3A_1378 = arith.constant 0 : i32
      %dma_start3A_1379 = tpu.memref_slice %arg19[%add3A_725, %dma_start3A_1378] : memref<10000x128xf32, #tpu.memory_space<vmem_shared>> -> memref<32x128xf32, #tpu.memory_space<vmem_shared>>
      tpu.enqueue_dma source(%dma_start3A_1379 : memref<32x128xf32, #tpu.memory_space<vmem_shared>>) target(%dma_start3A_1377 : memref<32x128xf32, #tpu.memory_space<vmem>>) target_semaphore(%run_scoped3A_1367 : memref<!tpu.dma_semaphore, #tpu.memory_space<semaphore_mem>>)
      %dma_wait3A_1380 = arith.constant 0 : i32
      %dma_wait3A_1381 = arith.constant 0 : i32
      %dma_wait3A_1382 = tpu.memref_slice %arg5[%run_scoped3A_726, %dma_wait3A_1380, %dma_wait3A_1381] : memref<12x32x128xf32, #tpu.memory_space<vmem>> -> memref<1x32x128xf32, #tpu.memory_space<vmem>>
      %dma_wait3A_1383 = tpu.memref_squeeze %dma_wait3A_1382 : memref<1x32x128xf32, #tpu.memory_space<vmem>> -> memref<32x128xf32, #tpu.memory_space<vmem>>
      %dma_wait3A_1384 = arith.constant 0 : i32
      %dma_wait3A_1385 = tpu.memref_slice %arg19[%add3A_725, %dma_wait3A_1384] : memref<10000x128xf32, #tpu.memory_space<vmem_shared>> -> memref<32x128xf32, #tpu.memory_space<vmem_shared>>
      %dma_wait3A_1386 = arith.constant 0 : i32
      %dma_wait3A_1387 = arith.constant 0 : i32
      %dma_wait3A_1388 = tpu.memref_slice %arg5[%run_scoped3A_726, %dma_wait3A_1386, %dma_wait3A_1387] : memref<12x32x128xf32, #tpu.memory_space<vmem>> -> memref<1x32x128xf32, #tpu.memory_space<vmem>>
      %dma_wait3A_1389 = tpu.memref_squeeze %dma_wait3A_1388 : memref<1x32x128xf32, #tpu.memory_space<vmem>> -> memref<32x128xf32, #tpu.memory_space<vmem>>
      %dma_wait3A_1390 = arith.constant 0 : i32
      %dma_wait3A_1391 = tpu.memref_slice %arg19[%add3A_725, %dma_wait3A_1390] : memref<10000x128xf32, #tpu.memory_space<vmem_shared>> -> memref<32x128xf32, #tpu.memory_space<vmem_shared>>
      tpu.wait_dma2 semaphore(%run_scoped3A_1367 : memref<!tpu.dma_semaphore, #tpu.memory_space<semaphore_mem>>) src(%dma_wait3A_1391 : memref<32x128xf32, #tpu.memory_space<vmem_shared>>) dst(%dma_wait3A_1389 : memref<32x128xf32, #tpu.memory_space<vmem>>)
      tpu.yield
    }) : () -> ()
    %dma_start3A_727 = arith.constant 1 : i32
    %dma_start3A_728 = arith.constant 0 : i32
    %dma_start3A_729 = arith.constant 0 : i32
    %dma_start3A_730 = tpu.memref_slice %arg5[%dma_start3A_727, %dma_start3A_728, %dma_start3A_729] : memref<12x32x128xf32, #tpu.memory_space<vmem>> -> memref<1x32x128xf32, #tpu.memory_space<vmem>>
    %dma_start3A_731 = tpu.memref_squeeze %dma_start3A_730 : memref<1x32x128xf32, #tpu.memory_space<vmem>> -> memref<32x128xf32, #tpu.memory_space<vmem>>
    %dma_start3A_732 = arith.constant 0 : i32
    %dma_start3A_733 = tpu.memref_slice %arg4[%add3A_723, %dma_start3A_732] : memref<20000x128xf32, #tpu.memory_space<hbm>> -> memref<32x128xf32, #tpu.memory_space<hbm>>
    %dma_start3A_734 = arith.constant 0 : i32
    %dma_start3A_735 = tpu.memref_slice %arg4[%add3A_723, %dma_start3A_734] : memref<20000x128xf32, #tpu.memory_space<hbm>> -> memref<32x128xf32, #tpu.memory_space<hbm>>
    %dma_start3A_736 = arith.constant 0 : i32
    %dma_start3A_737 = arith.constant 0 : i32
    %dma_start3A_738 = tpu.memref_slice %arg5[%dma_start3A_727, %dma_start3A_736, %dma_start3A_737] : memref<12x32x128xf32, #tpu.memory_space<vmem>> -> memref<1x32x128xf32, #tpu.memory_space<vmem>>
    %dma_start3A_739 = tpu.memref_squeeze %dma_start3A_738 : memref<1x32x128xf32, #tpu.memory_space<vmem>> -> memref<32x128xf32, #tpu.memory_space<vmem>>
    tpu.enqueue_dma source(%dma_start3A_739 : memref<32x128xf32, #tpu.memory_space<vmem>>) target(%dma_start3A_735 : memref<32x128xf32, #tpu.memory_space<hbm>>) target_semaphore(%arg8 : memref<!tpu.dma_semaphore, #tpu.memory_space<semaphore_mem>>)
    %add3A_740 = arith.constant 0 : i32
    %add3A_741 = arith.addi %add3A_5, %add3A_740 : i32
    %dma_wait3A_742 = arith.constant 0 : i32
    %dma_wait3A_743 = arith.constant 0 : i32
    %dma_wait3A_744 = arith.constant 0 : i32
    %dma_wait3A_745 = tpu.memref_slice %arg5[%dma_wait3A_742, %dma_wait3A_743, %dma_wait3A_744] : memref<12x32x128xf32, #tpu.memory_space<vmem>> -> memref<1x32x128xf32, #tpu.memory_space<vmem>>
    %dma_wait3A_746 = tpu.memref_squeeze %dma_wait3A_745 : memref<1x32x128xf32, #tpu.memory_space<vmem>> -> memref<32x128xf32, #tpu.memory_space<vmem>>
    %dma_wait3A_747 = arith.constant 0 : i32
    %dma_wait3A_748 = tpu.memref_slice %arg4[%add3A_741, %dma_wait3A_747] : memref<20000x128xf32, #tpu.memory_space<hbm>> -> memref<32x128xf32, #tpu.memory_space<hbm>>
    %dma_wait3A_749 = arith.constant 0 : i32
    %dma_wait3A_750 = tpu.memref_slice %arg4[%add3A_741, %dma_wait3A_749] : memref<20000x128xf32, #tpu.memory_space<hbm>> -> memref<32x128xf32, #tpu.memory_space<hbm>>
    %dma_wait3A_751 = arith.constant 0 : i32
    %dma_wait3A_752 = arith.constant 0 : i32
    %dma_wait3A_753 = tpu.memref_slice %arg5[%dma_wait3A_742, %dma_wait3A_751, %dma_wait3A_752] : memref<12x32x128xf32, #tpu.memory_space<vmem>> -> memref<1x32x128xf32, #tpu.memory_space<vmem>>
    %dma_wait3A_754 = tpu.memref_squeeze %dma_wait3A_753 : memref<1x32x128xf32, #tpu.memory_space<vmem>> -> memref<32x128xf32, #tpu.memory_space<vmem>>
    tpu.wait_dma2 semaphore(%arg7 : memref<!tpu.dma_semaphore, #tpu.memory_space<semaphore_mem>>) src(%dma_wait3A_754 : memref<32x128xf32, #tpu.memory_space<vmem>>) dst(%dma_wait3A_750 : memref<32x128xf32, #tpu.memory_space<hbm>>)
    %add3A_755 = arith.constant 64 : i32
    %add3A_756 = arith.addi %add3A_5, %add3A_755 : i32
    %add3A_757 = arith.constant 64 : i32
    %add3A_758 = arith.addi %mul3A_2, %add3A_757 : i32
    %run_scoped3A_759 = arith.constant 0 : i32
    "tpu.region"() ({
      %run_scoped3A_1367 = tpu.sem_alloc : memref<!tpu.dma_semaphore, #tpu.memory_space<semaphore_mem>>
      %dma_start3A_1368 = arith.constant 0 : i32
      %dma_start3A_1369 = arith.constant 0 : i32
      %dma_start3A_1370 = tpu.memref_slice %arg5[%run_scoped3A_759, %dma_start3A_1368, %dma_start3A_1369] : memref<12x32x128xf32, #tpu.memory_space<vmem>> -> memref<1x32x128xf32, #tpu.memory_space<vmem>>
      %dma_start3A_1371 = tpu.memref_squeeze %dma_start3A_1370 : memref<1x32x128xf32, #tpu.memory_space<vmem>> -> memref<32x128xf32, #tpu.memory_space<vmem>>
      %dma_start3A_1372 = arith.constant 0 : i32
      %dma_start3A_1373 = tpu.memref_slice %arg19[%add3A_758, %dma_start3A_1372] : memref<10000x128xf32, #tpu.memory_space<vmem_shared>> -> memref<32x128xf32, #tpu.memory_space<vmem_shared>>
      %dma_start3A_1374 = arith.constant 0 : i32
      %dma_start3A_1375 = arith.constant 0 : i32
      %dma_start3A_1376 = tpu.memref_slice %arg5[%run_scoped3A_759, %dma_start3A_1374, %dma_start3A_1375] : memref<12x32x128xf32, #tpu.memory_space<vmem>> -> memref<1x32x128xf32, #tpu.memory_space<vmem>>
      %dma_start3A_1377 = tpu.memref_squeeze %dma_start3A_1376 : memref<1x32x128xf32, #tpu.memory_space<vmem>> -> memref<32x128xf32, #tpu.memory_space<vmem>>
      %dma_start3A_1378 = arith.constant 0 : i32
      %dma_start3A_1379 = tpu.memref_slice %arg19[%add3A_758, %dma_start3A_1378] : memref<10000x128xf32, #tpu.memory_space<vmem_shared>> -> memref<32x128xf32, #tpu.memory_space<vmem_shared>>
      tpu.enqueue_dma source(%dma_start3A_1379 : memref<32x128xf32, #tpu.memory_space<vmem_shared>>) target(%dma_start3A_1377 : memref<32x128xf32, #tpu.memory_space<vmem>>) target_semaphore(%run_scoped3A_1367 : memref<!tpu.dma_semaphore, #tpu.memory_space<semaphore_mem>>)
      %dma_wait3A_1380 = arith.constant 0 : i32
      %dma_wait3A_1381 = arith.constant 0 : i32
      %dma_wait3A_1382 = tpu.memref_slice %arg5[%run_scoped3A_759, %dma_wait3A_1380, %dma_wait3A_1381] : memref<12x32x128xf32, #tpu.memory_space<vmem>> -> memref<1x32x128xf32, #tpu.memory_space<vmem>>
      %dma_wait3A_1383 = tpu.memref_squeeze %dma_wait3A_1382 : memref<1x32x128xf32, #tpu.memory_space<vmem>> -> memref<32x128xf32, #tpu.memory_space<vmem>>
      %dma_wait3A_1384 = arith.constant 0 : i32
      %dma_wait3A_1385 = tpu.memref_slice %arg19[%add3A_758, %dma_wait3A_1384] : memref<10000x128xf32, #tpu.memory_space<vmem_shared>> -> memref<32x128xf32, #tpu.memory_space<vmem_shared>>
      %dma_wait3A_1386 = arith.constant 0 : i32
      %dma_wait3A_1387 = arith.constant 0 : i32
      %dma_wait3A_1388 = tpu.memref_slice %arg5[%run_scoped3A_759, %dma_wait3A_1386, %dma_wait3A_1387] : memref<12x32x128xf32, #tpu.memory_space<vmem>> -> memref<1x32x128xf32, #tpu.memory_space<vmem>>
      %dma_wait3A_1389 = tpu.memref_squeeze %dma_wait3A_1388 : memref<1x32x128xf32, #tpu.memory_space<vmem>> -> memref<32x128xf32, #tpu.memory_space<vmem>>
      %dma_wait3A_1390 = arith.constant 0 : i32
      %dma_wait3A_1391 = tpu.memref_slice %arg19[%add3A_758, %dma_wait3A_1390] : memref<10000x128xf32, #tpu.memory_space<vmem_shared>> -> memref<32x128xf32, #tpu.memory_space<vmem_shared>>
      tpu.wait_dma2 semaphore(%run_scoped3A_1367 : memref<!tpu.dma_semaphore, #tpu.memory_space<semaphore_mem>>) src(%dma_wait3A_1391 : memref<32x128xf32, #tpu.memory_space<vmem_shared>>) dst(%dma_wait3A_1389 : memref<32x128xf32, #tpu.memory_space<vmem>>)
      tpu.yield
    }) : () -> ()
    %dma_start3A_760 = arith.constant 0 : i32
    %dma_start3A_761 = arith.constant 0 : i32
    %dma_start3A_762 = arith.constant 0 : i32
    %dma_start3A_763 = tpu.memref_slice %arg5[%dma_start3A_760, %dma_start3A_761, %dma_start3A_762] : memref<12x32x128xf32, #tpu.memory_space<vmem>> -> memref<1x32x128xf32, #tpu.memory_space<vmem>>
    %dma_start3A_764 = tpu.memref_squeeze %dma_start3A_763 : memref<1x32x128xf32, #tpu.memory_space<vmem>> -> memref<32x128xf32, #tpu.memory_space<vmem>>
    %dma_start3A_765 = arith.constant 0 : i32
    %dma_start3A_766 = tpu.memref_slice %arg4[%add3A_756, %dma_start3A_765] : memref<20000x128xf32, #tpu.memory_space<hbm>> -> memref<32x128xf32, #tpu.memory_space<hbm>>
    %dma_start3A_767 = arith.constant 0 : i32
    %dma_start3A_768 = tpu.memref_slice %arg4[%add3A_756, %dma_start3A_767] : memref<20000x128xf32, #tpu.memory_space<hbm>> -> memref<32x128xf32, #tpu.memory_space<hbm>>
    %dma_start3A_769 = arith.constant 0 : i32
    %dma_start3A_770 = arith.constant 0 : i32
    %dma_start3A_771 = tpu.memref_slice %arg5[%dma_start3A_760, %dma_start3A_769, %dma_start3A_770] : memref<12x32x128xf32, #tpu.memory_space<vmem>> -> memref<1x32x128xf32, #tpu.memory_space<vmem>>
    %dma_start3A_772 = tpu.memref_squeeze %dma_start3A_771 : memref<1x32x128xf32, #tpu.memory_space<vmem>> -> memref<32x128xf32, #tpu.memory_space<vmem>>
    tpu.enqueue_dma source(%dma_start3A_772 : memref<32x128xf32, #tpu.memory_space<vmem>>) target(%dma_start3A_768 : memref<32x128xf32, #tpu.memory_space<hbm>>) target_semaphore(%arg7 : memref<!tpu.dma_semaphore, #tpu.memory_space<semaphore_mem>>)
    %add3A_773 = arith.constant 32 : i32
    %add3A_774 = arith.addi %add3A_5, %add3A_773 : i32
    %dma_wait3A_775 = arith.constant 1 : i32
    %dma_wait3A_776 = arith.constant 0 : i32
    %dma_wait3A_777 = arith.constant 0 : i32
    %dma_wait3A_778 = tpu.memref_slice %arg5[%dma_wait3A_775, %dma_wait3A_776, %dma_wait3A_777] : memref<12x32x128xf32, #tpu.memory_space<vmem>> -> memref<1x32x128xf32, #tpu.memory_space<vmem>>
    %dma_wait3A_779 = tpu.memref_squeeze %dma_wait3A_778 : memref<1x32x128xf32, #tpu.memory_space<vmem>> -> memref<32x128xf32, #tpu.memory_space<vmem>>
    %dma_wait3A_780 = arith.constant 0 : i32
    %dma_wait3A_781 = tpu.memref_slice %arg4[%add3A_774, %dma_wait3A_780] : memref<20000x128xf32, #tpu.memory_space<hbm>> -> memref<32x128xf32, #tpu.memory_space<hbm>>
    %dma_wait3A_782 = arith.constant 0 : i32
    %dma_wait3A_783 = tpu.memref_slice %arg4[%add3A_774, %dma_wait3A_782] : memref<20000x128xf32, #tpu.memory_space<hbm>> -> memref<32x128xf32, #tpu.memory_space<hbm>>
    %dma_wait3A_784 = arith.constant 0 : i32
    %dma_wait3A_785 = arith.constant 0 : i32
    %dma_wait3A_786 = tpu.memref_slice %arg5[%dma_wait3A_775, %dma_wait3A_784, %dma_wait3A_785] : memref<12x32x128xf32, #tpu.memory_space<vmem>> -> memref<1x32x128xf32, #tpu.memory_space<vmem>>
    %dma_wait3A_787 = tpu.memref_squeeze %dma_wait3A_786 : memref<1x32x128xf32, #tpu.memory_space<vmem>> -> memref<32x128xf32, #tpu.memory_space<vmem>>
    tpu.wait_dma2 semaphore(%arg8 : memref<!tpu.dma_semaphore, #tpu.memory_space<semaphore_mem>>) src(%dma_wait3A_787 : memref<32x128xf32, #tpu.memory_space<vmem>>) dst(%dma_wait3A_783 : memref<32x128xf32, #tpu.memory_space<hbm>>)
    %add3A_788 = arith.constant 96 : i32
    %add3A_789 = arith.addi %add3A_5, %add3A_788 : i32
    %add3A_790 = arith.constant 96 : i32
    %add3A_791 = arith.addi %mul3A_2, %add3A_790 : i32
    %run_scoped3A_792 = arith.constant 1 : i32
    "tpu.region"() ({
      %run_scoped3A_1367 = tpu.sem_alloc : memref<!tpu.dma_semaphore, #tpu.memory_space<semaphore_mem>>
      %dma_start3A_1368 = arith.constant 0 : i32
      %dma_start3A_1369 = arith.constant 0 : i32
      %dma_start3A_1370 = tpu.memref_slice %arg5[%run_scoped3A_792, %dma_start3A_1368, %dma_start3A_1369] : memref<12x32x128xf32, #tpu.memory_space<vmem>> -> memref<1x32x128xf32, #tpu.memory_space<vmem>>
      %dma_start3A_1371 = tpu.memref_squeeze %dma_start3A_1370 : memref<1x32x128xf32, #tpu.memory_space<vmem>> -> memref<32x128xf32, #tpu.memory_space<vmem>>
      %dma_start3A_1372 = arith.constant 0 : i32
      %dma_start3A_1373 = tpu.memref_slice %arg19[%add3A_791, %dma_start3A_1372] : memref<10000x128xf32, #tpu.memory_space<vmem_shared>> -> memref<32x128xf32, #tpu.memory_space<vmem_shared>>
      %dma_start3A_1374 = arith.constant 0 : i32
      %dma_start3A_1375 = arith.constant 0 : i32
      %dma_start3A_1376 = tpu.memref_slice %arg5[%run_scoped3A_792, %dma_start3A_1374, %dma_start3A_1375] : memref<12x32x128xf32, #tpu.memory_space<vmem>> -> memref<1x32x128xf32, #tpu.memory_space<vmem>>
      %dma_start3A_1377 = tpu.memref_squeeze %dma_start3A_1376 : memref<1x32x128xf32, #tpu.memory_space<vmem>> -> memref<32x128xf32, #tpu.memory_space<vmem>>
      %dma_start3A_1378 = arith.constant 0 : i32
      %dma_start3A_1379 = tpu.memref_slice %arg19[%add3A_791, %dma_start3A_1378] : memref<10000x128xf32, #tpu.memory_space<vmem_shared>> -> memref<32x128xf32, #tpu.memory_space<vmem_shared>>
      tpu.enqueue_dma source(%dma_start3A_1379 : memref<32x128xf32, #tpu.memory_space<vmem_shared>>) target(%dma_start3A_1377 : memref<32x128xf32, #tpu.memory_space<vmem>>) target_semaphore(%run_scoped3A_1367 : memref<!tpu.dma_semaphore, #tpu.memory_space<semaphore_mem>>)
      %dma_wait3A_1380 = arith.constant 0 : i32
      %dma_wait3A_1381 = arith.constant 0 : i32
      %dma_wait3A_1382 = tpu.memref_slice %arg5[%run_scoped3A_792, %dma_wait3A_1380, %dma_wait3A_1381] : memref<12x32x128xf32, #tpu.memory_space<vmem>> -> memref<1x32x128xf32, #tpu.memory_space<vmem>>
      %dma_wait3A_1383 = tpu.memref_squeeze %dma_wait3A_1382 : memref<1x32x128xf32, #tpu.memory_space<vmem>> -> memref<32x128xf32, #tpu.memory_space<vmem>>
      %dma_wait3A_1384 = arith.constant 0 : i32
      %dma_wait3A_1385 = tpu.memref_slice %arg19[%add3A_791, %dma_wait3A_1384] : memref<10000x128xf32, #tpu.memory_space<vmem_shared>> -> memref<32x128xf32, #tpu.memory_space<vmem_shared>>
      %dma_wait3A_1386 = arith.constant 0 : i32
      %dma_wait3A_1387 = arith.constant 0 : i32
      %dma_wait3A_1388 = tpu.memref_slice %arg5[%run_scoped3A_792, %dma_wait3A_1386, %dma_wait3A_1387] : memref<12x32x128xf32, #tpu.memory_space<vmem>> -> memref<1x32x128xf32, #tpu.memory_space<vmem>>
      %dma_wait3A_1389 = tpu.memref_squeeze %dma_wait3A_1388 : memref<1x32x128xf32, #tpu.memory_space<vmem>> -> memref<32x128xf32, #tpu.memory_space<vmem>>
      %dma_wait3A_1390 = arith.constant 0 : i32
      %dma_wait3A_1391 = tpu.memref_slice %arg19[%add3A_791, %dma_wait3A_1390] : memref<10000x128xf32, #tpu.memory_space<vmem_shared>> -> memref<32x128xf32, #tpu.memory_space<vmem_shared>>
      tpu.wait_dma2 semaphore(%run_scoped3A_1367 : memref<!tpu.dma_semaphore, #tpu.memory_space<semaphore_mem>>) src(%dma_wait3A_1391 : memref<32x128xf32, #tpu.memory_space<vmem_shared>>) dst(%dma_wait3A_1389 : memref<32x128xf32, #tpu.memory_space<vmem>>)
      tpu.yield
    }) : () -> ()
    %dma_start3A_793 = arith.constant 1 : i32
    %dma_start3A_794 = arith.constant 0 : i32
    %dma_start3A_795 = arith.constant 0 : i32
    %dma_start3A_796 = tpu.memref_slice %arg5[%dma_start3A_793, %dma_start3A_794, %dma_start3A_795] : memref<12x32x128xf32, #tpu.memory_space<vmem>> -> memref<1x32x128xf32, #tpu.memory_space<vmem>>
    %dma_start3A_797 = tpu.memref_squeeze %dma_start3A_796 : memref<1x32x128xf32, #tpu.memory_space<vmem>> -> memref<32x128xf32, #tpu.memory_space<vmem>>
    %dma_start3A_798 = arith.constant 0 : i32
    %dma_start3A_799 = tpu.memref_slice %arg4[%add3A_789, %dma_start3A_798] : memref<20000x128xf32, #tpu.memory_space<hbm>> -> memref<32x128xf32, #tpu.memory_space<hbm>>
    %dma_start3A_800 = arith.constant 0 : i32
    %dma_start3A_801 = tpu.memref_slice %arg4[%add3A_789, %dma_start3A_800] : memref<20000x128xf32, #tpu.memory_space<hbm>> -> memref<32x128xf32, #tpu.memory_space<hbm>>
    %dma_start3A_802 = arith.constant 0 : i32
    %dma_start3A_803 = arith.constant 0 : i32
    %dma_start3A_804 = tpu.memref_slice %arg5[%dma_start3A_793, %dma_start3A_802, %dma_start3A_803] : memref<12x32x128xf32, #tpu.memory_space<vmem>> -> memref<1x32x128xf32, #tpu.memory_space<vmem>>
    %dma_start3A_805 = tpu.memref_squeeze %dma_start3A_804 : memref<1x32x128xf32, #tpu.memory_space<vmem>> -> memref<32x128xf32, #tpu.memory_space<vmem>>
    tpu.enqueue_dma source(%dma_start3A_805 : memref<32x128xf32, #tpu.memory_space<vmem>>) target(%dma_start3A_801 : memref<32x128xf32, #tpu.memory_space<hbm>>) target_semaphore(%arg8 : memref<!tpu.dma_semaphore, #tpu.memory_space<semaphore_mem>>)
    %add3A_806 = arith.constant 64 : i32
    %add3A_807 = arith.addi %add3A_5, %add3A_806 : i32
    %dma_wait3A_808 = arith.constant 0 : i32
    %dma_wait3A_809 = arith.constant 0 : i32
    %dma_wait3A_810 = arith.constant 0 : i32
    %dma_wait3A_811 = tpu.memref_slice %arg5[%dma_wait3A_808, %dma_wait3A_809, %dma_wait3A_810] : memref<12x32x128xf32, #tpu.memory_space<vmem>> -> memref<1x32x128xf32, #tpu.memory_space<vmem>>
    %dma_wait3A_812 = tpu.memref_squeeze %dma_wait3A_811 : memref<1x32x128xf32, #tpu.memory_space<vmem>> -> memref<32x128xf32, #tpu.memory_space<vmem>>
    %dma_wait3A_813 = arith.constant 0 : i32
    %dma_wait3A_814 = tpu.memref_slice %arg4[%add3A_807, %dma_wait3A_813] : memref<20000x128xf32, #tpu.memory_space<hbm>> -> memref<32x128xf32, #tpu.memory_space<hbm>>
    %dma_wait3A_815 = arith.constant 0 : i32
    %dma_wait3A_816 = tpu.memref_slice %arg4[%add3A_807, %dma_wait3A_815] : memref<20000x128xf32, #tpu.memory_space<hbm>> -> memref<32x128xf32, #tpu.memory_space<hbm>>
    %dma_wait3A_817 = arith.constant 0 : i32
    %dma_wait3A_818 = arith.constant 0 : i32
    %dma_wait3A_819 = tpu.memref_slice %arg5[%dma_wait3A_808, %dma_wait3A_817, %dma_wait3A_818] : memref<12x32x128xf32, #tpu.memory_space<vmem>> -> memref<1x32x128xf32, #tpu.memory_space<vmem>>
    %dma_wait3A_820 = tpu.memref_squeeze %dma_wait3A_819 : memref<1x32x128xf32, #tpu.memory_space<vmem>> -> memref<32x128xf32, #tpu.memory_space<vmem>>
    tpu.wait_dma2 semaphore(%arg7 : memref<!tpu.dma_semaphore, #tpu.memory_space<semaphore_mem>>) src(%dma_wait3A_820 : memref<32x128xf32, #tpu.memory_space<vmem>>) dst(%dma_wait3A_816 : memref<32x128xf32, #tpu.memory_space<hbm>>)
    %add3A_821 = arith.constant 128 : i32
    %add3A_822 = arith.addi %add3A_5, %add3A_821 : i32
    %add3A_823 = arith.constant 128 : i32
    %add3A_824 = arith.addi %mul3A_2, %add3A_823 : i32
    %run_scoped3A_825 = arith.constant 0 : i32
    "tpu.region"() ({
      %run_scoped3A_1367 = tpu.sem_alloc : memref<!tpu.dma_semaphore, #tpu.memory_space<semaphore_mem>>
      %dma_start3A_1368 = arith.constant 0 : i32
      %dma_start3A_1369 = arith.constant 0 : i32
      %dma_start3A_1370 = tpu.memref_slice %arg5[%run_scoped3A_825, %dma_start3A_1368, %dma_start3A_1369] : memref<12x32x128xf32, #tpu.memory_space<vmem>> -> memref<1x32x128xf32, #tpu.memory_space<vmem>>
      %dma_start3A_1371 = tpu.memref_squeeze %dma_start3A_1370 : memref<1x32x128xf32, #tpu.memory_space<vmem>> -> memref<32x128xf32, #tpu.memory_space<vmem>>
      %dma_start3A_1372 = arith.constant 0 : i32
      %dma_start3A_1373 = tpu.memref_slice %arg19[%add3A_824, %dma_start3A_1372] : memref<10000x128xf32, #tpu.memory_space<vmem_shared>> -> memref<32x128xf32, #tpu.memory_space<vmem_shared>>
      %dma_start3A_1374 = arith.constant 0 : i32
      %dma_start3A_1375 = arith.constant 0 : i32
      %dma_start3A_1376 = tpu.memref_slice %arg5[%run_scoped3A_825, %dma_start3A_1374, %dma_start3A_1375] : memref<12x32x128xf32, #tpu.memory_space<vmem>> -> memref<1x32x128xf32, #tpu.memory_space<vmem>>
      %dma_start3A_1377 = tpu.memref_squeeze %dma_start3A_1376 : memref<1x32x128xf32, #tpu.memory_space<vmem>> -> memref<32x128xf32, #tpu.memory_space<vmem>>
      %dma_start3A_1378 = arith.constant 0 : i32
      %dma_start3A_1379 = tpu.memref_slice %arg19[%add3A_824, %dma_start3A_1378] : memref<10000x128xf32, #tpu.memory_space<vmem_shared>> -> memref<32x128xf32, #tpu.memory_space<vmem_shared>>
      tpu.enqueue_dma source(%dma_start3A_1379 : memref<32x128xf32, #tpu.memory_space<vmem_shared>>) target(%dma_start3A_1377 : memref<32x128xf32, #tpu.memory_space<vmem>>) target_semaphore(%run_scoped3A_1367 : memref<!tpu.dma_semaphore, #tpu.memory_space<semaphore_mem>>)
      %dma_wait3A_1380 = arith.constant 0 : i32
      %dma_wait3A_1381 = arith.constant 0 : i32
      %dma_wait3A_1382 = tpu.memref_slice %arg5[%run_scoped3A_825, %dma_wait3A_1380, %dma_wait3A_1381] : memref<12x32x128xf32, #tpu.memory_space<vmem>> -> memref<1x32x128xf32, #tpu.memory_space<vmem>>
      %dma_wait3A_1383 = tpu.memref_squeeze %dma_wait3A_1382 : memref<1x32x128xf32, #tpu.memory_space<vmem>> -> memref<32x128xf32, #tpu.memory_space<vmem>>
      %dma_wait3A_1384 = arith.constant 0 : i32
      %dma_wait3A_1385 = tpu.memref_slice %arg19[%add3A_824, %dma_wait3A_1384] : memref<10000x128xf32, #tpu.memory_space<vmem_shared>> -> memref<32x128xf32, #tpu.memory_space<vmem_shared>>
      %dma_wait3A_1386 = arith.constant 0 : i32
      %dma_wait3A_1387 = arith.constant 0 : i32
      %dma_wait3A_1388 = tpu.memref_slice %arg5[%run_scoped3A_825, %dma_wait3A_1386, %dma_wait3A_1387] : memref<12x32x128xf32, #tpu.memory_space<vmem>> -> memref<1x32x128xf32, #tpu.memory_space<vmem>>
      %dma_wait3A_1389 = tpu.memref_squeeze %dma_wait3A_1388 : memref<1x32x128xf32, #tpu.memory_space<vmem>> -> memref<32x128xf32, #tpu.memory_space<vmem>>
      %dma_wait3A_1390 = arith.constant 0 : i32
      %dma_wait3A_1391 = tpu.memref_slice %arg19[%add3A_824, %dma_wait3A_1390] : memref<10000x128xf32, #tpu.memory_space<vmem_shared>> -> memref<32x128xf32, #tpu.memory_space<vmem_shared>>
      tpu.wait_dma2 semaphore(%run_scoped3A_1367 : memref<!tpu.dma_semaphore, #tpu.memory_space<semaphore_mem>>) src(%dma_wait3A_1391 : memref<32x128xf32, #tpu.memory_space<vmem_shared>>) dst(%dma_wait3A_1389 : memref<32x128xf32, #tpu.memory_space<vmem>>)
      tpu.yield
    }) : () -> ()
    %dma_start3A_826 = arith.constant 0 : i32
    %dma_start3A_827 = arith.constant 0 : i32
    %dma_start3A_828 = arith.constant 0 : i32
    %dma_start3A_829 = tpu.memref_slice %arg5[%dma_start3A_826, %dma_start3A_827, %dma_start3A_828] : memref<12x32x128xf32, #tpu.memory_space<vmem>> -> memref<1x32x128xf32, #tpu.memory_space<vmem>>
    %dma_start3A_830 = tpu.memref_squeeze %dma_start3A_829 : memref<1x32x128xf32, #tpu.memory_space<vmem>> -> memref<32x128xf32, #tpu.memory_space<vmem>>
    %dma_start3A_831 = arith.constant 0 : i32
    %dma_start3A_832 = tpu.memref_slice %arg4[%add3A_822, %dma_start3A_831] : memref<20000x128xf32, #tpu.memory_space<hbm>> -> memref<32x128xf32, #tpu.memory_space<hbm>>
    %dma_start3A_833 = arith.constant 0 : i32
    %dma_start3A_834 = tpu.memref_slice %arg4[%add3A_822, %dma_start3A_833] : memref<20000x128xf32, #tpu.memory_space<hbm>> -> memref<32x128xf32, #tpu.memory_space<hbm>>
    %dma_start3A_835 = arith.constant 0 : i32
    %dma_start3A_836 = arith.constant 0 : i32
    %dma_start3A_837 = tpu.memref_slice %arg5[%dma_start3A_826, %dma_start3A_835, %dma_start3A_836] : memref<12x32x128xf32, #tpu.memory_space<vmem>> -> memref<1x32x128xf32, #tpu.memory_space<vmem>>
    %dma_start3A_838 = tpu.memref_squeeze %dma_start3A_837 : memref<1x32x128xf32, #tpu.memory_space<vmem>> -> memref<32x128xf32, #tpu.memory_space<vmem>>
    tpu.enqueue_dma source(%dma_start3A_838 : memref<32x128xf32, #tpu.memory_space<vmem>>) target(%dma_start3A_834 : memref<32x128xf32, #tpu.memory_space<hbm>>) target_semaphore(%arg7 : memref<!tpu.dma_semaphore, #tpu.memory_space<semaphore_mem>>)
    %add3A_839 = arith.constant 96 : i32
    %add3A_840 = arith.addi %add3A_5, %add3A_839 : i32
    %dma_wait3A_841 = arith.constant 1 : i32
    %dma_wait3A_842 = arith.constant 0 : i32
    %dma_wait3A_843 = arith.constant 0 : i32
    %dma_wait3A_844 = tpu.memref_slice %arg5[%dma_wait3A_841, %dma_wait3A_842, %dma_wait3A_843] : memref<12x32x128xf32, #tpu.memory_space<vmem>> -> memref<1x32x128xf32, #tpu.memory_space<vmem>>
    %dma_wait3A_845 = tpu.memref_squeeze %dma_wait3A_844 : memref<1x32x128xf32, #tpu.memory_space<vmem>> -> memref<32x128xf32, #tpu.memory_space<vmem>>
    %dma_wait3A_846 = arith.constant 0 : i32
    %dma_wait3A_847 = tpu.memref_slice %arg4[%add3A_840, %dma_wait3A_846] : memref<20000x128xf32, #tpu.memory_space<hbm>> -> memref<32x128xf32, #tpu.memory_space<hbm>>
    %dma_wait3A_848 = arith.constant 0 : i32
    %dma_wait3A_849 = tpu.memref_slice %arg4[%add3A_840, %dma_wait3A_848] : memref<20000x128xf32, #tpu.memory_space<hbm>> -> memref<32x128xf32, #tpu.memory_space<hbm>>
    %dma_wait3A_850 = arith.constant 0 : i32
    %dma_wait3A_851 = arith.constant 0 : i32
    %dma_wait3A_852 = tpu.memref_slice %arg5[%dma_wait3A_841, %dma_wait3A_850, %dma_wait3A_851] : memref<12x32x128xf32, #tpu.memory_space<vmem>> -> memref<1x32x128xf32, #tpu.memory_space<vmem>>
    %dma_wait3A_853 = tpu.memref_squeeze %dma_wait3A_852 : memref<1x32x128xf32, #tpu.memory_space<vmem>> -> memref<32x128xf32, #tpu.memory_space<vmem>>
    tpu.wait_dma2 semaphore(%arg8 : memref<!tpu.dma_semaphore, #tpu.memory_space<semaphore_mem>>) src(%dma_wait3A_853 : memref<32x128xf32, #tpu.memory_space<vmem>>) dst(%dma_wait3A_849 : memref<32x128xf32, #tpu.memory_space<hbm>>)
    %add3A_854 = arith.constant 160 : i32
    %add3A_855 = arith.addi %add3A_5, %add3A_854 : i32
    %add3A_856 = arith.constant 160 : i32
    %add3A_857 = arith.addi %mul3A_2, %add3A_856 : i32
    %run_scoped3A_858 = arith.constant 1 : i32
    "tpu.region"() ({
      %run_scoped3A_1367 = tpu.sem_alloc : memref<!tpu.dma_semaphore, #tpu.memory_space<semaphore_mem>>
      %dma_start3A_1368 = arith.constant 0 : i32
      %dma_start3A_1369 = arith.constant 0 : i32
      %dma_start3A_1370 = tpu.memref_slice %arg5[%run_scoped3A_858, %dma_start3A_1368, %dma_start3A_1369] : memref<12x32x128xf32, #tpu.memory_space<vmem>> -> memref<1x32x128xf32, #tpu.memory_space<vmem>>
      %dma_start3A_1371 = tpu.memref_squeeze %dma_start3A_1370 : memref<1x32x128xf32, #tpu.memory_space<vmem>> -> memref<32x128xf32, #tpu.memory_space<vmem>>
      %dma_start3A_1372 = arith.constant 0 : i32
      %dma_start3A_1373 = tpu.memref_slice %arg19[%add3A_857, %dma_start3A_1372] : memref<10000x128xf32, #tpu.memory_space<vmem_shared>> -> memref<32x128xf32, #tpu.memory_space<vmem_shared>>
      %dma_start3A_1374 = arith.constant 0 : i32
      %dma_start3A_1375 = arith.constant 0 : i32
      %dma_start3A_1376 = tpu.memref_slice %arg5[%run_scoped3A_858, %dma_start3A_1374, %dma_start3A_1375] : memref<12x32x128xf32, #tpu.memory_space<vmem>> -> memref<1x32x128xf32, #tpu.memory_space<vmem>>
      %dma_start3A_1377 = tpu.memref_squeeze %dma_start3A_1376 : memref<1x32x128xf32, #tpu.memory_space<vmem>> -> memref<32x128xf32, #tpu.memory_space<vmem>>
      %dma_start3A_1378 = arith.constant 0 : i32
      %dma_start3A_1379 = tpu.memref_slice %arg19[%add3A_857, %dma_start3A_1378] : memref<10000x128xf32, #tpu.memory_space<vmem_shared>> -> memref<32x128xf32, #tpu.memory_space<vmem_shared>>
      tpu.enqueue_dma source(%dma_start3A_1379 : memref<32x128xf32, #tpu.memory_space<vmem_shared>>) target(%dma_start3A_1377 : memref<32x128xf32, #tpu.memory_space<vmem>>) target_semaphore(%run_scoped3A_1367 : memref<!tpu.dma_semaphore, #tpu.memory_space<semaphore_mem>>)
      %dma_wait3A_1380 = arith.constant 0 : i32
      %dma_wait3A_1381 = arith.constant 0 : i32
      %dma_wait3A_1382 = tpu.memref_slice %arg5[%run_scoped3A_858, %dma_wait3A_1380, %dma_wait3A_1381] : memref<12x32x128xf32, #tpu.memory_space<vmem>> -> memref<1x32x128xf32, #tpu.memory_space<vmem>>
      %dma_wait3A_1383 = tpu.memref_squeeze %dma_wait3A_1382 : memref<1x32x128xf32, #tpu.memory_space<vmem>> -> memref<32x128xf32, #tpu.memory_space<vmem>>
      %dma_wait3A_1384 = arith.constant 0 : i32
      %dma_wait3A_1385 = tpu.memref_slice %arg19[%add3A_857, %dma_wait3A_1384] : memref<10000x128xf32, #tpu.memory_space<vmem_shared>> -> memref<32x128xf32, #tpu.memory_space<vmem_shared>>
      %dma_wait3A_1386 = arith.constant 0 : i32
      %dma_wait3A_1387 = arith.constant 0 : i32
      %dma_wait3A_1388 = tpu.memref_slice %arg5[%run_scoped3A_858, %dma_wait3A_1386, %dma_wait3A_1387] : memref<12x32x128xf32, #tpu.memory_space<vmem>> -> memref<1x32x128xf32, #tpu.memory_space<vmem>>
      %dma_wait3A_1389 = tpu.memref_squeeze %dma_wait3A_1388 : memref<1x32x128xf32, #tpu.memory_space<vmem>> -> memref<32x128xf32, #tpu.memory_space<vmem>>
      %dma_wait3A_1390 = arith.constant 0 : i32
      %dma_wait3A_1391 = tpu.memref_slice %arg19[%add3A_857, %dma_wait3A_1390] : memref<10000x128xf32, #tpu.memory_space<vmem_shared>> -> memref<32x128xf32, #tpu.memory_space<vmem_shared>>
      tpu.wait_dma2 semaphore(%run_scoped3A_1367 : memref<!tpu.dma_semaphore, #tpu.memory_space<semaphore_mem>>) src(%dma_wait3A_1391 : memref<32x128xf32, #tpu.memory_space<vmem_shared>>) dst(%dma_wait3A_1389 : memref<32x128xf32, #tpu.memory_space<vmem>>)
      tpu.yield
    }) : () -> ()
    %dma_start3A_859 = arith.constant 1 : i32
    %dma_start3A_860 = arith.constant 0 : i32
    %dma_start3A_861 = arith.constant 0 : i32
    %dma_start3A_862 = tpu.memref_slice %arg5[%dma_start3A_859, %dma_start3A_860, %dma_start3A_861] : memref<12x32x128xf32, #tpu.memory_space<vmem>> -> memref<1x32x128xf32, #tpu.memory_space<vmem>>
    %dma_start3A_863 = tpu.memref_squeeze %dma_start3A_862 : memref<1x32x128xf32, #tpu.memory_space<vmem>> -> memref<32x128xf32, #tpu.memory_space<vmem>>
    %dma_start3A_864 = arith.constant 0 : i32
    %dma_start3A_865 = tpu.memref_slice %arg4[%add3A_855, %dma_start3A_864] : memref<20000x128xf32, #tpu.memory_space<hbm>> -> memref<32x128xf32, #tpu.memory_space<hbm>>
    %dma_start3A_866 = arith.constant 0 : i32
    %dma_start3A_867 = tpu.memref_slice %arg4[%add3A_855, %dma_start3A_866] : memref<20000x128xf32, #tpu.memory_space<hbm>> -> memref<32x128xf32, #tpu.memory_space<hbm>>
    %dma_start3A_868 = arith.constant 0 : i32
    %dma_start3A_869 = arith.constant 0 : i32
    %dma_start3A_870 = tpu.memref_slice %arg5[%dma_start3A_859, %dma_start3A_868, %dma_start3A_869] : memref<12x32x128xf32, #tpu.memory_space<vmem>> -> memref<1x32x128xf32, #tpu.memory_space<vmem>>
    %dma_start3A_871 = tpu.memref_squeeze %dma_start3A_870 : memref<1x32x128xf32, #tpu.memory_space<vmem>> -> memref<32x128xf32, #tpu.memory_space<vmem>>
    tpu.enqueue_dma source(%dma_start3A_871 : memref<32x128xf32, #tpu.memory_space<vmem>>) target(%dma_start3A_867 : memref<32x128xf32, #tpu.memory_space<hbm>>) target_semaphore(%arg8 : memref<!tpu.dma_semaphore, #tpu.memory_space<semaphore_mem>>)
    %add3A_872 = arith.constant 128 : i32
    %add3A_873 = arith.addi %add3A_5, %add3A_872 : i32
    %dma_wait3A_874 = arith.constant 0 : i32
    %dma_wait3A_875 = arith.constant 0 : i32
    %dma_wait3A_876 = arith.constant 0 : i32
    %dma_wait3A_877 = tpu.memref_slice %arg5[%dma_wait3A_874, %dma_wait3A_875, %dma_wait3A_876] : memref<12x32x128xf32, #tpu.memory_space<vmem>> -> memref<1x32x128xf32, #tpu.memory_space<vmem>>
    %dma_wait3A_878 = tpu.memref_squeeze %dma_wait3A_877 : memref<1x32x128xf32, #tpu.memory_space<vmem>> -> memref<32x128xf32, #tpu.memory_space<vmem>>
    %dma_wait3A_879 = arith.constant 0 : i32
    %dma_wait3A_880 = tpu.memref_slice %arg4[%add3A_873, %dma_wait3A_879] : memref<20000x128xf32, #tpu.memory_space<hbm>> -> memref<32x128xf32, #tpu.memory_space<hbm>>
    %dma_wait3A_881 = arith.constant 0 : i32
    %dma_wait3A_882 = tpu.memref_slice %arg4[%add3A_873, %dma_wait3A_881] : memref<20000x128xf32, #tpu.memory_space<hbm>> -> memref<32x128xf32, #tpu.memory_space<hbm>>
    %dma_wait3A_883 = arith.constant 0 : i32
    %dma_wait3A_884 = arith.constant 0 : i32
    %dma_wait3A_885 = tpu.memref_slice %arg5[%dma_wait3A_874, %dma_wait3A_883, %dma_wait3A_884] : memref<12x32x128xf32, #tpu.memory_space<vmem>> -> memref<1x32x128xf32, #tpu.memory_space<vmem>>
    %dma_wait3A_886 = tpu.memref_squeeze %dma_wait3A_885 : memref<1x32x128xf32, #tpu.memory_space<vmem>> -> memref<32x128xf32, #tpu.memory_space<vmem>>
    tpu.wait_dma2 semaphore(%arg7 : memref<!tpu.dma_semaphore, #tpu.memory_space<semaphore_mem>>) src(%dma_wait3A_886 : memref<32x128xf32, #tpu.memory_space<vmem>>) dst(%dma_wait3A_882 : memref<32x128xf32, #tpu.memory_space<hbm>>)
    %add3A_887 = arith.constant 192 : i32
    %add3A_888 = arith.addi %add3A_5, %add3A_887 : i32
    %add3A_889 = arith.constant 192 : i32
    %add3A_890 = arith.addi %mul3A_2, %add3A_889 : i32
    %run_scoped3A_891 = arith.constant 0 : i32
    "tpu.region"() ({
      %run_scoped3A_1367 = tpu.sem_alloc : memref<!tpu.dma_semaphore, #tpu.memory_space<semaphore_mem>>
      %dma_start3A_1368 = arith.constant 0 : i32
      %dma_start3A_1369 = arith.constant 0 : i32
      %dma_start3A_1370 = tpu.memref_slice %arg5[%run_scoped3A_891, %dma_start3A_1368, %dma_start3A_1369] : memref<12x32x128xf32, #tpu.memory_space<vmem>> -> memref<1x32x128xf32, #tpu.memory_space<vmem>>
      %dma_start3A_1371 = tpu.memref_squeeze %dma_start3A_1370 : memref<1x32x128xf32, #tpu.memory_space<vmem>> -> memref<32x128xf32, #tpu.memory_space<vmem>>
      %dma_start3A_1372 = arith.constant 0 : i32
      %dma_start3A_1373 = tpu.memref_slice %arg19[%add3A_890, %dma_start3A_1372] : memref<10000x128xf32, #tpu.memory_space<vmem_shared>> -> memref<32x128xf32, #tpu.memory_space<vmem_shared>>
      %dma_start3A_1374 = arith.constant 0 : i32
      %dma_start3A_1375 = arith.constant 0 : i32
      %dma_start3A_1376 = tpu.memref_slice %arg5[%run_scoped3A_891, %dma_start3A_1374, %dma_start3A_1375] : memref<12x32x128xf32, #tpu.memory_space<vmem>> -> memref<1x32x128xf32, #tpu.memory_space<vmem>>
      %dma_start3A_1377 = tpu.memref_squeeze %dma_start3A_1376 : memref<1x32x128xf32, #tpu.memory_space<vmem>> -> memref<32x128xf32, #tpu.memory_space<vmem>>
      %dma_start3A_1378 = arith.constant 0 : i32
      %dma_start3A_1379 = tpu.memref_slice %arg19[%add3A_890, %dma_start3A_1378] : memref<10000x128xf32, #tpu.memory_space<vmem_shared>> -> memref<32x128xf32, #tpu.memory_space<vmem_shared>>
      tpu.enqueue_dma source(%dma_start3A_1379 : memref<32x128xf32, #tpu.memory_space<vmem_shared>>) target(%dma_start3A_1377 : memref<32x128xf32, #tpu.memory_space<vmem>>) target_semaphore(%run_scoped3A_1367 : memref<!tpu.dma_semaphore, #tpu.memory_space<semaphore_mem>>)
      %dma_wait3A_1380 = arith.constant 0 : i32
      %dma_wait3A_1381 = arith.constant 0 : i32
      %dma_wait3A_1382 = tpu.memref_slice %arg5[%run_scoped3A_891, %dma_wait3A_1380, %dma_wait3A_1381] : memref<12x32x128xf32, #tpu.memory_space<vmem>> -> memref<1x32x128xf32, #tpu.memory_space<vmem>>
      %dma_wait3A_1383 = tpu.memref_squeeze %dma_wait3A_1382 : memref<1x32x128xf32, #tpu.memory_space<vmem>> -> memref<32x128xf32, #tpu.memory_space<vmem>>
      %dma_wait3A_1384 = arith.constant 0 : i32
      %dma_wait3A_1385 = tpu.memref_slice %arg19[%add3A_890, %dma_wait3A_1384] : memref<10000x128xf32, #tpu.memory_space<vmem_shared>> -> memref<32x128xf32, #tpu.memory_space<vmem_shared>>
      %dma_wait3A_1386 = arith.constant 0 : i32
      %dma_wait3A_1387 = arith.constant 0 : i32
      %dma_wait3A_1388 = tpu.memref_slice %arg5[%run_scoped3A_891, %dma_wait3A_1386, %dma_wait3A_1387] : memref<12x32x128xf32, #tpu.memory_space<vmem>> -> memref<1x32x128xf32, #tpu.memory_space<vmem>>
      %dma_wait3A_1389 = tpu.memref_squeeze %dma_wait3A_1388 : memref<1x32x128xf32, #tpu.memory_space<vmem>> -> memref<32x128xf32, #tpu.memory_space<vmem>>
      %dma_wait3A_1390 = arith.constant 0 : i32
      %dma_wait3A_1391 = tpu.memref_slice %arg19[%add3A_890, %dma_wait3A_1390] : memref<10000x128xf32, #tpu.memory_space<vmem_shared>> -> memref<32x128xf32, #tpu.memory_space<vmem_shared>>
      tpu.wait_dma2 semaphore(%run_scoped3A_1367 : memref<!tpu.dma_semaphore, #tpu.memory_space<semaphore_mem>>) src(%dma_wait3A_1391 : memref<32x128xf32, #tpu.memory_space<vmem_shared>>) dst(%dma_wait3A_1389 : memref<32x128xf32, #tpu.memory_space<vmem>>)
      tpu.yield
    }) : () -> ()
    %dma_start3A_892 = arith.constant 0 : i32
    %dma_start3A_893 = arith.constant 0 : i32
    %dma_start3A_894 = arith.constant 0 : i32
    %dma_start3A_895 = tpu.memref_slice %arg5[%dma_start3A_892, %dma_start3A_893, %dma_start3A_894] : memref<12x32x128xf32, #tpu.memory_space<vmem>> -> memref<1x32x128xf32, #tpu.memory_space<vmem>>
    %dma_start3A_896 = tpu.memref_squeeze %dma_start3A_895 : memref<1x32x128xf32, #tpu.memory_space<vmem>> -> memref<32x128xf32, #tpu.memory_space<vmem>>
    %dma_start3A_897 = arith.constant 0 : i32
    %dma_start3A_898 = tpu.memref_slice %arg4[%add3A_888, %dma_start3A_897] : memref<20000x128xf32, #tpu.memory_space<hbm>> -> memref<32x128xf32, #tpu.memory_space<hbm>>
    %dma_start3A_899 = arith.constant 0 : i32
    %dma_start3A_900 = tpu.memref_slice %arg4[%add3A_888, %dma_start3A_899] : memref<20000x128xf32, #tpu.memory_space<hbm>> -> memref<32x128xf32, #tpu.memory_space<hbm>>
    %dma_start3A_901 = arith.constant 0 : i32
    %dma_start3A_902 = arith.constant 0 : i32
    %dma_start3A_903 = tpu.memref_slice %arg5[%dma_start3A_892, %dma_start3A_901, %dma_start3A_902] : memref<12x32x128xf32, #tpu.memory_space<vmem>> -> memref<1x32x128xf32, #tpu.memory_space<vmem>>
    %dma_start3A_904 = tpu.memref_squeeze %dma_start3A_903 : memref<1x32x128xf32, #tpu.memory_space<vmem>> -> memref<32x128xf32, #tpu.memory_space<vmem>>
    tpu.enqueue_dma source(%dma_start3A_904 : memref<32x128xf32, #tpu.memory_space<vmem>>) target(%dma_start3A_900 : memref<32x128xf32, #tpu.memory_space<hbm>>) target_semaphore(%arg7 : memref<!tpu.dma_semaphore, #tpu.memory_space<semaphore_mem>>)
    %add3A_905 = arith.constant 160 : i32
    %add3A_906 = arith.addi %add3A_5, %add3A_905 : i32
    %dma_wait3A_907 = arith.constant 1 : i32
    %dma_wait3A_908 = arith.constant 0 : i32
    %dma_wait3A_909 = arith.constant 0 : i32
    %dma_wait3A_910 = tpu.memref_slice %arg5[%dma_wait3A_907, %dma_wait3A_908, %dma_wait3A_909] : memref<12x32x128xf32, #tpu.memory_space<vmem>> -> memref<1x32x128xf32, #tpu.memory_space<vmem>>
    %dma_wait3A_911 = tpu.memref_squeeze %dma_wait3A_910 : memref<1x32x128xf32, #tpu.memory_space<vmem>> -> memref<32x128xf32, #tpu.memory_space<vmem>>
    %dma_wait3A_912 = arith.constant 0 : i32
    %dma_wait3A_913 = tpu.memref_slice %arg4[%add3A_906, %dma_wait3A_912] : memref<20000x128xf32, #tpu.memory_space<hbm>> -> memref<32x128xf32, #tpu.memory_space<hbm>>
    %dma_wait3A_914 = arith.constant 0 : i32
    %dma_wait3A_915 = tpu.memref_slice %arg4[%add3A_906, %dma_wait3A_914] : memref<20000x128xf32, #tpu.memory_space<hbm>> -> memref<32x128xf32, #tpu.memory_space<hbm>>
    %dma_wait3A_916 = arith.constant 0 : i32
    %dma_wait3A_917 = arith.constant 0 : i32
    %dma_wait3A_918 = tpu.memref_slice %arg5[%dma_wait3A_907, %dma_wait3A_916, %dma_wait3A_917] : memref<12x32x128xf32, #tpu.memory_space<vmem>> -> memref<1x32x128xf32, #tpu.memory_space<vmem>>
    %dma_wait3A_919 = tpu.memref_squeeze %dma_wait3A_918 : memref<1x32x128xf32, #tpu.memory_space<vmem>> -> memref<32x128xf32, #tpu.memory_space<vmem>>
    tpu.wait_dma2 semaphore(%arg8 : memref<!tpu.dma_semaphore, #tpu.memory_space<semaphore_mem>>) src(%dma_wait3A_919 : memref<32x128xf32, #tpu.memory_space<vmem>>) dst(%dma_wait3A_915 : memref<32x128xf32, #tpu.memory_space<hbm>>)
    %add3A_920 = arith.constant 224 : i32
    %add3A_921 = arith.addi %add3A_5, %add3A_920 : i32
    %add3A_922 = arith.constant 224 : i32
    %add3A_923 = arith.addi %mul3A_2, %add3A_922 : i32
    %run_scoped3A_924 = arith.constant 1 : i32
    "tpu.region"() ({
      %run_scoped3A_1367 = tpu.sem_alloc : memref<!tpu.dma_semaphore, #tpu.memory_space<semaphore_mem>>
      %dma_start3A_1368 = arith.constant 0 : i32
      %dma_start3A_1369 = arith.constant 0 : i32
      %dma_start3A_1370 = tpu.memref_slice %arg5[%run_scoped3A_924, %dma_start3A_1368, %dma_start3A_1369] : memref<12x32x128xf32, #tpu.memory_space<vmem>> -> memref<1x32x128xf32, #tpu.memory_space<vmem>>
      %dma_start3A_1371 = tpu.memref_squeeze %dma_start3A_1370 : memref<1x32x128xf32, #tpu.memory_space<vmem>> -> memref<32x128xf32, #tpu.memory_space<vmem>>
      %dma_start3A_1372 = arith.constant 0 : i32
      %dma_start3A_1373 = tpu.memref_slice %arg19[%add3A_923, %dma_start3A_1372] : memref<10000x128xf32, #tpu.memory_space<vmem_shared>> -> memref<32x128xf32, #tpu.memory_space<vmem_shared>>
      %dma_start3A_1374 = arith.constant 0 : i32
      %dma_start3A_1375 = arith.constant 0 : i32
      %dma_start3A_1376 = tpu.memref_slice %arg5[%run_scoped3A_924, %dma_start3A_1374, %dma_start3A_1375] : memref<12x32x128xf32, #tpu.memory_space<vmem>> -> memref<1x32x128xf32, #tpu.memory_space<vmem>>
      %dma_start3A_1377 = tpu.memref_squeeze %dma_start3A_1376 : memref<1x32x128xf32, #tpu.memory_space<vmem>> -> memref<32x128xf32, #tpu.memory_space<vmem>>
      %dma_start3A_1378 = arith.constant 0 : i32
      %dma_start3A_1379 = tpu.memref_slice %arg19[%add3A_923, %dma_start3A_1378] : memref<10000x128xf32, #tpu.memory_space<vmem_shared>> -> memref<32x128xf32, #tpu.memory_space<vmem_shared>>
      tpu.enqueue_dma source(%dma_start3A_1379 : memref<32x128xf32, #tpu.memory_space<vmem_shared>>) target(%dma_start3A_1377 : memref<32x128xf32, #tpu.memory_space<vmem>>) target_semaphore(%run_scoped3A_1367 : memref<!tpu.dma_semaphore, #tpu.memory_space<semaphore_mem>>)
      %dma_wait3A_1380 = arith.constant 0 : i32
      %dma_wait3A_1381 = arith.constant 0 : i32
      %dma_wait3A_1382 = tpu.memref_slice %arg5[%run_scoped3A_924, %dma_wait3A_1380, %dma_wait3A_1381] : memref<12x32x128xf32, #tpu.memory_space<vmem>> -> memref<1x32x128xf32, #tpu.memory_space<vmem>>
      %dma_wait3A_1383 = tpu.memref_squeeze %dma_wait3A_1382 : memref<1x32x128xf32, #tpu.memory_space<vmem>> -> memref<32x128xf32, #tpu.memory_space<vmem>>
      %dma_wait3A_1384 = arith.constant 0 : i32
      %dma_wait3A_1385 = tpu.memref_slice %arg19[%add3A_923, %dma_wait3A_1384] : memref<10000x128xf32, #tpu.memory_space<vmem_shared>> -> memref<32x128xf32, #tpu.memory_space<vmem_shared>>
      %dma_wait3A_1386 = arith.constant 0 : i32
      %dma_wait3A_1387 = arith.constant 0 : i32
      %dma_wait3A_1388 = tpu.memref_slice %arg5[%run_scoped3A_924, %dma_wait3A_1386, %dma_wait3A_1387] : memref<12x32x128xf32, #tpu.memory_space<vmem>> -> memref<1x32x128xf32, #tpu.memory_space<vmem>>
      %dma_wait3A_1389 = tpu.memref_squeeze %dma_wait3A_1388 : memref<1x32x128xf32, #tpu.memory_space<vmem>> -> memref<32x128xf32, #tpu.memory_space<vmem>>
      %dma_wait3A_1390 = arith.constant 0 : i32
      %dma_wait3A_1391 = tpu.memref_slice %arg19[%add3A_923, %dma_wait3A_1390] : memref<10000x128xf32, #tpu.memory_space<vmem_shared>> -> memref<32x128xf32, #tpu.memory_space<vmem_shared>>
      tpu.wait_dma2 semaphore(%run_scoped3A_1367 : memref<!tpu.dma_semaphore, #tpu.memory_space<semaphore_mem>>) src(%dma_wait3A_1391 : memref<32x128xf32, #tpu.memory_space<vmem_shared>>) dst(%dma_wait3A_1389 : memref<32x128xf32, #tpu.memory_space<vmem>>)
      tpu.yield
    }) : () -> ()
    %dma_start3A_925 = arith.constant 1 : i32
    %dma_start3A_926 = arith.constant 0 : i32
    %dma_start3A_927 = arith.constant 0 : i32
    %dma_start3A_928 = tpu.memref_slice %arg5[%dma_start3A_925, %dma_start3A_926, %dma_start3A_927] : memref<12x32x128xf32, #tpu.memory_space<vmem>> -> memref<1x32x128xf32, #tpu.memory_space<vmem>>
    %dma_start3A_929 = tpu.memref_squeeze %dma_start3A_928 : memref<1x32x128xf32, #tpu.memory_space<vmem>> -> memref<32x128xf32, #tpu.memory_space<vmem>>
    %dma_start3A_930 = arith.constant 0 : i32
    %dma_start3A_931 = tpu.memref_slice %arg4[%add3A_921, %dma_start3A_930] : memref<20000x128xf32, #tpu.memory_space<hbm>> -> memref<32x128xf32, #tpu.memory_space<hbm>>
    %dma_start3A_932 = arith.constant 0 : i32
    %dma_start3A_933 = tpu.memref_slice %arg4[%add3A_921, %dma_start3A_932] : memref<20000x128xf32, #tpu.memory_space<hbm>> -> memref<32x128xf32, #tpu.memory_space<hbm>>
    %dma_start3A_934 = arith.constant 0 : i32
    %dma_start3A_935 = arith.constant 0 : i32
    %dma_start3A_936 = tpu.memref_slice %arg5[%dma_start3A_925, %dma_start3A_934, %dma_start3A_935] : memref<12x32x128xf32, #tpu.memory_space<vmem>> -> memref<1x32x128xf32, #tpu.memory_space<vmem>>
    %dma_start3A_937 = tpu.memref_squeeze %dma_start3A_936 : memref<1x32x128xf32, #tpu.memory_space<vmem>> -> memref<32x128xf32, #tpu.memory_space<vmem>>
    tpu.enqueue_dma source(%dma_start3A_937 : memref<32x128xf32, #tpu.memory_space<vmem>>) target(%dma_start3A_933 : memref<32x128xf32, #tpu.memory_space<hbm>>) target_semaphore(%arg8 : memref<!tpu.dma_semaphore, #tpu.memory_space<semaphore_mem>>)
    %add3A_938 = arith.constant 192 : i32
    %add3A_939 = arith.addi %add3A_5, %add3A_938 : i32
    %dma_wait3A_940 = arith.constant 0 : i32
    %dma_wait3A_941 = arith.constant 0 : i32
    %dma_wait3A_942 = arith.constant 0 : i32
    %dma_wait3A_943 = tpu.memref_slice %arg5[%dma_wait3A_940, %dma_wait3A_941, %dma_wait3A_942] : memref<12x32x128xf32, #tpu.memory_space<vmem>> -> memref<1x32x128xf32, #tpu.memory_space<vmem>>
    %dma_wait3A_944 = tpu.memref_squeeze %dma_wait3A_943 : memref<1x32x128xf32, #tpu.memory_space<vmem>> -> memref<32x128xf32, #tpu.memory_space<vmem>>
    %dma_wait3A_945 = arith.constant 0 : i32
    %dma_wait3A_946 = tpu.memref_slice %arg4[%add3A_939, %dma_wait3A_945] : memref<20000x128xf32, #tpu.memory_space<hbm>> -> memref<32x128xf32, #tpu.memory_space<hbm>>
    %dma_wait3A_947 = arith.constant 0 : i32
    %dma_wait3A_948 = tpu.memref_slice %arg4[%add3A_939, %dma_wait3A_947] : memref<20000x128xf32, #tpu.memory_space<hbm>> -> memref<32x128xf32, #tpu.memory_space<hbm>>
    %dma_wait3A_949 = arith.constant 0 : i32
    %dma_wait3A_950 = arith.constant 0 : i32
    %dma_wait3A_951 = tpu.memref_slice %arg5[%dma_wait3A_940, %dma_wait3A_949, %dma_wait3A_950] : memref<12x32x128xf32, #tpu.memory_space<vmem>> -> memref<1x32x128xf32, #tpu.memory_space<vmem>>
    %dma_wait3A_952 = tpu.memref_squeeze %dma_wait3A_951 : memref<1x32x128xf32, #tpu.memory_space<vmem>> -> memref<32x128xf32, #tpu.memory_space<vmem>>
    tpu.wait_dma2 semaphore(%arg7 : memref<!tpu.dma_semaphore, #tpu.memory_space<semaphore_mem>>) src(%dma_wait3A_952 : memref<32x128xf32, #tpu.memory_space<vmem>>) dst(%dma_wait3A_948 : memref<32x128xf32, #tpu.memory_space<hbm>>)
    %add3A_953 = arith.constant 256 : i32
    %add3A_954 = arith.addi %add3A_5, %add3A_953 : i32
    %add3A_955 = arith.constant 256 : i32
    %add3A_956 = arith.addi %mul3A_2, %add3A_955 : i32
    %run_scoped3A_957 = arith.constant 0 : i32
    "tpu.region"() ({
      %run_scoped3A_1367 = tpu.sem_alloc : memref<!tpu.dma_semaphore, #tpu.memory_space<semaphore_mem>>
      %dma_start3A_1368 = arith.constant 0 : i32
      %dma_start3A_1369 = arith.constant 0 : i32
      %dma_start3A_1370 = tpu.memref_slice %arg5[%run_scoped3A_957, %dma_start3A_1368, %dma_start3A_1369] : memref<12x32x128xf32, #tpu.memory_space<vmem>> -> memref<1x32x128xf32, #tpu.memory_space<vmem>>
      %dma_start3A_1371 = tpu.memref_squeeze %dma_start3A_1370 : memref<1x32x128xf32, #tpu.memory_space<vmem>> -> memref<32x128xf32, #tpu.memory_space<vmem>>
      %dma_start3A_1372 = arith.constant 0 : i32
      %dma_start3A_1373 = tpu.memref_slice %arg19[%add3A_956, %dma_start3A_1372] : memref<10000x128xf32, #tpu.memory_space<vmem_shared>> -> memref<32x128xf32, #tpu.memory_space<vmem_shared>>
      %dma_start3A_1374 = arith.constant 0 : i32
      %dma_start3A_1375 = arith.constant 0 : i32
      %dma_start3A_1376 = tpu.memref_slice %arg5[%run_scoped3A_957, %dma_start3A_1374, %dma_start3A_1375] : memref<12x32x128xf32, #tpu.memory_space<vmem>> -> memref<1x32x128xf32, #tpu.memory_space<vmem>>
      %dma_start3A_1377 = tpu.memref_squeeze %dma_start3A_1376 : memref<1x32x128xf32, #tpu.memory_space<vmem>> -> memref<32x128xf32, #tpu.memory_space<vmem>>
      %dma_start3A_1378 = arith.constant 0 : i32
      %dma_start3A_1379 = tpu.memref_slice %arg19[%add3A_956, %dma_start3A_1378] : memref<10000x128xf32, #tpu.memory_space<vmem_shared>> -> memref<32x128xf32, #tpu.memory_space<vmem_shared>>
      tpu.enqueue_dma source(%dma_start3A_1379 : memref<32x128xf32, #tpu.memory_space<vmem_shared>>) target(%dma_start3A_1377 : memref<32x128xf32, #tpu.memory_space<vmem>>) target_semaphore(%run_scoped3A_1367 : memref<!tpu.dma_semaphore, #tpu.memory_space<semaphore_mem>>)
      %dma_wait3A_1380 = arith.constant 0 : i32
      %dma_wait3A_1381 = arith.constant 0 : i32
      %dma_wait3A_1382 = tpu.memref_slice %arg5[%run_scoped3A_957, %dma_wait3A_1380, %dma_wait3A_1381] : memref<12x32x128xf32, #tpu.memory_space<vmem>> -> memref<1x32x128xf32, #tpu.memory_space<vmem>>
      %dma_wait3A_1383 = tpu.memref_squeeze %dma_wait3A_1382 : memref<1x32x128xf32, #tpu.memory_space<vmem>> -> memref<32x128xf32, #tpu.memory_space<vmem>>
      %dma_wait3A_1384 = arith.constant 0 : i32
      %dma_wait3A_1385 = tpu.memref_slice %arg19[%add3A_956, %dma_wait3A_1384] : memref<10000x128xf32, #tpu.memory_space<vmem_shared>> -> memref<32x128xf32, #tpu.memory_space<vmem_shared>>
      %dma_wait3A_1386 = arith.constant 0 : i32
      %dma_wait3A_1387 = arith.constant 0 : i32
      %dma_wait3A_1388 = tpu.memref_slice %arg5[%run_scoped3A_957, %dma_wait3A_1386, %dma_wait3A_1387] : memref<12x32x128xf32, #tpu.memory_space<vmem>> -> memref<1x32x128xf32, #tpu.memory_space<vmem>>
      %dma_wait3A_1389 = tpu.memref_squeeze %dma_wait3A_1388 : memref<1x32x128xf32, #tpu.memory_space<vmem>> -> memref<32x128xf32, #tpu.memory_space<vmem>>
      %dma_wait3A_1390 = arith.constant 0 : i32
      %dma_wait3A_1391 = tpu.memref_slice %arg19[%add3A_956, %dma_wait3A_1390] : memref<10000x128xf32, #tpu.memory_space<vmem_shared>> -> memref<32x128xf32, #tpu.memory_space<vmem_shared>>
      tpu.wait_dma2 semaphore(%run_scoped3A_1367 : memref<!tpu.dma_semaphore, #tpu.memory_space<semaphore_mem>>) src(%dma_wait3A_1391 : memref<32x128xf32, #tpu.memory_space<vmem_shared>>) dst(%dma_wait3A_1389 : memref<32x128xf32, #tpu.memory_space<vmem>>)
      tpu.yield
    }) : () -> ()
    %dma_start3A_958 = arith.constant 0 : i32
    %dma_start3A_959 = arith.constant 0 : i32
    %dma_start3A_960 = arith.constant 0 : i32
    %dma_start3A_961 = tpu.memref_slice %arg5[%dma_start3A_958, %dma_start3A_959, %dma_start3A_960] : memref<12x32x128xf32, #tpu.memory_space<vmem>> -> memref<1x32x128xf32, #tpu.memory_space<vmem>>
    %dma_start3A_962 = tpu.memref_squeeze %dma_start3A_961 : memref<1x32x128xf32, #tpu.memory_space<vmem>> -> memref<32x128xf32, #tpu.memory_space<vmem>>
    %dma_start3A_963 = arith.constant 0 : i32
    %dma_start3A_964 = tpu.memref_slice %arg4[%add3A_954, %dma_start3A_963] : memref<20000x128xf32, #tpu.memory_space<hbm>> -> memref<32x128xf32, #tpu.memory_space<hbm>>
    %dma_start3A_965 = arith.constant 0 : i32
    %dma_start3A_966 = tpu.memref_slice %arg4[%add3A_954, %dma_start3A_965] : memref<20000x128xf32, #tpu.memory_space<hbm>> -> memref<32x128xf32, #tpu.memory_space<hbm>>
    %dma_start3A_967 = arith.constant 0 : i32
    %dma_start3A_968 = arith.constant 0 : i32
    %dma_start3A_969 = tpu.memref_slice %arg5[%dma_start3A_958, %dma_start3A_967, %dma_start3A_968] : memref<12x32x128xf32, #tpu.memory_space<vmem>> -> memref<1x32x128xf32, #tpu.memory_space<vmem>>
    %dma_start3A_970 = tpu.memref_squeeze %dma_start3A_969 : memref<1x32x128xf32, #tpu.memory_space<vmem>> -> memref<32x128xf32, #tpu.memory_space<vmem>>
    tpu.enqueue_dma source(%dma_start3A_970 : memref<32x128xf32, #tpu.memory_space<vmem>>) target(%dma_start3A_966 : memref<32x128xf32, #tpu.memory_space<hbm>>) target_semaphore(%arg7 : memref<!tpu.dma_semaphore, #tpu.memory_space<semaphore_mem>>)
    %add3A_971 = arith.constant 224 : i32
    %add3A_972 = arith.addi %add3A_5, %add3A_971 : i32
    %dma_wait3A_973 = arith.constant 1 : i32
    %dma_wait3A_974 = arith.constant 0 : i32
    %dma_wait3A_975 = arith.constant 0 : i32
    %dma_wait3A_976 = tpu.memref_slice %arg5[%dma_wait3A_973, %dma_wait3A_974, %dma_wait3A_975] : memref<12x32x128xf32, #tpu.memory_space<vmem>> -> memref<1x32x128xf32, #tpu.memory_space<vmem>>
    %dma_wait3A_977 = tpu.memref_squeeze %dma_wait3A_976 : memref<1x32x128xf32, #tpu.memory_space<vmem>> -> memref<32x128xf32, #tpu.memory_space<vmem>>
    %dma_wait3A_978 = arith.constant 0 : i32
    %dma_wait3A_979 = tpu.memref_slice %arg4[%add3A_972, %dma_wait3A_978] : memref<20000x128xf32, #tpu.memory_space<hbm>> -> memref<32x128xf32, #tpu.memory_space<hbm>>
    %dma_wait3A_980 = arith.constant 0 : i32
    %dma_wait3A_981 = tpu.memref_slice %arg4[%add3A_972, %dma_wait3A_980] : memref<20000x128xf32, #tpu.memory_space<hbm>> -> memref<32x128xf32, #tpu.memory_space<hbm>>
    %dma_wait3A_982 = arith.constant 0 : i32
    %dma_wait3A_983 = arith.constant 0 : i32
    %dma_wait3A_984 = tpu.memref_slice %arg5[%dma_wait3A_973, %dma_wait3A_982, %dma_wait3A_983] : memref<12x32x128xf32, #tpu.memory_space<vmem>> -> memref<1x32x128xf32, #tpu.memory_space<vmem>>
    %dma_wait3A_985 = tpu.memref_squeeze %dma_wait3A_984 : memref<1x32x128xf32, #tpu.memory_space<vmem>> -> memref<32x128xf32, #tpu.memory_space<vmem>>
    tpu.wait_dma2 semaphore(%arg8 : memref<!tpu.dma_semaphore, #tpu.memory_space<semaphore_mem>>) src(%dma_wait3A_985 : memref<32x128xf32, #tpu.memory_space<vmem>>) dst(%dma_wait3A_981 : memref<32x128xf32, #tpu.memory_space<hbm>>)
    %add3A_986 = arith.constant 288 : i32
    %add3A_987 = arith.addi %add3A_5, %add3A_986 : i32
    %add3A_988 = arith.constant 288 : i32
    %add3A_989 = arith.addi %mul3A_2, %add3A_988 : i32
    %run_scoped3A_990 = arith.constant 1 : i32
    "tpu.region"() ({
      %run_scoped3A_1367 = tpu.sem_alloc : memref<!tpu.dma_semaphore, #tpu.memory_space<semaphore_mem>>
      %dma_start3A_1368 = arith.constant 0 : i32
      %dma_start3A_1369 = arith.constant 0 : i32
      %dma_start3A_1370 = tpu.memref_slice %arg5[%run_scoped3A_990, %dma_start3A_1368, %dma_start3A_1369] : memref<12x32x128xf32, #tpu.memory_space<vmem>> -> memref<1x32x128xf32, #tpu.memory_space<vmem>>
      %dma_start3A_1371 = tpu.memref_squeeze %dma_start3A_1370 : memref<1x32x128xf32, #tpu.memory_space<vmem>> -> memref<32x128xf32, #tpu.memory_space<vmem>>
      %dma_start3A_1372 = arith.constant 0 : i32
      %dma_start3A_1373 = tpu.memref_slice %arg19[%add3A_989, %dma_start3A_1372] : memref<10000x128xf32, #tpu.memory_space<vmem_shared>> -> memref<32x128xf32, #tpu.memory_space<vmem_shared>>
      %dma_start3A_1374 = arith.constant 0 : i32
      %dma_start3A_1375 = arith.constant 0 : i32
      %dma_start3A_1376 = tpu.memref_slice %arg5[%run_scoped3A_990, %dma_start3A_1374, %dma_start3A_1375] : memref<12x32x128xf32, #tpu.memory_space<vmem>> -> memref<1x32x128xf32, #tpu.memory_space<vmem>>
      %dma_start3A_1377 = tpu.memref_squeeze %dma_start3A_1376 : memref<1x32x128xf32, #tpu.memory_space<vmem>> -> memref<32x128xf32, #tpu.memory_space<vmem>>
      %dma_start3A_1378 = arith.constant 0 : i32
      %dma_start3A_1379 = tpu.memref_slice %arg19[%add3A_989, %dma_start3A_1378] : memref<10000x128xf32, #tpu.memory_space<vmem_shared>> -> memref<32x128xf32, #tpu.memory_space<vmem_shared>>
      tpu.enqueue_dma source(%dma_start3A_1379 : memref<32x128xf32, #tpu.memory_space<vmem_shared>>) target(%dma_start3A_1377 : memref<32x128xf32, #tpu.memory_space<vmem>>) target_semaphore(%run_scoped3A_1367 : memref<!tpu.dma_semaphore, #tpu.memory_space<semaphore_mem>>)
      %dma_wait3A_1380 = arith.constant 0 : i32
      %dma_wait3A_1381 = arith.constant 0 : i32
      %dma_wait3A_1382 = tpu.memref_slice %arg5[%run_scoped3A_990, %dma_wait3A_1380, %dma_wait3A_1381] : memref<12x32x128xf32, #tpu.memory_space<vmem>> -> memref<1x32x128xf32, #tpu.memory_space<vmem>>
      %dma_wait3A_1383 = tpu.memref_squeeze %dma_wait3A_1382 : memref<1x32x128xf32, #tpu.memory_space<vmem>> -> memref<32x128xf32, #tpu.memory_space<vmem>>
      %dma_wait3A_1384 = arith.constant 0 : i32
      %dma_wait3A_1385 = tpu.memref_slice %arg19[%add3A_989, %dma_wait3A_1384] : memref<10000x128xf32, #tpu.memory_space<vmem_shared>> -> memref<32x128xf32, #tpu.memory_space<vmem_shared>>
      %dma_wait3A_1386 = arith.constant 0 : i32
      %dma_wait3A_1387 = arith.constant 0 : i32
      %dma_wait3A_1388 = tpu.memref_slice %arg5[%run_scoped3A_990, %dma_wait3A_1386, %dma_wait3A_1387] : memref<12x32x128xf32, #tpu.memory_space<vmem>> -> memref<1x32x128xf32, #tpu.memory_space<vmem>>
      %dma_wait3A_1389 = tpu.memref_squeeze %dma_wait3A_1388 : memref<1x32x128xf32, #tpu.memory_space<vmem>> -> memref<32x128xf32, #tpu.memory_space<vmem>>
      %dma_wait3A_1390 = arith.constant 0 : i32
      %dma_wait3A_1391 = tpu.memref_slice %arg19[%add3A_989, %dma_wait3A_1390] : memref<10000x128xf32, #tpu.memory_space<vmem_shared>> -> memref<32x128xf32, #tpu.memory_space<vmem_shared>>
      tpu.wait_dma2 semaphore(%run_scoped3A_1367 : memref<!tpu.dma_semaphore, #tpu.memory_space<semaphore_mem>>) src(%dma_wait3A_1391 : memref<32x128xf32, #tpu.memory_space<vmem_shared>>) dst(%dma_wait3A_1389 : memref<32x128xf32, #tpu.memory_space<vmem>>)
      tpu.yield
    }) : () -> ()
    %dma_start3A_991 = arith.constant 1 : i32
    %dma_start3A_992 = arith.constant 0 : i32
    %dma_start3A_993 = arith.constant 0 : i32
    %dma_start3A_994 = tpu.memref_slice %arg5[%dma_start3A_991, %dma_start3A_992, %dma_start3A_993] : memref<12x32x128xf32, #tpu.memory_space<vmem>> -> memref<1x32x128xf32, #tpu.memory_space<vmem>>
    %dma_start3A_995 = tpu.memref_squeeze %dma_start3A_994 : memref<1x32x128xf32, #tpu.memory_space<vmem>> -> memref<32x128xf32, #tpu.memory_space<vmem>>
    %dma_start3A_996 = arith.constant 0 : i32
    %dma_start3A_997 = tpu.memref_slice %arg4[%add3A_987, %dma_start3A_996] : memref<20000x128xf32, #tpu.memory_space<hbm>> -> memref<32x128xf32, #tpu.memory_space<hbm>>
    %dma_start3A_998 = arith.constant 0 : i32
    %dma_start3A_999 = tpu.memref_slice %arg4[%add3A_987, %dma_start3A_998] : memref<20000x128xf32, #tpu.memory_space<hbm>> -> memref<32x128xf32, #tpu.memory_space<hbm>>
    %dma_start3A_1000 = arith.constant 0 : i32
    %dma_start3A_1001 = arith.constant 0 : i32
    %dma_start3A_1002 = tpu.memref_slice %arg5[%dma_start3A_991, %dma_start3A_1000, %dma_start3A_1001] : memref<12x32x128xf32, #tpu.memory_space<vmem>> -> memref<1x32x128xf32, #tpu.memory_space<vmem>>
    %dma_start3A_1003 = tpu.memref_squeeze %dma_start3A_1002 : memref<1x32x128xf32, #tpu.memory_space<vmem>> -> memref<32x128xf32, #tpu.memory_space<vmem>>
    tpu.enqueue_dma source(%dma_start3A_1003 : memref<32x128xf32, #tpu.memory_space<vmem>>) target(%dma_start3A_999 : memref<32x128xf32, #tpu.memory_space<hbm>>) target_semaphore(%arg8 : memref<!tpu.dma_semaphore, #tpu.memory_space<semaphore_mem>>)
    %add3A_1004 = arith.constant 256 : i32
    %add3A_1005 = arith.addi %add3A_5, %add3A_1004 : i32
    %dma_wait3A_1006 = arith.constant 0 : i32
    %dma_wait3A_1007 = arith.constant 0 : i32
    %dma_wait3A_1008 = arith.constant 0 : i32
    %dma_wait3A_1009 = tpu.memref_slice %arg5[%dma_wait3A_1006, %dma_wait3A_1007, %dma_wait3A_1008] : memref<12x32x128xf32, #tpu.memory_space<vmem>> -> memref<1x32x128xf32, #tpu.memory_space<vmem>>
    %dma_wait3A_1010 = tpu.memref_squeeze %dma_wait3A_1009 : memref<1x32x128xf32, #tpu.memory_space<vmem>> -> memref<32x128xf32, #tpu.memory_space<vmem>>
    %dma_wait3A_1011 = arith.constant 0 : i32
    %dma_wait3A_1012 = tpu.memref_slice %arg4[%add3A_1005, %dma_wait3A_1011] : memref<20000x128xf32, #tpu.memory_space<hbm>> -> memref<32x128xf32, #tpu.memory_space<hbm>>
    %dma_wait3A_1013 = arith.constant 0 : i32
    %dma_wait3A_1014 = tpu.memref_slice %arg4[%add3A_1005, %dma_wait3A_1013] : memref<20000x128xf32, #tpu.memory_space<hbm>> -> memref<32x128xf32, #tpu.memory_space<hbm>>
    %dma_wait3A_1015 = arith.constant 0 : i32
    %dma_wait3A_1016 = arith.constant 0 : i32
    %dma_wait3A_1017 = tpu.memref_slice %arg5[%dma_wait3A_1006, %dma_wait3A_1015, %dma_wait3A_1016] : memref<12x32x128xf32, #tpu.memory_space<vmem>> -> memref<1x32x128xf32, #tpu.memory_space<vmem>>
    %dma_wait3A_1018 = tpu.memref_squeeze %dma_wait3A_1017 : memref<1x32x128xf32, #tpu.memory_space<vmem>> -> memref<32x128xf32, #tpu.memory_space<vmem>>
    tpu.wait_dma2 semaphore(%arg7 : memref<!tpu.dma_semaphore, #tpu.memory_space<semaphore_mem>>) src(%dma_wait3A_1018 : memref<32x128xf32, #tpu.memory_space<vmem>>) dst(%dma_wait3A_1014 : memref<32x128xf32, #tpu.memory_space<hbm>>)
    %add3A_1019 = arith.constant 320 : i32
    %add3A_1020 = arith.addi %add3A_5, %add3A_1019 : i32
    %add3A_1021 = arith.constant 320 : i32
    %add3A_1022 = arith.addi %mul3A_2, %add3A_1021 : i32
    %run_scoped3A_1023 = arith.constant 0 : i32
    "tpu.region"() ({
      %run_scoped3A_1367 = tpu.sem_alloc : memref<!tpu.dma_semaphore, #tpu.memory_space<semaphore_mem>>
      %dma_start3A_1368 = arith.constant 0 : i32
      %dma_start3A_1369 = arith.constant 0 : i32
      %dma_start3A_1370 = tpu.memref_slice %arg5[%run_scoped3A_1023, %dma_start3A_1368, %dma_start3A_1369] : memref<12x32x128xf32, #tpu.memory_space<vmem>> -> memref<1x32x128xf32, #tpu.memory_space<vmem>>
      %dma_start3A_1371 = tpu.memref_squeeze %dma_start3A_1370 : memref<1x32x128xf32, #tpu.memory_space<vmem>> -> memref<32x128xf32, #tpu.memory_space<vmem>>
      %dma_start3A_1372 = arith.constant 0 : i32
      %dma_start3A_1373 = tpu.memref_slice %arg19[%add3A_1022, %dma_start3A_1372] : memref<10000x128xf32, #tpu.memory_space<vmem_shared>> -> memref<32x128xf32, #tpu.memory_space<vmem_shared>>
      %dma_start3A_1374 = arith.constant 0 : i32
      %dma_start3A_1375 = arith.constant 0 : i32
      %dma_start3A_1376 = tpu.memref_slice %arg5[%run_scoped3A_1023, %dma_start3A_1374, %dma_start3A_1375] : memref<12x32x128xf32, #tpu.memory_space<vmem>> -> memref<1x32x128xf32, #tpu.memory_space<vmem>>
      %dma_start3A_1377 = tpu.memref_squeeze %dma_start3A_1376 : memref<1x32x128xf32, #tpu.memory_space<vmem>> -> memref<32x128xf32, #tpu.memory_space<vmem>>
      %dma_start3A_1378 = arith.constant 0 : i32
      %dma_start3A_1379 = tpu.memref_slice %arg19[%add3A_1022, %dma_start3A_1378] : memref<10000x128xf32, #tpu.memory_space<vmem_shared>> -> memref<32x128xf32, #tpu.memory_space<vmem_shared>>
      tpu.enqueue_dma source(%dma_start3A_1379 : memref<32x128xf32, #tpu.memory_space<vmem_shared>>) target(%dma_start3A_1377 : memref<32x128xf32, #tpu.memory_space<vmem>>) target_semaphore(%run_scoped3A_1367 : memref<!tpu.dma_semaphore, #tpu.memory_space<semaphore_mem>>)
      %dma_wait3A_1380 = arith.constant 0 : i32
      %dma_wait3A_1381 = arith.constant 0 : i32
      %dma_wait3A_1382 = tpu.memref_slice %arg5[%run_scoped3A_1023, %dma_wait3A_1380, %dma_wait3A_1381] : memref<12x32x128xf32, #tpu.memory_space<vmem>> -> memref<1x32x128xf32, #tpu.memory_space<vmem>>
      %dma_wait3A_1383 = tpu.memref_squeeze %dma_wait3A_1382 : memref<1x32x128xf32, #tpu.memory_space<vmem>> -> memref<32x128xf32, #tpu.memory_space<vmem>>
      %dma_wait3A_1384 = arith.constant 0 : i32
      %dma_wait3A_1385 = tpu.memref_slice %arg19[%add3A_1022, %dma_wait3A_1384] : memref<10000x128xf32, #tpu.memory_space<vmem_shared>> -> memref<32x128xf32, #tpu.memory_space<vmem_shared>>
      %dma_wait3A_1386 = arith.constant 0 : i32
      %dma_wait3A_1387 = arith.constant 0 : i32
      %dma_wait3A_1388 = tpu.memref_slice %arg5[%run_scoped3A_1023, %dma_wait3A_1386, %dma_wait3A_1387] : memref<12x32x128xf32, #tpu.memory_space<vmem>> -> memref<1x32x128xf32, #tpu.memory_space<vmem>>
      %dma_wait3A_1389 = tpu.memref_squeeze %dma_wait3A_1388 : memref<1x32x128xf32, #tpu.memory_space<vmem>> -> memref<32x128xf32, #tpu.memory_space<vmem>>
      %dma_wait3A_1390 = arith.constant 0 : i32
      %dma_wait3A_1391 = tpu.memref_slice %arg19[%add3A_1022, %dma_wait3A_1390] : memref<10000x128xf32, #tpu.memory_space<vmem_shared>> -> memref<32x128xf32, #tpu.memory_space<vmem_shared>>
      tpu.wait_dma2 semaphore(%run_scoped3A_1367 : memref<!tpu.dma_semaphore, #tpu.memory_space<semaphore_mem>>) src(%dma_wait3A_1391 : memref<32x128xf32, #tpu.memory_space<vmem_shared>>) dst(%dma_wait3A_1389 : memref<32x128xf32, #tpu.memory_space<vmem>>)
      tpu.yield
    }) : () -> ()
    %dma_start3A_1024 = arith.constant 0 : i32
    %dma_start3A_1025 = arith.constant 0 : i32
    %dma_start3A_1026 = arith.constant 0 : i32
    %dma_start3A_1027 = tpu.memref_slice %arg5[%dma_start3A_1024, %dma_start3A_1025, %dma_start3A_1026] : memref<12x32x128xf32, #tpu.memory_space<vmem>> -> memref<1x32x128xf32, #tpu.memory_space<vmem>>
    %dma_start3A_1028 = tpu.memref_squeeze %dma_start3A_1027 : memref<1x32x128xf32, #tpu.memory_space<vmem>> -> memref<32x128xf32, #tpu.memory_space<vmem>>
    %dma_start3A_1029 = arith.constant 0 : i32
    %dma_start3A_1030 = tpu.memref_slice %arg4[%add3A_1020, %dma_start3A_1029] : memref<20000x128xf32, #tpu.memory_space<hbm>> -> memref<32x128xf32, #tpu.memory_space<hbm>>
    %dma_start3A_1031 = arith.constant 0 : i32
    %dma_start3A_1032 = tpu.memref_slice %arg4[%add3A_1020, %dma_start3A_1031] : memref<20000x128xf32, #tpu.memory_space<hbm>> -> memref<32x128xf32, #tpu.memory_space<hbm>>
    %dma_start3A_1033 = arith.constant 0 : i32
    %dma_start3A_1034 = arith.constant 0 : i32
    %dma_start3A_1035 = tpu.memref_slice %arg5[%dma_start3A_1024, %dma_start3A_1033, %dma_start3A_1034] : memref<12x32x128xf32, #tpu.memory_space<vmem>> -> memref<1x32x128xf32, #tpu.memory_space<vmem>>
    %dma_start3A_1036 = tpu.memref_squeeze %dma_start3A_1035 : memref<1x32x128xf32, #tpu.memory_space<vmem>> -> memref<32x128xf32, #tpu.memory_space<vmem>>
    tpu.enqueue_dma source(%dma_start3A_1036 : memref<32x128xf32, #tpu.memory_space<vmem>>) target(%dma_start3A_1032 : memref<32x128xf32, #tpu.memory_space<hbm>>) target_semaphore(%arg7 : memref<!tpu.dma_semaphore, #tpu.memory_space<semaphore_mem>>)
    %add3A_1037 = arith.constant 288 : i32
    %add3A_1038 = arith.addi %add3A_5, %add3A_1037 : i32
    %dma_wait3A_1039 = arith.constant 1 : i32
    %dma_wait3A_1040 = arith.constant 0 : i32
    %dma_wait3A_1041 = arith.constant 0 : i32
    %dma_wait3A_1042 = tpu.memref_slice %arg5[%dma_wait3A_1039, %dma_wait3A_1040, %dma_wait3A_1041] : memref<12x32x128xf32, #tpu.memory_space<vmem>> -> memref<1x32x128xf32, #tpu.memory_space<vmem>>
    %dma_wait3A_1043 = tpu.memref_squeeze %dma_wait3A_1042 : memref<1x32x128xf32, #tpu.memory_space<vmem>> -> memref<32x128xf32, #tpu.memory_space<vmem>>
    %dma_wait3A_1044 = arith.constant 0 : i32
    %dma_wait3A_1045 = tpu.memref_slice %arg4[%add3A_1038, %dma_wait3A_1044] : memref<20000x128xf32, #tpu.memory_space<hbm>> -> memref<32x128xf32, #tpu.memory_space<hbm>>
    %dma_wait3A_1046 = arith.constant 0 : i32
    %dma_wait3A_1047 = tpu.memref_slice %arg4[%add3A_1038, %dma_wait3A_1046] : memref<20000x128xf32, #tpu.memory_space<hbm>> -> memref<32x128xf32, #tpu.memory_space<hbm>>
    %dma_wait3A_1048 = arith.constant 0 : i32
    %dma_wait3A_1049 = arith.constant 0 : i32
    %dma_wait3A_1050 = tpu.memref_slice %arg5[%dma_wait3A_1039, %dma_wait3A_1048, %dma_wait3A_1049] : memref<12x32x128xf32, #tpu.memory_space<vmem>> -> memref<1x32x128xf32, #tpu.memory_space<vmem>>
    %dma_wait3A_1051 = tpu.memref_squeeze %dma_wait3A_1050 : memref<1x32x128xf32, #tpu.memory_space<vmem>> -> memref<32x128xf32, #tpu.memory_space<vmem>>
    tpu.wait_dma2 semaphore(%arg8 : memref<!tpu.dma_semaphore, #tpu.memory_space<semaphore_mem>>) src(%dma_wait3A_1051 : memref<32x128xf32, #tpu.memory_space<vmem>>) dst(%dma_wait3A_1047 : memref<32x128xf32, #tpu.memory_space<hbm>>)
    %add3A_1052 = arith.constant 352 : i32
    %add3A_1053 = arith.addi %add3A_5, %add3A_1052 : i32
    %add3A_1054 = arith.constant 352 : i32
    %add3A_1055 = arith.addi %mul3A_2, %add3A_1054 : i32
    %run_scoped3A_1056 = arith.constant 1 : i32
    "tpu.region"() ({
      %run_scoped3A_1367 = tpu.sem_alloc : memref<!tpu.dma_semaphore, #tpu.memory_space<semaphore_mem>>
      %dma_start3A_1368 = arith.constant 0 : i32
      %dma_start3A_1369 = arith.constant 0 : i32
      %dma_start3A_1370 = tpu.memref_slice %arg5[%run_scoped3A_1056, %dma_start3A_1368, %dma_start3A_1369] : memref<12x32x128xf32, #tpu.memory_space<vmem>> -> memref<1x32x128xf32, #tpu.memory_space<vmem>>
      %dma_start3A_1371 = tpu.memref_squeeze %dma_start3A_1370 : memref<1x32x128xf32, #tpu.memory_space<vmem>> -> memref<32x128xf32, #tpu.memory_space<vmem>>
      %dma_start3A_1372 = arith.constant 0 : i32
      %dma_start3A_1373 = tpu.memref_slice %arg19[%add3A_1055, %dma_start3A_1372] : memref<10000x128xf32, #tpu.memory_space<vmem_shared>> -> memref<32x128xf32, #tpu.memory_space<vmem_shared>>
      %dma_start3A_1374 = arith.constant 0 : i32
      %dma_start3A_1375 = arith.constant 0 : i32
      %dma_start3A_1376 = tpu.memref_slice %arg5[%run_scoped3A_1056, %dma_start3A_1374, %dma_start3A_1375] : memref<12x32x128xf32, #tpu.memory_space<vmem>> -> memref<1x32x128xf32, #tpu.memory_space<vmem>>
      %dma_start3A_1377 = tpu.memref_squeeze %dma_start3A_1376 : memref<1x32x128xf32, #tpu.memory_space<vmem>> -> memref<32x128xf32, #tpu.memory_space<vmem>>
      %dma_start3A_1378 = arith.constant 0 : i32
      %dma_start3A_1379 = tpu.memref_slice %arg19[%add3A_1055, %dma_start3A_1378] : memref<10000x128xf32, #tpu.memory_space<vmem_shared>> -> memref<32x128xf32, #tpu.memory_space<vmem_shared>>
      tpu.enqueue_dma source(%dma_start3A_1379 : memref<32x128xf32, #tpu.memory_space<vmem_shared>>) target(%dma_start3A_1377 : memref<32x128xf32, #tpu.memory_space<vmem>>) target_semaphore(%run_scoped3A_1367 : memref<!tpu.dma_semaphore, #tpu.memory_space<semaphore_mem>>)
      %dma_wait3A_1380 = arith.constant 0 : i32
      %dma_wait3A_1381 = arith.constant 0 : i32
      %dma_wait3A_1382 = tpu.memref_slice %arg5[%run_scoped3A_1056, %dma_wait3A_1380, %dma_wait3A_1381] : memref<12x32x128xf32, #tpu.memory_space<vmem>> -> memref<1x32x128xf32, #tpu.memory_space<vmem>>
      %dma_wait3A_1383 = tpu.memref_squeeze %dma_wait3A_1382 : memref<1x32x128xf32, #tpu.memory_space<vmem>> -> memref<32x128xf32, #tpu.memory_space<vmem>>
      %dma_wait3A_1384 = arith.constant 0 : i32
      %dma_wait3A_1385 = tpu.memref_slice %arg19[%add3A_1055, %dma_wait3A_1384] : memref<10000x128xf32, #tpu.memory_space<vmem_shared>> -> memref<32x128xf32, #tpu.memory_space<vmem_shared>>
      %dma_wait3A_1386 = arith.constant 0 : i32
      %dma_wait3A_1387 = arith.constant 0 : i32
      %dma_wait3A_1388 = tpu.memref_slice %arg5[%run_scoped3A_1056, %dma_wait3A_1386, %dma_wait3A_1387] : memref<12x32x128xf32, #tpu.memory_space<vmem>> -> memref<1x32x128xf32, #tpu.memory_space<vmem>>
      %dma_wait3A_1389 = tpu.memref_squeeze %dma_wait3A_1388 : memref<1x32x128xf32, #tpu.memory_space<vmem>> -> memref<32x128xf32, #tpu.memory_space<vmem>>
      %dma_wait3A_1390 = arith.constant 0 : i32
      %dma_wait3A_1391 = tpu.memref_slice %arg19[%add3A_1055, %dma_wait3A_1390] : memref<10000x128xf32, #tpu.memory_space<vmem_shared>> -> memref<32x128xf32, #tpu.memory_space<vmem_shared>>
      tpu.wait_dma2 semaphore(%run_scoped3A_1367 : memref<!tpu.dma_semaphore, #tpu.memory_space<semaphore_mem>>) src(%dma_wait3A_1391 : memref<32x128xf32, #tpu.memory_space<vmem_shared>>) dst(%dma_wait3A_1389 : memref<32x128xf32, #tpu.memory_space<vmem>>)
      tpu.yield
    }) : () -> ()
    %dma_start3A_1057 = arith.constant 1 : i32
    %dma_start3A_1058 = arith.constant 0 : i32
    %dma_start3A_1059 = arith.constant 0 : i32
    %dma_start3A_1060 = tpu.memref_slice %arg5[%dma_start3A_1057, %dma_start3A_1058, %dma_start3A_1059] : memref<12x32x128xf32, #tpu.memory_space<vmem>> -> memref<1x32x128xf32, #tpu.memory_space<vmem>>
    %dma_start3A_1061 = tpu.memref_squeeze %dma_start3A_1060 : memref<1x32x128xf32, #tpu.memory_space<vmem>> -> memref<32x128xf32, #tpu.memory_space<vmem>>
    %dma_start3A_1062 = arith.constant 0 : i32
    %dma_start3A_1063 = tpu.memref_slice %arg4[%add3A_1053, %dma_start3A_1062] : memref<20000x128xf32, #tpu.memory_space<hbm>> -> memref<32x128xf32, #tpu.memory_space<hbm>>
    %dma_start3A_1064 = arith.constant 0 : i32
    %dma_start3A_1065 = tpu.memref_slice %arg4[%add3A_1053, %dma_start3A_1064] : memref<20000x128xf32, #tpu.memory_space<hbm>> -> memref<32x128xf32, #tpu.memory_space<hbm>>
    %dma_start3A_1066 = arith.constant 0 : i32
    %dma_start3A_1067 = arith.constant 0 : i32
    %dma_start3A_1068 = tpu.memref_slice %arg5[%dma_start3A_1057, %dma_start3A_1066, %dma_start3A_1067] : memref<12x32x128xf32, #tpu.memory_space<vmem>> -> memref<1x32x128xf32, #tpu.memory_space<vmem>>
    %dma_start3A_1069 = tpu.memref_squeeze %dma_start3A_1068 : memref<1x32x128xf32, #tpu.memory_space<vmem>> -> memref<32x128xf32, #tpu.memory_space<vmem>>
    tpu.enqueue_dma source(%dma_start3A_1069 : memref<32x128xf32, #tpu.memory_space<vmem>>) target(%dma_start3A_1065 : memref<32x128xf32, #tpu.memory_space<hbm>>) target_semaphore(%arg8 : memref<!tpu.dma_semaphore, #tpu.memory_space<semaphore_mem>>)
    %add3A_1070 = arith.constant 320 : i32
    %add3A_1071 = arith.addi %add3A_5, %add3A_1070 : i32
    %dma_wait3A_1072 = arith.constant 0 : i32
    %dma_wait3A_1073 = arith.constant 0 : i32
    %dma_wait3A_1074 = arith.constant 0 : i32
    %dma_wait3A_1075 = tpu.memref_slice %arg5[%dma_wait3A_1072, %dma_wait3A_1073, %dma_wait3A_1074] : memref<12x32x128xf32, #tpu.memory_space<vmem>> -> memref<1x32x128xf32, #tpu.memory_space<vmem>>
    %dma_wait3A_1076 = tpu.memref_squeeze %dma_wait3A_1075 : memref<1x32x128xf32, #tpu.memory_space<vmem>> -> memref<32x128xf32, #tpu.memory_space<vmem>>
    %dma_wait3A_1077 = arith.constant 0 : i32
    %dma_wait3A_1078 = tpu.memref_slice %arg4[%add3A_1071, %dma_wait3A_1077] : memref<20000x128xf32, #tpu.memory_space<hbm>> -> memref<32x128xf32, #tpu.memory_space<hbm>>
    %dma_wait3A_1079 = arith.constant 0 : i32
    %dma_wait3A_1080 = tpu.memref_slice %arg4[%add3A_1071, %dma_wait3A_1079] : memref<20000x128xf32, #tpu.memory_space<hbm>> -> memref<32x128xf32, #tpu.memory_space<hbm>>
    %dma_wait3A_1081 = arith.constant 0 : i32
    %dma_wait3A_1082 = arith.constant 0 : i32
    %dma_wait3A_1083 = tpu.memref_slice %arg5[%dma_wait3A_1072, %dma_wait3A_1081, %dma_wait3A_1082] : memref<12x32x128xf32, #tpu.memory_space<vmem>> -> memref<1x32x128xf32, #tpu.memory_space<vmem>>
    %dma_wait3A_1084 = tpu.memref_squeeze %dma_wait3A_1083 : memref<1x32x128xf32, #tpu.memory_space<vmem>> -> memref<32x128xf32, #tpu.memory_space<vmem>>
    tpu.wait_dma2 semaphore(%arg7 : memref<!tpu.dma_semaphore, #tpu.memory_space<semaphore_mem>>) src(%dma_wait3A_1084 : memref<32x128xf32, #tpu.memory_space<vmem>>) dst(%dma_wait3A_1080 : memref<32x128xf32, #tpu.memory_space<hbm>>)
    %add3A_1085 = arith.constant 384 : i32
    %add3A_1086 = arith.addi %add3A_5, %add3A_1085 : i32
    %add3A_1087 = arith.constant 384 : i32
    %add3A_1088 = arith.addi %mul3A_2, %add3A_1087 : i32
    %run_scoped3A_1089 = arith.constant 0 : i32
    "tpu.region"() ({
      %run_scoped3A_1367 = tpu.sem_alloc : memref<!tpu.dma_semaphore, #tpu.memory_space<semaphore_mem>>
      %dma_start3A_1368 = arith.constant 0 : i32
      %dma_start3A_1369 = arith.constant 0 : i32
      %dma_start3A_1370 = tpu.memref_slice %arg5[%run_scoped3A_1089, %dma_start3A_1368, %dma_start3A_1369] : memref<12x32x128xf32, #tpu.memory_space<vmem>> -> memref<1x32x128xf32, #tpu.memory_space<vmem>>
      %dma_start3A_1371 = tpu.memref_squeeze %dma_start3A_1370 : memref<1x32x128xf32, #tpu.memory_space<vmem>> -> memref<32x128xf32, #tpu.memory_space<vmem>>
      %dma_start3A_1372 = arith.constant 0 : i32
      %dma_start3A_1373 = tpu.memref_slice %arg19[%add3A_1088, %dma_start3A_1372] : memref<10000x128xf32, #tpu.memory_space<vmem_shared>> -> memref<32x128xf32, #tpu.memory_space<vmem_shared>>
      %dma_start3A_1374 = arith.constant 0 : i32
      %dma_start3A_1375 = arith.constant 0 : i32
      %dma_start3A_1376 = tpu.memref_slice %arg5[%run_scoped3A_1089, %dma_start3A_1374, %dma_start3A_1375] : memref<12x32x128xf32, #tpu.memory_space<vmem>> -> memref<1x32x128xf32, #tpu.memory_space<vmem>>
      %dma_start3A_1377 = tpu.memref_squeeze %dma_start3A_1376 : memref<1x32x128xf32, #tpu.memory_space<vmem>> -> memref<32x128xf32, #tpu.memory_space<vmem>>
      %dma_start3A_1378 = arith.constant 0 : i32
      %dma_start3A_1379 = tpu.memref_slice %arg19[%add3A_1088, %dma_start3A_1378] : memref<10000x128xf32, #tpu.memory_space<vmem_shared>> -> memref<32x128xf32, #tpu.memory_space<vmem_shared>>
      tpu.enqueue_dma source(%dma_start3A_1379 : memref<32x128xf32, #tpu.memory_space<vmem_shared>>) target(%dma_start3A_1377 : memref<32x128xf32, #tpu.memory_space<vmem>>) target_semaphore(%run_scoped3A_1367 : memref<!tpu.dma_semaphore, #tpu.memory_space<semaphore_mem>>)
      %dma_wait3A_1380 = arith.constant 0 : i32
      %dma_wait3A_1381 = arith.constant 0 : i32
      %dma_wait3A_1382 = tpu.memref_slice %arg5[%run_scoped3A_1089, %dma_wait3A_1380, %dma_wait3A_1381] : memref<12x32x128xf32, #tpu.memory_space<vmem>> -> memref<1x32x128xf32, #tpu.memory_space<vmem>>
      %dma_wait3A_1383 = tpu.memref_squeeze %dma_wait3A_1382 : memref<1x32x128xf32, #tpu.memory_space<vmem>> -> memref<32x128xf32, #tpu.memory_space<vmem>>
      %dma_wait3A_1384 = arith.constant 0 : i32
      %dma_wait3A_1385 = tpu.memref_slice %arg19[%add3A_1088, %dma_wait3A_1384] : memref<10000x128xf32, #tpu.memory_space<vmem_shared>> -> memref<32x128xf32, #tpu.memory_space<vmem_shared>>
      %dma_wait3A_1386 = arith.constant 0 : i32
      %dma_wait3A_1387 = arith.constant 0 : i32
      %dma_wait3A_1388 = tpu.memref_slice %arg5[%run_scoped3A_1089, %dma_wait3A_1386, %dma_wait3A_1387] : memref<12x32x128xf32, #tpu.memory_space<vmem>> -> memref<1x32x128xf32, #tpu.memory_space<vmem>>
      %dma_wait3A_1389 = tpu.memref_squeeze %dma_wait3A_1388 : memref<1x32x128xf32, #tpu.memory_space<vmem>> -> memref<32x128xf32, #tpu.memory_space<vmem>>
      %dma_wait3A_1390 = arith.constant 0 : i32
      %dma_wait3A_1391 = tpu.memref_slice %arg19[%add3A_1088, %dma_wait3A_1390] : memref<10000x128xf32, #tpu.memory_space<vmem_shared>> -> memref<32x128xf32, #tpu.memory_space<vmem_shared>>
      tpu.wait_dma2 semaphore(%run_scoped3A_1367 : memref<!tpu.dma_semaphore, #tpu.memory_space<semaphore_mem>>) src(%dma_wait3A_1391 : memref<32x128xf32, #tpu.memory_space<vmem_shared>>) dst(%dma_wait3A_1389 : memref<32x128xf32, #tpu.memory_space<vmem>>)
      tpu.yield
    }) : () -> ()
    %dma_start3A_1090 = arith.constant 0 : i32
    %dma_start3A_1091 = arith.constant 0 : i32
    %dma_start3A_1092 = arith.constant 0 : i32
    %dma_start3A_1093 = tpu.memref_slice %arg5[%dma_start3A_1090, %dma_start3A_1091, %dma_start3A_1092] : memref<12x32x128xf32, #tpu.memory_space<vmem>> -> memref<1x32x128xf32, #tpu.memory_space<vmem>>
    %dma_start3A_1094 = tpu.memref_squeeze %dma_start3A_1093 : memref<1x32x128xf32, #tpu.memory_space<vmem>> -> memref<32x128xf32, #tpu.memory_space<vmem>>
    %dma_start3A_1095 = arith.constant 0 : i32
    %dma_start3A_1096 = tpu.memref_slice %arg4[%add3A_1086, %dma_start3A_1095] : memref<20000x128xf32, #tpu.memory_space<hbm>> -> memref<32x128xf32, #tpu.memory_space<hbm>>
    %dma_start3A_1097 = arith.constant 0 : i32
    %dma_start3A_1098 = tpu.memref_slice %arg4[%add3A_1086, %dma_start3A_1097] : memref<20000x128xf32, #tpu.memory_space<hbm>> -> memref<32x128xf32, #tpu.memory_space<hbm>>
    %dma_start3A_1099 = arith.constant 0 : i32
    %dma_start3A_1100 = arith.constant 0 : i32
    %dma_start3A_1101 = tpu.memref_slice %arg5[%dma_start3A_1090, %dma_start3A_1099, %dma_start3A_1100] : memref<12x32x128xf32, #tpu.memory_space<vmem>> -> memref<1x32x128xf32, #tpu.memory_space<vmem>>
    %dma_start3A_1102 = tpu.memref_squeeze %dma_start3A_1101 : memref<1x32x128xf32, #tpu.memory_space<vmem>> -> memref<32x128xf32, #tpu.memory_space<vmem>>
    tpu.enqueue_dma source(%dma_start3A_1102 : memref<32x128xf32, #tpu.memory_space<vmem>>) target(%dma_start3A_1098 : memref<32x128xf32, #tpu.memory_space<hbm>>) target_semaphore(%arg7 : memref<!tpu.dma_semaphore, #tpu.memory_space<semaphore_mem>>)
    %add3A_1103 = arith.constant 352 : i32
    %add3A_1104 = arith.addi %add3A_5, %add3A_1103 : i32
    %dma_wait3A_1105 = arith.constant 1 : i32
    %dma_wait3A_1106 = arith.constant 0 : i32
    %dma_wait3A_1107 = arith.constant 0 : i32
    %dma_wait3A_1108 = tpu.memref_slice %arg5[%dma_wait3A_1105, %dma_wait3A_1106, %dma_wait3A_1107] : memref<12x32x128xf32, #tpu.memory_space<vmem>> -> memref<1x32x128xf32, #tpu.memory_space<vmem>>
    %dma_wait3A_1109 = tpu.memref_squeeze %dma_wait3A_1108 : memref<1x32x128xf32, #tpu.memory_space<vmem>> -> memref<32x128xf32, #tpu.memory_space<vmem>>
    %dma_wait3A_1110 = arith.constant 0 : i32
    %dma_wait3A_1111 = tpu.memref_slice %arg4[%add3A_1104, %dma_wait3A_1110] : memref<20000x128xf32, #tpu.memory_space<hbm>> -> memref<32x128xf32, #tpu.memory_space<hbm>>
    %dma_wait3A_1112 = arith.constant 0 : i32
    %dma_wait3A_1113 = tpu.memref_slice %arg4[%add3A_1104, %dma_wait3A_1112] : memref<20000x128xf32, #tpu.memory_space<hbm>> -> memref<32x128xf32, #tpu.memory_space<hbm>>
    %dma_wait3A_1114 = arith.constant 0 : i32
    %dma_wait3A_1115 = arith.constant 0 : i32
    %dma_wait3A_1116 = tpu.memref_slice %arg5[%dma_wait3A_1105, %dma_wait3A_1114, %dma_wait3A_1115] : memref<12x32x128xf32, #tpu.memory_space<vmem>> -> memref<1x32x128xf32, #tpu.memory_space<vmem>>
    %dma_wait3A_1117 = tpu.memref_squeeze %dma_wait3A_1116 : memref<1x32x128xf32, #tpu.memory_space<vmem>> -> memref<32x128xf32, #tpu.memory_space<vmem>>
    tpu.wait_dma2 semaphore(%arg8 : memref<!tpu.dma_semaphore, #tpu.memory_space<semaphore_mem>>) src(%dma_wait3A_1117 : memref<32x128xf32, #tpu.memory_space<vmem>>) dst(%dma_wait3A_1113 : memref<32x128xf32, #tpu.memory_space<hbm>>)
    %add3A_1118 = arith.constant 416 : i32
    %add3A_1119 = arith.addi %add3A_5, %add3A_1118 : i32
    %add3A_1120 = arith.constant 416 : i32
    %add3A_1121 = arith.addi %mul3A_2, %add3A_1120 : i32
    %run_scoped3A_1122 = arith.constant 1 : i32
    "tpu.region"() ({
      %run_scoped3A_1367 = tpu.sem_alloc : memref<!tpu.dma_semaphore, #tpu.memory_space<semaphore_mem>>
      %dma_start3A_1368 = arith.constant 0 : i32
      %dma_start3A_1369 = arith.constant 0 : i32
      %dma_start3A_1370 = tpu.memref_slice %arg5[%run_scoped3A_1122, %dma_start3A_1368, %dma_start3A_1369] : memref<12x32x128xf32, #tpu.memory_space<vmem>> -> memref<1x32x128xf32, #tpu.memory_space<vmem>>
      %dma_start3A_1371 = tpu.memref_squeeze %dma_start3A_1370 : memref<1x32x128xf32, #tpu.memory_space<vmem>> -> memref<32x128xf32, #tpu.memory_space<vmem>>
      %dma_start3A_1372 = arith.constant 0 : i32
      %dma_start3A_1373 = tpu.memref_slice %arg19[%add3A_1121, %dma_start3A_1372] : memref<10000x128xf32, #tpu.memory_space<vmem_shared>> -> memref<32x128xf32, #tpu.memory_space<vmem_shared>>
      %dma_start3A_1374 = arith.constant 0 : i32
      %dma_start3A_1375 = arith.constant 0 : i32
      %dma_start3A_1376 = tpu.memref_slice %arg5[%run_scoped3A_1122, %dma_start3A_1374, %dma_start3A_1375] : memref<12x32x128xf32, #tpu.memory_space<vmem>> -> memref<1x32x128xf32, #tpu.memory_space<vmem>>
      %dma_start3A_1377 = tpu.memref_squeeze %dma_start3A_1376 : memref<1x32x128xf32, #tpu.memory_space<vmem>> -> memref<32x128xf32, #tpu.memory_space<vmem>>
      %dma_start3A_1378 = arith.constant 0 : i32
      %dma_start3A_1379 = tpu.memref_slice %arg19[%add3A_1121, %dma_start3A_1378] : memref<10000x128xf32, #tpu.memory_space<vmem_shared>> -> memref<32x128xf32, #tpu.memory_space<vmem_shared>>
      tpu.enqueue_dma source(%dma_start3A_1379 : memref<32x128xf32, #tpu.memory_space<vmem_shared>>) target(%dma_start3A_1377 : memref<32x128xf32, #tpu.memory_space<vmem>>) target_semaphore(%run_scoped3A_1367 : memref<!tpu.dma_semaphore, #tpu.memory_space<semaphore_mem>>)
      %dma_wait3A_1380 = arith.constant 0 : i32
      %dma_wait3A_1381 = arith.constant 0 : i32
      %dma_wait3A_1382 = tpu.memref_slice %arg5[%run_scoped3A_1122, %dma_wait3A_1380, %dma_wait3A_1381] : memref<12x32x128xf32, #tpu.memory_space<vmem>> -> memref<1x32x128xf32, #tpu.memory_space<vmem>>
      %dma_wait3A_1383 = tpu.memref_squeeze %dma_wait3A_1382 : memref<1x32x128xf32, #tpu.memory_space<vmem>> -> memref<32x128xf32, #tpu.memory_space<vmem>>
      %dma_wait3A_1384 = arith.constant 0 : i32
      %dma_wait3A_1385 = tpu.memref_slice %arg19[%add3A_1121, %dma_wait3A_1384] : memref<10000x128xf32, #tpu.memory_space<vmem_shared>> -> memref<32x128xf32, #tpu.memory_space<vmem_shared>>
      %dma_wait3A_1386 = arith.constant 0 : i32
      %dma_wait3A_1387 = arith.constant 0 : i32
      %dma_wait3A_1388 = tpu.memref_slice %arg5[%run_scoped3A_1122, %dma_wait3A_1386, %dma_wait3A_1387] : memref<12x32x128xf32, #tpu.memory_space<vmem>> -> memref<1x32x128xf32, #tpu.memory_space<vmem>>
      %dma_wait3A_1389 = tpu.memref_squeeze %dma_wait3A_1388 : memref<1x32x128xf32, #tpu.memory_space<vmem>> -> memref<32x128xf32, #tpu.memory_space<vmem>>
      %dma_wait3A_1390 = arith.constant 0 : i32
      %dma_wait3A_1391 = tpu.memref_slice %arg19[%add3A_1121, %dma_wait3A_1390] : memref<10000x128xf32, #tpu.memory_space<vmem_shared>> -> memref<32x128xf32, #tpu.memory_space<vmem_shared>>
      tpu.wait_dma2 semaphore(%run_scoped3A_1367 : memref<!tpu.dma_semaphore, #tpu.memory_space<semaphore_mem>>) src(%dma_wait3A_1391 : memref<32x128xf32, #tpu.memory_space<vmem_shared>>) dst(%dma_wait3A_1389 : memref<32x128xf32, #tpu.memory_space<vmem>>)
      tpu.yield
    }) : () -> ()
    %dma_start3A_1123 = arith.constant 1 : i32
    %dma_start3A_1124 = arith.constant 0 : i32
    %dma_start3A_1125 = arith.constant 0 : i32
    %dma_start3A_1126 = tpu.memref_slice %arg5[%dma_start3A_1123, %dma_start3A_1124, %dma_start3A_1125] : memref<12x32x128xf32, #tpu.memory_space<vmem>> -> memref<1x32x128xf32, #tpu.memory_space<vmem>>
    %dma_start3A_1127 = tpu.memref_squeeze %dma_start3A_1126 : memref<1x32x128xf32, #tpu.memory_space<vmem>> -> memref<32x128xf32, #tpu.memory_space<vmem>>
    %dma_start3A_1128 = arith.constant 0 : i32
    %dma_start3A_1129 = tpu.memref_slice %arg4[%add3A_1119, %dma_start3A_1128] : memref<20000x128xf32, #tpu.memory_space<hbm>> -> memref<32x128xf32, #tpu.memory_space<hbm>>
    %dma_start3A_1130 = arith.constant 0 : i32
    %dma_start3A_1131 = tpu.memref_slice %arg4[%add3A_1119, %dma_start3A_1130] : memref<20000x128xf32, #tpu.memory_space<hbm>> -> memref<32x128xf32, #tpu.memory_space<hbm>>
    %dma_start3A_1132 = arith.constant 0 : i32
    %dma_start3A_1133 = arith.constant 0 : i32
    %dma_start3A_1134 = tpu.memref_slice %arg5[%dma_start3A_1123, %dma_start3A_1132, %dma_start3A_1133] : memref<12x32x128xf32, #tpu.memory_space<vmem>> -> memref<1x32x128xf32, #tpu.memory_space<vmem>>
    %dma_start3A_1135 = tpu.memref_squeeze %dma_start3A_1134 : memref<1x32x128xf32, #tpu.memory_space<vmem>> -> memref<32x128xf32, #tpu.memory_space<vmem>>
    tpu.enqueue_dma source(%dma_start3A_1135 : memref<32x128xf32, #tpu.memory_space<vmem>>) target(%dma_start3A_1131 : memref<32x128xf32, #tpu.memory_space<hbm>>) target_semaphore(%arg8 : memref<!tpu.dma_semaphore, #tpu.memory_space<semaphore_mem>>)
    %add3A_1136 = arith.constant 384 : i32
    %add3A_1137 = arith.addi %add3A_5, %add3A_1136 : i32
    %dma_wait3A_1138 = arith.constant 0 : i32
    %dma_wait3A_1139 = arith.constant 0 : i32
    %dma_wait3A_1140 = arith.constant 0 : i32
    %dma_wait3A_1141 = tpu.memref_slice %arg5[%dma_wait3A_1138, %dma_wait3A_1139, %dma_wait3A_1140] : memref<12x32x128xf32, #tpu.memory_space<vmem>> -> memref<1x32x128xf32, #tpu.memory_space<vmem>>
    %dma_wait3A_1142 = tpu.memref_squeeze %dma_wait3A_1141 : memref<1x32x128xf32, #tpu.memory_space<vmem>> -> memref<32x128xf32, #tpu.memory_space<vmem>>
    %dma_wait3A_1143 = arith.constant 0 : i32
    %dma_wait3A_1144 = tpu.memref_slice %arg4[%add3A_1137, %dma_wait3A_1143] : memref<20000x128xf32, #tpu.memory_space<hbm>> -> memref<32x128xf32, #tpu.memory_space<hbm>>
    %dma_wait3A_1145 = arith.constant 0 : i32
    %dma_wait3A_1146 = tpu.memref_slice %arg4[%add3A_1137, %dma_wait3A_1145] : memref<20000x128xf32, #tpu.memory_space<hbm>> -> memref<32x128xf32, #tpu.memory_space<hbm>>
    %dma_wait3A_1147 = arith.constant 0 : i32
    %dma_wait3A_1148 = arith.constant 0 : i32
    %dma_wait3A_1149 = tpu.memref_slice %arg5[%dma_wait3A_1138, %dma_wait3A_1147, %dma_wait3A_1148] : memref<12x32x128xf32, #tpu.memory_space<vmem>> -> memref<1x32x128xf32, #tpu.memory_space<vmem>>
    %dma_wait3A_1150 = tpu.memref_squeeze %dma_wait3A_1149 : memref<1x32x128xf32, #tpu.memory_space<vmem>> -> memref<32x128xf32, #tpu.memory_space<vmem>>
    tpu.wait_dma2 semaphore(%arg7 : memref<!tpu.dma_semaphore, #tpu.memory_space<semaphore_mem>>) src(%dma_wait3A_1150 : memref<32x128xf32, #tpu.memory_space<vmem>>) dst(%dma_wait3A_1146 : memref<32x128xf32, #tpu.memory_space<hbm>>)
    %add3A_1151 = arith.constant 448 : i32
    %add3A_1152 = arith.addi %add3A_5, %add3A_1151 : i32
    %add3A_1153 = arith.constant 448 : i32
    %add3A_1154 = arith.addi %mul3A_2, %add3A_1153 : i32
    %run_scoped3A_1155 = arith.constant 0 : i32
    "tpu.region"() ({
      %run_scoped3A_1367 = tpu.sem_alloc : memref<!tpu.dma_semaphore, #tpu.memory_space<semaphore_mem>>
      %dma_start3A_1368 = arith.constant 0 : i32
      %dma_start3A_1369 = arith.constant 0 : i32
      %dma_start3A_1370 = tpu.memref_slice %arg5[%run_scoped3A_1155, %dma_start3A_1368, %dma_start3A_1369] : memref<12x32x128xf32, #tpu.memory_space<vmem>> -> memref<1x32x128xf32, #tpu.memory_space<vmem>>
      %dma_start3A_1371 = tpu.memref_squeeze %dma_start3A_1370 : memref<1x32x128xf32, #tpu.memory_space<vmem>> -> memref<32x128xf32, #tpu.memory_space<vmem>>
      %dma_start3A_1372 = arith.constant 0 : i32
      %dma_start3A_1373 = tpu.memref_slice %arg19[%add3A_1154, %dma_start3A_1372] : memref<10000x128xf32, #tpu.memory_space<vmem_shared>> -> memref<32x128xf32, #tpu.memory_space<vmem_shared>>
      %dma_start3A_1374 = arith.constant 0 : i32
      %dma_start3A_1375 = arith.constant 0 : i32
      %dma_start3A_1376 = tpu.memref_slice %arg5[%run_scoped3A_1155, %dma_start3A_1374, %dma_start3A_1375] : memref<12x32x128xf32, #tpu.memory_space<vmem>> -> memref<1x32x128xf32, #tpu.memory_space<vmem>>
      %dma_start3A_1377 = tpu.memref_squeeze %dma_start3A_1376 : memref<1x32x128xf32, #tpu.memory_space<vmem>> -> memref<32x128xf32, #tpu.memory_space<vmem>>
      %dma_start3A_1378 = arith.constant 0 : i32
      %dma_start3A_1379 = tpu.memref_slice %arg19[%add3A_1154, %dma_start3A_1378] : memref<10000x128xf32, #tpu.memory_space<vmem_shared>> -> memref<32x128xf32, #tpu.memory_space<vmem_shared>>
      tpu.enqueue_dma source(%dma_start3A_1379 : memref<32x128xf32, #tpu.memory_space<vmem_shared>>) target(%dma_start3A_1377 : memref<32x128xf32, #tpu.memory_space<vmem>>) target_semaphore(%run_scoped3A_1367 : memref<!tpu.dma_semaphore, #tpu.memory_space<semaphore_mem>>)
      %dma_wait3A_1380 = arith.constant 0 : i32
      %dma_wait3A_1381 = arith.constant 0 : i32
      %dma_wait3A_1382 = tpu.memref_slice %arg5[%run_scoped3A_1155, %dma_wait3A_1380, %dma_wait3A_1381] : memref<12x32x128xf32, #tpu.memory_space<vmem>> -> memref<1x32x128xf32, #tpu.memory_space<vmem>>
      %dma_wait3A_1383 = tpu.memref_squeeze %dma_wait3A_1382 : memref<1x32x128xf32, #tpu.memory_space<vmem>> -> memref<32x128xf32, #tpu.memory_space<vmem>>
      %dma_wait3A_1384 = arith.constant 0 : i32
      %dma_wait3A_1385 = tpu.memref_slice %arg19[%add3A_1154, %dma_wait3A_1384] : memref<10000x128xf32, #tpu.memory_space<vmem_shared>> -> memref<32x128xf32, #tpu.memory_space<vmem_shared>>
      %dma_wait3A_1386 = arith.constant 0 : i32
      %dma_wait3A_1387 = arith.constant 0 : i32
      %dma_wait3A_1388 = tpu.memref_slice %arg5[%run_scoped3A_1155, %dma_wait3A_1386, %dma_wait3A_1387] : memref<12x32x128xf32, #tpu.memory_space<vmem>> -> memref<1x32x128xf32, #tpu.memory_space<vmem>>
      %dma_wait3A_1389 = tpu.memref_squeeze %dma_wait3A_1388 : memref<1x32x128xf32, #tpu.memory_space<vmem>> -> memref<32x128xf32, #tpu.memory_space<vmem>>
      %dma_wait3A_1390 = arith.constant 0 : i32
      %dma_wait3A_1391 = tpu.memref_slice %arg19[%add3A_1154, %dma_wait3A_1390] : memref<10000x128xf32, #tpu.memory_space<vmem_shared>> -> memref<32x128xf32, #tpu.memory_space<vmem_shared>>
      tpu.wait_dma2 semaphore(%run_scoped3A_1367 : memref<!tpu.dma_semaphore, #tpu.memory_space<semaphore_mem>>) src(%dma_wait3A_1391 : memref<32x128xf32, #tpu.memory_space<vmem_shared>>) dst(%dma_wait3A_1389 : memref<32x128xf32, #tpu.memory_space<vmem>>)
      tpu.yield
    }) : () -> ()
    %dma_start3A_1156 = arith.constant 0 : i32
    %dma_start3A_1157 = arith.constant 0 : i32
    %dma_start3A_1158 = arith.constant 0 : i32
    %dma_start3A_1159 = tpu.memref_slice %arg5[%dma_start3A_1156, %dma_start3A_1157, %dma_start3A_1158] : memref<12x32x128xf32, #tpu.memory_space<vmem>> -> memref<1x32x128xf32, #tpu.memory_space<vmem>>
    %dma_start3A_1160 = tpu.memref_squeeze %dma_start3A_1159 : memref<1x32x128xf32, #tpu.memory_space<vmem>> -> memref<32x128xf32, #tpu.memory_space<vmem>>
    %dma_start3A_1161 = arith.constant 0 : i32
    %dma_start3A_1162 = tpu.memref_slice %arg4[%add3A_1152, %dma_start3A_1161] : memref<20000x128xf32, #tpu.memory_space<hbm>> -> memref<32x128xf32, #tpu.memory_space<hbm>>
    %dma_start3A_1163 = arith.constant 0 : i32
    %dma_start3A_1164 = tpu.memref_slice %arg4[%add3A_1152, %dma_start3A_1163] : memref<20000x128xf32, #tpu.memory_space<hbm>> -> memref<32x128xf32, #tpu.memory_space<hbm>>
    %dma_start3A_1165 = arith.constant 0 : i32
    %dma_start3A_1166 = arith.constant 0 : i32
    %dma_start3A_1167 = tpu.memref_slice %arg5[%dma_start3A_1156, %dma_start3A_1165, %dma_start3A_1166] : memref<12x32x128xf32, #tpu.memory_space<vmem>> -> memref<1x32x128xf32, #tpu.memory_space<vmem>>
    %dma_start3A_1168 = tpu.memref_squeeze %dma_start3A_1167 : memref<1x32x128xf32, #tpu.memory_space<vmem>> -> memref<32x128xf32, #tpu.memory_space<vmem>>
    tpu.enqueue_dma source(%dma_start3A_1168 : memref<32x128xf32, #tpu.memory_space<vmem>>) target(%dma_start3A_1164 : memref<32x128xf32, #tpu.memory_space<hbm>>) target_semaphore(%arg7 : memref<!tpu.dma_semaphore, #tpu.memory_space<semaphore_mem>>)
    %add3A_1169 = arith.constant 416 : i32
    %add3A_1170 = arith.addi %add3A_5, %add3A_1169 : i32
    %dma_wait3A_1171 = arith.constant 1 : i32
    %dma_wait3A_1172 = arith.constant 0 : i32
    %dma_wait3A_1173 = arith.constant 0 : i32
    %dma_wait3A_1174 = tpu.memref_slice %arg5[%dma_wait3A_1171, %dma_wait3A_1172, %dma_wait3A_1173] : memref<12x32x128xf32, #tpu.memory_space<vmem>> -> memref<1x32x128xf32, #tpu.memory_space<vmem>>
    %dma_wait3A_1175 = tpu.memref_squeeze %dma_wait3A_1174 : memref<1x32x128xf32, #tpu.memory_space<vmem>> -> memref<32x128xf32, #tpu.memory_space<vmem>>
    %dma_wait3A_1176 = arith.constant 0 : i32
    %dma_wait3A_1177 = tpu.memref_slice %arg4[%add3A_1170, %dma_wait3A_1176] : memref<20000x128xf32, #tpu.memory_space<hbm>> -> memref<32x128xf32, #tpu.memory_space<hbm>>
    %dma_wait3A_1178 = arith.constant 0 : i32
    %dma_wait3A_1179 = tpu.memref_slice %arg4[%add3A_1170, %dma_wait3A_1178] : memref<20000x128xf32, #tpu.memory_space<hbm>> -> memref<32x128xf32, #tpu.memory_space<hbm>>
    %dma_wait3A_1180 = arith.constant 0 : i32
    %dma_wait3A_1181 = arith.constant 0 : i32
    %dma_wait3A_1182 = tpu.memref_slice %arg5[%dma_wait3A_1171, %dma_wait3A_1180, %dma_wait3A_1181] : memref<12x32x128xf32, #tpu.memory_space<vmem>> -> memref<1x32x128xf32, #tpu.memory_space<vmem>>
    %dma_wait3A_1183 = tpu.memref_squeeze %dma_wait3A_1182 : memref<1x32x128xf32, #tpu.memory_space<vmem>> -> memref<32x128xf32, #tpu.memory_space<vmem>>
    tpu.wait_dma2 semaphore(%arg8 : memref<!tpu.dma_semaphore, #tpu.memory_space<semaphore_mem>>) src(%dma_wait3A_1183 : memref<32x128xf32, #tpu.memory_space<vmem>>) dst(%dma_wait3A_1179 : memref<32x128xf32, #tpu.memory_space<hbm>>)
    %add3A_1184 = arith.constant 480 : i32
    %add3A_1185 = arith.addi %add3A_5, %add3A_1184 : i32
    %add3A_1186 = arith.constant 480 : i32
    %add3A_1187 = arith.addi %mul3A_2, %add3A_1186 : i32
    %run_scoped3A_1188 = arith.constant 1 : i32
    "tpu.region"() ({
      %run_scoped3A_1367 = tpu.sem_alloc : memref<!tpu.dma_semaphore, #tpu.memory_space<semaphore_mem>>
      %dma_start3A_1368 = arith.constant 0 : i32
      %dma_start3A_1369 = arith.constant 0 : i32
      %dma_start3A_1370 = tpu.memref_slice %arg5[%run_scoped3A_1188, %dma_start3A_1368, %dma_start3A_1369] : memref<12x32x128xf32, #tpu.memory_space<vmem>> -> memref<1x32x128xf32, #tpu.memory_space<vmem>>
      %dma_start3A_1371 = tpu.memref_squeeze %dma_start3A_1370 : memref<1x32x128xf32, #tpu.memory_space<vmem>> -> memref<32x128xf32, #tpu.memory_space<vmem>>
      %dma_start3A_1372 = arith.constant 0 : i32
      %dma_start3A_1373 = tpu.memref_slice %arg19[%add3A_1187, %dma_start3A_1372] : memref<10000x128xf32, #tpu.memory_space<vmem_shared>> -> memref<32x128xf32, #tpu.memory_space<vmem_shared>>
      %dma_start3A_1374 = arith.constant 0 : i32
      %dma_start3A_1375 = arith.constant 0 : i32
      %dma_start3A_1376 = tpu.memref_slice %arg5[%run_scoped3A_1188, %dma_start3A_1374, %dma_start3A_1375] : memref<12x32x128xf32, #tpu.memory_space<vmem>> -> memref<1x32x128xf32, #tpu.memory_space<vmem>>
      %dma_start3A_1377 = tpu.memref_squeeze %dma_start3A_1376 : memref<1x32x128xf32, #tpu.memory_space<vmem>> -> memref<32x128xf32, #tpu.memory_space<vmem>>
      %dma_start3A_1378 = arith.constant 0 : i32
      %dma_start3A_1379 = tpu.memref_slice %arg19[%add3A_1187, %dma_start3A_1378] : memref<10000x128xf32, #tpu.memory_space<vmem_shared>> -> memref<32x128xf32, #tpu.memory_space<vmem_shared>>
      tpu.enqueue_dma source(%dma_start3A_1379 : memref<32x128xf32, #tpu.memory_space<vmem_shared>>) target(%dma_start3A_1377 : memref<32x128xf32, #tpu.memory_space<vmem>>) target_semaphore(%run_scoped3A_1367 : memref<!tpu.dma_semaphore, #tpu.memory_space<semaphore_mem>>)
      %dma_wait3A_1380 = arith.constant 0 : i32
      %dma_wait3A_1381 = arith.constant 0 : i32
      %dma_wait3A_1382 = tpu.memref_slice %arg5[%run_scoped3A_1188, %dma_wait3A_1380, %dma_wait3A_1381] : memref<12x32x128xf32, #tpu.memory_space<vmem>> -> memref<1x32x128xf32, #tpu.memory_space<vmem>>
      %dma_wait3A_1383 = tpu.memref_squeeze %dma_wait3A_1382 : memref<1x32x128xf32, #tpu.memory_space<vmem>> -> memref<32x128xf32, #tpu.memory_space<vmem>>
      %dma_wait3A_1384 = arith.constant 0 : i32
      %dma_wait3A_1385 = tpu.memref_slice %arg19[%add3A_1187, %dma_wait3A_1384] : memref<10000x128xf32, #tpu.memory_space<vmem_shared>> -> memref<32x128xf32, #tpu.memory_space<vmem_shared>>
      %dma_wait3A_1386 = arith.constant 0 : i32
      %dma_wait3A_1387 = arith.constant 0 : i32
      %dma_wait3A_1388 = tpu.memref_slice %arg5[%run_scoped3A_1188, %dma_wait3A_1386, %dma_wait3A_1387] : memref<12x32x128xf32, #tpu.memory_space<vmem>> -> memref<1x32x128xf32, #tpu.memory_space<vmem>>
      %dma_wait3A_1389 = tpu.memref_squeeze %dma_wait3A_1388 : memref<1x32x128xf32, #tpu.memory_space<vmem>> -> memref<32x128xf32, #tpu.memory_space<vmem>>
      %dma_wait3A_1390 = arith.constant 0 : i32
      %dma_wait3A_1391 = tpu.memref_slice %arg19[%add3A_1187, %dma_wait3A_1390] : memref<10000x128xf32, #tpu.memory_space<vmem_shared>> -> memref<32x128xf32, #tpu.memory_space<vmem_shared>>
      tpu.wait_dma2 semaphore(%run_scoped3A_1367 : memref<!tpu.dma_semaphore, #tpu.memory_space<semaphore_mem>>) src(%dma_wait3A_1391 : memref<32x128xf32, #tpu.memory_space<vmem_shared>>) dst(%dma_wait3A_1389 : memref<32x128xf32, #tpu.memory_space<vmem>>)
      tpu.yield
    }) : () -> ()
    %dma_start3A_1189 = arith.constant 1 : i32
    %dma_start3A_1190 = arith.constant 0 : i32
    %dma_start3A_1191 = arith.constant 0 : i32
    %dma_start3A_1192 = tpu.memref_slice %arg5[%dma_start3A_1189, %dma_start3A_1190, %dma_start3A_1191] : memref<12x32x128xf32, #tpu.memory_space<vmem>> -> memref<1x32x128xf32, #tpu.memory_space<vmem>>
    %dma_start3A_1193 = tpu.memref_squeeze %dma_start3A_1192 : memref<1x32x128xf32, #tpu.memory_space<vmem>> -> memref<32x128xf32, #tpu.memory_space<vmem>>
    %dma_start3A_1194 = arith.constant 0 : i32
    %dma_start3A_1195 = tpu.memref_slice %arg4[%add3A_1185, %dma_start3A_1194] : memref<20000x128xf32, #tpu.memory_space<hbm>> -> memref<32x128xf32, #tpu.memory_space<hbm>>
    %dma_start3A_1196 = arith.constant 0 : i32
    %dma_start3A_1197 = tpu.memref_slice %arg4[%add3A_1185, %dma_start3A_1196] : memref<20000x128xf32, #tpu.memory_space<hbm>> -> memref<32x128xf32, #tpu.memory_space<hbm>>
    %dma_start3A_1198 = arith.constant 0 : i32
    %dma_start3A_1199 = arith.constant 0 : i32
    %dma_start3A_1200 = tpu.memref_slice %arg5[%dma_start3A_1189, %dma_start3A_1198, %dma_start3A_1199] : memref<12x32x128xf32, #tpu.memory_space<vmem>> -> memref<1x32x128xf32, #tpu.memory_space<vmem>>
    %dma_start3A_1201 = tpu.memref_squeeze %dma_start3A_1200 : memref<1x32x128xf32, #tpu.memory_space<vmem>> -> memref<32x128xf32, #tpu.memory_space<vmem>>
    tpu.enqueue_dma source(%dma_start3A_1201 : memref<32x128xf32, #tpu.memory_space<vmem>>) target(%dma_start3A_1197 : memref<32x128xf32, #tpu.memory_space<hbm>>) target_semaphore(%arg8 : memref<!tpu.dma_semaphore, #tpu.memory_space<semaphore_mem>>)
    %add3A_1202 = arith.constant 448 : i32
    %add3A_1203 = arith.addi %add3A_5, %add3A_1202 : i32
    %dma_wait3A_1204 = arith.constant 0 : i32
    %dma_wait3A_1205 = arith.constant 0 : i32
    %dma_wait3A_1206 = arith.constant 0 : i32
    %dma_wait3A_1207 = tpu.memref_slice %arg5[%dma_wait3A_1204, %dma_wait3A_1205, %dma_wait3A_1206] : memref<12x32x128xf32, #tpu.memory_space<vmem>> -> memref<1x32x128xf32, #tpu.memory_space<vmem>>
    %dma_wait3A_1208 = tpu.memref_squeeze %dma_wait3A_1207 : memref<1x32x128xf32, #tpu.memory_space<vmem>> -> memref<32x128xf32, #tpu.memory_space<vmem>>
    %dma_wait3A_1209 = arith.constant 0 : i32
    %dma_wait3A_1210 = tpu.memref_slice %arg4[%add3A_1203, %dma_wait3A_1209] : memref<20000x128xf32, #tpu.memory_space<hbm>> -> memref<32x128xf32, #tpu.memory_space<hbm>>
    %dma_wait3A_1211 = arith.constant 0 : i32
    %dma_wait3A_1212 = tpu.memref_slice %arg4[%add3A_1203, %dma_wait3A_1211] : memref<20000x128xf32, #tpu.memory_space<hbm>> -> memref<32x128xf32, #tpu.memory_space<hbm>>
    %dma_wait3A_1213 = arith.constant 0 : i32
    %dma_wait3A_1214 = arith.constant 0 : i32
    %dma_wait3A_1215 = tpu.memref_slice %arg5[%dma_wait3A_1204, %dma_wait3A_1213, %dma_wait3A_1214] : memref<12x32x128xf32, #tpu.memory_space<vmem>> -> memref<1x32x128xf32, #tpu.memory_space<vmem>>
    %dma_wait3A_1216 = tpu.memref_squeeze %dma_wait3A_1215 : memref<1x32x128xf32, #tpu.memory_space<vmem>> -> memref<32x128xf32, #tpu.memory_space<vmem>>
    tpu.wait_dma2 semaphore(%arg7 : memref<!tpu.dma_semaphore, #tpu.memory_space<semaphore_mem>>) src(%dma_wait3A_1216 : memref<32x128xf32, #tpu.memory_space<vmem>>) dst(%dma_wait3A_1212 : memref<32x128xf32, #tpu.memory_space<hbm>>)
    %add3A_1217 = arith.constant 512 : i32
    %add3A_1218 = arith.addi %add3A_5, %add3A_1217 : i32
    %add3A_1219 = arith.constant 512 : i32
    %add3A_1220 = arith.addi %mul3A_2, %add3A_1219 : i32
    %run_scoped3A_1221 = arith.constant 0 : i32
    "tpu.region"() ({
      %run_scoped3A_1367 = tpu.sem_alloc : memref<!tpu.dma_semaphore, #tpu.memory_space<semaphore_mem>>
      %dma_start3A_1368 = arith.constant 0 : i32
      %dma_start3A_1369 = arith.constant 0 : i32
      %dma_start3A_1370 = tpu.memref_slice %arg5[%run_scoped3A_1221, %dma_start3A_1368, %dma_start3A_1369] : memref<12x32x128xf32, #tpu.memory_space<vmem>> -> memref<1x32x128xf32, #tpu.memory_space<vmem>>
      %dma_start3A_1371 = tpu.memref_squeeze %dma_start3A_1370 : memref<1x32x128xf32, #tpu.memory_space<vmem>> -> memref<32x128xf32, #tpu.memory_space<vmem>>
      %dma_start3A_1372 = arith.constant 0 : i32
      %dma_start3A_1373 = tpu.memref_slice %arg19[%add3A_1220, %dma_start3A_1372] : memref<10000x128xf32, #tpu.memory_space<vmem_shared>> -> memref<32x128xf32, #tpu.memory_space<vmem_shared>>
      %dma_start3A_1374 = arith.constant 0 : i32
      %dma_start3A_1375 = arith.constant 0 : i32
      %dma_start3A_1376 = tpu.memref_slice %arg5[%run_scoped3A_1221, %dma_start3A_1374, %dma_start3A_1375] : memref<12x32x128xf32, #tpu.memory_space<vmem>> -> memref<1x32x128xf32, #tpu.memory_space<vmem>>
      %dma_start3A_1377 = tpu.memref_squeeze %dma_start3A_1376 : memref<1x32x128xf32, #tpu.memory_space<vmem>> -> memref<32x128xf32, #tpu.memory_space<vmem>>
      %dma_start3A_1378 = arith.constant 0 : i32
      %dma_start3A_1379 = tpu.memref_slice %arg19[%add3A_1220, %dma_start3A_1378] : memref<10000x128xf32, #tpu.memory_space<vmem_shared>> -> memref<32x128xf32, #tpu.memory_space<vmem_shared>>
      tpu.enqueue_dma source(%dma_start3A_1379 : memref<32x128xf32, #tpu.memory_space<vmem_shared>>) target(%dma_start3A_1377 : memref<32x128xf32, #tpu.memory_space<vmem>>) target_semaphore(%run_scoped3A_1367 : memref<!tpu.dma_semaphore, #tpu.memory_space<semaphore_mem>>)
      %dma_wait3A_1380 = arith.constant 0 : i32
      %dma_wait3A_1381 = arith.constant 0 : i32
      %dma_wait3A_1382 = tpu.memref_slice %arg5[%run_scoped3A_1221, %dma_wait3A_1380, %dma_wait3A_1381] : memref<12x32x128xf32, #tpu.memory_space<vmem>> -> memref<1x32x128xf32, #tpu.memory_space<vmem>>
      %dma_wait3A_1383 = tpu.memref_squeeze %dma_wait3A_1382 : memref<1x32x128xf32, #tpu.memory_space<vmem>> -> memref<32x128xf32, #tpu.memory_space<vmem>>
      %dma_wait3A_1384 = arith.constant 0 : i32
      %dma_wait3A_1385 = tpu.memref_slice %arg19[%add3A_1220, %dma_wait3A_1384] : memref<10000x128xf32, #tpu.memory_space<vmem_shared>> -> memref<32x128xf32, #tpu.memory_space<vmem_shared>>
      %dma_wait3A_1386 = arith.constant 0 : i32
      %dma_wait3A_1387 = arith.constant 0 : i32
      %dma_wait3A_1388 = tpu.memref_slice %arg5[%run_scoped3A_1221, %dma_wait3A_1386, %dma_wait3A_1387] : memref<12x32x128xf32, #tpu.memory_space<vmem>> -> memref<1x32x128xf32, #tpu.memory_space<vmem>>
      %dma_wait3A_1389 = tpu.memref_squeeze %dma_wait3A_1388 : memref<1x32x128xf32, #tpu.memory_space<vmem>> -> memref<32x128xf32, #tpu.memory_space<vmem>>
      %dma_wait3A_1390 = arith.constant 0 : i32
      %dma_wait3A_1391 = tpu.memref_slice %arg19[%add3A_1220, %dma_wait3A_1390] : memref<10000x128xf32, #tpu.memory_space<vmem_shared>> -> memref<32x128xf32, #tpu.memory_space<vmem_shared>>
      tpu.wait_dma2 semaphore(%run_scoped3A_1367 : memref<!tpu.dma_semaphore, #tpu.memory_space<semaphore_mem>>) src(%dma_wait3A_1391 : memref<32x128xf32, #tpu.memory_space<vmem_shared>>) dst(%dma_wait3A_1389 : memref<32x128xf32, #tpu.memory_space<vmem>>)
      tpu.yield
    }) : () -> ()
    %dma_start3A_1222 = arith.constant 0 : i32
    %dma_start3A_1223 = arith.constant 0 : i32
    %dma_start3A_1224 = arith.constant 0 : i32
    %dma_start3A_1225 = tpu.memref_slice %arg5[%dma_start3A_1222, %dma_start3A_1223, %dma_start3A_1224] : memref<12x32x128xf32, #tpu.memory_space<vmem>> -> memref<1x32x128xf32, #tpu.memory_space<vmem>>
    %dma_start3A_1226 = tpu.memref_squeeze %dma_start3A_1225 : memref<1x32x128xf32, #tpu.memory_space<vmem>> -> memref<32x128xf32, #tpu.memory_space<vmem>>
    %dma_start3A_1227 = arith.constant 0 : i32
    %dma_start3A_1228 = tpu.memref_slice %arg4[%add3A_1218, %dma_start3A_1227] : memref<20000x128xf32, #tpu.memory_space<hbm>> -> memref<32x128xf32, #tpu.memory_space<hbm>>
    %dma_start3A_1229 = arith.constant 0 : i32
    %dma_start3A_1230 = tpu.memref_slice %arg4[%add3A_1218, %dma_start3A_1229] : memref<20000x128xf32, #tpu.memory_space<hbm>> -> memref<32x128xf32, #tpu.memory_space<hbm>>
    %dma_start3A_1231 = arith.constant 0 : i32
    %dma_start3A_1232 = arith.constant 0 : i32
    %dma_start3A_1233 = tpu.memref_slice %arg5[%dma_start3A_1222, %dma_start3A_1231, %dma_start3A_1232] : memref<12x32x128xf32, #tpu.memory_space<vmem>> -> memref<1x32x128xf32, #tpu.memory_space<vmem>>
    %dma_start3A_1234 = tpu.memref_squeeze %dma_start3A_1233 : memref<1x32x128xf32, #tpu.memory_space<vmem>> -> memref<32x128xf32, #tpu.memory_space<vmem>>
    tpu.enqueue_dma source(%dma_start3A_1234 : memref<32x128xf32, #tpu.memory_space<vmem>>) target(%dma_start3A_1230 : memref<32x128xf32, #tpu.memory_space<hbm>>) target_semaphore(%arg7 : memref<!tpu.dma_semaphore, #tpu.memory_space<semaphore_mem>>)
    %add3A_1235 = arith.constant 480 : i32
    %add3A_1236 = arith.addi %add3A_5, %add3A_1235 : i32
    %dma_wait3A_1237 = arith.constant 1 : i32
    %dma_wait3A_1238 = arith.constant 0 : i32
    %dma_wait3A_1239 = arith.constant 0 : i32
    %dma_wait3A_1240 = tpu.memref_slice %arg5[%dma_wait3A_1237, %dma_wait3A_1238, %dma_wait3A_1239] : memref<12x32x128xf32, #tpu.memory_space<vmem>> -> memref<1x32x128xf32, #tpu.memory_space<vmem>>
    %dma_wait3A_1241 = tpu.memref_squeeze %dma_wait3A_1240 : memref<1x32x128xf32, #tpu.memory_space<vmem>> -> memref<32x128xf32, #tpu.memory_space<vmem>>
    %dma_wait3A_1242 = arith.constant 0 : i32
    %dma_wait3A_1243 = tpu.memref_slice %arg4[%add3A_1236, %dma_wait3A_1242] : memref<20000x128xf32, #tpu.memory_space<hbm>> -> memref<32x128xf32, #tpu.memory_space<hbm>>
    %dma_wait3A_1244 = arith.constant 0 : i32
    %dma_wait3A_1245 = tpu.memref_slice %arg4[%add3A_1236, %dma_wait3A_1244] : memref<20000x128xf32, #tpu.memory_space<hbm>> -> memref<32x128xf32, #tpu.memory_space<hbm>>
    %dma_wait3A_1246 = arith.constant 0 : i32
    %dma_wait3A_1247 = arith.constant 0 : i32
    %dma_wait3A_1248 = tpu.memref_slice %arg5[%dma_wait3A_1237, %dma_wait3A_1246, %dma_wait3A_1247] : memref<12x32x128xf32, #tpu.memory_space<vmem>> -> memref<1x32x128xf32, #tpu.memory_space<vmem>>
    %dma_wait3A_1249 = tpu.memref_squeeze %dma_wait3A_1248 : memref<1x32x128xf32, #tpu.memory_space<vmem>> -> memref<32x128xf32, #tpu.memory_space<vmem>>
    tpu.wait_dma2 semaphore(%arg8 : memref<!tpu.dma_semaphore, #tpu.memory_space<semaphore_mem>>) src(%dma_wait3A_1249 : memref<32x128xf32, #tpu.memory_space<vmem>>) dst(%dma_wait3A_1245 : memref<32x128xf32, #tpu.memory_space<hbm>>)
    %add3A_1250 = arith.constant 544 : i32
    %add3A_1251 = arith.addi %add3A_5, %add3A_1250 : i32
    %add3A_1252 = arith.constant 544 : i32
    %add3A_1253 = arith.addi %mul3A_2, %add3A_1252 : i32
    %run_scoped3A_1254 = arith.constant 1 : i32
    "tpu.region"() ({
      %run_scoped3A_1367 = tpu.sem_alloc : memref<!tpu.dma_semaphore, #tpu.memory_space<semaphore_mem>>
      %dma_start3A_1368 = arith.constant 0 : i32
      %dma_start3A_1369 = arith.constant 0 : i32
      %dma_start3A_1370 = tpu.memref_slice %arg5[%run_scoped3A_1254, %dma_start3A_1368, %dma_start3A_1369] : memref<12x32x128xf32, #tpu.memory_space<vmem>> -> memref<1x32x128xf32, #tpu.memory_space<vmem>>
      %dma_start3A_1371 = tpu.memref_squeeze %dma_start3A_1370 : memref<1x32x128xf32, #tpu.memory_space<vmem>> -> memref<32x128xf32, #tpu.memory_space<vmem>>
      %dma_start3A_1372 = arith.constant 0 : i32
      %dma_start3A_1373 = tpu.memref_slice %arg19[%add3A_1253, %dma_start3A_1372] : memref<10000x128xf32, #tpu.memory_space<vmem_shared>> -> memref<32x128xf32, #tpu.memory_space<vmem_shared>>
      %dma_start3A_1374 = arith.constant 0 : i32
      %dma_start3A_1375 = arith.constant 0 : i32
      %dma_start3A_1376 = tpu.memref_slice %arg5[%run_scoped3A_1254, %dma_start3A_1374, %dma_start3A_1375] : memref<12x32x128xf32, #tpu.memory_space<vmem>> -> memref<1x32x128xf32, #tpu.memory_space<vmem>>
      %dma_start3A_1377 = tpu.memref_squeeze %dma_start3A_1376 : memref<1x32x128xf32, #tpu.memory_space<vmem>> -> memref<32x128xf32, #tpu.memory_space<vmem>>
      %dma_start3A_1378 = arith.constant 0 : i32
      %dma_start3A_1379 = tpu.memref_slice %arg19[%add3A_1253, %dma_start3A_1378] : memref<10000x128xf32, #tpu.memory_space<vmem_shared>> -> memref<32x128xf32, #tpu.memory_space<vmem_shared>>
      tpu.enqueue_dma source(%dma_start3A_1379 : memref<32x128xf32, #tpu.memory_space<vmem_shared>>) target(%dma_start3A_1377 : memref<32x128xf32, #tpu.memory_space<vmem>>) target_semaphore(%run_scoped3A_1367 : memref<!tpu.dma_semaphore, #tpu.memory_space<semaphore_mem>>)
      %dma_wait3A_1380 = arith.constant 0 : i32
      %dma_wait3A_1381 = arith.constant 0 : i32
      %dma_wait3A_1382 = tpu.memref_slice %arg5[%run_scoped3A_1254, %dma_wait3A_1380, %dma_wait3A_1381] : memref<12x32x128xf32, #tpu.memory_space<vmem>> -> memref<1x32x128xf32, #tpu.memory_space<vmem>>
      %dma_wait3A_1383 = tpu.memref_squeeze %dma_wait3A_1382 : memref<1x32x128xf32, #tpu.memory_space<vmem>> -> memref<32x128xf32, #tpu.memory_space<vmem>>
      %dma_wait3A_1384 = arith.constant 0 : i32
      %dma_wait3A_1385 = tpu.memref_slice %arg19[%add3A_1253, %dma_wait3A_1384] : memref<10000x128xf32, #tpu.memory_space<vmem_shared>> -> memref<32x128xf32, #tpu.memory_space<vmem_shared>>
      %dma_wait3A_1386 = arith.constant 0 : i32
      %dma_wait3A_1387 = arith.constant 0 : i32
      %dma_wait3A_1388 = tpu.memref_slice %arg5[%run_scoped3A_1254, %dma_wait3A_1386, %dma_wait3A_1387] : memref<12x32x128xf32, #tpu.memory_space<vmem>> -> memref<1x32x128xf32, #tpu.memory_space<vmem>>
      %dma_wait3A_1389 = tpu.memref_squeeze %dma_wait3A_1388 : memref<1x32x128xf32, #tpu.memory_space<vmem>> -> memref<32x128xf32, #tpu.memory_space<vmem>>
      %dma_wait3A_1390 = arith.constant 0 : i32
      %dma_wait3A_1391 = tpu.memref_slice %arg19[%add3A_1253, %dma_wait3A_1390] : memref<10000x128xf32, #tpu.memory_space<vmem_shared>> -> memref<32x128xf32, #tpu.memory_space<vmem_shared>>
      tpu.wait_dma2 semaphore(%run_scoped3A_1367 : memref<!tpu.dma_semaphore, #tpu.memory_space<semaphore_mem>>) src(%dma_wait3A_1391 : memref<32x128xf32, #tpu.memory_space<vmem_shared>>) dst(%dma_wait3A_1389 : memref<32x128xf32, #tpu.memory_space<vmem>>)
      tpu.yield
    }) : () -> ()
    %dma_start3A_1255 = arith.constant 1 : i32
    %dma_start3A_1256 = arith.constant 0 : i32
    %dma_start3A_1257 = arith.constant 0 : i32
    %dma_start3A_1258 = tpu.memref_slice %arg5[%dma_start3A_1255, %dma_start3A_1256, %dma_start3A_1257] : memref<12x32x128xf32, #tpu.memory_space<vmem>> -> memref<1x32x128xf32, #tpu.memory_space<vmem>>
    %dma_start3A_1259 = tpu.memref_squeeze %dma_start3A_1258 : memref<1x32x128xf32, #tpu.memory_space<vmem>> -> memref<32x128xf32, #tpu.memory_space<vmem>>
    %dma_start3A_1260 = arith.constant 0 : i32
    %dma_start3A_1261 = tpu.memref_slice %arg4[%add3A_1251, %dma_start3A_1260] : memref<20000x128xf32, #tpu.memory_space<hbm>> -> memref<32x128xf32, #tpu.memory_space<hbm>>
    %dma_start3A_1262 = arith.constant 0 : i32
    %dma_start3A_1263 = tpu.memref_slice %arg4[%add3A_1251, %dma_start3A_1262] : memref<20000x128xf32, #tpu.memory_space<hbm>> -> memref<32x128xf32, #tpu.memory_space<hbm>>
    %dma_start3A_1264 = arith.constant 0 : i32
    %dma_start3A_1265 = arith.constant 0 : i32
    %dma_start3A_1266 = tpu.memref_slice %arg5[%dma_start3A_1255, %dma_start3A_1264, %dma_start3A_1265] : memref<12x32x128xf32, #tpu.memory_space<vmem>> -> memref<1x32x128xf32, #tpu.memory_space<vmem>>
    %dma_start3A_1267 = tpu.memref_squeeze %dma_start3A_1266 : memref<1x32x128xf32, #tpu.memory_space<vmem>> -> memref<32x128xf32, #tpu.memory_space<vmem>>
    tpu.enqueue_dma source(%dma_start3A_1267 : memref<32x128xf32, #tpu.memory_space<vmem>>) target(%dma_start3A_1263 : memref<32x128xf32, #tpu.memory_space<hbm>>) target_semaphore(%arg8 : memref<!tpu.dma_semaphore, #tpu.memory_space<semaphore_mem>>)
    %add3A_1268 = arith.constant 512 : i32
    %add3A_1269 = arith.addi %add3A_5, %add3A_1268 : i32
    %dma_wait3A_1270 = arith.constant 0 : i32
    %dma_wait3A_1271 = arith.constant 0 : i32
    %dma_wait3A_1272 = arith.constant 0 : i32
    %dma_wait3A_1273 = tpu.memref_slice %arg5[%dma_wait3A_1270, %dma_wait3A_1271, %dma_wait3A_1272] : memref<12x32x128xf32, #tpu.memory_space<vmem>> -> memref<1x32x128xf32, #tpu.memory_space<vmem>>
    %dma_wait3A_1274 = tpu.memref_squeeze %dma_wait3A_1273 : memref<1x32x128xf32, #tpu.memory_space<vmem>> -> memref<32x128xf32, #tpu.memory_space<vmem>>
    %dma_wait3A_1275 = arith.constant 0 : i32
    %dma_wait3A_1276 = tpu.memref_slice %arg4[%add3A_1269, %dma_wait3A_1275] : memref<20000x128xf32, #tpu.memory_space<hbm>> -> memref<32x128xf32, #tpu.memory_space<hbm>>
    %dma_wait3A_1277 = arith.constant 0 : i32
    %dma_wait3A_1278 = tpu.memref_slice %arg4[%add3A_1269, %dma_wait3A_1277] : memref<20000x128xf32, #tpu.memory_space<hbm>> -> memref<32x128xf32, #tpu.memory_space<hbm>>
    %dma_wait3A_1279 = arith.constant 0 : i32
    %dma_wait3A_1280 = arith.constant 0 : i32
    %dma_wait3A_1281 = tpu.memref_slice %arg5[%dma_wait3A_1270, %dma_wait3A_1279, %dma_wait3A_1280] : memref<12x32x128xf32, #tpu.memory_space<vmem>> -> memref<1x32x128xf32, #tpu.memory_space<vmem>>
    %dma_wait3A_1282 = tpu.memref_squeeze %dma_wait3A_1281 : memref<1x32x128xf32, #tpu.memory_space<vmem>> -> memref<32x128xf32, #tpu.memory_space<vmem>>
    tpu.wait_dma2 semaphore(%arg7 : memref<!tpu.dma_semaphore, #tpu.memory_space<semaphore_mem>>) src(%dma_wait3A_1282 : memref<32x128xf32, #tpu.memory_space<vmem>>) dst(%dma_wait3A_1278 : memref<32x128xf32, #tpu.memory_space<hbm>>)
    %add3A_1283 = arith.constant 576 : i32
    %add3A_1284 = arith.addi %add3A_5, %add3A_1283 : i32
    %add3A_1285 = arith.constant 576 : i32
    %add3A_1286 = arith.addi %mul3A_2, %add3A_1285 : i32
    %run_scoped3A_1287 = arith.constant 0 : i32
    "tpu.region"() ({
      %run_scoped3A_1367 = tpu.sem_alloc : memref<!tpu.dma_semaphore, #tpu.memory_space<semaphore_mem>>
      %dma_start3A_1368 = arith.constant 0 : i32
      %dma_start3A_1369 = arith.constant 0 : i32
      %dma_start3A_1370 = tpu.memref_slice %arg5[%run_scoped3A_1287, %dma_start3A_1368, %dma_start3A_1369] : memref<12x32x128xf32, #tpu.memory_space<vmem>> -> memref<1x32x128xf32, #tpu.memory_space<vmem>>
      %dma_start3A_1371 = tpu.memref_squeeze %dma_start3A_1370 : memref<1x32x128xf32, #tpu.memory_space<vmem>> -> memref<32x128xf32, #tpu.memory_space<vmem>>
      %dma_start3A_1372 = arith.constant 0 : i32
      %dma_start3A_1373 = tpu.memref_slice %arg19[%add3A_1286, %dma_start3A_1372] : memref<10000x128xf32, #tpu.memory_space<vmem_shared>> -> memref<32x128xf32, #tpu.memory_space<vmem_shared>>
      %dma_start3A_1374 = arith.constant 0 : i32
      %dma_start3A_1375 = arith.constant 0 : i32
      %dma_start3A_1376 = tpu.memref_slice %arg5[%run_scoped3A_1287, %dma_start3A_1374, %dma_start3A_1375] : memref<12x32x128xf32, #tpu.memory_space<vmem>> -> memref<1x32x128xf32, #tpu.memory_space<vmem>>
      %dma_start3A_1377 = tpu.memref_squeeze %dma_start3A_1376 : memref<1x32x128xf32, #tpu.memory_space<vmem>> -> memref<32x128xf32, #tpu.memory_space<vmem>>
      %dma_start3A_1378 = arith.constant 0 : i32
      %dma_start3A_1379 = tpu.memref_slice %arg19[%add3A_1286, %dma_start3A_1378] : memref<10000x128xf32, #tpu.memory_space<vmem_shared>> -> memref<32x128xf32, #tpu.memory_space<vmem_shared>>
      tpu.enqueue_dma source(%dma_start3A_1379 : memref<32x128xf32, #tpu.memory_space<vmem_shared>>) target(%dma_start3A_1377 : memref<32x128xf32, #tpu.memory_space<vmem>>) target_semaphore(%run_scoped3A_1367 : memref<!tpu.dma_semaphore, #tpu.memory_space<semaphore_mem>>)
      %dma_wait3A_1380 = arith.constant 0 : i32
      %dma_wait3A_1381 = arith.constant 0 : i32
      %dma_wait3A_1382 = tpu.memref_slice %arg5[%run_scoped3A_1287, %dma_wait3A_1380, %dma_wait3A_1381] : memref<12x32x128xf32, #tpu.memory_space<vmem>> -> memref<1x32x128xf32, #tpu.memory_space<vmem>>
      %dma_wait3A_1383 = tpu.memref_squeeze %dma_wait3A_1382 : memref<1x32x128xf32, #tpu.memory_space<vmem>> -> memref<32x128xf32, #tpu.memory_space<vmem>>
      %dma_wait3A_1384 = arith.constant 0 : i32
      %dma_wait3A_1385 = tpu.memref_slice %arg19[%add3A_1286, %dma_wait3A_1384] : memref<10000x128xf32, #tpu.memory_space<vmem_shared>> -> memref<32x128xf32, #tpu.memory_space<vmem_shared>>
      %dma_wait3A_1386 = arith.constant 0 : i32
      %dma_wait3A_1387 = arith.constant 0 : i32
      %dma_wait3A_1388 = tpu.memref_slice %arg5[%run_scoped3A_1287, %dma_wait3A_1386, %dma_wait3A_1387] : memref<12x32x128xf32, #tpu.memory_space<vmem>> -> memref<1x32x128xf32, #tpu.memory_space<vmem>>
      %dma_wait3A_1389 = tpu.memref_squeeze %dma_wait3A_1388 : memref<1x32x128xf32, #tpu.memory_space<vmem>> -> memref<32x128xf32, #tpu.memory_space<vmem>>
      %dma_wait3A_1390 = arith.constant 0 : i32
      %dma_wait3A_1391 = tpu.memref_slice %arg19[%add3A_1286, %dma_wait3A_1390] : memref<10000x128xf32, #tpu.memory_space<vmem_shared>> -> memref<32x128xf32, #tpu.memory_space<vmem_shared>>
      tpu.wait_dma2 semaphore(%run_scoped3A_1367 : memref<!tpu.dma_semaphore, #tpu.memory_space<semaphore_mem>>) src(%dma_wait3A_1391 : memref<32x128xf32, #tpu.memory_space<vmem_shared>>) dst(%dma_wait3A_1389 : memref<32x128xf32, #tpu.memory_space<vmem>>)
      tpu.yield
    }) : () -> ()
    %dma_start3A_1288 = arith.constant 0 : i32
    %dma_start3A_1289 = arith.constant 0 : i32
    %dma_start3A_1290 = arith.constant 0 : i32
    %dma_start3A_1291 = tpu.memref_slice %arg5[%dma_start3A_1288, %dma_start3A_1289, %dma_start3A_1290] : memref<12x32x128xf32, #tpu.memory_space<vmem>> -> memref<1x32x128xf32, #tpu.memory_space<vmem>>
    %dma_start3A_1292 = tpu.memref_squeeze %dma_start3A_1291 : memref<1x32x128xf32, #tpu.memory_space<vmem>> -> memref<32x128xf32, #tpu.memory_space<vmem>>
    %dma_start3A_1293 = arith.constant 0 : i32
    %dma_start3A_1294 = tpu.memref_slice %arg4[%add3A_1284, %dma_start3A_1293] : memref<20000x128xf32, #tpu.memory_space<hbm>> -> memref<32x128xf32, #tpu.memory_space<hbm>>
    %dma_start3A_1295 = arith.constant 0 : i32
    %dma_start3A_1296 = tpu.memref_slice %arg4[%add3A_1284, %dma_start3A_1295] : memref<20000x128xf32, #tpu.memory_space<hbm>> -> memref<32x128xf32, #tpu.memory_space<hbm>>
    %dma_start3A_1297 = arith.constant 0 : i32
    %dma_start3A_1298 = arith.constant 0 : i32
    %dma_start3A_1299 = tpu.memref_slice %arg5[%dma_start3A_1288, %dma_start3A_1297, %dma_start3A_1298] : memref<12x32x128xf32, #tpu.memory_space<vmem>> -> memref<1x32x128xf32, #tpu.memory_space<vmem>>
    %dma_start3A_1300 = tpu.memref_squeeze %dma_start3A_1299 : memref<1x32x128xf32, #tpu.memory_space<vmem>> -> memref<32x128xf32, #tpu.memory_space<vmem>>
    tpu.enqueue_dma source(%dma_start3A_1300 : memref<32x128xf32, #tpu.memory_space<vmem>>) target(%dma_start3A_1296 : memref<32x128xf32, #tpu.memory_space<hbm>>) target_semaphore(%arg7 : memref<!tpu.dma_semaphore, #tpu.memory_space<semaphore_mem>>)
    %add3A_1301 = arith.constant 544 : i32
    %add3A_1302 = arith.addi %add3A_5, %add3A_1301 : i32
    %dma_wait3A_1303 = arith.constant 1 : i32
    %dma_wait3A_1304 = arith.constant 0 : i32
    %dma_wait3A_1305 = arith.constant 0 : i32
    %dma_wait3A_1306 = tpu.memref_slice %arg5[%dma_wait3A_1303, %dma_wait3A_1304, %dma_wait3A_1305] : memref<12x32x128xf32, #tpu.memory_space<vmem>> -> memref<1x32x128xf32, #tpu.memory_space<vmem>>
    %dma_wait3A_1307 = tpu.memref_squeeze %dma_wait3A_1306 : memref<1x32x128xf32, #tpu.memory_space<vmem>> -> memref<32x128xf32, #tpu.memory_space<vmem>>
    %dma_wait3A_1308 = arith.constant 0 : i32
    %dma_wait3A_1309 = tpu.memref_slice %arg4[%add3A_1302, %dma_wait3A_1308] : memref<20000x128xf32, #tpu.memory_space<hbm>> -> memref<32x128xf32, #tpu.memory_space<hbm>>
    %dma_wait3A_1310 = arith.constant 0 : i32
    %dma_wait3A_1311 = tpu.memref_slice %arg4[%add3A_1302, %dma_wait3A_1310] : memref<20000x128xf32, #tpu.memory_space<hbm>> -> memref<32x128xf32, #tpu.memory_space<hbm>>
    %dma_wait3A_1312 = arith.constant 0 : i32
    %dma_wait3A_1313 = arith.constant 0 : i32
    %dma_wait3A_1314 = tpu.memref_slice %arg5[%dma_wait3A_1303, %dma_wait3A_1312, %dma_wait3A_1313] : memref<12x32x128xf32, #tpu.memory_space<vmem>> -> memref<1x32x128xf32, #tpu.memory_space<vmem>>
    %dma_wait3A_1315 = tpu.memref_squeeze %dma_wait3A_1314 : memref<1x32x128xf32, #tpu.memory_space<vmem>> -> memref<32x128xf32, #tpu.memory_space<vmem>>
    tpu.wait_dma2 semaphore(%arg8 : memref<!tpu.dma_semaphore, #tpu.memory_space<semaphore_mem>>) src(%dma_wait3A_1315 : memref<32x128xf32, #tpu.memory_space<vmem>>) dst(%dma_wait3A_1311 : memref<32x128xf32, #tpu.memory_space<hbm>>)
    %add3A_1316 = arith.constant 608 : i32
    %add3A_1317 = arith.addi %add3A_5, %add3A_1316 : i32
    %add3A_1318 = arith.constant 608 : i32
    %add3A_1319 = arith.addi %mul3A_2, %add3A_1318 : i32
    %run_scoped3A_1320 = arith.constant 1 : i32
    "tpu.region"() ({
      %run_scoped3A_1367 = tpu.sem_alloc : memref<!tpu.dma_semaphore, #tpu.memory_space<semaphore_mem>>
      %dma_start3A_1368 = arith.constant 0 : i32
      %dma_start3A_1369 = arith.constant 0 : i32
      %dma_start3A_1370 = tpu.memref_slice %arg5[%run_scoped3A_1320, %dma_start3A_1368, %dma_start3A_1369] : memref<12x32x128xf32, #tpu.memory_space<vmem>> -> memref<1x16x128xf32, #tpu.memory_space<vmem>>
      %dma_start3A_1371 = tpu.memref_squeeze %dma_start3A_1370 : memref<1x16x128xf32, #tpu.memory_space<vmem>> -> memref<16x128xf32, #tpu.memory_space<vmem>>
      %dma_start3A_1372 = arith.constant 0 : i32
      %dma_start3A_1373 = tpu.memref_slice %arg19[%add3A_1319, %dma_start3A_1372] : memref<10000x128xf32, #tpu.memory_space<vmem_shared>> -> memref<16x128xf32, #tpu.memory_space<vmem_shared>>
      %dma_start3A_1374 = arith.constant 0 : i32
      %dma_start3A_1375 = arith.constant 0 : i32
      %dma_start3A_1376 = tpu.memref_slice %arg5[%run_scoped3A_1320, %dma_start3A_1374, %dma_start3A_1375] : memref<12x32x128xf32, #tpu.memory_space<vmem>> -> memref<1x16x128xf32, #tpu.memory_space<vmem>>
      %dma_start3A_1377 = tpu.memref_squeeze %dma_start3A_1376 : memref<1x16x128xf32, #tpu.memory_space<vmem>> -> memref<16x128xf32, #tpu.memory_space<vmem>>
      %dma_start3A_1378 = arith.constant 0 : i32
      %dma_start3A_1379 = tpu.memref_slice %arg19[%add3A_1319, %dma_start3A_1378] : memref<10000x128xf32, #tpu.memory_space<vmem_shared>> -> memref<16x128xf32, #tpu.memory_space<vmem_shared>>
      tpu.enqueue_dma source(%dma_start3A_1379 : memref<16x128xf32, #tpu.memory_space<vmem_shared>>) target(%dma_start3A_1377 : memref<16x128xf32, #tpu.memory_space<vmem>>) target_semaphore(%run_scoped3A_1367 : memref<!tpu.dma_semaphore, #tpu.memory_space<semaphore_mem>>)
      %dma_wait3A_1380 = arith.constant 0 : i32
      %dma_wait3A_1381 = arith.constant 0 : i32
      %dma_wait3A_1382 = tpu.memref_slice %arg5[%run_scoped3A_1320, %dma_wait3A_1380, %dma_wait3A_1381] : memref<12x32x128xf32, #tpu.memory_space<vmem>> -> memref<1x16x128xf32, #tpu.memory_space<vmem>>
      %dma_wait3A_1383 = tpu.memref_squeeze %dma_wait3A_1382 : memref<1x16x128xf32, #tpu.memory_space<vmem>> -> memref<16x128xf32, #tpu.memory_space<vmem>>
      %dma_wait3A_1384 = arith.constant 0 : i32
      %dma_wait3A_1385 = tpu.memref_slice %arg19[%add3A_1319, %dma_wait3A_1384] : memref<10000x128xf32, #tpu.memory_space<vmem_shared>> -> memref<16x128xf32, #tpu.memory_space<vmem_shared>>
      %dma_wait3A_1386 = arith.constant 0 : i32
      %dma_wait3A_1387 = arith.constant 0 : i32
      %dma_wait3A_1388 = tpu.memref_slice %arg5[%run_scoped3A_1320, %dma_wait3A_1386, %dma_wait3A_1387] : memref<12x32x128xf32, #tpu.memory_space<vmem>> -> memref<1x16x128xf32, #tpu.memory_space<vmem>>
      %dma_wait3A_1389 = tpu.memref_squeeze %dma_wait3A_1388 : memref<1x16x128xf32, #tpu.memory_space<vmem>> -> memref<16x128xf32, #tpu.memory_space<vmem>>
      %dma_wait3A_1390 = arith.constant 0 : i32
      %dma_wait3A_1391 = tpu.memref_slice %arg19[%add3A_1319, %dma_wait3A_1390] : memref<10000x128xf32, #tpu.memory_space<vmem_shared>> -> memref<16x128xf32, #tpu.memory_space<vmem_shared>>
      tpu.wait_dma2 semaphore(%run_scoped3A_1367 : memref<!tpu.dma_semaphore, #tpu.memory_space<semaphore_mem>>) src(%dma_wait3A_1391 : memref<16x128xf32, #tpu.memory_space<vmem_shared>>) dst(%dma_wait3A_1389 : memref<16x128xf32, #tpu.memory_space<vmem>>)
      tpu.yield
    }) : () -> ()
    %dma_start3A_1321 = arith.constant 1 : i32
    %dma_start3A_1322 = arith.constant 0 : i32
    %dma_start3A_1323 = arith.constant 0 : i32
    %dma_start3A_1324 = tpu.memref_slice %arg5[%dma_start3A_1321, %dma_start3A_1322, %dma_start3A_1323] : memref<12x32x128xf32, #tpu.memory_space<vmem>> -> memref<1x16x128xf32, #tpu.memory_space<vmem>>
    %dma_start3A_1325 = tpu.memref_squeeze %dma_start3A_1324 : memref<1x16x128xf32, #tpu.memory_space<vmem>> -> memref<16x128xf32, #tpu.memory_space<vmem>>
    %dma_start3A_1326 = arith.constant 0 : i32
    %dma_start3A_1327 = tpu.memref_slice %arg4[%add3A_1317, %dma_start3A_1326] : memref<20000x128xf32, #tpu.memory_space<hbm>> -> memref<16x128xf32, #tpu.memory_space<hbm>>
    %dma_start3A_1328 = arith.constant 0 : i32
    %dma_start3A_1329 = tpu.memref_slice %arg4[%add3A_1317, %dma_start3A_1328] : memref<20000x128xf32, #tpu.memory_space<hbm>> -> memref<16x128xf32, #tpu.memory_space<hbm>>
    %dma_start3A_1330 = arith.constant 0 : i32
    %dma_start3A_1331 = arith.constant 0 : i32
    %dma_start3A_1332 = tpu.memref_slice %arg5[%dma_start3A_1321, %dma_start3A_1330, %dma_start3A_1331] : memref<12x32x128xf32, #tpu.memory_space<vmem>> -> memref<1x16x128xf32, #tpu.memory_space<vmem>>
    %dma_start3A_1333 = tpu.memref_squeeze %dma_start3A_1332 : memref<1x16x128xf32, #tpu.memory_space<vmem>> -> memref<16x128xf32, #tpu.memory_space<vmem>>
    tpu.enqueue_dma source(%dma_start3A_1333 : memref<16x128xf32, #tpu.memory_space<vmem>>) target(%dma_start3A_1329 : memref<16x128xf32, #tpu.memory_space<hbm>>) target_semaphore(%arg8 : memref<!tpu.dma_semaphore, #tpu.memory_space<semaphore_mem>>)
    %add3A_1334 = arith.constant 576 : i32
    %add3A_1335 = arith.addi %add3A_5, %add3A_1334 : i32
    %dma_wait3A_1336 = arith.constant 0 : i32
    %dma_wait3A_1337 = arith.constant 0 : i32
    %dma_wait3A_1338 = arith.constant 0 : i32
    %dma_wait3A_1339 = tpu.memref_slice %arg5[%dma_wait3A_1336, %dma_wait3A_1337, %dma_wait3A_1338] : memref<12x32x128xf32, #tpu.memory_space<vmem>> -> memref<1x32x128xf32, #tpu.memory_space<vmem>>
    %dma_wait3A_1340 = tpu.memref_squeeze %dma_wait3A_1339 : memref<1x32x128xf32, #tpu.memory_space<vmem>> -> memref<32x128xf32, #tpu.memory_space<vmem>>
    %dma_wait3A_1341 = arith.constant 0 : i32
    %dma_wait3A_1342 = tpu.memref_slice %arg4[%add3A_1335, %dma_wait3A_1341] : memref<20000x128xf32, #tpu.memory_space<hbm>> -> memref<32x128xf32, #tpu.memory_space<hbm>>
    %dma_wait3A_1343 = arith.constant 0 : i32
    %dma_wait3A_1344 = tpu.memref_slice %arg4[%add3A_1335, %dma_wait3A_1343] : memref<20000x128xf32, #tpu.memory_space<hbm>> -> memref<32x128xf32, #tpu.memory_space<hbm>>
    %dma_wait3A_1345 = arith.constant 0 : i32
    %dma_wait3A_1346 = arith.constant 0 : i32
    %dma_wait3A_1347 = tpu.memref_slice %arg5[%dma_wait3A_1336, %dma_wait3A_1345, %dma_wait3A_1346] : memref<12x32x128xf32, #tpu.memory_space<vmem>> -> memref<1x32x128xf32, #tpu.memory_space<vmem>>
    %dma_wait3A_1348 = tpu.memref_squeeze %dma_wait3A_1347 : memref<1x32x128xf32, #tpu.memory_space<vmem>> -> memref<32x128xf32, #tpu.memory_space<vmem>>
    tpu.wait_dma2 semaphore(%arg7 : memref<!tpu.dma_semaphore, #tpu.memory_space<semaphore_mem>>) src(%dma_wait3A_1348 : memref<32x128xf32, #tpu.memory_space<vmem>>) dst(%dma_wait3A_1344 : memref<32x128xf32, #tpu.memory_space<hbm>>)
    %add3A_1349 = arith.constant 608 : i32
    %add3A_1350 = arith.addi %add3A_5, %add3A_1349 : i32
    %dma_wait3A_1351 = arith.constant 1 : i32
    %dma_wait3A_1352 = arith.constant 0 : i32
    %dma_wait3A_1353 = arith.constant 0 : i32
    %dma_wait3A_1354 = tpu.memref_slice %arg5[%dma_wait3A_1351, %dma_wait3A_1352, %dma_wait3A_1353] : memref<12x32x128xf32, #tpu.memory_space<vmem>> -> memref<1x16x128xf32, #tpu.memory_space<vmem>>
    %dma_wait3A_1355 = tpu.memref_squeeze %dma_wait3A_1354 : memref<1x16x128xf32, #tpu.memory_space<vmem>> -> memref<16x128xf32, #tpu.memory_space<vmem>>
    %dma_wait3A_1356 = arith.constant 0 : i32
    %dma_wait3A_1357 = tpu.memref_slice %arg4[%add3A_1350, %dma_wait3A_1356] : memref<20000x128xf32, #tpu.memory_space<hbm>> -> memref<16x128xf32, #tpu.memory_space<hbm>>
    %dma_wait3A_1358 = arith.constant 0 : i32
    %dma_wait3A_1359 = tpu.memref_slice %arg4[%add3A_1350, %dma_wait3A_1358] : memref<20000x128xf32, #tpu.memory_space<hbm>> -> memref<16x128xf32, #tpu.memory_space<hbm>>
    %dma_wait3A_1360 = arith.constant 0 : i32
    %dma_wait3A_1361 = arith.constant 0 : i32
    %dma_wait3A_1362 = tpu.memref_slice %arg5[%dma_wait3A_1351, %dma_wait3A_1360, %dma_wait3A_1361] : memref<12x32x128xf32, #tpu.memory_space<vmem>> -> memref<1x16x128xf32, #tpu.memory_space<vmem>>
    %dma_wait3A_1363 = tpu.memref_squeeze %dma_wait3A_1362 : memref<1x16x128xf32, #tpu.memory_space<vmem>> -> memref<16x128xf32, #tpu.memory_space<vmem>>
    tpu.wait_dma2 semaphore(%arg8 : memref<!tpu.dma_semaphore, #tpu.memory_space<semaphore_mem>>) src(%dma_wait3A_1363 : memref<16x128xf32, #tpu.memory_space<vmem>>) dst(%dma_wait3A_1359 : memref<16x128xf32, #tpu.memory_space<hbm>>)
    %convert_element_type3A_1364 = arith.extui %eq3A_6 : i1 to i32
    %cond3A_1365 = arith.constant 0 : i32
    %cond3A_1366 = arith.cmpi ne, %convert_element_type3A_1364, %cond3A_1365 : i32
    scf.if %cond3A_1366 {
      %add3A_1367 = arith.constant 624 : i32
      %add3A_1368 = arith.addi %mul3A_2, %add3A_1367 : i32
      %run_scoped3A_1369 = arith.constant 0 : i32
      "tpu.region"() ({
        %run_scoped3A_1373 = tpu.sem_alloc : memref<!tpu.dma_semaphore, #tpu.memory_space<semaphore_mem>>
        %dma_start3A_1374 = arith.constant 0 : i32
        %dma_start3A_1375 = arith.constant 0 : i32
        %dma_start3A_1376 = tpu.memref_slice %arg5[%run_scoped3A_1369, %dma_start3A_1374, %dma_start3A_1375] : memref<12x32x128xf32, #tpu.memory_space<vmem>> -> memref<1x16x128xf32, #tpu.memory_space<vmem>>
        %dma_start3A_1377 = tpu.memref_squeeze %dma_start3A_1376 : memref<1x16x128xf32, #tpu.memory_space<vmem>> -> memref<16x128xf32, #tpu.memory_space<vmem>>
        %dma_start3A_1378 = arith.constant 0 : i32
        %dma_start3A_1379 = tpu.memref_slice %arg19[%add3A_1368, %dma_start3A_1378] : memref<10000x128xf32, #tpu.memory_space<vmem_shared>> -> memref<16x128xf32, #tpu.memory_space<vmem_shared>>
        %dma_start3A_1380 = arith.constant 0 : i32
        %dma_start3A_1381 = arith.constant 0 : i32
        %dma_start3A_1382 = tpu.memref_slice %arg5[%run_scoped3A_1369, %dma_start3A_1380, %dma_start3A_1381] : memref<12x32x128xf32, #tpu.memory_space<vmem>> -> memref<1x16x128xf32, #tpu.memory_space<vmem>>
        %dma_start3A_1383 = tpu.memref_squeeze %dma_start3A_1382 : memref<1x16x128xf32, #tpu.memory_space<vmem>> -> memref<16x128xf32, #tpu.memory_space<vmem>>
        %dma_start3A_1384 = arith.constant 0 : i32
        %dma_start3A_1385 = tpu.memref_slice %arg19[%add3A_1368, %dma_start3A_1384] : memref<10000x128xf32, #tpu.memory_space<vmem_shared>> -> memref<16x128xf32, #tpu.memory_space<vmem_shared>>
        tpu.enqueue_dma source(%dma_start3A_1385 : memref<16x128xf32, #tpu.memory_space<vmem_shared>>) target(%dma_start3A_1383 : memref<16x128xf32, #tpu.memory_space<vmem>>) target_semaphore(%run_scoped3A_1373 : memref<!tpu.dma_semaphore, #tpu.memory_space<semaphore_mem>>)
        %dma_wait3A_1386 = arith.constant 0 : i32
        %dma_wait3A_1387 = arith.constant 0 : i32
        %dma_wait3A_1388 = tpu.memref_slice %arg5[%run_scoped3A_1369, %dma_wait3A_1386, %dma_wait3A_1387] : memref<12x32x128xf32, #tpu.memory_space<vmem>> -> memref<1x16x128xf32, #tpu.memory_space<vmem>>
        %dma_wait3A_1389 = tpu.memref_squeeze %dma_wait3A_1388 : memref<1x16x128xf32, #tpu.memory_space<vmem>> -> memref<16x128xf32, #tpu.memory_space<vmem>>
        %dma_wait3A_1390 = arith.constant 0 : i32
        %dma_wait3A_1391 = tpu.memref_slice %arg19[%add3A_1368, %dma_wait3A_1390] : memref<10000x128xf32, #tpu.memory_space<vmem_shared>> -> memref<16x128xf32, #tpu.memory_space<vmem_shared>>
        %dma_wait3A_1392 = arith.constant 0 : i32
        %dma_wait3A_1393 = arith.constant 0 : i32
        %dma_wait3A_1394 = tpu.memref_slice %arg5[%run_scoped3A_1369, %dma_wait3A_1392, %dma_wait3A_1393] : memref<12x32x128xf32, #tpu.memory_space<vmem>> -> memref<1x16x128xf32, #tpu.memory_space<vmem>>
        %dma_wait3A_1395 = tpu.memref_squeeze %dma_wait3A_1394 : memref<1x16x128xf32, #tpu.memory_space<vmem>> -> memref<16x128xf32, #tpu.memory_space<vmem>>
        %dma_wait3A_1396 = arith.constant 0 : i32
        %dma_wait3A_1397 = tpu.memref_slice %arg19[%add3A_1368, %dma_wait3A_1396] : memref<10000x128xf32, #tpu.memory_space<vmem_shared>> -> memref<16x128xf32, #tpu.memory_space<vmem_shared>>
        tpu.wait_dma2 semaphore(%run_scoped3A_1373 : memref<!tpu.dma_semaphore, #tpu.memory_space<semaphore_mem>>) src(%dma_wait3A_1397 : memref<16x128xf32, #tpu.memory_space<vmem_shared>>) dst(%dma_wait3A_1395 : memref<16x128xf32, #tpu.memory_space<vmem>>)
        tpu.yield
      }) : () -> ()
      %add3A_1370 = arith.constant 624 : i32
      %add3A_1371 = arith.addi %add3A_5, %add3A_1370 : i32
      %run_scoped3A_1372 = arith.constant 0 : i32
      "tpu.region"() ({
        %run_scoped3A_1373 = tpu.sem_alloc : memref<!tpu.dma_semaphore, #tpu.memory_space<semaphore_mem>>
        %dma_start3A_1374 = arith.constant 0 : i32
        %dma_start3A_1375 = arith.constant 0 : i32
        %dma_start3A_1376 = tpu.memref_slice %arg5[%run_scoped3A_1372, %dma_start3A_1374, %dma_start3A_1375] : memref<12x32x128xf32, #tpu.memory_space<vmem>> -> memref<1x16x128xf32, #tpu.memory_space<vmem>>
        %dma_start3A_1377 = tpu.memref_squeeze %dma_start3A_1376 : memref<1x16x128xf32, #tpu.memory_space<vmem>> -> memref<16x128xf32, #tpu.memory_space<vmem>>
        %dma_start3A_1378 = arith.constant 0 : i32
        %dma_start3A_1379 = tpu.memref_slice %arg4[%add3A_1371, %dma_start3A_1378] : memref<20000x128xf32, #tpu.memory_space<hbm>> -> memref<16x128xf32, #tpu.memory_space<hbm>>
        %dma_start3A_1380 = arith.constant 0 : i32
        %dma_start3A_1381 = tpu.memref_slice %arg4[%add3A_1371, %dma_start3A_1380] : memref<20000x128xf32, #tpu.memory_space<hbm>> -> memref<16x128xf32, #tpu.memory_space<hbm>>
        %dma_start3A_1382 = arith.constant 0 : i32
        %dma_start3A_1383 = arith.constant 0 : i32
        %dma_start3A_1384 = tpu.memref_slice %arg5[%run_scoped3A_1372, %dma_start3A_1382, %dma_start3A_1383] : memref<12x32x128xf32, #tpu.memory_space<vmem>> -> memref<1x16x128xf32, #tpu.memory_space<vmem>>
        %dma_start3A_1385 = tpu.memref_squeeze %dma_start3A_1384 : memref<1x16x128xf32, #tpu.memory_space<vmem>> -> memref<16x128xf32, #tpu.memory_space<vmem>>
        tpu.enqueue_dma source(%dma_start3A_1385 : memref<16x128xf32, #tpu.memory_space<vmem>>) target(%dma_start3A_1381 : memref<16x128xf32, #tpu.memory_space<hbm>>) target_semaphore(%run_scoped3A_1373 : memref<!tpu.dma_semaphore, #tpu.memory_space<semaphore_mem>>)
        %dma_wait3A_1386 = arith.constant 0 : i32
        %dma_wait3A_1387 = arith.constant 0 : i32
        %dma_wait3A_1388 = tpu.memref_slice %arg5[%run_scoped3A_1372, %dma_wait3A_1386, %dma_wait3A_1387] : memref<12x32x128xf32, #tpu.memory_space<vmem>> -> memref<1x16x128xf32, #tpu.memory_space<vmem>>
        %dma_wait3A_1389 = tpu.memref_squeeze %dma_wait3A_1388 : memref<1x16x128xf32, #tpu.memory_space<vmem>> -> memref<16x128xf32, #tpu.memory_space<vmem>>
        %dma_wait3A_1390 = arith.constant 0 : i32
        %dma_wait3A_1391 = tpu.memref_slice %arg4[%add3A_1371, %dma_wait3A_1390] : memref<20000x128xf32, #tpu.memory_space<hbm>> -> memref<16x128xf32, #tpu.memory_space<hbm>>
        %dma_wait3A_1392 = arith.constant 0 : i32
        %dma_wait3A_1393 = tpu.memref_slice %arg4[%add3A_1371, %dma_wait3A_1392] : memref<20000x128xf32, #tpu.memory_space<hbm>> -> memref<16x128xf32, #tpu.memory_space<hbm>>
        %dma_wait3A_1394 = arith.constant 0 : i32
        %dma_wait3A_1395 = arith.constant 0 : i32
        %dma_wait3A_1396 = tpu.memref_slice %arg5[%run_scoped3A_1372, %dma_wait3A_1394, %dma_wait3A_1395] : memref<12x32x128xf32, #tpu.memory_space<vmem>> -> memref<1x16x128xf32, #tpu.memory_space<vmem>>
        %dma_wait3A_1397 = tpu.memref_squeeze %dma_wait3A_1396 : memref<1x16x128xf32, #tpu.memory_space<vmem>> -> memref<16x128xf32, #tpu.memory_space<vmem>>
        tpu.wait_dma2 semaphore(%run_scoped3A_1373 : memref<!tpu.dma_semaphore, #tpu.memory_space<semaphore_mem>>) src(%dma_wait3A_1397 : memref<16x128xf32, #tpu.memory_space<vmem>>) dst(%dma_wait3A_1393 : memref<16x128xf32, #tpu.memory_space<hbm>>)
        tpu.yield
      }) : () -> ()
    } else {
    }
    return
  }
}

module attributes {stable_mosaic.version = 14 : i64} {
  func.func @_mlp_body(%arg0: i32, %arg1: memref<1000x128xf32, #tpu.memory_space<vmem>>, %arg2: memref<1000x128xf32, #tpu.memory_space<vmem>>, %arg3: memref<128x100xf32, #tpu.memory_space<vmem>>, %arg4: memref<1x100xf32, #tpu.memory_space<vmem>>, %arg5: memref<100x128xf32, #tpu.memory_space<vmem>>, %arg6: memref<1x128xf32, #tpu.memory_space<vmem>>, %arg7: memref<1000x128xf32, #tpu.memory_space<vmem>>) attributes {dimension_semantics = [#tpu.dimension_semantics<arbitrary>], iteration_bounds = array<i64: 10>, scalar_prefetch = 0 : i64, scratch_operands = 0 : i64, tpu.core_type = #tpu.core_type<tc>, window_params = [{transform_indices = @transform_0, window_bounds = array<i64: 1000, 128>}, {transform_indices = @transform_1, window_bounds = array<i64: 1000, 128>}, {pipeline_mode = #tpu.pipeline_mode<synchronous>, transform_indices = @transform_2, window_bounds = array<i64: 128, 100>}, {pipeline_mode = #tpu.pipeline_mode<synchronous>, transform_indices = @transform_3, window_bounds = array<i64: 1, 100>}, {pipeline_mode = #tpu.pipeline_mode<synchronous>, transform_indices = @transform_4, window_bounds = array<i64: 100, 128>}, {pipeline_mode = #tpu.pipeline_mode<synchronous>, transform_indices = @transform_5, window_bounds = array<i64: 1, 128>}, {transform_indices = @transform_6, window_bounds = array<i64: 1000, 128>}]} {
    %get3A = arith.constant 0 : index
    %get3A_0 = arith.constant 0 : index
    %get3A_1 = vector.load %arg1[%get3A, %get3A_0] : memref<1000x128xf32, #tpu.memory_space<vmem>>, vector<1000x128xf32>
    %get3A_2 = arith.constant 0 : index
    %get3A_3 = arith.constant 0 : index
    %get3A_4 = vector.load %arg2[%get3A_2, %get3A_3] : memref<1000x128xf32, #tpu.memory_space<vmem>>, vector<1000x128xf32>
    %add3A = arith.addf %get3A_1, %get3A_4 : vector<1000x128xf32>
    %get3A_5 = arith.constant 0 : index
    %get3A_6 = arith.constant 0 : index
    %get3A_7 = vector.load %arg3[%get3A_5, %get3A_6] : memref<128x100xf32, #tpu.memory_space<vmem>>, vector<128x100xf32>
    %dot_general3A = arith.constant dense<0.000000e+00> : vector<1000x100xf32>
    %dot_general3A_8 = tpu.matmul %add3A, %get3A_7, %dot_general3A {dimension_numbers = #tpu.dot_dimension_numbers<[1], [0], [0], [1], [0, 0, 1, 1], [], []>, transpose_lhs_hint = false} : vector<1000x128xf32>, vector<128x100xf32>, vector<1000x100xf32> -> vector<1000x100xf32>
    %get3A_9 = arith.constant 0 : index
    %get3A_10 = arith.constant 0 : index
    %get3A_11 = vector.load %arg4[%get3A_9, %get3A_10] : memref<1x100xf32, #tpu.memory_space<vmem>>, vector<1x100xf32>
    %add3A_12 = vector.broadcast %get3A_11 : vector<1x100xf32> to vector<1000x100xf32>
    %add3A_13 = arith.addf %dot_general3A_8, %add3A_12 : vector<1000x100xf32>
    %max3A = arith.constant 0.000000e+00 : f32
    %max3A_14 = vector.broadcast %max3A : f32 to vector<1000x100xf32>
    %max3A_15 = arith.maximumf %add3A_13, %max3A_14 : vector<1000x100xf32>
    %get3A_16 = arith.constant 0 : index
    %get3A_17 = arith.constant 0 : index
    %get3A_18 = vector.load %arg5[%get3A_16, %get3A_17] : memref<100x128xf32, #tpu.memory_space<vmem>>, vector<100x128xf32>
    %dot_general3A_19 = arith.constant dense<0.000000e+00> : vector<1000x128xf32>
    %dot_general3A_20 = tpu.matmul %max3A_15, %get3A_18, %dot_general3A_19 {dimension_numbers = #tpu.dot_dimension_numbers<[1], [0], [0], [1], [0, 0, 1, 1], [], []>, transpose_lhs_hint = false} : vector<1000x100xf32>, vector<100x128xf32>, vector<1000x128xf32> -> vector<1000x128xf32>
    %get3A_21 = arith.constant 0 : index
    %get3A_22 = arith.constant 0 : index
    %get3A_23 = vector.load %arg6[%get3A_21, %get3A_22] : memref<1x128xf32, #tpu.memory_space<vmem>>, vector<1x128xf32>
    %add3A_24 = vector.broadcast %get3A_23 : vector<1x128xf32> to vector<1000x128xf32>
    %add3A_25 = arith.addf %dot_general3A_20, %add3A_24 : vector<1000x128xf32>
    %max3A_26 = arith.constant 0.000000e+00 : f32
    %max3A_27 = vector.broadcast %max3A_26 : f32 to vector<1000x128xf32>
    %max3A_28 = arith.maximumf %add3A_25, %max3A_27 : vector<1000x128xf32>
    %swap3A = arith.constant 0 : index
    %swap3A_29 = arith.constant 0 : index
    %swap3A_30 = vector.load %arg7[%swap3A, %swap3A_29] : memref<1000x128xf32, #tpu.memory_space<vmem>>, vector<1000x128xf32>
    tpu.vector_store %arg7[%swap3A, %swap3A_29], %max3A_28 {strides = array<i32>} : memref<1000x128xf32, #tpu.memory_space<vmem>>, vector<1000x128xf32>,
    return
  }
  func.func @transform_0(%arg0: i32) -> (i32, i32) {
    %c0_i32 = arith.constant 0 : i32
    %c0_i32_0 = arith.constant 0 : i32
    return %arg0, %c0_i32 : i32, i32
  }
  func.func @transform_1(%arg0: i32) -> (i32, i32) {
    %add3A = arith.constant 10 : i32
    %add3A_0 = arith.addi %arg0, %add3A : i32
    %c0_i32 = arith.constant 0 : i32
    %c0_i32_1 = arith.constant 0 : i32
    return %add3A_0, %c0_i32 : i32, i32
  }
  func.func @transform_2(%arg0: i32) -> (i32, i32) {
    %c0_i32 = arith.constant 0 : i32
    %c0_i32_0 = arith.constant 0 : i32
    %c0_i32_1 = arith.constant 0 : i32
    return %c0_i32, %c0_i32_0 : i32, i32
  }
  func.func @transform_3(%arg0: i32) -> (i32, i32) {
    %c0_i32 = arith.constant 0 : i32
    %c0_i32_0 = arith.constant 0 : i32
    %c0_i32_1 = arith.constant 0 : i32
    return %c0_i32, %c0_i32_0 : i32, i32
  }
  func.func @transform_4(%arg0: i32) -> (i32, i32) {
    %c0_i32 = arith.constant 0 : i32
    %c0_i32_0 = arith.constant 0 : i32
    %c0_i32_1 = arith.constant 0 : i32
    return %c0_i32, %c0_i32_0 : i32, i32
  }
  func.func @transform_5(%arg0: i32) -> (i32, i32) {
    %c0_i32 = arith.constant 0 : i32
    %c0_i32_0 = arith.constant 0 : i32
    %c0_i32_1 = arith.constant 0 : i32
    return %c0_i32, %c0_i32_0 : i32, i32
  }
  func.func @transform_6(%arg0: i32) -> (i32, i32) {
    %c0_i32 = arith.constant 0 : i32
    %c0_i32_0 = arith.constant 0 : i32
    return %arg0, %c0_i32 : i32, i32
  }
}

</mosaic_0001>

<sc_bundles>
// kernel: kernel.4.cloned.1.call-start
scs
__scs_entry_jumppad:
0x0: {  	(pc) =	sbr.rel $0x88, $3  }
0x1: {  	(tag) =	ssettag $0x0;
	lr =	simm.s32 $0x1  }
0x2: {  	[smem:$0x3F9B] =	sst lr;
	_ =	strace $0xD0000000  }
0x3: {  	_ = 	snop  }
0x4: {  	_ = 	snop  }
0x5: {  	_ = 	snop  }
0x6: {  	_ = 	snop  }
0x7: {  	_ = 	snop  }
__scs_overlays_trampoline_lowered:
0x8: {  	[smem:$0x3FAA] =	sst s0  }
0x9: {  	[smem:$0x3FAB] =	sst s1  }
0xa: {  	[smem:$0x3FAC] =	sst s2  }
0xb: {  	[smem:$0x3FAD] =	sst s3  }
0xc: {  	[smem:$0x3FAE] =	sst s4  }
0xd: {  	[smem:$0x3FAF] =	sst s5  }
0xe: {  	[smem:$0x3FB0] =	sst s6  }
0xf: {  	[smem:$0x3FB1] =	sst s7  }
0x10: {  	[smem:$0x3FB2] =	sst s8  }
0x11: {  	[smem:$0x3FB3] =	sst s9;
	s0 =	simm.s32 @!p0 $0x0  }
0x12: {  	s1 =	sld [smem:$0x3F99];
	s0 =	simm.s32 @p0 $0x1  }
0x13: {  	[smem:$0x3FB4] =	sst s0;
	s0 =	simm.s32 @!p1 $0x0  }
0x14: {  	s2 =	sld [smem:$0x3F98];
	s0 =	simm.s32 @p1 $0x1  }
0x15: {  	[smem:$0x3FB5] =	sst s0;
	s0 =	simm.s32 @!p2 $0x0  }
0x16: {  	s3 =	sld [smem:$0x3FDB];
	s0 =	simm.s32 @p2 $0x1  }
0x17: {  	s4 =	simm.s32 $0x1BF5;
	[smem:$0x3FB7] =	sst s0  }
0x18: {  	s0 =	sld [smem:$0x3F9A];
	_ =	swait.ge [sflag:s4], $0x0  }
0x19: {  	s7 =	sld [smem:$0x3F9B]  }
0x1a: {  	s8 =	sadd.s32 $0xFFFFE003, lr  }
0x1b: {  	s9 =	sadd.s32 $0xFFFFFEF7, lr;
	s5 =	simm.s32 $0xFFFFFFFF;
	p2 =	slt.u32 s8, $0xFFFFF086  }
0x1c: {  	p1 =	slt.u32 s9, $0xF7A;
	s5 =	simm.s32 @!p2 $0x0  }
0x1d: {  	s5 =	simm.s32 @p1 $0x1;
	p0 =	seq.s32 s7, s2  }
0x1e: {  	s7 =	smul.u32 @!p0 $0xF7A, s2;
	p2 =	seq.s32 @!p0 s5, $0x0  }
0x1f: {  	s9 =	smul.u32 $0xF7A, s1;
	s8 =	simm.s32 @!p0 $0x1BF5;
	p2 =	por !p2, p0  }
0x20: {  	[sflag:s8] =	ssyncset.s32 @!p0 $0xFFFFF086;
	s6 =	sadd.s32 @!p0 s3, s7;
	s7 =	simm.s32 @!p0 $0x108  }
0x21: {  	s3 =	sadd.s32 s3, s9;
	s6 =	sadd.s32 @!p0 $0x88, s6;
	s7 =	simm.s32 @p2 $0x1082  }
0x22: {  	[simem:s7], [sflag:s8] =	dma.local @!p0 [hbm:s6], $0xF7A  }
0x23: {  	s9 =	sor.u32 $0xD0000000, s2;
	s6 =	simm.s32 $0x108;
	_ =	swait.ge @!p0 [sflag:s8], $0x0  }
0x24: {  	s3 =	sadd.s32 $0x88, s3;
	s6 =	simm.s32 @!p1 $0x1082;
	[sflag:s4] =	ssyncset.s32 $0xFFFFF086  }
0x25: {  	[simem:s6], [sflag:s4] =	dma.local [hbm:s3], $0xF7A  }
0x26: {  	[smem:$0x3F9B] =	sst s1;
	(tag) =	ssettag s2;
	_ =	strace s9  }
0x27: {  	s1 =	sld [smem:$0x3FAB]  }
0x28: {  	s2 =	sld [smem:$0x3FAC]  }
0x29: {  	s4 =	sld [smem:$0x3FAE]  }
0x2a: {  	p0 =	seq.s32 s5, $0x0;
	s5 =	sld [smem:$0x3FAF]  }
0x2b: {  	s6 =	sld [smem:$0x3FB0]  }
0x2c: {  	s7 =	sld [smem:$0x3FB1]  }
0x2d: {  	s3 =	simm.s32 $0x108;
	s8 =	sld [smem:$0x3FB2]  }
0x2e: {  	s3 =	simm.s32 @!p0 $0x1082;
	s9 =	sld [smem:$0x3FB3]  }
0x2f: {  	lr =	sadd.s32 s0, s3;
	s0 =	sld [smem:$0x3FAA]  }
0x30: {  	s3 =	sld [smem:$0x3FAD]  }
0x31: {  	[smem:$0x3FB6] =	sst s10  }
0x32: {  	s10 =	sld [smem:$0x3FB4];
	_ =	sdelay $0x3  }
0x33: {  	p0 =	seq.s32 s10, $0x1;
	s10 =	sld [smem:$0x3FB6];
	_ =	sdelay $0x3  }
0x34: {  	[smem:$0x3FB6] =	sst s10  }
0x35: {  	s10 =	sld [smem:$0x3FB5];
	_ =	sdelay $0x3  }
0x36: {  	p1 =	seq.s32 s10, $0x1;
	s10 =	sld [smem:$0x3FB6];
	_ =	sdelay $0x3  }
0x37: {  	[smem:$0x3FB6] =	sst s10  }
0x38: {  	s10 =	sld [smem:$0x3FB7]  }
0x39: {  	_ = 	snop;
	(pc) =	sbr.ind lr, $3  }
0x3a: {  	_ = 	snop  }
0x3b: {  	_ = 	snop  }
0x3c: {  	p2 =	seq.s32 s10, $0x1;
	s10 =	sld [smem:$0x3FB6]  }
0x3d: {  	_ =	shalt  }
0x3e: {  	_ =	shalt  }
0x3f: {  	_ =	shalt  }
0x40: {  	_ =	shalt  }
0x41: {  	_ =	shalt  }
0x42: {  	_ =	shalt  }
0x43: {  	_ =	shalt  }
0x44: {  	_ =	shalt  }
0x45: {  	_ =	shalt  }
0x46: {  	_ =	shalt  }
0x47: {  	_ =	shalt  }
0x48: {  	_ =	shalt  }
0x49: {  	_ =	shalt  }
0x4a: {  	_ =	shalt  }
0x4b: {  	_ =	shalt  }
0x4c: {  	_ =	shalt  }
0x4d: {  	_ =	shalt  }
0x4e: {  	_ =	shalt  }
0x4f: {  	_ =	shalt  }
0x50: {  	_ =	shalt  }
0x51: {  	_ =	shalt  }
0x52: {  	_ =	shalt  }
0x53: {  	_ =	shalt  }
0x54: {  	_ =	shalt  }
0x55: {  	_ =	shalt  }
0x56: {  	_ =	shalt  }
0x57: {  	_ =	shalt  }
0x58: {  	_ =	shalt  }
0x59: {  	_ =	shalt  }
0x5a: {  	_ =	shalt  }
0x5b: {  	_ =	shalt  }
0x5c: {  	_ =	shalt  }
0x5d: {  	_ =	shalt  }
0x5e: {  	_ =	shalt  }
0x5f: {  	_ =	shalt  }
0x60: {  	_ =	shalt  }
0x61: {  	_ =	shalt  }
0x62: {  	_ =	shalt  }
0x63: {  	_ =	shalt  }
0x64: {  	_ =	shalt  }
0x65: {  	_ =	shalt  }
0x66: {  	_ =	shalt  }
0x67: {  	_ =	shalt  }
0x68: {  	_ =	shalt  }
0x69: {  	_ =	shalt  }
0x6a: {  	_ =	shalt  }
0x6b: {  	_ =	shalt  }
0x6c: {  	_ =	shalt  }
0x6d: {  	_ =	shalt  }
0x6e: {  	_ =	shalt  }
0x6f: {  	_ =	shalt  }
0x70: {  	_ =	shalt  }
0x71: {  	_ =	shalt  }
0x72: {  	_ =	shalt  }
0x73: {  	_ =	shalt  }
0x74: {  	_ =	shalt  }
0x75: {  	_ =	shalt  }
0x76: {  	_ =	shalt  }
0x77: {  	_ =	shalt  }
0x78: {  	_ =	shalt  }
0x79: {  	_ =	shalt  }
0x7a: {  	_ =	shalt  }
0x7b: {  	_ =	shalt  }
0x7c: {  	_ =	shalt  }
0x7d: {  	_ =	shalt  }
0x7e: {  	_ =	shalt  }
0x7f: {  	_ =	shalt  }
0x80: {  	_ =	shalt  }
0x81: {  	_ =	shalt  }
0x82: {  	_ =	shalt  }
0x83: {  	_ =	shalt  }
0x84: {  	_ =	shalt  }
0x85: {  	_ =	shalt  }
0x86: {  	_ =	shalt  }
0x87: {  	_ =	shalt  }
.Lfunc_end0:
.L_simem_size_0:
called_computation_lowered:
.L_overlay_start_0:
0x88: {  	s2 =	sld [smem:$0x3FD9]  }
0x89: {  	s3 =	sld [smem:$0x3FFE];
	_ =	sdelay $0x1  }
0x8a: {  	s1 =	srdreg.scid  }
0x8b: {  	s0 =	sand.u32 $0x1, s1  }
0x8c: {  	s17 =	sshll.u32 s0, $0xA;
	s2 =	sadd.s32 s3, s2  }
0x8d: {  	s2 =	sadd.s32 s2, s17  }
0x8e: {  	[smem:$0x3FC2] =	sst s2  }
0x8f: {  	_ = 	snop  }
0x90: {  	s2 =	sld [smem:$0x3FC9]  }
0x91: {  	s18 =	sld [smem:$0x3FD0];
	(tm) =	ssettm $0x1  }
0x92: {  	s4 =	sld [smem:$0x3FFB];
	_ =	sdelay $0x3  }
0x93: {  	_ =	strace s4  }
0x94: {  	s4 =	sld [smem:$0x3FFC];
	_ =	sdelay $0x3  }
0x95: {  	_ =	strace s4  }
0x96: {  	s4 =	sld [smem:$0x3FFD];
	_ =	sdelay $0x3  }
0x97: {  	_ =	strace s4  }
0x98: {  	_ =	strace $0x8FFFFFFF  }
0x99: {  	s19 =	sld [smem:$0x3FDB];
	_ =	sdelay $0x1  }
0x9a: {  	s5 =	simm.s32 $_scs_section_size  }
0x9b: {  	s6 =	simm.s32 $_size__tile_overlayer_lowered;
	s7 =	simm.s32 $_tile_overlayer_lowered  }
0x9c: {  	s22 =	simm.s32 $0x1BFF;
	s21 =	sshll.u32 s7, $0x1;
	s4 =	sadd.s32 s5, s19  }
0x9d: {  	s8 =	simm.s32 $0x0;
	s20 =	sshll.u32 s6, $0x1;
	s6 =	sadd.s32 s21, s4  }
0x9e: {  	[timem:s8], [sflag:s22] =	dma.local [hbm:s6], s20  }
0x9f: {  	_ =	swait.ge [sflag:s22], s20  }
0xa0: {  	s5 =	ssub.s32 $0x0, s20;
	[sflag:s22] =	ssyncset.done $0x0  }
0xa1: {  	[sflag:s22] =	ssyncadd.s32 s5;
	_ =	sdelay $0x1  }
0xa2: {  	s23 =	simm.s32 $0x1B8B  }
0xa3: {  	_ =	swait.ge [sflag:s23], $0x1  }
0xa4: {  	[sflag:s23] =	ssyncset.done $0x0  }
0xa5: {  	s25 =	simm.s32 $0x1B8E;
	s24 =	sld [smem:$0x3FFE];
	[sflag:s23] =	ssyncadd.s32 $0xFFFFFFFF  }
0xa6: {  	s26 =	simm.s32 $execute0_lowered;
	[smem:$0x3FD2] =	sst s25  }
0xa7: {  	s6 =	sshll.u32 s26, $0x1;
	_ =	strace $0x80000046;
	[dreg:$0x1] =	wrdreg $0xFFFFFFFF  }
0xa8: {  	s28 =	simm.s32 $_size_execute0_lowered;
	s4 =	sadd.s32 s4, s6;
	[dreg:$0x0] =	wrdreg $0x0  }
0xa9: {  	s6 =	sshll.u32 s28, $0x1;
	[dreg:$0x2] =	wrdreg s4  }
0xaa: {  	[dreg:$0x3] =	wrdreg s6  }
0xab: {  	[dreg:$0x4] =	wrdreg $0xC0  }
0xac: {  	_ =	task [dreg:s8], $0x5FFFF  }
0xad: {  	[dreg:$0x1] =	wrdreg $0xFFFFFFFF  }
0xae: {  	[dreg:$0x0] =	wrdreg $0x60  }
0xaf: {  	[dreg:$0x2] =	wrdreg s2  }
0xb0: {  	[dreg:$0x3] =	wrdreg s18  }
0xb1: {  	[dreg:$0x4] =	wrdreg s24  }
0xb2: {  	[dreg:$0x5] =	wrdreg $0xC6000  }
0xb3: {  	[dreg:$0x6] =	wrdreg $0x9  }
0xb4: {  	_ =	task.clear_ibuf [dreg:s8], $0x7FFFF;
	_ =	strace $0x90000046  }
0xb5: {  	s29 =	simm.s32 $0x9;
	_ =	strace $0x80000048  }
0xb6: {  	_ =	swait.ge [sflag:s29], $0x1  }
0xb7: {  	[sflag:s29] =	ssyncadd.s32 $0xFFFFFFFF  }
0xb8: {  	_ =	strace $0x90000048  }
0xb9: {  	_ =	sfence  }
0xba: {  	s30 =	sld [smem:$0x0];
	_ =	sdelay $0x2  }
0xbb: {  	s31 =	sshll.u32 s1, $0xD;
	s1 =	sshrl.u32 s1, $0x2  }
0xbc: {  	s3 =	sand.u32 $0x4000, s31;
	s1 =	sadd.s32 s1, s30  }
0xbd: {  	s0 =	sor.u32 s3, s0;
	s1 =	sshll.u32 s1, $0x11  }
0xbe: {  	s0 =	sor.u32 s1, s0  }
0xbf: {  	s0 =	sadd.s32 $0x8F2B, s0  }
0xc0: {  	[sflag:s0] =	ssyncadd.remote.s32 $0x1  }
0xc1: {  	_ =	sfence.sel $0xFFFF  }
0xc2: {  	[dreg:$0x0] =	wrdreg $0xFFFFFFFF;
	(pc) =	sbr.abs _section_cstart, $3  }
0xc3: {  	[dreg:$0x1] =	wrdreg $0xFFFFFFFF  }
0xc4: {  	_ =	task.clear_ibuf [dreg:s8], $0x2FFFF;
	_ =	strace $0x9FFFFFFF  }
0xc5: {  	(tm) =	ssettm $0x7FFFFFFF  }
tec
execute0_lowered:
.L_overlay_start_1:
0x0: {  	(tag) =	ssettag $0x1  }
0x1: {  	s7 =	rddreg [dreg:$0x0]  }
0x2: {  	s5 =	rddreg [dreg:$0x1];
	s1 =	srdreg.scid  }
0x3: {  	s0 =	rddreg [dreg:$0x2];
	s6 =	sand.u32 $0x1, s1  }
0x4: {  	s2 =	rddreg [dreg:$0x3];
	s3 =	simm.s32 $0x0;
	s8 =	sshll.u32 s6, $0x4  }
0x5: {  	s23 =	stileid.u32;
	[smem:$0x7FF] =	sst s3;
	s13 =	sxor.u32 $0x2710, s8  }
0x6: {  	_ =	strace $0x80000047;
	s26 =	sxor.u32 $0x2690, s8;
	[dreg:$0x5] =	wrdreg s13  }
0x7: {  	s20 =	smul.u32 $0x270, s23;
	s30 =	sxor.u32 $0x2670, s8;
	[dreg:$0x9] =	wrdreg s26  }
0x8: {  	s4 =	smul.u32 $0x2710, s6;
	s15 =	sxor.u32 $0x2650, s8;
	[dreg:$0xa] =	wrdreg s30  }
0x9: {  	s9 =	ssub.s32 $0x2, s6;
	s16 =	sxor.u32 $0x2630, s8;
	[dreg:$0xb] =	wrdreg s15  }
0xa: {  	s21 =	sshrl.u32 s9, $0x1;
	s17 =	sxor.u32 $0x2610, s8;
	[dreg:$0xc] =	wrdreg s16  }
0xb: {  	s18 =	sxor.u32 $0x25F0, s8;
	s19 =	sxor.u32 $0x25D0, s8;
	[dreg:$0xd] =	wrdreg s17  }
0xc: {  	s1 =	sadd.s32 s20, s4;
	s4 =	sor.u32 s23, s8;
	[dreg:$0xe] =	wrdreg s18  }
0xd: {  	[dreg:$0xf] =	wrdreg s19;
	s20 =	sxor.u32 $0x25B0, s8;
	s1 =	sshll.u32 s1, $0x4  }
0xe: {  	s10 =	sshll.u32 s4, $0x9;
	s11 =	sor.u32 $0x40, s4;
	s12 =	sor.u32 $0x60, s4  }
0xf: {  	s13 =	sor.u32 $0x80, s4;
	[dreg:$0x10] =	wrdreg s20;
	s0 =	sadd.s32 s1, s0  }
0x10: {  	s1 =	ssub.s32 s9, s21;
	s9 =	sor.u32 $0x20, s4;
	s10 =	sadd.s32 s7, s10  }
0x11: {  	s14 =	sshll.u32 s13, $0x9;
	s21 =	sxor.u32 $0x26F0, s8;
	[dreg:$0x11] =	wrdreg s10  }
0x12: {  	s22 =	sshll.u32 s9, $0x9;
	s14 =	sadd.s32 s7, s14;
	[dreg:$0x6] =	wrdreg s21  }
0x13: {  	s30 =	sshll.u32 s4, $0x4;
	s10 =	sadd.s32 s7, s22;
	[dreg:$0x15] =	wrdreg s14  }
0x14: {  	s24 =	sshll.u32 s11, $0x9;
	s22 =	sxor.u32 $0x26D0, s8;
	[dreg:$0x12] =	wrdreg s10  }
0x15: {  	s14 =	sor.u32 $0xA0, s4;
	s8 =	sxor.u32 $0x26B0, s8;
	[dreg:$0x7] =	wrdreg s22  }
0x16: {  	s10 =	sadd.s32 s7, s24;
	s15 =	sshll.u32 s14, $0x9;
	[dreg:$0x8] =	wrdreg s8  }
0x17: {  	s25 =	sshll.u32 s12, $0x9;
	[dreg:$0x13] =	wrdreg s10;
	s15 =	sadd.s32 s7, s15  }
0x18: {  	s10 =	sadd.s32 s7, s25;
	[dreg:$0x16] =	wrdreg s15;
	s15 =	sor.u32 $0xC0, s4  }
0x19: {  	[dreg:$0x14] =	wrdreg s10;
	s10 =	sor.u32 $0x100, s4;
	s16 =	sshll.u32 s15, $0x9  }
0x1a: {  	s14 =	sshll.u32 s14, $0x4;
	s18 =	sshll.u32 s10, $0x9;
	s16 =	sadd.s32 s7, s16  }
0x1b: {  	s24 =	sadd.s32 s7, s18;
	s18 =	sor.u32 $0x160, s4;
	[dreg:$0x17] =	wrdreg s16  }
0x1c: {  	[dreg:$0x19] =	wrdreg s24;
	s21 =	sshll.u32 s18, $0x9;
	s24 =	sadd.s32 s5, s30  }
0x1d: {  	s30 =	sshll.u32 s12, $0x4;
	s26 =	sadd.s32 s7, s21;
	[dreg:$0x1d] =	wrdreg s24  }
0x1e: {  	s16 =	sor.u32 $0xE0, s4;
	s12 =	sadd.s32 s5, s30;
	[dreg:$0x1c] =	wrdreg s26  }
0x1f: {  	s17 =	sshll.u32 s16, $0x9;
	s21 =	sadd.s32 s5, s14;
	[smem:$0x7CC] =	sst s12  }
0x20: {  	s24 =	sshll.u32 s16, $0x4;
	s16 =	sadd.s32 $0xE00, s0;
	[smem:$0x7CE] =	sst s21  }
0x21: {  	s17 =	sadd.s32 s7, s17;
	s26 =	sshll.u32 s11, $0x4;
	[smem:$0x7D5] =	sst s16  }
0x22: {  	s11 =	sshll.u32 s18, $0x4;
	s18 =	sadd.s32 $0x1200, s0;
	[dreg:$0x18] =	wrdreg s17  }
0x23: {  	s19 =	sor.u32 $0x120, s4;
	s21 =	sadd.s32 $0x1800, s0;
	[smem:$0x7D7] =	sst s18  }
0x24: {  	s25 =	sshll.u32 s19, $0x9;
	s16 =	sadd.s32 $0x3200, s0;
	[smem:$0x7DA] =	sst s21  }
0x25: {  	s17 =	sadd.s32 s7, s25;
	[smem:$0x7E7] =	sst s16  }
0x26: {  	s25 =	sshll.u32 s9, $0x4;
	s9 =	sadd.s32 s5, s26;
	[dreg:$0x1a] =	wrdreg s17  }
0x27: {  	s26 =	sshll.u32 s19, $0x4;
	s19 =	sadd.s32 $0x1400, s0;
	[dreg:$0x1f] =	wrdreg s9  }
0x28: {  	s18 =	smax.u32 s1, $0x1;
	[smem:$0x7D8] =	sst s19  }
0x29: {  	s8 =	sadd.s32 s5, s25;
	[smem:$0x7EA] =	sst s18  }
0x2a: {  	s12 =	smul.u32 $0x4E000, s23;
	s9 =	sadd.s32 s5, s26;
	[dreg:$0x1e] =	wrdreg s8  }
0x2b: {  	s13 =	sshll.u32 s13, $0x4;
	s26 =	sadd.s32 $0x2000, s0;
	[smem:$0x7D2] =	sst s9  }
0x2c: {  	s14 =	sshrl.u32 s12, $0x2;
	s12 =	sadd.s32 $0x2A00, s0;
	[smem:$0x7DE] =	sst s26  }
0x2d: {  	s25 =	sshll.u32 s10, $0x4;
	s8 =	sadd.s32 s5, s13;
	[smem:$0x7E3] =	sst s12  }
0x2e: {  	s17 =	sor.u32 $0x140, s4;
	s30 =	sadd.s32 s5, s25;
	[smem:$0x7CD] =	sst s8  }
0x2f: {  	s20 =	sshll.u32 s17, $0x9;
	s13 =	sadd.s32 s5, s11;
	[smem:$0x7D1] =	sst s30  }
0x30: {  	s10 =	sshll.u32 s17, $0x4;
	s17 =	sadd.s32 $0x1000, s0;
	[smem:$0x7D4] =	sst s13  }
0x31: {  	s25 =	sadd.s32 $0x1E00, s0;
	[smem:$0x7D6] =	sst s17  }
0x32: {  	s9 =	sadd.s32 $0x2600, s0;
	[smem:$0x7DD] =	sst s25  }
0x33: {  	s11 =	sadd.s32 $0x2800, s0;
	[smem:$0x7E1] =	sst s9  }
0x34: {  	s20 =	sadd.s32 s7, s20;
	[smem:$0x7E2] =	sst s11  }
0x35: {  	s8 =	sadd.s32 s5, s24;
	[dreg:$0x1b] =	wrdreg s20  }
0x36: {  	s24 =	sadd.s32 $0x1C00, s0;
	[smem:$0x7D0] =	sst s8  }
0x37: {  	s30 =	sadd.s32 $0x2200, s0;
	[smem:$0x7DC] =	sst s24  }
0x38: {  	s22 =	sshll.u32 s6, $0xD;
	s13 =	sadd.s32 $0x2C00, s0;
	[smem:$0x7DF] =	sst s30  }
0x39: {  	s7 =	sadd.s32 s22, s7;
	s17 =	sadd.s32 $0x3400, s0;
	[smem:$0x7E4] =	sst s13  }
0x3a: {  	s22 =	sshll.u32 s23, $0x9;
	s8 =	sadd.s32 s5, s10;
	[smem:$0x7E8] =	sst s17  }
0x3b: {  	s10 =	sadd.s32 s14, s2;
	s14 =	sadd.s32 $0x2E00, s0;
	[smem:$0x7D3] =	sst s8  }
0x3c: {  	s20 =	sshll.u32 s15, $0x4;
	s30 =	sadd.s32 $0x138000, s2;
	[smem:$0x7E5] =	sst s14  }
0x3d: {  	s7 =	sadd.s32 s22, s7;
	s22 =	sadd.s32 s5, s20;
	[smem:$0x7F1] =	sst s30  }
0x3e: {  	s20 =	sadd.s32 $0x1600, s0;
	[smem:$0x7CF] =	sst s22  }
0x3f: {  	s8 =	sadd.s32 $0x2400, s0;
	[smem:$0x7D9] =	sst s20  }
0x40: {  	s19 =	sadd.s32 $0xE000, s10;
	[smem:$0x7E0] =	sst s8  }
0x41: {  	p0 =	sne.s32 s23, $0xF;
	s21 =	sadd.s32 $0x10000, s10;
	[smem:$0x7EB] =	sst s19  }
0x42: {  	s15 =	sshll.u32 s23, $0x4;
	s23 =	sadd.s32 $0x12000, s10;
	[smem:$0x7ED] =	sst s21  }
0x43: {  	s26 =	sadd.s32 $0x13000, s10;
	[smem:$0x7EF] =	sst s23  }
0x44: {  	s9 =	sadd.s32 $0x2000, s10;
	[smem:$0x7F0] =	sst s26  }
0x45: {  	s11 =	sadd.s32 $0x3000, s10;
	[smem:$0x7F2] =	sst s9  }
0x46: {  	s12 =	sadd.s32 $0x4000, s10;
	[smem:$0x7F3] =	sst s11  }
0x47: {  	s13 =	sadd.s32 $0x5000, s10;
	[smem:$0x7F4] =	sst s12  }
0x48: {  	s14 =	sadd.s32 $0x6000, s10;
	[smem:$0x7F5] =	sst s13  }
0x49: {  	s16 =	sadd.s32 $0x8000, s10;
	[smem:$0x7F6] =	sst s14  }
0x4a: {  	s28 =	simm.s32 $0x0;
	s17 =	sadd.s32 $0x9000, s10;
	[smem:$0x7F8] =	sst s16  }
0x4b: {  	s6 =	sshll.u32 s6, $0x8;
	s24 =	sadd.s32 $0xA000, s10;
	[smem:$0x7F9] =	sst s17  }
0x4c: {  	s5 =	sadd.s32 s6, s5;
	s25 =	sadd.s32 $0xB000, s10;
	[smem:$0x7FA] =	sst s24  }
0x4d: {  	s6 =	sadd.s32 $0x5C000, s7;
	s29 =	sadd.s32 $0xC000, s10;
	[smem:$0x7FB] =	sst s25  }
0x4e: {  	s31 =	sadd.s32 $0xD000, s10;
	s5 =	sadd.s32 s15, s5;
	[smem:$0x7FC] =	sst s29  }
0x4f: {  	s22 =	sadd.s32 $0x1A00, s0;
	s15 =	sadd.s32 $0x3000, s0;
	[smem:$0x7FD] =	sst s31  }
0x50: {  	s0 =	sadd.s32 $0x3500, s0;
	s8 =	sadd.s32 $0x1000, s10;
	[smem:$0x7DB] =	sst s22  }
0x51: {  	s20 =	sadd.s32 $0xF000, s10;
	s19 =	simm.s32 $0x1000;
	[smem:$0x7E6] =	sst s15  }
0x52: {  	s21 =	simm.s32 $0xC;
	s23 =	simm.s32 $0x1;
	[smem:$0x7E9] =	sst s0  }
0x53: {  	s26 =	simm.s32 $0x2;
	[smem:$0x7EC] =	sst s20;
	s22 =	sadd.s32 $0x11000, s10  }
0x54: {  	s1 =	sadd.s32 $0x2E00, s5;
	s15 =	sadd.s32 $0x7000, s10;
	[smem:$0x7EE] =	sst s22  }
0x55: {  	v0 =	vimm.f32 $0.0e+00;
	s20 =	simm.s32 $0xB000;
	s22 =	simm.s32 $0xD;
	[smem:$0x7F7] =	sst s15  }
.LBB2_1:
0x56: {  	s0 =	rddreg [dreg:$0x11]  }
0x57: {  	s30 =	rddreg [dreg:$0x1d]  }
0x58: {  	[tilespmem:s3], [sflag:$0x1] =	stream.linear.gather [hbm4b:s0+s3], $0x1000, $0x38;
	[tilespmem:$0x1FE80] =	vst v63  }
0x59: {  	s5 =	simm.s32 $0xC000;
	s7 =	rddreg [dreg:$0x12]  }
0x5a: {  	[tilespmem:s5], [sflag:$0x1] =	stream.linear.gather [hbm4b:s30+s3], $0x80, $0x38;
	[tilespmem:$0x1FE80] =	vst v63  }
0x5b: {  	s18 =	rddreg [dreg:$0x1e]  }
0x5c: {  	[tilespmem:s19], [sflag:$0x2] =	stream.linear.gather [hbm4b:s7+s3], $0x1000, $0x38;
	[tilespmem:$0x1FE80] =	vst v63  }
0x5d: {  	s30 =	simm.s32 $0xC080;
	s5 =	rddreg [dreg:$0x13]  }
0x5e: {  	[tilespmem:s30], [sflag:$0x2] =	stream.linear.gather [hbm4b:s18+s3], $0x80, $0x38;
	[tilespmem:$0x1FE80] =	vst v63  }
0x5f: {  	s7 =	simm.s32 $0x2000;
	s18 =	rddreg [dreg:$0x1f]  }
0x60: {  	[tilespmem:s7], [sflag:$0x3] =	stream.linear.gather [hbm4b:s5+s3], $0x1000, $0x38;
	[tilespmem:$0x1FE80] =	vst v63  }
0x61: {  	s30 =	simm.s32 $0xC100;
	s5 =	rddreg [dreg:$0x14]  }
0x62: {  	[tilespmem:s30], [sflag:$0x3] =	stream.linear.gather [hbm4b:s18+s3], $0x80, $0x38;
	[tilespmem:$0x1FE80] =	vst v63  }
0x63: {  	s7 =	simm.s32 $0x3000;
	s18 =	sld [smem:$0x7CC]  }
0x64: {  	[tilespmem:s7], [sflag:$0x4] =	stream.linear.gather [hbm4b:s5+s3], $0x1000, $0x38;
	[tilespmem:$0x1FE80] =	vst v63  }
0x65: {  	s30 =	simm.s32 $0xC180;
	s5 =	rddreg [dreg:$0x15]  }
0x66: {  	[tilespmem:s30], [sflag:$0x4] =	stream.linear.gather [hbm4b:s18+s3], $0x80, $0x38;
	[tilespmem:$0x1FE80] =	vst v63  }
0x67: {  	s7 =	simm.s32 $0x4000;
	s18 =	sld [smem:$0x7CD]  }
0x68: {  	[tilespmem:s7], [sflag:$0x5] =	stream.linear.gather [hbm4b:s5+s3], $0x1000, $0x38;
	[tilespmem:$0x1FE80] =	vst v63  }
0x69: {  	s30 =	simm.s32 $0xC200;
	s5 =	rddreg [dreg:$0x16]  }
0x6a: {  	[tilespmem:s30], [sflag:$0x5] =	stream.linear.gather [hbm4b:s18+s3], $0x80, $0x38;
	[tilespmem:$0x1FE80] =	vst v63  }
0x6b: {  	s7 =	simm.s32 $0x5000;
	s18 =	sld [smem:$0x7CE]  }
0x6c: {  	[tilespmem:s7], [sflag:$0x6] =	stream.linear.gather [hbm4b:s5+s3], $0x1000, $0x38;
	[tilespmem:$0x1FE80] =	vst v63  }
0x6d: {  	s30 =	simm.s32 $0xC280;
	s5 =	rddreg [dreg:$0x17]  }
0x6e: {  	[tilespmem:s30], [sflag:$0x6] =	stream.linear.gather [hbm4b:s18+s3], $0x80, $0x38;
	[tilespmem:$0x1FE80] =	vst v63  }
0x6f: {  	s7 =	simm.s32 $0x6000;
	s18 =	sld [smem:$0x7CF]  }
0x70: {  	[tilespmem:s7], [sflag:$0x7] =	stream.linear.gather [hbm4b:s5+s3], $0x1000, $0x38;
	[tilespmem:$0x1FE80] =	vst v63  }
0x71: {  	s30 =	simm.s32 $0xC300;
	s5 =	rddreg [dreg:$0x18]  }
0x72: {  	[tilespmem:s30], [sflag:$0x7] =	stream.linear.gather [hbm4b:s18+s3], $0x80, $0x38;
	[tilespmem:$0x1FE80] =	vst v63  }
0x73: {  	s7 =	simm.s32 $0x7000;
	s18 =	sld [smem:$0x7D0]  }
0x74: {  	[tilespmem:s7], [sflag:$0x8] =	stream.linear.gather [hbm4b:s5+s3], $0x1000, $0x38;
	[tilespmem:$0x1FE80] =	vst v63  }
0x75: {  	s30 =	simm.s32 $0xC380;
	s5 =	rddreg [dreg:$0x19]  }
0x76: {  	[tilespmem:s30], [sflag:$0x8] =	stream.linear.gather [hbm4b:s18+s3], $0x80, $0x38;
	[tilespmem:$0x1FE80] =	vst v63  }
0x77: {  	s7 =	simm.s32 $0x8000;
	s18 =	sld [smem:$0x7D1]  }
0x78: {  	[tilespmem:s7], [sflag:$0x9] =	stream.linear.gather [hbm4b:s5+s3], $0x1000, $0x38;
	[tilespmem:$0x1FE80] =	vst v63  }
0x79: {  	s30 =	simm.s32 $0xC400;
	s5 =	rddreg [dreg:$0x1a]  }
0x7a: {  	[tilespmem:s30], [sflag:$0x9] =	stream.linear.gather [hbm4b:s18+s3], $0x80, $0x38;
	[tilespmem:$0x1FE80] =	vst v63  }
0x7b: {  	s7 =	simm.s32 $0x9000;
	s18 =	sld [smem:$0x7D2]  }
0x7c: {  	[tilespmem:s7], [sflag:$0xA] =	stream.linear.gather [hbm4b:s5+s3], $0x1000, $0x38;
	[tilespmem:$0x1FE80] =	vst v63  }
0x7d: {  	s30 =	simm.s32 $0xC480;
	s5 =	rddreg [dreg:$0x1b]  }
0x7e: {  	[tilespmem:s30], [sflag:$0xA] =	stream.linear.gather [hbm4b:s18+s3], $0x80, $0x38;
	[tilespmem:$0x1FE80] =	vst v63  }
0x7f: {  	s7 =	simm.s32 $0xA000;
	s18 =	sld [smem:$0x7D3]  }
0x80: {  	[tilespmem:s7], [sflag:$0xB] =	stream.linear.gather [hbm4b:s5+s3], $0x1000, $0x38;
	[tilespmem:$0x1FE80] =	vst v63  }
0x81: {  	s0 =	simm.s32 $0x0;
	s30 =	simm.s32 $0xC500;
	s5 =	simm.s32 $0x200  }
0x82: {  	[tilespmem:s30], [sflag:$0xB] =	stream.linear.gather [hbm4b:s18+s3], $0x80, $0x38;
	[tilespmem:$0x1FE80] =	vst v63  }
.LBB2_2:
0x83: {  	p1 =	sne.s32 s5, $0x3E00;
	[tilespmem:s0+$0xB070] =	vst v0  }
0x84: {  	[tilespmem:s0+$0xB000] =	vst v0  }
0x85: {  	[tilespmem:s0+$0xB010] =	vst v0  }
.Ltmp0:
0x86: {  	[tilespmem:s0+$0xB020] =	vst v0;
	(pc) =	sbr.rel @p1 .LBB2_2-.Ltmp0, $4  }
0x87: {  	[tilespmem:s0+$0xB030] =	vst v0  }
0x88: {  	[tilespmem:s0+$0xB040] =	vst v0  }
0x89: {  	[tilespmem:s0+$0xB050] =	vst v0  }
0x8a: {  	[tilespmem:s0+$0xB060] =	vst v0;
	s0 =	sshra.s32 s5, $0x2;
	s5 =	sadd.s32 $0x200, s5  }
0x8b: {  	[tilespmem:s0+$0xB070] =	vst v0  }
0x8c: {  	[tilespmem:s0+$0xB000] =	vst v0  }
0x8d: {  	[tilespmem:s0+$0xB010] =	vst v0  }
0x8e: {  	[tilespmem:s0+$0xB020] =	vst v0  }
0x8f: {  	[tilespmem:s0+$0xB030] =	vst v0  }
0x90: {  	[tilespmem:s0+$0xB040] =	vst v0  }
0x91: {  	[tilespmem:s0+$0xB050] =	vst v0  }
0x92: {  	[tilespmem:s0+$0xB060] =	vst v0  }
0x93: {  	[spmem:s10] =	stream.linear.scatter [tilespmem:s20], [sflag:$0xC], $0x1000, $0x38;
	[tilespmem:$0x1FE80] =	vst v63  }
0x94: {  	_ = 	snop  }
0x95: {  	[spmem:s8] =	stream.linear.scatter [tilespmem:s20], [sflag:$0xC], $0x1000, $0x38;
	[tilespmem:$0x1FE80] =	vst v63  }
0x96: {  	_ = 	snop  }
0x97: {  	[spmem:s9] =	stream.linear.scatter [tilespmem:s20], [sflag:$0xC], $0x1000, $0x38;
	[tilespmem:$0x1FE80] =	vst v63  }
0x98: {  	_ = 	snop  }
0x99: {  	[spmem:s11] =	stream.linear.scatter [tilespmem:s20], [sflag:$0xC], $0x1000, $0x38;
	[tilespmem:$0x1FE80] =	vst v63  }
0x9a: {  	_ = 	snop  }
0x9b: {  	[spmem:s12] =	stream.linear.scatter [tilespmem:s20], [sflag:$0xC], $0x1000, $0x38;
	[tilespmem:$0x1FE80] =	vst v63  }
0x9c: {  	_ = 	snop  }
0x9d: {  	[spmem:s13] =	stream.linear.scatter [tilespmem:s20], [sflag:$0xC], $0x1000, $0x38;
	[tilespmem:$0x1FE80] =	vst v63  }
0x9e: {  	_ = 	snop  }
0x9f: {  	[spmem:s14] =	stream.linear.scatter [tilespmem:s20], [sflag:$0xC], $0x1000, $0x38;
	[tilespmem:$0x1FE80] =	vst v63  }
0xa0: {  	_ = 	snop  }
0xa1: {  	[spmem:s15] =	stream.linear.scatter [tilespmem:s20], [sflag:$0xC], $0x1000, $0x38;
	[tilespmem:$0x1FE80] =	vst v63  }
0xa2: {  	_ = 	snop  }
0xa3: {  	[spmem:s16] =	stream.linear.scatter [tilespmem:s20], [sflag:$0xC], $0x1000, $0x38;
	[tilespmem:$0x1FE80] =	vst v63  }
0xa4: {  	_ = 	snop  }
0xa5: {  	[spmem:s17] =	stream.linear.scatter [tilespmem:s20], [sflag:$0xC], $0x1000, $0x38;
	[tilespmem:$0x1FE80] =	vst v63  }
0xa6: {  	_ = 	snop  }
0xa7: {  	[spmem:s24] =	stream.linear.scatter [tilespmem:s20], [sflag:$0xC], $0x1000, $0x38;
	[tilespmem:$0x1FE80] =	vst v63  }
0xa8: {  	_ = 	snop  }
0xa9: {  	[spmem:s25] =	stream.linear.scatter [tilespmem:s20], [sflag:$0xC], $0x1000, $0x38;
	[tilespmem:$0x1FE80] =	vst v63  }
0xaa: {  	_ = 	snop  }
0xab: {  	[spmem:s29] =	stream.linear.scatter [tilespmem:s20], [sflag:$0xC], $0x1000, $0x38;
	[tilespmem:$0x1FE80] =	vst v63  }
0xac: {  	s7 =	sld [smem:$0x7EB]  }
0xad: {  	[spmem:s31] =	stream.linear.scatter [tilespmem:s20], [sflag:$0xC], $0x1000, $0x38;
	[tilespmem:$0x1FE80] =	vst v63  }
0xae: {  	s18 =	smov.u32 s8;
	s8 =	sld [smem:$0x7EC]  }
0xaf: {  	[spmem:s7] =	stream.linear.scatter [tilespmem:s20], [sflag:$0xC], $0x1000, $0x38;
	[tilespmem:$0x1FE80] =	vst v63  }
0xb0: {  	s9 =	sld [smem:$0x7ED]  }
0xb1: {  	[spmem:s8] =	stream.linear.scatter [tilespmem:s20], [sflag:$0xC], $0x1000, $0x38;
	[tilespmem:$0x1FE80] =	vst v63  }
0xb2: {  	s30 =	smov.u32 s10;
	s10 =	sld [smem:$0x7EE]  }
0xb3: {  	[spmem:s9] =	stream.linear.scatter [tilespmem:s20], [sflag:$0xC], $0x1000, $0x38;
	[tilespmem:$0x1FE80] =	vst v63  }
0xb4: {  	s11 =	sld [smem:$0x7EF]  }
0xb5: {  	[spmem:s10] =	stream.linear.scatter [tilespmem:s20], [sflag:$0xC], $0x1000, $0x38;
	[tilespmem:$0x1FE80] =	vst v63  }
0xb6: {  	s12 =	sld [smem:$0x7F0]  }
0xb7: {  	[spmem:s11] =	stream.linear.scatter [tilespmem:s20], [sflag:$0xC], $0x1000, $0x38;
	[tilespmem:$0x1FE80] =	vst v63  }
0xb8: {  	s5 =	sld [smem:$0x7F1]  }
0xb9: {  	[spmem:s12] =	stream.linear.scatter [tilespmem:s20], [sflag:$0xC], $0x800, $0x38;
	[tilespmem:$0x1FE80] =	vst v63  }
0xba: {  	s0 =	simm.s32 @!p0 $0xB000  }
0xbb: {  	[spmem:s5] =	stream.linear.scatter @!p0 [tilespmem:s0], [sflag:$0xC], $0x800, $0x38;
	[tilespmem:$0x1FE80] =	vst v63  }
0xbc: {  	_ =	swait.ge [sflag:s21], $0x1000  }
0xbd: {  	[sflag:s21] =	ssyncset.done $0x0  }
0xbe: {  	[sflag:s21] =	ssyncadd.s32 $0xFFFFF000  }
0xbf: {  	_ =	swait.ge [sflag:s21], $0x1000  }
0xc0: {  	[sflag:s21] =	ssyncset.done $0x0  }
0xc1: {  	[sflag:s21] =	ssyncadd.s32 $0xFFFFF000  }
0xc2: {  	_ =	swait.ge [sflag:s21], $0x1000  }
0xc3: {  	[sflag:s21] =	ssyncset.done $0x0  }
0xc4: {  	[sflag:s21] =	ssyncadd.s32 $0xFFFFF000  }
0xc5: {  	_ =	swait.ge [sflag:s21], $0x1000  }
0xc6: {  	[sflag:s21] =	ssyncset.done $0x0  }
0xc7: {  	[sflag:s21] =	ssyncadd.s32 $0xFFFFF000  }
0xc8: {  	_ =	swait.ge [sflag:s21], $0x1000  }
0xc9: {  	[sflag:s21] =	ssyncset.done $0x0  }
0xca: {  	[sflag:s21] =	ssyncadd.s32 $0xFFFFF000  }
0xcb: {  	_ =	swait.ge [sflag:s21], $0x1000  }
0xcc: {  	[sflag:s21] =	ssyncset.done $0x0  }
0xcd: {  	[sflag:s21] =	ssyncadd.s32 $0xFFFFF000  }
0xce: {  	_ =	swait.ge [sflag:s21], $0x1000  }
0xcf: {  	[sflag:s21] =	ssyncset.done $0x0  }
0xd0: {  	[sflag:s21] =	ssyncadd.s32 $0xFFFFF000  }
0xd1: {  	_ =	swait.ge [sflag:s21], $0x1000  }
0xd2: {  	[sflag:s21] =	ssyncset.done $0x0  }
0xd3: {  	[sflag:s21] =	ssyncadd.s32 $0xFFFFF000  }
0xd4: {  	_ =	swait.ge [sflag:s21], $0x1000  }
0xd5: {  	[sflag:s21] =	ssyncset.done $0x0  }
0xd6: {  	[sflag:s21] =	ssyncadd.s32 $0xFFFFF000  }
0xd7: {  	_ =	swait.ge [sflag:s21], $0x1000  }
0xd8: {  	[sflag:s21] =	ssyncset.done $0x0  }
0xd9: {  	[sflag:s21] =	ssyncadd.s32 $0xFFFFF000  }
0xda: {  	_ =	swait.ge [sflag:s21], $0x1000  }
0xdb: {  	[sflag:s21] =	ssyncset.done $0x0  }
0xdc: {  	[sflag:s21] =	ssyncadd.s32 $0xFFFFF000  }
0xdd: {  	_ =	swait.ge [sflag:s21], $0x1000  }
0xde: {  	[sflag:s21] =	ssyncset.done $0x0  }
0xdf: {  	[sflag:s21] =	ssyncadd.s32 $0xFFFFF000  }
0xe0: {  	_ =	swait.ge [sflag:s21], $0x1000  }
0xe1: {  	[sflag:s21] =	ssyncset.done $0x0  }
0xe2: {  	[sflag:s21] =	ssyncadd.s32 $0xFFFFF000  }
0xe3: {  	_ =	swait.ge [sflag:s21], $0x1000  }
0xe4: {  	[sflag:s21] =	ssyncset.done $0x0  }
0xe5: {  	[sflag:s21] =	ssyncadd.s32 $0xFFFFF000  }
0xe6: {  	_ =	swait.ge [sflag:s21], $0x1000  }
0xe7: {  	[sflag:s21] =	ssyncset.done $0x0  }
0xe8: {  	[sflag:s21] =	ssyncadd.s32 $0xFFFFF000  }
0xe9: {  	_ =	swait.ge [sflag:s21], $0x1000  }
0xea: {  	[sflag:s21] =	ssyncset.done $0x0  }
0xeb: {  	[sflag:s21] =	ssyncadd.s32 $0xFFFFF000  }
0xec: {  	_ =	swait.ge [sflag:s21], $0x1000  }
0xed: {  	[sflag:s21] =	ssyncset.done $0x0  }
0xee: {  	[sflag:s21] =	ssyncadd.s32 $0xFFFFF000  }
0xef: {  	_ =	swait.ge [sflag:s21], $0x1000  }
0xf0: {  	[sflag:s21] =	ssyncset.done $0x0  }
0xf1: {  	[sflag:s21] =	ssyncadd.s32 $0xFFFFF000  }
0xf2: {  	_ =	swait.ge [sflag:s21], $0x1000  }
0xf3: {  	[sflag:s21] =	ssyncset.done $0x0  }
0xf4: {  	[sflag:s21] =	ssyncadd.s32 $0xFFFFF000  }
0xf5: {  	_ =	swait.ge [sflag:s21], $0x800  }
0xf6: {  	[sflag:s21] =	ssyncset.done $0x0  }
0xf7: {  	s0 =	simm.s32 @!p0 $0xC;
	[sflag:s21] =	ssyncadd.s32 $0xFFFFF800  }
0xf8: {  	_ =	swait.ge @!p0 [sflag:s0], $0x800  }
0xf9: {  	[sflag:s0] =	ssyncset.done @!p0 $0x0;
	s13 =	rddreg [dreg:$0x1c]  }
0xfa: {  	s29 =	simm.s32 $0x0;
	s14 =	sld [smem:$0x7D4];
	[sflag:s0] =	ssyncadd.s32 @!p0 $0xFFFFF800  }
0xfb: {  	[tilespmem:s20], [sflag:$0xC] =	stream.linear.gather [hbm4b:s13+s29], $0x1000, $0x38;
	[tilespmem:$0x1FE80] =	vst v63  }
0xfc: {  	s15 =	simm.s32 $0xC580  }
0xfd: {  	[tilespmem:s15], [sflag:$0xC] =	stream.linear.gather [hbm4b:s14+s29], $0x80, $0x38;
	[tilespmem:$0x1FE80] =	vst v63  }
0xfe: {  	[bflag:$0x0] =	sbarrier.arrive $0xFFFF  }
0xff: {  	s16 =	rddreg [dreg:$0x5]  }
0x100: {  	p1 =	sle.u32 s16, $0x0  }
0x101: {  	s0 =	simm.s32 @!p1 $0x1  }
0x102: {  	_ =	swait.ge @!p1 [sflag:s0], $0x1000  }
0x103: {  	[sflag:s0] =	ssyncset.done @!p1 $0x0  }
0x104: {  	s5 =	sadd.s32 $0x0, s4;
	[sflag:s0] =	ssyncadd.s32 @!p1 $0xFFFFF000  }
0x105: {  	s17 =	sadd.s32 $0x180, s5;
	_ =	swait.ge @!p1 [sflag:s0], $0x80  }
0x106: {  	s7 =	simm.s32 @!p1 $0x0;
	s8 =	simm.s32 @!p1 $0xD;
	[sflag:s0] =	ssyncset.done @!p1 $0x0  }
0x107: {  	s9 =	simm.s32 @!p1 $0x20;
	s10 =	simm.s32 @!p1 $0xC000;
	[sflag:s0] =	ssyncadd.s32 @!p1 $0xFFFFFF80  }
0x108: {  	[spmem:s2] =	stream.indirect.scatter.add.f32 @!p1 [tilespmem:s7], [sflag:$0xD], $0x80, s10, s9, $0xb8;
	[tilespmem:$0x1FE80] =	vst v63  }
0x109: {  	p2 =	sgt.u32 s17, $0x270F;
	_ =	swait.ge @!p1 [sflag:s8], $0x1000  }
0x10a: {  	s7 =	sadd.s32 @!p2 $0xFFFD4000, s6;
	[sflag:s8] =	ssyncset.done @!p1 $0x0;
	s24 =	rddreg [dreg:$0x6]  }
0x10b: {  	[sflag:s8] =	ssyncadd.s32 @!p1 $0xFFFFF000;
	s8 =	simm.s32 @!p2 $0x0;
	p1 =	sle.u32 s24, $0x0  }
0x10c: {  	[tilespmem:s8], [sflag:$0x1] =	stream.linear.gather @!p2 [hbm4b:s7+s8], $0x1000, $0x38;
	[tilespmem:$0x1FE80] =	vst v63  }
0x10d: {  	s0 =	sadd.s32 @!p2 $0xFFFFEA00, s1;
	s7 =	simm.s32 @!p2 $0xC000;
	s9 =	simm.s32 @!p1 $0x2  }
0x10e: {  	[tilespmem:s7], [sflag:$0x1] =	stream.linear.gather @!p2 [hbm4b:s0+s8], $0x80, $0x38;
	[tilespmem:$0x1FE80] =	vst v63  }
0x10f: {  	_ =	swait.ge @!p1 [sflag:s9], $0x1000  }
0x110: {  	[sflag:s9] =	ssyncset.done @!p1 $0x0  }
0x111: {  	[sflag:s9] =	ssyncadd.s32 @!p1 $0xFFFFF000  }
0x112: {  	s25 =	sadd.s32 $0x1A0, s5;
	s10 =	simm.s32 @!p1 $0xC080;
	_ =	swait.ge @!p1 [sflag:s9], $0x80  }
0x113: {  	s7 =	simm.s32 @!p1 $0xD;
	s8 =	simm.s32 @!p1 $0x1000;
	[sflag:s9] =	ssyncset.done @!p1 $0x0  }
0x114: {  	p2 =	sgt.u32 s25, $0x270F;
	[sflag:s9] =	ssyncadd.s32 @!p1 $0xFFFFFF80;
	s9 =	simm.s32 @!p1 $0x20  }
0x115: {  	[spmem:s2] =	stream.indirect.scatter.add.f32 @!p1 [tilespmem:s8], [sflag:$0xD], $0x80, s10, s9, $0xb8;
	[tilespmem:$0x1FE80] =	vst v63  }
0x116: {  	s0 =	simm.s32 @!p2 $0x1000;
	_ =	swait.ge @!p1 [sflag:s7], $0x1000  }
0x117: {  	s9 =	sadd.s32 @!p2 $0xFFFD8000, s6;
	[sflag:s7] =	ssyncset.done @!p1 $0x0;
	s11 =	rddreg [dreg:$0x7]  }
0x118: {  	[sflag:s7] =	ssyncadd.s32 @!p1 $0xFFFFF000;
	s7 =	simm.s32 @!p2 $0x0;
	p1 =	sle.u32 s11, $0x0  }
0x119: {  	[tilespmem:s0], [sflag:$0x2] =	stream.linear.gather @!p2 [hbm4b:s9+s7], $0x1000, $0x38;
	[tilespmem:$0x1FE80] =	vst v63  }
0x11a: {  	s8 =	simm.s32 @!p2 $0xC080;
	s0 =	sadd.s32 @!p2 $0xFFFFEC00, s1;
	s9 =	simm.s32 @!p1 $0x3  }
0x11b: {  	[tilespmem:s8], [sflag:$0x2] =	stream.linear.gather @!p2 [hbm4b:s0+s7], $0x80, $0x38;
	[tilespmem:$0x1FE80] =	vst v63  }
0x11c: {  	_ =	swait.ge @!p1 [sflag:s9], $0x1000  }
0x11d: {  	[sflag:s9] =	ssyncset.done @!p1 $0x0  }
0x11e: {  	[sflag:s9] =	ssyncadd.s32 @!p1 $0xFFFFF000  }
0x11f: {  	s12 =	sadd.s32 $0x1C0, s5;
	_ =	swait.ge @!p1 [sflag:s9], $0x80  }
0x120: {  	s10 =	simm.s32 @!p1 $0x2000;
	s7 =	simm.s32 @!p1 $0xD;
	[sflag:s9] =	ssyncset.done @!p1 $0x0  }
0x121: {  	s8 =	simm.s32 @!p1 $0xC100;
	[sflag:s9] =	ssyncadd.s32 @!p1 $0xFFFFFF80;
	s9 =	simm.s32 @!p1 $0x20  }
0x122: {  	[spmem:s2] =	stream.indirect.scatter.add.f32 @!p1 [tilespmem:s10], [sflag:$0xD], $0x80, s8, s9, $0xb8;
	[tilespmem:$0x1FE80] =	vst v63  }
0x123: {  	p2 =	sgt.u32 s12, $0x270F;
	_ =	swait.ge @!p1 [sflag:s7], $0x1000  }
0x124: {  	s0 =	sadd.s32 @!p2 $0xFFFDC000, s6;
	s9 =	simm.s32 @!p2 $0x2000;
	[sflag:s7] =	ssyncset.done @!p1 $0x0  }
0x125: {  	s10 =	simm.s32 @!p2 $0x0;
	s13 =	rddreg [dreg:$0x8];
	[sflag:s7] =	ssyncadd.s32 @!p1 $0xFFFFF000  }
0x126: {  	[tilespmem:s9], [sflag:$0x3] =	stream.linear.gather @!p2 [hbm4b:s0+s10], $0x1000, $0x38;
	[tilespmem:$0x1FE80] =	vst v63  }
0x127: {  	s7 =	simm.s32 @!p2 $0xC100;
	p1 =	sle.u32 s13, $0x0;
	s0 =	sadd.s32 @!p2 $0xFFFFEE00, s1  }
0x128: {  	[tilespmem:s7], [sflag:$0x3] =	stream.linear.gather @!p2 [hbm4b:s0+s10], $0x80, $0x38;
	[tilespmem:$0x1FE80] =	vst v63  }
0x129: {  	s0 =	simm.s32 @!p1 $0x4  }
0x12a: {  	_ =	swait.ge @!p1 [sflag:s0], $0x1000  }
0x12b: {  	[sflag:s0] =	ssyncset.done @!p1 $0x0  }
0x12c: {  	[sflag:s0] =	ssyncadd.s32 @!p1 $0xFFFFF000  }
0x12d: {  	s14 =	sadd.s32 $0x1E0, s5;
	_ =	swait.ge @!p1 [sflag:s0], $0x80  }
0x12e: {  	s8 =	simm.s32 @!p1 $0xD;
	s9 =	simm.s32 @!p1 $0xC180;
	[sflag:s0] =	ssyncset.done @!p1 $0x0  }
0x12f: {  	s10 =	simm.s32 @!p1 $0x3000;
	[sflag:s0] =	ssyncadd.s32 @!p1 $0xFFFFFF80;
	s0 =	simm.s32 @!p1 $0x20  }
0x130: {  	[spmem:s2] =	stream.indirect.scatter.add.f32 @!p1 [tilespmem:s10], [sflag:$0xD], $0x80, s9, s0, $0xb8;
	[tilespmem:$0x1FE80] =	vst v63  }
0x131: {  	p2 =	sgt.u32 s14, $0x270F;
	_ =	swait.ge @!p1 [sflag:s8], $0x1000  }
0x132: {  	s0 =	sadd.s32 @!p2 $0xFFFE0000, s6;
	s9 =	simm.s32 @!p2 $0x3000;
	[sflag:s8] =	ssyncset.done @!p1 $0x0  }
0x133: {  	s10 =	simm.s32 @!p2 $0x0;
	s15 =	rddreg [dreg:$0x9];
	[sflag:s8] =	ssyncadd.s32 @!p1 $0xFFFFF000  }
0x134: {  	[tilespmem:s9], [sflag:$0x4] =	stream.linear.gather @!p2 [hbm4b:s0+s10], $0x1000, $0x38;
	[tilespmem:$0x1FE80] =	vst v63  }
0x135: {  	s8 =	simm.s32 @!p2 $0xC180;
	p1 =	sle.u32 s15, $0x0;
	s0 =	sadd.s32 @!p2 $0xFFFFF000, s1  }
0x136: {  	[tilespmem:s8], [sflag:$0x4] =	stream.linear.gather @!p2 [hbm4b:s0+s10], $0x80, $0x38;
	[tilespmem:$0x1FE80] =	vst v63  }
0x137: {  	s0 =	simm.s32 @!p1 $0x5  }
0x138: {  	_ =	swait.ge @!p1 [sflag:s0], $0x1000  }
0x139: {  	[sflag:s0] =	ssyncset.done @!p1 $0x0  }
0x13a: {  	[sflag:s0] =	ssyncadd.s32 @!p1 $0xFFFFF000  }
0x13b: {  	s16 =	sadd.s32 $0x200, s5;
	_ =	swait.ge @!p1 [sflag:s0], $0x80  }
0x13c: {  	s9 =	simm.s32 @!p1 $0xD;
	s8 =	simm.s32 @!p1 $0x4000;
	[sflag:s0] =	ssyncset.done @!p1 $0x0  }
0x13d: {  	s10 =	simm.s32 @!p1 $0xC200;
	[sflag:s0] =	ssyncadd.s32 @!p1 $0xFFFFFF80;
	s0 =	simm.s32 @!p1 $0x20  }
0x13e: {  	[spmem:s2] =	stream.indirect.scatter.add.f32 @!p1 [tilespmem:s8], [sflag:$0xD], $0x80, s10, s0, $0xb8;
	[tilespmem:$0x1FE80] =	vst v63  }
0x13f: {  	p2 =	sgt.u32 s16, $0x270F;
	_ =	swait.ge @!p1 [sflag:s9], $0x1000  }
0x140: {  	s0 =	sadd.s32 @!p2 $0xFFFE4000, s6;
	s8 =	simm.s32 @!p2 $0x4000;
	[sflag:s9] =	ssyncset.done @!p1 $0x0  }
0x141: {  	s17 =	rddreg [dreg:$0xa];
	[sflag:s9] =	ssyncadd.s32 @!p1 $0xFFFFF000;
	s9 =	simm.s32 @!p2 $0x0  }
0x142: {  	[tilespmem:s8], [sflag:$0x5] =	stream.linear.gather @!p2 [hbm4b:s0+s9], $0x1000, $0x38;
	[tilespmem:$0x1FE80] =	vst v63  }
0x143: {  	p1 =	sle.u32 s17, $0x0;
	s0 =	sadd.s32 @!p2 $0xFFFFF200, s1;
	s8 =	simm.s32 @!p2 $0xC200  }
0x144: {  	[tilespmem:s8], [sflag:$0x5] =	stream.linear.gather @!p2 [hbm4b:s0+s9], $0x80, $0x38;
	[tilespmem:$0x1FE80] =	vst v63  }
0x145: {  	s0 =	simm.s32 @!p1 $0x6  }
0x146: {  	_ =	swait.ge @!p1 [sflag:s0], $0x1000  }
0x147: {  	[sflag:s0] =	ssyncset.done @!p1 $0x0  }
0x148: {  	[sflag:s0] =	ssyncadd.s32 @!p1 $0xFFFFF000  }
0x149: {  	s24 =	sadd.s32 $0x220, s5;
	s10 =	simm.s32 @!p1 $0x5000;
	_ =	swait.ge @!p1 [sflag:s0], $0x80  }
0x14a: {  	s8 =	simm.s32 @!p1 $0xD;
	s9 =	simm.s32 @!p1 $0xC280;
	[sflag:s0] =	ssyncset.done @!p1 $0x0  }
0x14b: {  	p2 =	sgt.u32 s24, $0x270F;
	[sflag:s0] =	ssyncadd.s32 @!p1 $0xFFFFFF80;
	s0 =	simm.s32 @!p1 $0x20  }
0x14c: {  	[spmem:s2] =	stream.indirect.scatter.add.f32 @!p1 [tilespmem:s10], [sflag:$0xD], $0x80, s9, s0, $0xb8;
	[tilespmem:$0x1FE80] =	vst v63  }
0x14d: {  	s0 =	sadd.s32 @!p2 $0xFFFE8000, s6;
	_ =	swait.ge @!p1 [sflag:s8], $0x1000  }
0x14e: {  	s9 =	simm.s32 @!p2 $0x5000;
	[sflag:s8] =	ssyncset.done @!p1 $0x0;
	s25 =	rddreg [dreg:$0xb]  }
0x14f: {  	s10 =	simm.s32 @!p2 $0x0;
	[sflag:s8] =	ssyncadd.s32 @!p1 $0xFFFFF000;
	p1 =	sle.u32 s25, $0x0  }
0x150: {  	[tilespmem:s9], [sflag:$0x6] =	stream.linear.gather @!p2 [hbm4b:s0+s10], $0x1000, $0x38;
	[tilespmem:$0x1FE80] =	vst v63  }
0x151: {  	s7 =	simm.s32 @!p2 $0xC280;
	s0 =	sadd.s32 @!p2 $0xFFFFF400, s1;
	s8 =	simm.s32 @!p1 $0x7  }
0x152: {  	[tilespmem:s7], [sflag:$0x6] =	stream.linear.gather @!p2 [hbm4b:s0+s10], $0x80, $0x38;
	[tilespmem:$0x1FE80] =	vst v63  }
0x153: {  	_ =	swait.ge @!p1 [sflag:s8], $0x1000  }
0x154: {  	[sflag:s8] =	ssyncset.done @!p1 $0x0  }
0x155: {  	[sflag:s8] =	ssyncadd.s32 @!p1 $0xFFFFF000  }
0x156: {  	s11 =	sadd.s32 $0x240, s5;
	_ =	swait.ge @!p1 [sflag:s8], $0x80  }
0x157: {  	s9 =	simm.s32 @!p1 $0xC300;
	s7 =	simm.s32 @!p1 $0xD;
	[sflag:s8] =	ssyncset.done @!p1 $0x0  }
0x158: {  	s10 =	simm.s32 @!p1 $0x6000;
	[sflag:s8] =	ssyncadd.s32 @!p1 $0xFFFFFF80;
	s8 =	simm.s32 @!p1 $0x20  }
0x159: {  	[spmem:s2] =	stream.indirect.scatter.add.f32 @!p1 [tilespmem:s10], [sflag:$0xD], $0x80, s9, s8, $0xb8;
	[tilespmem:$0x1FE80] =	vst v63  }
0x15a: {  	p2 =	sgt.u32 s11, $0x270F;
	_ =	swait.ge @!p1 [sflag:s7], $0x1000  }
0x15b: {  	s0 =	simm.s32 @!p2 $0x0;
	s9 =	simm.s32 @!p2 $0x6000;
	[sflag:s7] =	ssyncset.done @!p1 $0x0  }
0x15c: {  	s12 =	rddreg [dreg:$0xc];
	[sflag:s7] =	ssyncadd.s32 @!p1 $0xFFFFF000;
	s7 =	sadd.s32 @!p2 $0xFFFEC000, s6  }
0x15d: {  	[tilespmem:s9], [sflag:$0x7] =	stream.linear.gather @!p2 [hbm4b:s7+s0], $0x1000, $0x38;
	[tilespmem:$0x1FE80] =	vst v63  }
0x15e: {  	p1 =	sle.u32 s12, $0x0;
	s7 =	sadd.s32 @!p2 $0xFFFFF600, s1;
	s9 =	simm.s32 @!p2 $0xC300  }
0x15f: {  	[tilespmem:s9], [sflag:$0x7] =	stream.linear.gather @!p2 [hbm4b:s7+s0], $0x80, $0x38;
	[tilespmem:$0x1FE80] =	vst v63  }
0x160: {  	s0 =	simm.s32 @!p1 $0x8  }
0x161: {  	_ =	swait.ge @!p1 [sflag:s0], $0x1000  }
0x162: {  	[sflag:s0] =	ssyncset.done @!p1 $0x0  }
0x163: {  	[sflag:s0] =	ssyncadd.s32 @!p1 $0xFFFFF000  }
0x164: {  	s13 =	sadd.s32 $0x260, s5;
	_ =	swait.ge @!p1 [sflag:s0], $0x80  }
0x165: {  	s10 =	simm.s32 @!p1 $0x7000;
	s7 =	simm.s32 @!p1 $0xD;
	[sflag:s0] =	ssyncset.done @!p1 $0x0  }
0x166: {  	s9 =	simm.s32 @!p1 $0xC380;
	[sflag:s0] =	ssyncadd.s32 @!p1 $0xFFFFFF80;
	s0 =	simm.s32 @!p1 $0x20  }
0x167: {  	[spmem:s2] =	stream.indirect.scatter.add.f32 @!p1 [tilespmem:s10], [sflag:$0xD], $0x80, s9, s0, $0xb8;
	[tilespmem:$0x1FE80] =	vst v63  }
0x168: {  	p2 =	sgt.u32 s13, $0x270F;
	_ =	swait.ge @!p1 [sflag:s7], $0x1000  }
0x169: {  	s0 =	simm.s32 @!p2 $0x7000;
	s9 =	simm.s32 @!p2 $0x0;
	[sflag:s7] =	ssyncset.done @!p1 $0x0  }
0x16a: {  	s14 =	rddreg [dreg:$0xd];
	[sflag:s7] =	ssyncadd.s32 @!p1 $0xFFFFF000;
	s7 =	sadd.s32 @!p2 $0xFFFF0000, s6  }
0x16b: {  	[tilespmem:s0], [sflag:$0x8] =	stream.linear.gather @!p2 [hbm4b:s7+s9], $0x1000, $0x38;
	[tilespmem:$0x1FE80] =	vst v63  }
0x16c: {  	p1 =	sle.u32 s14, $0x0;
	s0 =	sadd.s32 @!p2 $0xFFFFF800, s1;
	s7 =	simm.s32 @!p2 $0xC380  }
0x16d: {  	[tilespmem:s7], [sflag:$0x8] =	stream.linear.gather @!p2 [hbm4b:s0+s9], $0x80, $0x38;
	[tilespmem:$0x1FE80] =	vst v63  }
0x16e: {  	s0 =	simm.s32 @!p1 $0x9  }
0x16f: {  	_ =	swait.ge @!p1 [sflag:s0], $0x1000  }
0x170: {  	[sflag:s0] =	ssyncset.done @!p1 $0x0  }
0x171: {  	[sflag:s0] =	ssyncadd.s32 @!p1 $0xFFFFF000  }
0x172: {  	s15 =	sadd.s32 $0x280, s5;
	_ =	swait.ge @!p1 [sflag:s0], $0x80  }
0x173: {  	s8 =	simm.s32 @!p1 $0x8000;
	s10 =	simm.s32 @!p1 $0xC400;
	[sflag:s0] =	ssyncset.done @!p1 $0x0  }
0x174: {  	s9 =	simm.s32 @!p1 $0xD;
	[sflag:s0] =	ssyncadd.s32 @!p1 $0xFFFFFF80;
	s0 =	simm.s32 @!p1 $0x20  }
0x175: {  	[spmem:s2] =	stream.indirect.scatter.add.f32 @!p1 [tilespmem:s8], [sflag:$0xD], $0x80, s10, s0, $0xb8;
	[tilespmem:$0x1FE80] =	vst v63  }
0x176: {  	p2 =	sgt.u32 s15, $0x270F;
	_ =	swait.ge @!p1 [sflag:s9], $0x1000  }
0x177: {  	s0 =	sadd.s32 @!p2 $0xFFFF4000, s6;
	s8 =	simm.s32 @!p2 $0x0;
	[sflag:s9] =	ssyncset.done @!p1 $0x0  }
0x178: {  	s10 =	simm.s32 @!p2 $0x8000;
	s16 =	rddreg [dreg:$0xe];
	[sflag:s9] =	ssyncadd.s32 @!p1 $0xFFFFF000  }
0x179: {  	[tilespmem:s10], [sflag:$0x9] =	stream.linear.gather @!p2 [hbm4b:s0+s8], $0x1000, $0x38;
	[tilespmem:$0x1FE80] =	vst v63  }
0x17a: {  	s9 =	simm.s32 @!p2 $0xC400;
	p1 =	sle.u32 s16, $0x0;
	s0 =	sadd.s32 @!p2 $0xFFFFFA00, s1  }
0x17b: {  	[tilespmem:s9], [sflag:$0x9] =	stream.linear.gather @!p2 [hbm4b:s0+s8], $0x80, $0x38;
	[tilespmem:$0x1FE80] =	vst v63  }
0x17c: {  	s0 =	simm.s32 @!p1 $0xA  }
0x17d: {  	_ =	swait.ge @!p1 [sflag:s0], $0x1000  }
0x17e: {  	[sflag:s0] =	ssyncset.done @!p1 $0x0  }
0x17f: {  	s17 =	sadd.s32 $0x2A0, s5;
	[sflag:s0] =	ssyncadd.s32 @!p1 $0xFFFFF000  }
0x180: {  	p3 =	sgt.u32 s17, $0x270F;
	_ =	swait.ge @!p1 [sflag:s0], $0x80  }
0x181: {  	s7 =	simm.s32 @!p1 $0xD;
	s10 =	simm.s32 @!p1 $0xC480;
	[sflag:s0] =	ssyncset.done @!p1 $0x0  }
0x182: {  	s8 =	simm.s32 @!p1 $0x9000;
	s9 =	simm.s32 @!p1 $0x20;
	[sflag:s0] =	ssyncadd.s32 @!p1 $0xFFFFFF80  }
0x183: {  	[spmem:s2] =	stream.indirect.scatter.add.f32 @!p1 [tilespmem:s8], [sflag:$0xD], $0x80, s10, s9, $0xb8;
	[tilespmem:$0x1FE80] =	vst v63  }
0x184: {  	s0 =	sadd.s32 @!p3 $0xFFFF8000, s6;
	_ =	swait.ge @!p1 [sflag:s7], $0x1000  }
0x185: {  	s9 =	simm.s32 @!p3 $0x0;
	[sflag:s7] =	ssyncset.done @!p1 $0x0;
	s24 =	rddreg [dreg:$0xf]  }
0x186: {  	s10 =	simm.s32 @!p3 $0x9000;
	[sflag:s7] =	ssyncadd.s32 @!p1 $0xFFFFF000;
	p2 =	sle.u32 s24, $0x0  }
0x187: {  	[tilespmem:s10], [sflag:$0xA] =	stream.linear.gather @!p3 [hbm4b:s0+s9], $0x1000, $0x38;
	[tilespmem:$0x1FE80] =	vst v63  }
0x188: {  	s7 =	sadd.s32 @!p3 $0xFFFFFC00, s1;
	s0 =	simm.s32 @!p3 $0xC480;
	s8 =	simm.s32 @!p2 $0xB  }
0x189: {  	[tilespmem:s0], [sflag:$0xA] =	stream.linear.gather @!p3 [hbm4b:s7+s9], $0x80, $0x38;
	[tilespmem:$0x1FE80] =	vst v63  }
0x18a: {  	_ =	swait.ge @!p2 [sflag:s8], $0x1000  }
0x18b: {  	s31 =	smov.u32 s6;
	[sflag:s8] =	ssyncset.done @!p2 $0x0  }
0x18c: {  	s25 =	sadd.s32 $0x2C0, s5;
	s24 =	smov.u32 s6;
	[sflag:s8] =	ssyncadd.s32 @!p2 $0xFFFFF000  }
0x18d: {  	s0 =	simm.s32 @!p2 $0xA000;
	s7 =	simm.s32 @!p2 $0x20;
	_ =	swait.ge @!p2 [sflag:s8], $0x80  }
0x18e: {  	s9 =	simm.s32 @!p2 $0xD;
	p3 =	sgt.u32 s25, $0x270F;
	[sflag:s8] =	ssyncset.done @!p2 $0x0  }
0x18f: {  	s25 =	smov.u32 s1;
	[sflag:s8] =	ssyncadd.s32 @!p2 $0xFFFFFF80;
	s8 =	simm.s32 @!p2 $0xC500  }
0x190: {  	[spmem:s2] =	stream.indirect.scatter.add.f32 @!p2 [tilespmem:s0], [sflag:$0xD], $0x80, s8, s7, $0xb8;
	[tilespmem:$0x1FE80] =	vst v63  }
0x191: {  	s0 =	simm.s32 $0x180;
	s7 =	sadd.s32 $0x2E0, s5;
	s5 =	sadd.s32 $0x1800, s1  }
.LBB2_4:
0x192: {  	_ =	swait.ge @!p2 [sflag:s9], $0x1000  }
0x193: {  	s10 =	simm.s32 @!p3 $0xA000;
	s12 =	simm.s32 @!p3 $0x0;
	[sflag:s9] =	ssyncset.done @!p2 $0x0  }
0x194: {  	s11 =	rddreg [dreg:$0x10];
	[sflag:s9] =	ssyncadd.s32 @!p2 $0xFFFFF000;
	s9 =	sadd.s32 @!p3 $0xFFFFC000, s24  }
0x195: {  	[tilespmem:s10], [sflag:$0xB] =	stream.linear.gather @!p3 [hbm4b:s9+s12], $0x1000, $0x38;
	[tilespmem:$0x1FE80] =	vst v63  }
0x196: {  	p2 =	sge.u32 s29, s11;
	s9 =	sadd.s32 @!p3 $0xFFFFFE00, s25;
	s10 =	simm.s32 @!p3 $0xC500  }
0x197: {  	[tilespmem:s10], [sflag:$0xB] =	stream.linear.gather @!p3 [hbm4b:s9+s12], $0x80, $0x38;
	[tilespmem:$0x1FE80] =	vst v63  }
0x198: {  	s9 =	simm.s32 @!p2 $0xC  }
0x199: {  	_ =	swait.ge @!p2 [sflag:s9], $0x1000  }
0x19a: {  	[sflag:s9] =	ssyncset.done @!p2 $0x0  }
0x19b: {  	s8 =	smov.u32 s0;
	[sflag:s9] =	ssyncadd.s32 @!p2 $0xFFFFF000  }
0x19c: {  	s29 =	smov.u32 s8;
	_ =	swait.ge @!p2 [sflag:s9], $0x80  }
0x19d: {  	s8 =	simm.s32 @!p2 $0xB000;
	s11 =	simm.s32 @!p2 $0xC580;
	[sflag:s9] =	ssyncset.done @!p2 $0x0  }
0x19e: {  	s10 =	simm.s32 @!p2 $0x20;
	[sflag:s9] =	ssyncadd.s32 @!p2 $0xFFFFFF80;
	s9 =	simm.s32 @!p2 $0xD  }
0x19f: {  	[spmem:s2] =	stream.indirect.scatter.add.f32 @!p2 [tilespmem:s8], [sflag:$0xD], $0x80, s11, s10, $0xb8;
	[tilespmem:$0x1FE80] =	vst v63  }
0x1a0: {  	p3 =	sgt.u32 s7, $0x270F;
	_ =	swait.ge @!p2 [sflag:s9], $0x1000  }
0x1a1: {  	s7 =	simm.s32 @!p3 $0x0;
	s15 =	rddreg [dreg:$0x5];
	[sflag:s9] =	ssyncset.done @!p2 $0x0  }
0x1a2: {  	[sflag:s9] =	ssyncadd.s32 @!p2 $0xFFFFF000;
	s9 =	simm.s32 @!p3 $0xB000;
	p2 =	sge.u32 s29, s15  }
0x1a3: {  	[tilespmem:s9], [sflag:$0xC] =	stream.linear.gather @!p3 [hbm4b:s24+s7], $0x1000, $0x38;
	[tilespmem:$0x1FE80] =	vst v63  }
0x1a4: {  	s8 =	simm.s32 @!p3 $0xC580;
	s11 =	simm.s32 @!p2 $0x1  }
0x1a5: {  	[tilespmem:s8], [sflag:$0xC] =	stream.linear.gather @!p3 [hbm4b:s25+s7], $0x80, $0x38;
	[tilespmem:$0x1FE80] =	vst v63  }
0x1a6: {  	_ =	swait.ge @!p2 [sflag:s11], $0x1000  }
0x1a7: {  	[sflag:s11] =	ssyncset.done @!p2 $0x0  }
0x1a8: {  	[sflag:s11] =	ssyncadd.s32 @!p2 $0xFFFFF000  }
0x1a9: {  	s12 =	simm.s32 @!p2 $0x0;
	s13 =	simm.s32 @!p2 $0xD;
	_ =	swait.ge @!p2 [sflag:s11], $0x80  }
0x1aa: {  	s14 =	simm.s32 @!p2 $0x20;
	s8 =	sadd.s32 s29, s4;
	[sflag:s11] =	ssyncset.done @!p2 $0x0  }
0x1ab: {  	s15 =	simm.s32 @!p2 $0xC000;
	s16 =	sadd.s32 $0x180, s8;
	[sflag:s11] =	ssyncadd.s32 @!p2 $0xFFFFFF80  }
0x1ac: {  	[spmem:s2] =	stream.indirect.scatter.add.f32 @!p2 [tilespmem:s12], [sflag:$0xD], $0x80, s15, s14, $0xb8;
	[tilespmem:$0x1FE80] =	vst v63  }
0x1ad: {  	s31 =	sadd.s32 $0x30000, s31;
	p3 =	sgt.u32 s16, $0x270F;
	_ =	swait.ge @!p2 [sflag:s13], $0x1000  }
0x1ae: {  	s14 =	sadd.s32 @!p3 $0xFFFD4000, s31;
	[sflag:s13] =	ssyncset.done @!p2 $0x0;
	s17 =	rddreg [dreg:$0x6]  }
0x1af: {  	[sflag:s13] =	ssyncadd.s32 @!p2 $0xFFFFF000;
	s13 =	simm.s32 @!p3 $0x0;
	p2 =	sge.u32 s29, s17  }
0x1b0: {  	[tilespmem:s13], [sflag:$0x1] =	stream.linear.gather @!p3 [hbm4b:s14+s13], $0x1000, $0x38;
	[tilespmem:$0x1FE80] =	vst v63  }
0x1b1: {  	s11 =	sadd.s32 @!p3 $0xFFFFEA00, s5;
	s12 =	simm.s32 @!p3 $0xC000;
	s14 =	simm.s32 @!p2 $0x2  }
0x1b2: {  	[tilespmem:s12], [sflag:$0x1] =	stream.linear.gather @!p3 [hbm4b:s11+s13], $0x80, $0x38;
	[tilespmem:$0x1FE80] =	vst v63  }
0x1b3: {  	_ =	swait.ge @!p2 [sflag:s14], $0x1000  }
0x1b4: {  	[sflag:s14] =	ssyncset.done @!p2 $0x0  }
0x1b5: {  	s16 =	sadd.s32 $0x1A0, s8;
	[sflag:s14] =	ssyncadd.s32 @!p2 $0xFFFFF000  }
0x1b6: {  	p3 =	sgt.u32 s16, $0x270F;
	_ =	swait.ge @!p2 [sflag:s14], $0x80  }
0x1b7: {  	s11 =	simm.s32 @!p2 $0xD;
	s13 =	simm.s32 @!p2 $0x1000;
	[sflag:s14] =	ssyncset.done @!p2 $0x0  }
0x1b8: {  	s16 =	simm.s32 @!p2 $0xC080;
	[sflag:s14] =	ssyncadd.s32 @!p2 $0xFFFFFF80;
	s14 =	simm.s32 @!p2 $0x20  }
0x1b9: {  	[spmem:s2] =	stream.indirect.scatter.add.f32 @!p2 [tilespmem:s13], [sflag:$0xD], $0x80, s16, s14, $0xb8;
	[tilespmem:$0x1FE80] =	vst v63  }
0x1ba: {  	s12 =	simm.s32 @!p3 $0x1000;
	_ =	swait.ge @!p2 [sflag:s11], $0x1000  }
0x1bb: {  	s15 =	sadd.s32 @!p3 $0xFFFD8000, s31;
	[sflag:s11] =	ssyncset.done @!p2 $0x0;
	s17 =	rddreg [dreg:$0x7]  }
0x1bc: {  	[sflag:s11] =	ssyncadd.s32 @!p2 $0xFFFFF000;
	s11 =	simm.s32 @!p3 $0x0;
	p2 =	sge.u32 s29, s17  }
0x1bd: {  	[tilespmem:s12], [sflag:$0x2] =	stream.linear.gather @!p3 [hbm4b:s15+s11], $0x1000, $0x38;
	[tilespmem:$0x1FE80] =	vst v63  }
0x1be: {  	s13 =	sadd.s32 @!p3 $0xFFFFEC00, s5;
	s14 =	simm.s32 @!p3 $0xC080;
	s12 =	simm.s32 @!p2 $0x3  }
0x1bf: {  	[tilespmem:s14], [sflag:$0x2] =	stream.linear.gather @!p3 [hbm4b:s13+s11], $0x80, $0x38;
	[tilespmem:$0x1FE80] =	vst v63  }
0x1c0: {  	_ =	swait.ge @!p2 [sflag:s12], $0x1000  }
0x1c1: {  	[sflag:s12] =	ssyncset.done @!p2 $0x0  }
0x1c2: {  	[sflag:s12] =	ssyncadd.s32 @!p2 $0xFFFFF000  }
0x1c3: {  	s15 =	simm.s32 @!p2 $0xC100;
	s16 =	simm.s32 @!p2 $0x2000;
	_ =	swait.ge @!p2 [sflag:s12], $0x80  }
0x1c4: {  	s14 =	sadd.s32 $0x1C0, s8;
	s11 =	simm.s32 @!p2 $0xD;
	[sflag:s12] =	ssyncset.done @!p2 $0x0  }
0x1c5: {  	p3 =	sgt.u32 s14, $0x270F;
	[sflag:s12] =	ssyncadd.s32 @!p2 $0xFFFFFF80;
	s12 =	simm.s32 @!p2 $0x20  }
0x1c6: {  	[spmem:s2] =	stream.indirect.scatter.add.f32 @!p2 [tilespmem:s16], [sflag:$0xD], $0x80, s15, s12, $0xb8;
	[tilespmem:$0x1FE80] =	vst v63  }
0x1c7: {  	s13 =	sadd.s32 @!p3 $0xFFFDC000, s31;
	_ =	swait.ge @!p2 [sflag:s11], $0x1000  }
0x1c8: {  	s14 =	simm.s32 @!p3 $0x2000;
	[sflag:s11] =	ssyncset.done @!p2 $0x0;
	s16 =	rddreg [dreg:$0x8]  }
0x1c9: {  	s17 =	simm.s32 @!p3 $0x0;
	[sflag:s11] =	ssyncadd.s32 @!p2 $0xFFFFF000;
	p2 =	sge.u32 s29, s16  }
0x1ca: {  	[tilespmem:s14], [sflag:$0x3] =	stream.linear.gather @!p3 [hbm4b:s13+s17], $0x1000, $0x38;
	[tilespmem:$0x1FE80] =	vst v63  }
0x1cb: {  	s12 =	sadd.s32 @!p3 $0xFFFFEE00, s5;
	s15 =	simm.s32 @!p3 $0xC100;
	s11 =	simm.s32 @!p2 $0x4  }
0x1cc: {  	[tilespmem:s15], [sflag:$0x3] =	stream.linear.gather @!p3 [hbm4b:s12+s17], $0x80, $0x38;
	[tilespmem:$0x1FE80] =	vst v63  }
0x1cd: {  	_ =	swait.ge @!p2 [sflag:s11], $0x1000  }
0x1ce: {  	[sflag:s11] =	ssyncset.done @!p2 $0x0  }
0x1cf: {  	[sflag:s11] =	ssyncadd.s32 @!p2 $0xFFFFF000  }
0x1d0: {  	s14 =	simm.s32 @!p2 $0xD;
	s15 =	sadd.s32 $0x1E0, s8;
	_ =	swait.ge @!p2 [sflag:s11], $0x80  }
0x1d1: {  	s16 =	simm.s32 @!p2 $0x3000;
	p3 =	sgt.u32 s15, $0x270F;
	[sflag:s11] =	ssyncset.done @!p2 $0x0  }
0x1d2: {  	s15 =	simm.s32 @!p2 $0xC180;
	[sflag:s11] =	ssyncadd.s32 @!p2 $0xFFFFFF80;
	s11 =	simm.s32 @!p2 $0x20  }
0x1d3: {  	[spmem:s2] =	stream.indirect.scatter.add.f32 @!p2 [tilespmem:s16], [sflag:$0xD], $0x80, s15, s11, $0xb8;
	[tilespmem:$0x1FE80] =	vst v63  }
0x1d4: {  	_ =	swait.ge @!p2 [sflag:s14], $0x1000  }
0x1d5: {  	s12 =	sadd.s32 @!p3 $0xFFFE0000, s31;
	s13 =	simm.s32 @!p3 $0x3000;
	[sflag:s14] =	ssyncset.done @!p2 $0x0  }
0x1d6: {  	s17 =	simm.s32 @!p3 $0x0;
	s16 =	rddreg [dreg:$0x9];
	[sflag:s14] =	ssyncadd.s32 @!p2 $0xFFFFF000  }
0x1d7: {  	[tilespmem:s13], [sflag:$0x4] =	stream.linear.gather @!p3 [hbm4b:s12+s17], $0x1000, $0x38;
	[tilespmem:$0x1FE80] =	vst v63  }
0x1d8: {  	s11 =	sadd.s32 @!p3 $0xFFFFF000, s5;
	s15 =	simm.s32 @!p3 $0xC180;
	p2 =	sge.u32 s29, s16  }
0x1d9: {  	[tilespmem:s15], [sflag:$0x4] =	stream.linear.gather @!p3 [hbm4b:s11+s17], $0x80, $0x38;
	[tilespmem:$0x1FE80] =	vst v63  }
0x1da: {  	s11 =	simm.s32 @!p2 $0x5  }
0x1db: {  	_ =	swait.ge @!p2 [sflag:s11], $0x1000  }
0x1dc: {  	[sflag:s11] =	ssyncset.done @!p2 $0x0  }
0x1dd: {  	[sflag:s11] =	ssyncadd.s32 @!p2 $0xFFFFF000  }
0x1de: {  	s16 =	sadd.s32 $0x200, s8;
	s14 =	simm.s32 @!p2 $0x4000;
	_ =	swait.ge @!p2 [sflag:s11], $0x80  }
0x1df: {  	p3 =	sgt.u32 s16, $0x270F;
	s15 =	simm.s32 @!p2 $0xD;
	[sflag:s11] =	ssyncset.done @!p2 $0x0  }
0x1e0: {  	s16 =	simm.s32 @!p2 $0xC200;
	[sflag:s11] =	ssyncadd.s32 @!p2 $0xFFFFFF80;
	s11 =	simm.s32 @!p2 $0x20  }
0x1e1: {  	[spmem:s2] =	stream.indirect.scatter.add.f32 @!p2 [tilespmem:s14], [sflag:$0xD], $0x80, s16, s11, $0xb8;
	[tilespmem:$0x1FE80] =	vst v63  }
0x1e2: {  	_ =	swait.ge @!p2 [sflag:s15], $0x1000  }
0x1e3: {  	s12 =	sadd.s32 @!p3 $0xFFFE4000, s31;
	s13 =	simm.s32 @!p3 $0x4000;
	[sflag:s15] =	ssyncset.done @!p2 $0x0  }
0x1e4: {  	s17 =	rddreg [dreg:$0xa];
	[sflag:s15] =	ssyncadd.s32 @!p2 $0xFFFFF000;
	s15 =	simm.s32 @!p3 $0x0  }
0x1e5: {  	[tilespmem:s13], [sflag:$0x5] =	stream.linear.gather @!p3 [hbm4b:s12+s15], $0x1000, $0x38;
	[tilespmem:$0x1FE80] =	vst v63  }
0x1e6: {  	s11 =	sadd.s32 @!p3 $0xFFFFF200, s5;
	s14 =	simm.s32 @!p3 $0xC200;
	p4 =	sge.u32 s29, s17  }
0x1e7: {  	[tilespmem:s14], [sflag:$0x5] =	stream.linear.gather @!p3 [hbm4b:s11+s15], $0x80, $0x38;
	[tilespmem:$0x1FE80] =	vst v63  }
0x1e8: {  	s11 =	simm.s32 @!p4 $0x6  }
0x1e9: {  	_ =	swait.ge @!p4 [sflag:s11], $0x1000  }
0x1ea: {  	[sflag:s11] =	ssyncset.done @!p4 $0x0  }
0x1eb: {  	[sflag:s11] =	ssyncadd.s32 @!p4 $0xFFFFF000  }
0x1ec: {  	s13 =	sadd.s32 $0x220, s8;
	s16 =	simm.s32 @!p4 $0x5000;
	_ =	swait.ge @!p4 [sflag:s11], $0x80  }
0x1ed: {  	p2 =	sgt.u32 s13, $0x270F;
	s14 =	simm.s32 @!p4 $0xD;
	[sflag:s11] =	ssyncset.done @!p4 $0x0  }
0x1ee: {  	s15 =	simm.s32 @!p4 $0xC280;
	[sflag:s11] =	ssyncadd.s32 @!p4 $0xFFFFFF80;
	s11 =	simm.s32 @!p4 $0x20  }
0x1ef: {  	[spmem:s2] =	stream.indirect.scatter.add.f32 @!p4 [tilespmem:s16], [sflag:$0xD], $0x80, s15, s11, $0xb8;
	[tilespmem:$0x1FE80] =	vst v63  }
0x1f0: {  	s12 =	sadd.s32 @!p2 $0xFFFE8000, s31;
	_ =	swait.ge @!p4 [sflag:s14], $0x1000  }
0x1f1: {  	s13 =	simm.s32 @!p2 $0x5000;
	[sflag:s14] =	ssyncset.done @!p4 $0x0;
	s16 =	rddreg [dreg:$0xb]  }
0x1f2: {  	s17 =	simm.s32 @!p2 $0x0;
	[sflag:s14] =	ssyncadd.s32 @!p4 $0xFFFFF000;
	p3 =	sge.u32 s29, s16  }
0x1f3: {  	[tilespmem:s13], [sflag:$0x6] =	stream.linear.gather @!p2 [hbm4b:s12+s17], $0x1000, $0x38;
	[tilespmem:$0x1FE80] =	vst v63  }
0x1f4: {  	s11 =	sadd.s32 @!p2 $0xFFFFF400, s5;
	s12 =	simm.s32 @!p2 $0xC280;
	s13 =	simm.s32 @!p3 $0x7  }
0x1f5: {  	[tilespmem:s12], [sflag:$0x6] =	stream.linear.gather @!p2 [hbm4b:s11+s17], $0x80, $0x38;
	[tilespmem:$0x1FE80] =	vst v63  }
0x1f6: {  	_ =	swait.ge @!p3 [sflag:s13], $0x1000  }
0x1f7: {  	[sflag:s13] =	ssyncset.done @!p3 $0x0  }
0x1f8: {  	s10 =	sadd.s32 $0x240, s8;
	[sflag:s13] =	ssyncadd.s32 @!p3 $0xFFFFF000  }
0x1f9: {  	p4 =	sgt.u32 s10, $0x270F;
	_ =	swait.ge @!p3 [sflag:s13], $0x80  }
0x1fa: {  	s10 =	simm.s32 @!p3 $0xC300;
	s11 =	simm.s32 @!p3 $0xD;
	[sflag:s13] =	ssyncset.done @!p3 $0x0  }
0x1fb: {  	s12 =	simm.s32 @!p3 $0x6000;
	[sflag:s13] =	ssyncadd.s32 @!p3 $0xFFFFFF80;
	s13 =	simm.s32 @!p3 $0x20  }
0x1fc: {  	[spmem:s2] =	stream.indirect.scatter.add.f32 @!p3 [tilespmem:s12], [sflag:$0xD], $0x80, s10, s13, $0xb8;
	[tilespmem:$0x1FE80] =	vst v63  }
0x1fd: {  	_ =	swait.ge @!p3 [sflag:s11], $0x1000  }
0x1fe: {  	s14 =	simm.s32 @!p4 $0x0;
	s15 =	simm.s32 @!p4 $0x6000;
	[sflag:s11] =	ssyncset.done @!p3 $0x0  }
0x1ff: {  	s16 =	rddreg [dreg:$0xc];
	[sflag:s11] =	ssyncadd.s32 @!p3 $0xFFFFF000;
	s11 =	sadd.s32 @!p4 $0xFFFEC000, s31  }
0x200: {  	[tilespmem:s15], [sflag:$0x7] =	stream.linear.gather @!p4 [hbm4b:s11+s14], $0x1000, $0x38;
	[tilespmem:$0x1FE80] =	vst v63  }
0x201: {  	s10 =	sadd.s32 @!p4 $0xFFFFF600, s5;
	s12 =	simm.s32 @!p4 $0xC300;
	p2 =	sge.u32 s29, s16  }
0x202: {  	[tilespmem:s12], [sflag:$0x7] =	stream.linear.gather @!p4 [hbm4b:s10+s14], $0x80, $0x38;
	[tilespmem:$0x1FE80] =	vst v63  }
0x203: {  	s10 =	simm.s32 @!p2 $0x8  }
0x204: {  	_ =	swait.ge @!p2 [sflag:s10], $0x1000  }
0x205: {  	[sflag:s10] =	ssyncset.done @!p2 $0x0  }
0x206: {  	[sflag:s10] =	ssyncadd.s32 @!p2 $0xFFFFF000  }
0x207: {  	s17 =	sadd.s32 $0x260, s8;
	_ =	swait.ge @!p2 [sflag:s10], $0x80  }
0x208: {  	s11 =	simm.s32 @!p2 $0xD;
	s13 =	simm.s32 @!p2 $0xC380;
	[sflag:s10] =	ssyncset.done @!p2 $0x0  }
0x209: {  	s14 =	simm.s32 @!p2 $0x7000;
	[sflag:s10] =	ssyncadd.s32 @!p2 $0xFFFFFF80;
	s10 =	simm.s32 @!p2 $0x20  }
0x20a: {  	[spmem:s2] =	stream.indirect.scatter.add.f32 @!p2 [tilespmem:s14], [sflag:$0xD], $0x80, s13, s10, $0xb8;
	[tilespmem:$0x1FE80] =	vst v63  }
0x20b: {  	p3 =	sgt.u32 s17, $0x270F;
	_ =	swait.ge @!p2 [sflag:s11], $0x1000  }
0x20c: {  	s10 =	simm.s32 @!p3 $0x7000;
	s13 =	simm.s32 @!p3 $0x0;
	[sflag:s11] =	ssyncset.done @!p2 $0x0  }
0x20d: {  	s14 =	rddreg [dreg:$0xd];
	[sflag:s11] =	ssyncadd.s32 @!p2 $0xFFFFF000;
	s11 =	sadd.s32 @!p3 $0xFFFF0000, s31  }
0x20e: {  	[tilespmem:s10], [sflag:$0x8] =	stream.linear.gather @!p3 [hbm4b:s11+s13], $0x1000, $0x38;
	[tilespmem:$0x1FE80] =	vst v63  }
0x20f: {  	p2 =	sge.u32 s29, s14;
	s10 =	sadd.s32 @!p3 $0xFFFFF800, s5;
	s11 =	simm.s32 @!p3 $0xC380  }
0x210: {  	[tilespmem:s11], [sflag:$0x8] =	stream.linear.gather @!p3 [hbm4b:s10+s13], $0x80, $0x38;
	[tilespmem:$0x1FE80] =	vst v63  }
0x211: {  	s10 =	simm.s32 @!p2 $0x9  }
0x212: {  	_ =	swait.ge @!p2 [sflag:s10], $0x1000  }
0x213: {  	[sflag:s10] =	ssyncset.done @!p2 $0x0  }
0x214: {  	[sflag:s10] =	ssyncadd.s32 @!p2 $0xFFFFF000  }
0x215: {  	s9 =	sadd.s32 $0x280, s8;
	s12 =	simm.s32 @!p2 $0xC400;
	_ =	swait.ge @!p2 [sflag:s10], $0x80  }
0x216: {  	p3 =	sgt.u32 s9, $0x270F;
	s9 =	simm.s32 @!p2 $0x8000;
	[sflag:s10] =	ssyncset.done @!p2 $0x0  }
0x217: {  	s11 =	simm.s32 @!p2 $0xD;
	[sflag:s10] =	ssyncadd.s32 @!p2 $0xFFFFFF80;
	s10 =	simm.s32 @!p2 $0x20  }
0x218: {  	[spmem:s2] =	stream.indirect.scatter.add.f32 @!p2 [tilespmem:s9], [sflag:$0xD], $0x80, s12, s10, $0xb8;
	[tilespmem:$0x1FE80] =	vst v63  }
0x219: {  	_ =	swait.ge @!p2 [sflag:s11], $0x1000  }
0x21a: {  	s9 =	sadd.s32 @!p3 $0xFFFF4000, s31;
	s10 =	simm.s32 @!p3 $0x0;
	[sflag:s11] =	ssyncset.done @!p2 $0x0  }
0x21b: {  	s12 =	simm.s32 @!p3 $0x8000;
	s15 =	rddreg [dreg:$0xe];
	[sflag:s11] =	ssyncadd.s32 @!p2 $0xFFFFF000  }
0x21c: {  	[tilespmem:s12], [sflag:$0x9] =	stream.linear.gather @!p3 [hbm4b:s9+s10], $0x1000, $0x38;
	[tilespmem:$0x1FE80] =	vst v63  }
0x21d: {  	s11 =	simm.s32 @!p3 $0xC400;
	p2 =	sge.u32 s29, s15;
	s9 =	sadd.s32 @!p3 $0xFFFFFA00, s5  }
0x21e: {  	[tilespmem:s11], [sflag:$0x9] =	stream.linear.gather @!p3 [hbm4b:s9+s10], $0x80, $0x38;
	[tilespmem:$0x1FE80] =	vst v63  }
0x21f: {  	s9 =	simm.s32 @!p2 $0xA  }
0x220: {  	_ =	swait.ge @!p2 [sflag:s9], $0x1000  }
0x221: {  	[sflag:s9] =	ssyncset.done @!p2 $0x0  }
0x222: {  	[sflag:s9] =	ssyncadd.s32 @!p2 $0xFFFFF000  }
0x223: {  	s16 =	sadd.s32 $0x2A0, s8;
	s13 =	simm.s32 @!p2 $0x20;
	_ =	swait.ge @!p2 [sflag:s9], $0x80  }
0x224: {  	s14 =	simm.s32 @!p2 $0xC480;
	s10 =	simm.s32 @!p2 $0xD;
	[sflag:s9] =	ssyncset.done @!p2 $0x0  }
0x225: {  	p3 =	sgt.u32 s16, $0x270F;
	[sflag:s9] =	ssyncadd.s32 @!p2 $0xFFFFFF80;
	s9 =	simm.s32 @!p2 $0x9000  }
0x226: {  	[spmem:s2] =	stream.indirect.scatter.add.f32 @!p2 [tilespmem:s9], [sflag:$0xD], $0x80, s14, s13, $0xb8;
	[tilespmem:$0x1FE80] =	vst v63  }
0x227: {  	s0 =	sadd.s32 $0x180, s0;
	s11 =	sadd.s32 @!p3 $0xFFFF8000, s31;
	_ =	swait.ge @!p2 [sflag:s10], $0x1000  }
0x228: {  	s12 =	simm.s32 @!p3 $0x0;
	[sflag:s10] =	ssyncset.done @!p2 $0x0;
	s17 =	rddreg [dreg:$0xf]  }
0x229: {  	s15 =	simm.s32 @!p3 $0x9000;
	[sflag:s10] =	ssyncadd.s32 @!p2 $0xFFFFF000;
	p2 =	sge.u32 s29, s17  }
0x22a: {  	[tilespmem:s15], [sflag:$0xA] =	stream.linear.gather @!p3 [hbm4b:s11+s12], $0x1000, $0x38;
	[tilespmem:$0x1FE80] =	vst v63  }
0x22b: {  	s9 =	simm.s32 @!p3 $0xC480;
	s10 =	sadd.s32 @!p3 $0xFFFFFC00, s5;
	s11 =	simm.s32 @!p2 $0xB  }
0x22c: {  	[tilespmem:s9], [sflag:$0xA] =	stream.linear.gather @!p3 [hbm4b:s10+s12], $0x80, $0x38;
	[tilespmem:$0x1FE80] =	vst v63  }
0x22d: {  	p1 =	sne.s32 s0, $0x2880;
	s24 =	smov.u32 s31;
	_ =	swait.ge @!p2 [sflag:s11], $0x1000  }
0x22e: {  	s25 =	smov.u32 s5;
	s7 =	sadd.s32 $0x2E0, s8;
	[sflag:s11] =	ssyncset.done @!p2 $0x0  }
.Ltmp1:
0x22f: {  	s8 =	sadd.s32 $0x2C0, s8;
	[sflag:s11] =	ssyncadd.s32 @!p2 $0xFFFFF000;
	(pc) =	sbr.rel @p1 .LBB2_4-.Ltmp1, $4  }
0x230: {  	s5 =	sadd.s32 $0x1800, s5;
	s9 =	simm.s32 @!p2 $0xD;
	_ =	swait.ge @!p2 [sflag:s11], $0x80  }
0x231: {  	s10 =	simm.s32 @!p2 $0xA000;
	p3 =	sgt.u32 s8, $0x270F;
	[sflag:s11] =	ssyncset.done @!p2 $0x0  }
0x232: {  	s8 =	simm.s32 @!p2 $0x20;
	[sflag:s11] =	ssyncadd.s32 @!p2 $0xFFFFFF80;
	s11 =	simm.s32 @!p2 $0xC500  }
0x233: {  	[spmem:s2] =	stream.indirect.scatter.add.f32 @!p2 [tilespmem:s10], [sflag:$0xD], $0x80, s11, s8, $0xb8;
	[tilespmem:$0x1FE80] =	vst v63  }
0x234: {  	_ =	swait.ge @!p2 [sflag:s9], $0x1000  }
0x235: {  	s0 =	simm.s32 @!p3 $0xA000;
	s8 =	sadd.s32 @!p3 $0xFFFFC000, s24;
	[sflag:s9] =	ssyncset.done @!p2 $0x0  }
0x236: {  	s5 =	rddreg [dreg:$0x10];
	[sflag:s9] =	ssyncadd.s32 @!p2 $0xFFFFF000;
	s9 =	simm.s32 @!p3 $0x0  }
0x237: {  	[tilespmem:s0], [sflag:$0xB] =	stream.linear.gather @!p3 [hbm4b:s8+s9], $0x1000, $0x38;
	[tilespmem:$0x1FE80] =	vst v63  }
0x238: {  	p1 =	sge.u32 s29, s5;
	s5 =	simm.s32 @!p3 $0xC500;
	s0 =	sadd.s32 @!p3 $0xFFFFFE00, s25  }
0x239: {  	[tilespmem:s5], [sflag:$0xB] =	stream.linear.gather @!p3 [hbm4b:s0+s9], $0x80, $0x38;
	[tilespmem:$0x1FE80] =	vst v63  }
0x23a: {  	s0 =	simm.s32 @!p1 $0xC  }
0x23b: {  	_ =	swait.ge @!p1 [sflag:s0], $0x1000  }
0x23c: {  	[sflag:s0] =	ssyncset.done @!p1 $0x0  }
0x23d: {  	[sflag:s0] =	ssyncadd.s32 @!p1 $0xFFFFF000  }
0x23e: {  	_ =	swait.ge @!p1 [sflag:s0], $0x80  }
0x23f: {  	s8 =	simm.s32 @!p1 $0x20;
	[sflag:s0] =	ssyncset.done @!p1 $0x0  }
0x240: {  	s5 =	simm.s32 @!p1 $0xB000;
	[sflag:s0] =	ssyncadd.s32 @!p1 $0xFFFFFF80;
	s0 =	simm.s32 @!p1 $0xC580  }
0x241: {  	[spmem:s2] =	stream.indirect.scatter.add.f32 @!p1 [tilespmem:s5], [sflag:$0xD], $0x80, s0, s8, $0xb8;
	[tilespmem:$0x1FE80] =	vst v63  }
0x242: {  	s0 =	simm.s32 @!p1 $0xD  }
0x243: {  	_ =	swait.ge @!p1 [sflag:s0], $0x1000  }
0x244: {  	p2 =	sgt.u32 s7, $0x270F;
	[sflag:s0] =	ssyncset.done @!p1 $0x0  }
0x245: {  	s5 =	simm.s32 @!p2 $0xB000;
	[sflag:s0] =	ssyncadd.s32 @!p1 $0xFFFFF000;
	s0 =	simm.s32 @!p2 $0x0  }
0x246: {  	[tilespmem:s5], [sflag:$0xC] =	stream.linear.gather @!p2 [hbm4b:s24+s0], $0x1000, $0x38;
	[tilespmem:$0x1FE80] =	vst v63  }
0x247: {  	s5 =	simm.s32 @!p2 $0xC580  }
0x248: {  	[tilespmem:s5], [sflag:$0xC] =	stream.linear.gather @!p2 [hbm4b:s25+s0], $0x80, $0x38;
	[tilespmem:$0x1FE80] =	vst v63  }
0x249: {  	[bflag:$0x0] =	sbarrier.arrive $0xFFFF  }
0x24a: {  	[tilespmem:s3], [sflag:$0xD] =	stream.linear.gather [spmem:s30], $0x1000, $0x38;
	[tilespmem:$0x1FE80] =	vst v63  }
0x24b: {  	_ =	swait.ge [sflag:s22], $0x1000  }
0x24c: {  	s11 =	sld [smem:$0x7D5]  }
0x24d: {  	[sflag:s22] =	ssyncset.done $0x0  }
0x24e: {  	[sflag:s22] =	ssyncadd.s32 $0xFFFFF000  }
0x24f: {  	[hbm4b:s11+s3] =	stream.linear.scatter [tilespmem:s3], [sflag:$0x1], $0x1000, $0x38;
	[tilespmem:$0x1FE80] =	vst v63  }
0x250: {  	_ = 	snop  }
0x251: {  	[tilespmem:s19], [sflag:$0xD] =	stream.linear.gather [spmem:s18], $0x1000, $0x38;
	[tilespmem:$0x1FE80] =	vst v63  }
0x252: {  	_ =	swait.ge [sflag:s22], $0x1000  }
0x253: {  	s12 =	sld [smem:$0x7D6]  }
0x254: {  	[sflag:s22] =	ssyncset.done $0x0  }
0x255: {  	[sflag:s22] =	ssyncadd.s32 $0xFFFFF000  }
0x256: {  	[hbm4b:s12+s3] =	stream.linear.scatter [tilespmem:s19], [sflag:$0x2], $0x1000, $0x38;
	[tilespmem:$0x1FE80] =	vst v63  }
0x257: {  	_ =	swait.ge [sflag:s23], $0x1000  }
0x258: {  	s9 =	sld [smem:$0x7F2]  }
0x259: {  	[sflag:s23] =	ssyncset.done $0x0  }
0x25a: {  	[sflag:s23] =	ssyncadd.s32 $0xFFFFF000  }
0x25b: {  	[tilespmem:s3], [sflag:$0xD] =	stream.linear.gather [spmem:s9], $0x1000, $0x38;
	[tilespmem:$0x1FE80] =	vst v63  }
0x25c: {  	_ =	swait.ge [sflag:s22], $0x1000  }
0x25d: {  	s13 =	sld [smem:$0x7D7]  }
0x25e: {  	[sflag:s22] =	ssyncset.done $0x0  }
0x25f: {  	[sflag:s22] =	ssyncadd.s32 $0xFFFFF000  }
0x260: {  	[hbm4b:s13+s3] =	stream.linear.scatter [tilespmem:s3], [sflag:$0x1], $0x1000, $0x38;
	[tilespmem:$0x1FE80] =	vst v63  }
0x261: {  	_ =	swait.ge [sflag:s26], $0x1000  }
0x262: {  	s11 =	sld [smem:$0x7F3]  }
0x263: {  	[sflag:s26] =	ssyncset.done $0x0  }
0x264: {  	[sflag:s26] =	ssyncadd.s32 $0xFFFFF000  }
0x265: {  	[tilespmem:s19], [sflag:$0xD] =	stream.linear.gather [spmem:s11], $0x1000, $0x38;
	[tilespmem:$0x1FE80] =	vst v63  }
0x266: {  	_ =	swait.ge [sflag:s22], $0x1000  }
0x267: {  	s14 =	sld [smem:$0x7D8]  }
0x268: {  	[sflag:s22] =	ssyncset.done $0x0  }
0x269: {  	[sflag:s22] =	ssyncadd.s32 $0xFFFFF000  }
0x26a: {  	[hbm4b:s14+s3] =	stream.linear.scatter [tilespmem:s19], [sflag:$0x2], $0x1000, $0x38;
	[tilespmem:$0x1FE80] =	vst v63  }
0x26b: {  	_ =	swait.ge [sflag:s23], $0x1000  }
0x26c: {  	s12 =	sld [smem:$0x7F4]  }
0x26d: {  	[sflag:s23] =	ssyncset.done $0x0  }
0x26e: {  	[sflag:s23] =	ssyncadd.s32 $0xFFFFF000  }
0x26f: {  	[tilespmem:s3], [sflag:$0xD] =	stream.linear.gather [spmem:s12], $0x1000, $0x38;
	[tilespmem:$0x1FE80] =	vst v63  }
0x270: {  	_ =	swait.ge [sflag:s22], $0x1000  }
0x271: {  	s15 =	sld [smem:$0x7D9]  }
0x272: {  	[sflag:s22] =	ssyncset.done $0x0  }
0x273: {  	[sflag:s22] =	ssyncadd.s32 $0xFFFFF000  }
0x274: {  	[hbm4b:s15+s3] =	stream.linear.scatter [tilespmem:s3], [sflag:$0x1], $0x1000, $0x38;
	[tilespmem:$0x1FE80] =	vst v63  }
0x275: {  	_ =	swait.ge [sflag:s26], $0x1000  }
0x276: {  	s13 =	sld [smem:$0x7F5]  }
0x277: {  	[sflag:s26] =	ssyncset.done $0x0  }
0x278: {  	[sflag:s26] =	ssyncadd.s32 $0xFFFFF000  }
0x279: {  	[tilespmem:s19], [sflag:$0xD] =	stream.linear.gather [spmem:s13], $0x1000, $0x38;
	[tilespmem:$0x1FE80] =	vst v63  }
0x27a: {  	_ =	swait.ge [sflag:s22], $0x1000  }
0x27b: {  	s16 =	sld [smem:$0x7DA]  }
0x27c: {  	[sflag:s22] =	ssyncset.done $0x0  }
0x27d: {  	[sflag:s22] =	ssyncadd.s32 $0xFFFFF000  }
0x27e: {  	[hbm4b:s16+s3] =	stream.linear.scatter [tilespmem:s19], [sflag:$0x2], $0x1000, $0x38;
	[tilespmem:$0x1FE80] =	vst v63  }
0x27f: {  	_ =	swait.ge [sflag:s23], $0x1000  }
0x280: {  	s14 =	sld [smem:$0x7F6]  }
0x281: {  	[sflag:s23] =	ssyncset.done $0x0  }
0x282: {  	[sflag:s23] =	ssyncadd.s32 $0xFFFFF000  }
0x283: {  	[tilespmem:s3], [sflag:$0xD] =	stream.linear.gather [spmem:s14], $0x1000, $0x38;
	[tilespmem:$0x1FE80] =	vst v63  }
0x284: {  	_ =	swait.ge [sflag:s22], $0x1000  }
0x285: {  	s17 =	sld [smem:$0x7DB]  }
0x286: {  	[sflag:s22] =	ssyncset.done $0x0  }
0x287: {  	[sflag:s22] =	ssyncadd.s32 $0xFFFFF000  }
0x288: {  	[hbm4b:s17+s3] =	stream.linear.scatter [tilespmem:s3], [sflag:$0x1], $0x1000, $0x38;
	[tilespmem:$0x1FE80] =	vst v63  }
0x289: {  	_ =	swait.ge [sflag:s26], $0x1000  }
0x28a: {  	s15 =	sld [smem:$0x7F7]  }
0x28b: {  	[sflag:s26] =	ssyncset.done $0x0  }
0x28c: {  	[sflag:s26] =	ssyncadd.s32 $0xFFFFF000  }
0x28d: {  	[tilespmem:s19], [sflag:$0xD] =	stream.linear.gather [spmem:s15], $0x1000, $0x38;
	[tilespmem:$0x1FE80] =	vst v63  }
0x28e: {  	_ =	swait.ge [sflag:s22], $0x1000  }
0x28f: {  	s8 =	smov.u32 s18;
	s18 =	sld [smem:$0x7DC]  }
0x290: {  	[sflag:s22] =	ssyncset.done $0x0  }
0x291: {  	[sflag:s22] =	ssyncadd.s32 $0xFFFFF000  }
0x292: {  	[hbm4b:s18+s3] =	stream.linear.scatter [tilespmem:s19], [sflag:$0x2], $0x1000, $0x38;
	[tilespmem:$0x1FE80] =	vst v63  }
0x293: {  	_ =	swait.ge [sflag:s23], $0x1000  }
0x294: {  	s16 =	sld [smem:$0x7F8]  }
0x295: {  	[sflag:s23] =	ssyncset.done $0x0  }
0x296: {  	[sflag:s23] =	ssyncadd.s32 $0xFFFFF000  }
0x297: {  	[tilespmem:s3], [sflag:$0xD] =	stream.linear.gather [spmem:s16], $0x1000, $0x38;
	[tilespmem:$0x1FE80] =	vst v63  }
0x298: {  	_ =	swait.ge [sflag:s22], $0x1000  }
0x299: {  	s24 =	sld [smem:$0x7DD]  }
0x29a: {  	[sflag:s22] =	ssyncset.done $0x0  }
0x29b: {  	[sflag:s22] =	ssyncadd.s32 $0xFFFFF000  }
0x29c: {  	[hbm4b:s24+s3] =	stream.linear.scatter [tilespmem:s3], [sflag:$0x1], $0x1000, $0x38;
	[tilespmem:$0x1FE80] =	vst v63  }
0x29d: {  	_ =	swait.ge [sflag:s26], $0x1000  }
0x29e: {  	s17 =	sld [smem:$0x7F9]  }
0x29f: {  	[sflag:s26] =	ssyncset.done $0x0  }
0x2a0: {  	[sflag:s26] =	ssyncadd.s32 $0xFFFFF000  }
0x2a1: {  	[tilespmem:s19], [sflag:$0xD] =	stream.linear.gather [spmem:s17], $0x1000, $0x38;
	[tilespmem:$0x1FE80] =	vst v63  }
0x2a2: {  	_ =	swait.ge [sflag:s22], $0x1000  }
0x2a3: {  	s25 =	sld [smem:$0x7DE]  }
0x2a4: {  	[sflag:s22] =	ssyncset.done $0x0  }
0x2a5: {  	[sflag:s22] =	ssyncadd.s32 $0xFFFFF000  }
0x2a6: {  	[hbm4b:s25+s3] =	stream.linear.scatter [tilespmem:s19], [sflag:$0x2], $0x1000, $0x38;
	[tilespmem:$0x1FE80] =	vst v63  }
0x2a7: {  	_ =	swait.ge [sflag:s23], $0x1000  }
0x2a8: {  	s24 =	sld [smem:$0x7FA]  }
0x2a9: {  	[sflag:s23] =	ssyncset.done $0x0  }
0x2aa: {  	[sflag:s23] =	ssyncadd.s32 $0xFFFFF000  }
0x2ab: {  	[tilespmem:s3], [sflag:$0xD] =	stream.linear.gather [spmem:s24], $0x1000, $0x38;
	[tilespmem:$0x1FE80] =	vst v63  }
0x2ac: {  	_ =	swait.ge [sflag:s22], $0x1000  }
0x2ad: {  	s10 =	smov.u32 s30;
	s30 =	sld [smem:$0x7DF]  }
0x2ae: {  	[sflag:s22] =	ssyncset.done $0x0  }
0x2af: {  	[sflag:s22] =	ssyncadd.s32 $0xFFFFF000  }
0x2b0: {  	[hbm4b:s30+s3] =	stream.linear.scatter [tilespmem:s3], [sflag:$0x1], $0x1000, $0x38;
	[tilespmem:$0x1FE80] =	vst v63  }
0x2b1: {  	_ =	swait.ge [sflag:s26], $0x1000  }
0x2b2: {  	s25 =	sld [smem:$0x7FB]  }
0x2b3: {  	[sflag:s26] =	ssyncset.done $0x0  }
0x2b4: {  	[sflag:s26] =	ssyncadd.s32 $0xFFFFF000  }
0x2b5: {  	[tilespmem:s19], [sflag:$0xD] =	stream.linear.gather [spmem:s25], $0x1000, $0x38;
	[tilespmem:$0x1FE80] =	vst v63  }
0x2b6: {  	_ =	swait.ge [sflag:s22], $0x1000  }
0x2b7: {  	s5 =	sld [smem:$0x7E0]  }
0x2b8: {  	[sflag:s22] =	ssyncset.done $0x0  }
0x2b9: {  	[sflag:s22] =	ssyncadd.s32 $0xFFFFF000  }
0x2ba: {  	[hbm4b:s5+s3] =	stream.linear.scatter [tilespmem:s19], [sflag:$0x2], $0x1000, $0x38;
	[tilespmem:$0x1FE80] =	vst v63  }
0x2bb: {  	_ =	swait.ge [sflag:s23], $0x1000  }
0x2bc: {  	s29 =	sld [smem:$0x7FC]  }
0x2bd: {  	[sflag:s23] =	ssyncset.done $0x0  }
0x2be: {  	[sflag:s23] =	ssyncadd.s32 $0xFFFFF000  }
0x2bf: {  	[tilespmem:s3], [sflag:$0xD] =	stream.linear.gather [spmem:s29], $0x1000, $0x38;
	[tilespmem:$0x1FE80] =	vst v63  }
0x2c0: {  	_ =	swait.ge [sflag:s22], $0x1000  }
0x2c1: {  	s7 =	sld [smem:$0x7E1]  }
0x2c2: {  	[sflag:s22] =	ssyncset.done $0x0  }
0x2c3: {  	[sflag:s22] =	ssyncadd.s32 $0xFFFFF000  }
0x2c4: {  	[hbm4b:s7+s3] =	stream.linear.scatter [tilespmem:s3], [sflag:$0x1], $0x1000, $0x38;
	[tilespmem:$0x1FE80] =	vst v63  }
0x2c5: {  	_ =	swait.ge [sflag:s26], $0x1000  }
0x2c6: {  	s31 =	sld [smem:$0x7FD]  }
0x2c7: {  	[sflag:s26] =	ssyncset.done $0x0  }
0x2c8: {  	[sflag:s26] =	ssyncadd.s32 $0xFFFFF000  }
0x2c9: {  	[tilespmem:s19], [sflag:$0xD] =	stream.linear.gather [spmem:s31], $0x1000, $0x38;
	[tilespmem:$0x1FE80] =	vst v63  }
0x2ca: {  	_ =	swait.ge [sflag:s22], $0x1000  }
0x2cb: {  	s18 =	sld [smem:$0x7E2]  }
0x2cc: {  	[sflag:s22] =	ssyncset.done $0x0  }
0x2cd: {  	[sflag:s22] =	ssyncadd.s32 $0xFFFFF000  }
0x2ce: {  	[hbm4b:s18+s3] =	stream.linear.scatter [tilespmem:s19], [sflag:$0x2], $0x1000, $0x38;
	[tilespmem:$0x1FE80] =	vst v63  }
0x2cf: {  	_ =	swait.ge [sflag:s23], $0x1000  }
0x2d0: {  	s30 =	sld [smem:$0x7EB]  }
0x2d1: {  	[sflag:s23] =	ssyncset.done $0x0  }
0x2d2: {  	[sflag:s23] =	ssyncadd.s32 $0xFFFFF000  }
0x2d3: {  	[tilespmem:s3], [sflag:$0xD] =	stream.linear.gather [spmem:s30], $0x1000, $0x38;
	[tilespmem:$0x1FE80] =	vst v63  }
0x2d4: {  	_ =	swait.ge [sflag:s22], $0x1000  }
0x2d5: {  	s5 =	sld [smem:$0x7E3]  }
0x2d6: {  	[sflag:s22] =	ssyncset.done $0x0  }
0x2d7: {  	[sflag:s22] =	ssyncadd.s32 $0xFFFFF000  }
0x2d8: {  	[hbm4b:s5+s3] =	stream.linear.scatter [tilespmem:s3], [sflag:$0x1], $0x1000, $0x38;
	[tilespmem:$0x1FE80] =	vst v63  }
0x2d9: {  	_ =	swait.ge [sflag:s26], $0x1000  }
0x2da: {  	s7 =	sld [smem:$0x7EC]  }
0x2db: {  	[sflag:s26] =	ssyncset.done $0x0  }
0x2dc: {  	[sflag:s26] =	ssyncadd.s32 $0xFFFFF000  }
0x2dd: {  	[tilespmem:s19], [sflag:$0xD] =	stream.linear.gather [spmem:s7], $0x1000, $0x38;
	[tilespmem:$0x1FE80] =	vst v63  }
0x2de: {  	_ =	swait.ge [sflag:s22], $0x1000  }
0x2df: {  	s18 =	sld [smem:$0x7E4]  }
0x2e0: {  	[sflag:s22] =	ssyncset.done $0x0  }
0x2e1: {  	[sflag:s22] =	ssyncadd.s32 $0xFFFFF000  }
0x2e2: {  	[hbm4b:s18+s3] =	stream.linear.scatter [tilespmem:s19], [sflag:$0x2], $0x1000, $0x38;
	[tilespmem:$0x1FE80] =	vst v63  }
0x2e3: {  	_ =	swait.ge [sflag:s23], $0x1000  }
0x2e4: {  	s30 =	sld [smem:$0x7ED]  }
0x2e5: {  	[sflag:s23] =	ssyncset.done $0x0  }
0x2e6: {  	[sflag:s23] =	ssyncadd.s32 $0xFFFFF000  }
0x2e7: {  	[tilespmem:s3], [sflag:$0xD] =	stream.linear.gather [spmem:s30], $0x1000, $0x38;
	[tilespmem:$0x1FE80] =	vst v63  }
0x2e8: {  	_ =	swait.ge [sflag:s22], $0x1000  }
0x2e9: {  	s5 =	sld [smem:$0x7E5]  }
0x2ea: {  	[sflag:s22] =	ssyncset.done $0x0  }
0x2eb: {  	[sflag:s22] =	ssyncadd.s32 $0xFFFFF000  }
0x2ec: {  	[hbm4b:s5+s3] =	stream.linear.scatter [tilespmem:s3], [sflag:$0x1], $0x1000, $0x38;
	[tilespmem:$0x1FE80] =	vst v63  }
0x2ed: {  	_ =	swait.ge [sflag:s26], $0x1000  }
0x2ee: {  	s7 =	sld [smem:$0x7EE]  }
0x2ef: {  	[sflag:s26] =	ssyncset.done $0x0  }
0x2f0: {  	[sflag:s26] =	ssyncadd.s32 $0xFFFFF000  }
0x2f1: {  	[tilespmem:s19], [sflag:$0xD] =	stream.linear.gather [spmem:s7], $0x1000, $0x38;
	[tilespmem:$0x1FE80] =	vst v63  }
0x2f2: {  	_ =	swait.ge [sflag:s22], $0x1000  }
0x2f3: {  	s18 =	sld [smem:$0x7E6]  }
0x2f4: {  	[sflag:s22] =	ssyncset.done $0x0  }
0x2f5: {  	[sflag:s22] =	ssyncadd.s32 $0xFFFFF000  }
0x2f6: {  	[hbm4b:s18+s3] =	stream.linear.scatter [tilespmem:s19], [sflag:$0x2], $0x1000, $0x38;
	[tilespmem:$0x1FE80] =	vst v63  }
0x2f7: {  	_ =	swait.ge [sflag:s23], $0x1000  }
0x2f8: {  	s30 =	sld [smem:$0x7EF]  }
0x2f9: {  	[sflag:s23] =	ssyncset.done $0x0  }
0x2fa: {  	[sflag:s23] =	ssyncadd.s32 $0xFFFFF000  }
0x2fb: {  	[tilespmem:s3], [sflag:$0xD] =	stream.linear.gather [spmem:s30], $0x1000, $0x38;
	[tilespmem:$0x1FE80] =	vst v63  }
0x2fc: {  	_ =	swait.ge [sflag:s22], $0x1000  }
0x2fd: {  	s5 =	sld [smem:$0x7E7]  }
0x2fe: {  	[sflag:s22] =	ssyncset.done $0x0  }
0x2ff: {  	[sflag:s22] =	ssyncadd.s32 $0xFFFFF000  }
0x300: {  	[hbm4b:s5+s3] =	stream.linear.scatter [tilespmem:s3], [sflag:$0x1], $0x1000, $0x38;
	[tilespmem:$0x1FE80] =	vst v63  }
0x301: {  	_ =	swait.ge [sflag:s26], $0x1000  }
0x302: {  	s7 =	sld [smem:$0x7F0]  }
0x303: {  	[sflag:s26] =	ssyncset.done $0x0  }
0x304: {  	[sflag:s26] =	ssyncadd.s32 $0xFFFFF000  }
0x305: {  	[tilespmem:s19], [sflag:$0xD] =	stream.linear.gather [spmem:s7], $0x800, $0x38;
	[tilespmem:$0x1FE80] =	vst v63  }
0x306: {  	_ =	swait.ge [sflag:s22], $0x800  }
0x307: {  	s18 =	sld [smem:$0x7E8]  }
0x308: {  	[sflag:s22] =	ssyncset.done $0x0  }
0x309: {  	[sflag:s22] =	ssyncadd.s32 $0xFFFFF800  }
0x30a: {  	[hbm4b:s18+s3] =	stream.linear.scatter [tilespmem:s19], [sflag:$0x2], $0x800, $0x38;
	[tilespmem:$0x1FE80] =	vst v63  }
0x30b: {  	_ =	swait.ge [sflag:s23], $0x1000  }
0x30c: {  	[sflag:s23] =	ssyncset.done $0x0  }
0x30d: {  	[sflag:s23] =	ssyncadd.s32 $0xFFFFF000  }
0x30e: {  	_ =	swait.ge [sflag:s26], $0x800  }
0x30f: {  	s5 =	sld [smem:$0x7F1]  }
0x310: {  	[sflag:s26] =	ssyncset.done $0x0  }
0x311: {  	s0 =	simm.s32 @!p0 $0x0;
	[sflag:s26] =	ssyncadd.s32 $0xFFFFF800  }
0x312: {  	[tilespmem:s0], [sflag:$0xD] =	stream.linear.gather @!p0 [spmem:s5], $0x800, $0x38;
	[tilespmem:$0x1FE80] =	vst v63  }
0x313: {  	s5 =	simm.s32 @!p0 $0xD  }
0x314: {  	_ =	swait.ge @!p0 [sflag:s5], $0x800  }
0x315: {  	s7 =	sld [smem:$0x7E9]  }
0x316: {  	[sflag:s5] =	ssyncset.done @!p0 $0x0  }
0x317: {  	[sflag:s5] =	ssyncadd.s32 @!p0 $0xFFFFF800  }
0x318: {  	[hbm4b:s7+s0] =	stream.linear.scatter @!p0 [tilespmem:s0], [sflag:$0xD], $0x800, $0x38;
	[tilespmem:$0x1FE80] =	vst v63  }
0x319: {  	_ =	swait.ge @!p0 [sflag:s5], $0x800  }
0x31a: {  	s30 =	sld [smem:$0x7EA];
	_ =	sdelay $0x1  }
0x31b: {  	s28 =	sadd.s32 $0x1, s28  }
0x31c: {  	p1 =	sne.s32 s28, s30  }
.Ltmp2:
0x31d: {  	_ = 	snop;
	(pc) =	sbr.rel @p1 .LBB2_1-.Ltmp2, $3  }
0x31e: {  	_ =	sdelay $0x1  }
0x31f: {  	[sflag:s5] =	ssyncset.done @!p0 $0x0  }
0x320: {  	[sflag:s5] =	ssyncadd.s32 @!p0 $0xFFFFF800  }
0x321: {  	_ =	sfence.sel $0x180000  }
0x322: {  	[bflag:$0x0] =	sbarrier.arrive $0xFFFF  }
0x323: {  	_ =	strace $0x90000047  }
0x324: {  	s0 =	stileid.u32;
	[bflag:$0x2] =	sbarrier.arrive $0xFFFF  }
0x325: {  	p0 =	sne.s32 s0, $0x0;
	s0 =	rddreg [dreg:$0x4]  }
0x326: {  	s0 =	sadd.s32 @!p0 $0x100000, s0  }
0x327: {  	[sflag:s0] =	ssyncadd.tile.s32 @!p0 $0x1;
	_ =	shalt  }
.Lfunc_end2:
_tile_overlayer_lowered:
.L_overlay_start_2:
0x328: {  	(tag) =	ssettag $0x2  }
0x329: {  	s0 =	rddreg [dreg:$0x0];
	s2 =	stileid.u32  }
0x32a: {  	s1 =	rddreg [dreg:$0x1];
	p0 =	sne.s32 s2, $0x0  }
0x32b: {  	s3 =	rddreg [dreg:$0x2];
	[bflag:$0x3] =	sbarrier.arrive $0xFFFF;
	s2 =	simm.s32 @!p0 $0x1C0D  }
0x32c: {  	[timem:s3], [sflag:s2] =	dma.local @!p0 [hbm:s0], s1  }
0x32d: {  	s0 =	simm.s32 @!p0 $0xD  }
0x32e: {  	_ =	swait.ge @!p0 [sflag:s0], s1  }
0x32f: {  	s1 =	ssub.s32 @!p0 $0x0, s1;
	[sflag:s0] =	ssyncset.done @!p0 $0x0  }
0x330: {  	[sflag:s0] =	ssyncadd.s32 @!p0 s1  }
0x331: {  	[bflag:$0x3] =	sbarrier.arrive $0xFFFF  }
0x332: {  	_ =	shalt  }

</sc_bundles>
